<compile_context>
chip_gen: v7x
topology: tpu7x:2x2x1
jax: 0.10.2.dev20260603
libtpu: 0.0.44.dev20260713+nightly
codegen_flags: <defaults>
</compile_context>

<pallas_src>
import jax
import jax.numpy as jnp
from jax import lax
from jax.experimental import pallas as pl
from jax.experimental.pallas import tpu as pltpu
from jax.experimental.pallas import tpu_sc as plsc

N = 1_600_000
G = 4096
NW = 32
ZW = N * 4
WW = ZW // NW
CW = 50_000
NCHK = WW // CW
NGRP = CW // 16
IDN = 12_736
IDB = IDN + 16
ACC = 5 * G


def _sc_body(pz, pb, az, ab, out, xbuf, idbuf, acc, ctab_i, ctab_f):
    wid = lax.axis_index("s") * 2 + lax.axis_index("c")
    iota = lax.iota(jnp.int32, 16)
    csones = (iota + 1).astype(jnp.float32)
    zeros = jnp.zeros((16,), jnp.float32)
    ctab_i[pl.ds(0, 16)] = iota
    ctab_f[pl.ds(0, 16)] = csones
    ctab_f[pl.ds(16, 16)] = -csones

    for t, (zh, bh) in enumerate(((pz, pb), (az, ab))):
        def zero_body(i, carry):
            acc[pl.ds(i * 16, 16)] = zeros
            return carry
        lax.fori_loop(0, ACC // 16, zero_body, 0)

        for c in range(NCHK):
            w0 = wid * WW + c * CW
            pltpu.sync_copy(zh.at[pl.ds(w0, CW)], xbuf)
            ids_start = jnp.minimum((w0 // 512) * 128, N - IDN)
            pltpu.sync_copy(bh.at[pl.ds(ids_start, IDN)],
                            idbuf.at[pl.ds(0, IDN)])

            @plsc.parallel_loop(0, NGRP, 1, unroll=8)
            def grp(g):
                ivec = ctab_i[pl.ds(0, 16)]
                w = w0 + g * 16
                f = (w >> 7) & 3
                ib = pl.multiple_of(((w >> 9) << 7) + (w & 127) - ids_start,
                                    16)
                ids = idbuf[pl.ds(ib, 16)]
                idsn = plsc.load_gather(idbuf, [ivec + (ib + 1)])
                m = ids != idsn
                is15 = ivec == 15
                m_end = m | is15
                m_sub = m & jnp.logical_not(is15)
                cs = plsc.cumsum(xbuf[pl.ds(pl.multiple_of(g * 16, 16), 16)])
                fofs = f * G
                plsc.addupdate_scatter(acc, [ids + fofs], cs, mask=m_end)
                plsc.addupdate_scatter(acc, [idsn + fofs], -cs, mask=m_sub)
                @pl.when(f == 0)
                def _():
                    cs1 = ctab_f[pl.ds(0, 16)]
                    ncs1 = ctab_f[pl.ds(16, 16)]
                    plsc.addupdate_scatter(acc, [ids + 4 * G], cs1,
                                           mask=m_end)
                    plsc.addupdate_scatter(acc, [idsn + 4 * G], ncs1,
                                           mask=m_sub)

        pltpu.sync_copy(acc, out.at[pl.ds((wid * 2 + t) * ACC, ACC)])


def _sc_partials(pz, pb, az, ab):
    mesh = plsc.VectorSubcoreMesh(core_axis_name="c", subcore_axis_name="s")
    return pl.kernel(
        _sc_body,
        mesh=mesh,
        out_type=jax.ShapeDtypeStruct((NW * 2 * ACC,), jnp.float32),
        scratch_types=[
            pltpu.VMEM((CW,), jnp.float32),
            pltpu.VMEM((IDB,), jnp.int32),
            pltpu.VMEM((ACC,), jnp.float32),
            pltpu.VMEM((16,), jnp.int32),
            pltpu.VMEM((32,), jnp.float32),
        ],
        compiler_params=pltpu.CompilerParams(needs_layout_passes=False),
    )(pz, pb, az, ab)


def _finish_body(p_ref, ap_ref, aa_ref, wh_ref, bh_ref, o_ref):
    tot = jnp.sum(p_ref[...], axis=0)
    ap = ap_ref[...]
    aa = aa_ref[...]
    wh = wh_ref[...]
    h = []
    for t, a in ((0, ap), (1, aa)):
        s = tot[t * 5:(t + 1) * 5]
        hsum = a[:, 0:1] * s[0:1]
        for d in range(1, 5):
            hsum = hsum + a[:, d:d + 1] * s[d:d + 1]
        h.append(hsum / jnp.maximum(s[4:5], 1.0))
    hcat = jnp.concatenate(h, axis=0)
    o = bh_ref[...] + wh[:, 0:1] * hcat[0:1]
    for j in range(1, 8):
        o = o + wh[:, j:j + 1] * hcat[j:j + 1]
    o_ref[...] = o


def _finish(p, ap, aa, whT, bh2):
    return pl.pallas_call(
        _finish_body,
        out_shape=jax.ShapeDtypeStruct((2, G), jnp.float32),
    )(p, ap, aa, whT, bh2)


def _fm_view(x):
    return x.reshape(N // 128, 128, 4).transpose(0, 2, 1).reshape(-1)


@jax.jit
def kernel(paper_x, author_x, paper_batch, author_batch,
           W_p, b_p, W_a, b_a, W_h, b_h):
    pb = paper_batch.astype(jnp.int32)
    ab = author_batch.astype(jnp.int32)
    partials = _sc_partials(_fm_view(paper_x), pb, _fm_view(author_x), ab)
    return partials[0:8192].reshape(4096, 2)
    p = partials.reshape(NW, 10, G)
    ap = jnp.concatenate([W_p.T, b_p[:, None]], axis=1)
    aa = jnp.concatenate([W_a.T, b_a[:, None]], axis=1)
    out2 = _finish(p, ap, aa, W_h.T, b_h[:, None])
    return out2.T

# --- scband reference (transcript-rebuilt; emitter-appended) ---
"""Pipeline reference for scband-tiny-hetero-graph-classifier-18777597018340 (READ-ONLY COPY).

The authoritative reference and input builder live on the scoring server;
editing this copy changes nothing except your own understanding.
"""

import jax, jax.numpy as jnp
import numpy as np

NUM_GRAPHS = 4096

def setup_inputs(seed: int = 0) -> dict:
    key = jax.random.key(seed)
    ks = jax.random.split(key, 12)
    paper_x = jax.random.normal(ks[0], (1600000, 4), dtype=jnp.float32)
    author_x = jax.random.normal(ks[1], (1600000, 4), dtype=jnp.float32)
    paper_batch = jnp.sort(jax.random.randint(ks[2], (1600000,), 0, NUM_GRAPHS, dtype=jnp.int64))
    author_batch = jnp.sort(jax.random.randint(ks[3], (1600000,), 0, NUM_GRAPHS, dtype=jnp.int64))
    # learned params (nn.Linear style: y = x @ W + b, W stored as [in, out])
    W_p = jax.random.normal(ks[4], (4, 4), dtype=jnp.float32) * 0.5
    b_p = jax.random.normal(ks[5], (4,), dtype=jnp.float32) * 0.1
    W_a = jax.random.normal(ks[6], (4, 4), dtype=jnp.float32) * 0.5
    b_a = jax.random.normal(ks[7], (4,), dtype=jnp.float32) * 0.1
    W_h = jax.random.normal(ks[8], (8, 2), dtype=jnp.float32) * 0.35
    b_h = jax.random.normal(ks[9], (2,), dtype=jnp.float32) * 0.1
    return {"paper_x": paper_x, "author_x": author_x,
            "paper_batch": paper_batch, "author_batch": author_batch,
            "W_p": W_p, "b_p": b_p, "W_a": W_a, "b_a": b_a,
            "W_h": W_h, "b_h": b_h}

def _global_mean_pool(h, seg_ids, num_segments):
    sums = jax.ops.segment_sum(h, seg_ids, num_segments=num_segments)
    counts = jax.ops.segment_sum(jnp.ones((h.shape[0],), dtype=h.dtype), seg_ids, num_segments=num_segments)
    return sums / jnp.maximum(counts, 1.0)[:, None]

def reference(paper_x, author_x, paper_batch, author_batch, W_p, b_p, W_a, b_a, W_h, b_h):
    paper_h = paper_x @ W_p + b_p
    author_h = author_x @ W_a + b_a
    paper_repr = _global_mean_pool(paper_h, paper_batch, NUM_GRAPHS)
    author_repr = _global_mean_pool(author_h, author_batch, NUM_GRAPHS)
    g = jnp.concatenate([paper_repr, author_repr], axis=-1)
    return g @ W_h + b_h

if __name__ == "__main__":
    import jax
    _d = setup_inputs()
    print(jax.jit(kernel)(*tuple(_d.values())))

</pallas_src>

<mosaic_0001>
#map = affine_map<(d0, d1) -> (0)>
module attributes {stable_mosaic.version = 14 : i64} {
  func.func @_sc_body(%arg0: i32, %arg1: i32, %arg2: memref<6400000xf32, #tpu.memory_space<hbm>>, %arg3: memref<1600000xi32, #tpu.memory_space<hbm>>, %arg4: memref<6400000xf32, #tpu.memory_space<hbm>>, %arg5: memref<1600000xi32, #tpu.memory_space<hbm>>, %arg6: memref<1310720xf32, #tpu.memory_space<hbm>>, %arg7: memref<50000xf32, #tpu.memory_space<vmem>>, %arg8: memref<12752xi32, #tpu.memory_space<vmem>>, %arg9: memref<20480xf32, #tpu.memory_space<vmem>>, %arg10: memref<16xi32, #tpu.memory_space<vmem>>, %arg11: memref<32xf32, #tpu.memory_space<vmem>>) attributes {dimension_semantics = [#tpu.dimension_semantics<core_parallel>, #tpu.dimension_semantics<subcore_parallel>], iteration_bounds = array<i64: 2, 16>, scalar_prefetch = 0 : i64, scratch_operands = 5 : i64, tpu.core_type = #tpu.core_type<sc_vector_subcore>, window_params = [{transform_indices = #map}, {transform_indices = #map}, {transform_indices = #map}, {transform_indices = #map}, {transform_indices = #map}]} {
    %mul3A = arith.constant 2 : i32
    %mul3A_0 = arith.muli %arg1, %mul3A : i32
    %add3A = arith.addi %mul3A_0, %arg0 : i32
    %iota3A = tpu.iota {dimensions = array<i32: 0>} : vector<16xi32>
    %add3A_1 = arith.constant 1 : i32
    %add3A_2 = vector.broadcast %add3A_1 : i32 to vector<16xi32>
    %add3A_3 = arith.addi %iota3A, %add3A_2 : vector<16xi32>
    %convert_element_type3A = arith.sitofp %add3A_3 : vector<16xi32> to vector<16xf32>
    %broadcast_in_dim3A = arith.constant 0.000000e+00 : f32
    %broadcast_in_dim3A_4 = vector.broadcast %broadcast_in_dim3A : f32 to vector<16xf32>
    %swap3A = arith.constant 0 : index
    %swap3A_5 = tpu.vector_load %arg10[%swap3A] {strides = array<i32>} : memref<16xi32, #tpu.memory_space<vmem>>, vector<16xi32>,
    tpu.vector_store %arg10[%swap3A], %iota3A {strides = array<i32>} : memref<16xi32, #tpu.memory_space<vmem>>, vector<16xi32>,
    %swap3A_6 = arith.constant 0 : index
    %swap3A_7 = tpu.vector_load %arg11[%swap3A_6] {strides = array<i32>} : memref<32xf32, #tpu.memory_space<vmem>>, vector<16xf32>,
    tpu.vector_store %arg11[%swap3A_6], %convert_element_type3A {strides = array<i32>} : memref<32xf32, #tpu.memory_space<vmem>>, vector<16xf32>,
    %neg3A = arith.constant 0.000000e+00 : f32
    %neg3A_8 = vector.broadcast %neg3A : f32 to vector<16xf32>
    %neg3A_9 = arith.subf %neg3A_8, %convert_element_type3A : vector<16xf32>
    %swap3A_10 = arith.constant 16 : index
    %swap3A_11 = tpu.vector_load %arg11[%swap3A_10] {strides = array<i32>} : memref<32xf32, #tpu.memory_space<vmem>>, vector<16xf32>,
    tpu.vector_store %arg11[%swap3A_10], %neg3A_9 {strides = array<i32>} : memref<32xf32, #tpu.memory_space<vmem>>, vector<16xf32>,
    %scan3A = arith.constant 0 : i32
    %scan3A_12 = arith.constant 0 : i32
    %scan3A_13 = arith.constant 1280 : i32
    %scan3A_14 = arith.addi %scan3A_12, %scan3A_13 : i32
    %scan3A_15 = arith.constant 1 : i32
    scf.for %scan3A_305 = %scan3A_12 to %scan3A_14 step %scan3A_15  : i32 {
      %mul3A_306 = arith.constant 16 : i32
      %mul3A_307 = arith.muli %scan3A_305, %mul3A_306 : i32
      %swap3A_308 = arith.index_cast %mul3A_307 : i32 to index
      %swap3A_309 = tpu.vector_load %arg9[%swap3A_308] {strides = array<i32>} : memref<20480xf32, #tpu.memory_space<vmem>>, vector<16xf32>,
      tpu.vector_store %arg9[%swap3A_308], %broadcast_in_dim3A_4 {strides = array<i32>} : memref<20480xf32, #tpu.memory_space<vmem>>, vector<16xf32>,
    }
    %scan3A_16 = arith.constant 1280 : i32
    %mul3A_17 = arith.constant 200000 : i32
    %mul3A_18 = arith.muli %add3A, %mul3A_17 : i32
    %add3A_19 = arith.constant 0 : i32
    %add3A_20 = arith.addi %mul3A_18, %add3A_19 : i32
    "tpu.region"() ({
      %run_scoped3A = tpu.sem_alloc : memref<!tpu.dma_semaphore, #tpu.memory_space<semaphore_mem>>
      %dma_start3A = tpu.memref_slice %arg2[%add3A_20] : memref<6400000xf32, #tpu.memory_space<hbm>> -> memref<50000xf32, #tpu.memory_space<hbm>>
      %dma_start3A_305 = tpu.memref_slice %arg2[%add3A_20] : memref<6400000xf32, #tpu.memory_space<hbm>> -> memref<50000xf32, #tpu.memory_space<hbm>>
      tpu.enqueue_dma source(%dma_start3A_305 : memref<50000xf32, #tpu.memory_space<hbm>>) target(%arg7 : memref<50000xf32, #tpu.memory_space<vmem>>) target_semaphore(%run_scoped3A : memref<!tpu.dma_semaphore, #tpu.memory_space<semaphore_mem>>)
      %dma_wait3A = tpu.memref_slice %arg2[%add3A_20] : memref<6400000xf32, #tpu.memory_space<hbm>> -> memref<50000xf32, #tpu.memory_space<hbm>>
      %dma_wait3A_306 = tpu.memref_slice %arg2[%add3A_20] : memref<6400000xf32, #tpu.memory_space<hbm>> -> memref<50000xf32, #tpu.memory_space<hbm>>
      tpu.wait_dma2 semaphore(%run_scoped3A : memref<!tpu.dma_semaphore, #tpu.memory_space<semaphore_mem>>) src(%dma_wait3A_306 : memref<50000xf32, #tpu.memory_space<hbm>>) dst(%arg7 : memref<50000xf32, #tpu.memory_space<vmem>>)
      tpu.yield
    }) : () -> ()
    %jit3A = arith.constant 512 : i32
    %div3A = arith.divsi %add3A_20, %jit3A : i32
    %sign3A = arith.constant 0 : i32
    %sign3A_21 = arith.cmpi sgt, %add3A_20, %sign3A : i32
    %sign3A_22 = arith.extui %sign3A_21 : i1 to i32
    %sign3A_23 = arith.constant 0 : i32
    %sign3A_24 = arith.cmpi slt, %add3A_20, %sign3A_23 : i32
    %sign3A_25 = arith.extui %sign3A_24 : i1 to i32
    %sign3A_26 = arith.subi %sign3A_22, %sign3A_25 : i32
    %sign3A_27 = arith.constant 0 : i32
    %sign3A_28 = arith.cmpi sgt, %jit3A, %sign3A_27 : i32
    %sign3A_29 = arith.extui %sign3A_28 : i1 to i32
    %sign3A_30 = arith.constant 0 : i32
    %sign3A_31 = arith.cmpi slt, %jit3A, %sign3A_30 : i32
    %sign3A_32 = arith.extui %sign3A_31 : i1 to i32
    %sign3A_33 = arith.subi %sign3A_29, %sign3A_32 : i32
    %ne3A = arith.cmpi ne, %sign3A_26, %sign3A_33 : i32
    %rem3A = arith.remsi %add3A_20, %jit3A : i32
    %ne3A_34 = arith.constant 0 : i32
    %ne3A_35 = arith.cmpi ne, %rem3A, %ne3A_34 : i32
    %and3A = arith.andi %ne3A, %ne3A_35 : i1
    %sub3A = arith.constant 1 : i32
    %sub3A_36 = arith.subi %div3A, %sub3A : i32
    %select_n3A = arith.select %and3A, %sub3A_36, %div3A : i32
    %mul3A_37 = arith.constant 128 : i32
    %mul3A_38 = arith.muli %select_n3A, %mul3A_37 : i32
    %min3A = arith.constant 1587264 : i32
    %min3A_39 = arith.minsi %mul3A_38, %min3A : i32
    "tpu.region"() ({
      %run_scoped3A = tpu.sem_alloc : memref<!tpu.dma_semaphore, #tpu.memory_space<semaphore_mem>>
      %dma_start3A = arith.constant 0 : i32
      %dma_start3A_305 = tpu.memref_slice %arg8[%dma_start3A] : memref<12752xi32, #tpu.memory_space<vmem>> -> memref<12736xi32, #tpu.memory_space<vmem>>
      %dma_start3A_306 = tpu.memref_slice %arg3[%min3A_39] : memref<1600000xi32, #tpu.memory_space<hbm>> -> memref<12736xi32, #tpu.memory_space<hbm>>
      %dma_start3A_307 = arith.constant 0 : i32
      %dma_start3A_308 = tpu.memref_slice %arg8[%dma_start3A_307] : memref<12752xi32, #tpu.memory_space<vmem>> -> memref<12736xi32, #tpu.memory_space<vmem>>
      %dma_start3A_309 = tpu.memref_slice %arg3[%min3A_39] : memref<1600000xi32, #tpu.memory_space<hbm>> -> memref<12736xi32, #tpu.memory_space<hbm>>
      tpu.enqueue_dma source(%dma_start3A_309 : memref<12736xi32, #tpu.memory_space<hbm>>) target(%dma_start3A_308 : memref<12736xi32, #tpu.memory_space<vmem>>) target_semaphore(%run_scoped3A : memref<!tpu.dma_semaphore, #tpu.memory_space<semaphore_mem>>)
      %dma_wait3A = arith.constant 0 : i32
      %dma_wait3A_310 = tpu.memref_slice %arg8[%dma_wait3A] : memref<12752xi32, #tpu.memory_space<vmem>> -> memref<12736xi32, #tpu.memory_space<vmem>>
      %dma_wait3A_311 = tpu.memref_slice %arg3[%min3A_39] : memref<1600000xi32, #tpu.memory_space<hbm>> -> memref<12736xi32, #tpu.memory_space<hbm>>
      %dma_wait3A_312 = arith.constant 0 : i32
      %dma_wait3A_313 = tpu.memref_slice %arg8[%dma_wait3A_312] : memref<12752xi32, #tpu.memory_space<vmem>> -> memref<12736xi32, #tpu.memory_space<vmem>>
      %dma_wait3A_314 = tpu.memref_slice %arg3[%min3A_39] : memref<1600000xi32, #tpu.memory_space<hbm>> -> memref<12736xi32, #tpu.memory_space<hbm>>
      tpu.wait_dma2 semaphore(%run_scoped3A : memref<!tpu.dma_semaphore, #tpu.memory_space<semaphore_mem>>) src(%dma_wait3A_314 : memref<12736xi32, #tpu.memory_space<hbm>>) dst(%dma_wait3A_313 : memref<12736xi32, #tpu.memory_space<vmem>>)
      tpu.yield
    }) : () -> ()
    %parallel_loop3A = arith.constant 0 : i32
    %parallel_loop3A_40 = arith.constant 3125 : i32
    %parallel_loop3A_41 = arith.constant 1 : i32
    scf.for %parallel_loop3A_305 = %parallel_loop3A to %parallel_loop3A_40 step %parallel_loop3A_41  : i32 {
      %parallel_loop3A_306 = arith.constant 0 : index
      %parallel_loop3A_307 = tpu.vector_load %arg10[%parallel_loop3A_306] {strides = array<i32>} : memref<16xi32, #tpu.memory_space<vmem>>, vector<16xi32>,
      %parallel_loop3A_308 = arith.constant 16 : i32
      %parallel_loop3A_309 = arith.muli %parallel_loop3A_305, %parallel_loop3A_308 : i32
      %parallel_loop3A_310 = arith.addi %add3A_20, %parallel_loop3A_309 : i32
      %parallel_loop3A_311 = arith.constant 7 : i32
      %parallel_loop3A_312 = arith.shrsi %parallel_loop3A_310, %parallel_loop3A_311 : i32
      %parallel_loop3A_313 = arith.constant 3 : i32
      %parallel_loop3A_314 = arith.andi %parallel_loop3A_312, %parallel_loop3A_313 : i32
      %parallel_loop3A_315 = arith.constant 9 : i32
      %parallel_loop3A_316 = arith.shrsi %parallel_loop3A_310, %parallel_loop3A_315 : i32
      %parallel_loop3A_317 = arith.constant 7 : i32
      %parallel_loop3A_318 = arith.shli %parallel_loop3A_316, %parallel_loop3A_317 : i32
      %parallel_loop3A_319 = arith.constant 127 : i32
      %parallel_loop3A_320 = arith.andi %parallel_loop3A_310, %parallel_loop3A_319 : i32
      %parallel_loop3A_321 = arith.addi %parallel_loop3A_318, %parallel_loop3A_320 : i32
      %parallel_loop3A_322 = arith.subi %parallel_loop3A_321, %min3A_39 : i32
      %parallel_loop3A_323 = tpu.assume_multiple %parallel_loop3A_322, 16 : i32
      %parallel_loop3A_324 = arith.index_cast %parallel_loop3A_323 : i32 to index
      %parallel_loop3A_325 = tpu.vector_load %arg8[%parallel_loop3A_324] {strides = array<i32>} : memref<12752xi32, #tpu.memory_space<vmem>>, vector<16xi32>,
      %parallel_loop3A_326 = arith.constant 1 : i32
      %parallel_loop3A_327 = arith.addi %parallel_loop3A_323, %parallel_loop3A_326 : i32
      %parallel_loop3A_328 = vector.broadcast %parallel_loop3A_327 : i32 to vector<16xi32>
      %parallel_loop3A_329 = arith.addi %parallel_loop3A_307, %parallel_loop3A_328 : vector<16xi32>
      %parallel_loop3A_330 = tpu.vector_load_idx %arg8[%parallel_loop3A_329] : memref<12752xi32, #tpu.memory_space<vmem>>[vector<16xi32>], vector<16xi32>,
      %parallel_loop3A_331 = arith.cmpi ne, %parallel_loop3A_325, %parallel_loop3A_330 : vector<16xi32>
      %parallel_loop3A_332 = arith.constant 15 : i32
      %parallel_loop3A_333 = vector.broadcast %parallel_loop3A_332 : i32 to vector<16xi32>
      %parallel_loop3A_334 = arith.cmpi eq, %parallel_loop3A_307, %parallel_loop3A_333 : vector<16xi32>
      %parallel_loop3A_335 = arith.ori %parallel_loop3A_331, %parallel_loop3A_334 : vector<16xi1>
      %parallel_loop3A_336 = arith.constant dense<true> : vector<16xi1>
      %parallel_loop3A_337 = arith.xori %parallel_loop3A_334, %parallel_loop3A_336 : vector<16xi1>
      %parallel_loop3A_338 = arith.andi %parallel_loop3A_331, %parallel_loop3A_337 : vector<16xi1>
      %parallel_loop3A_339 = arith.constant 16 : i32
      %parallel_loop3A_340 = arith.muli %parallel_loop3A_305, %parallel_loop3A_339 : i32
      %parallel_loop3A_341 = tpu.assume_multiple %parallel_loop3A_340, 16 : i32
      %parallel_loop3A_342 = arith.index_cast %parallel_loop3A_341 : i32 to index
      %parallel_loop3A_343 = tpu.vector_load %arg7[%parallel_loop3A_342] {strides = array<i32>} : memref<50000xf32, #tpu.memory_space<vmem>>, vector<16xf32>,
      %parallel_loop3A_344 = arith.constant true
      %parallel_loop3A_345 = vector.broadcast %parallel_loop3A_344 : i1 to vector<16xi1>
      %parallel_loop3A_346 = tpu.scan <sum>, %parallel_loop3A_343 masked %parallel_loop3A_345 : vector<16xf32>, vector<16xi1> -> vector<16xf32>
      %parallel_loop3A_347 = arith.constant 4096 : i32
      %parallel_loop3A_348 = arith.muli %parallel_loop3A_314, %parallel_loop3A_347 : i32
      %parallel_loop3A_349 = vector.broadcast %parallel_loop3A_348 : i32 to vector<16xi32>
      %parallel_loop3A_350 = arith.addi %parallel_loop3A_325, %parallel_loop3A_349 : vector<16xi32>
      tpu.vector_store_idx %arg9[%parallel_loop3A_350], %parallel_loop3A_346 masked %parallel_loop3A_335 {add = true} : memref<20480xf32, #tpu.memory_space<vmem>>[vector<16xi32>], vector<16xf32>, vector<16xi1>
      %parallel_loop3A_351 = vector.broadcast %parallel_loop3A_348 : i32 to vector<16xi32>
      %parallel_loop3A_352 = arith.addi %parallel_loop3A_330, %parallel_loop3A_351 : vector<16xi32>
      %parallel_loop3A_353 = arith.constant 0.000000e+00 : f32
      %parallel_loop3A_354 = vector.broadcast %parallel_loop3A_353 : f32 to vector<16xf32>
      %parallel_loop3A_355 = arith.subf %parallel_loop3A_354, %parallel_loop3A_346 : vector<16xf32>
      tpu.vector_store_idx %arg9[%parallel_loop3A_352], %parallel_loop3A_355 masked %parallel_loop3A_338 {add = true} : memref<20480xf32, #tpu.memory_space<vmem>>[vector<16xi32>], vector<16xf32>, vector<16xi1>
      %parallel_loop3A_356 = arith.constant 0 : i32
      %parallel_loop3A_357 = arith.cmpi eq, %parallel_loop3A_314, %parallel_loop3A_356 : i32
      %parallel_loop3A_358 = arith.extui %parallel_loop3A_357 : i1 to i32
      %parallel_loop3A_359 = arith.constant 0 : i32
      %parallel_loop3A_360 = arith.cmpi ne, %parallel_loop3A_358, %parallel_loop3A_359 : i32
      scf.if %parallel_loop3A_360 {
        %parallel_loop3A_361 = arith.constant 0 : index
        %parallel_loop3A_362 = tpu.vector_load %arg11[%parallel_loop3A_361] {strides = array<i32>} : memref<32xf32, #tpu.memory_space<vmem>>, vector<16xf32>,
        %parallel_loop3A_363 = arith.constant 16 : index
        %parallel_loop3A_364 = tpu.vector_load %arg11[%parallel_loop3A_363] {strides = array<i32>} : memref<32xf32, #tpu.memory_space<vmem>>, vector<16xf32>,
        %parallel_loop3A_365 = arith.constant 16384 : i32
        %parallel_loop3A_366 = vector.broadcast %parallel_loop3A_365 : i32 to vector<16xi32>
        %parallel_loop3A_367 = arith.addi %parallel_loop3A_325, %parallel_loop3A_366 : vector<16xi32>
        tpu.vector_store_idx %arg9[%parallel_loop3A_367], %parallel_loop3A_362 masked %parallel_loop3A_335 {add = true} : memref<20480xf32, #tpu.memory_space<vmem>>[vector<16xi32>], vector<16xf32>, vector<16xi1>
        %parallel_loop3A_368 = arith.constant 16384 : i32
        %parallel_loop3A_369 = vector.broadcast %parallel_loop3A_368 : i32 to vector<16xi32>
        %parallel_loop3A_370 = arith.addi %parallel_loop3A_330, %parallel_loop3A_369 : vector<16xi32>
        tpu.vector_store_idx %arg9[%parallel_loop3A_370], %parallel_loop3A_364 masked %parallel_loop3A_338 {add = true} : memref<20480xf32, #tpu.memory_space<vmem>>[vector<16xi32>], vector<16xf32>, vector<16xi1>
      } else {
      }
    } {sc.loop_unroll_factor = 8 : i64, sc.parallel_access}
    %mul3A_42 = arith.constant 200000 : i32
    %mul3A_43 = arith.muli %add3A, %mul3A_42 : i32
    %add3A_44 = arith.constant 50000 : i32
    %add3A_45 = arith.addi %mul3A_43, %add3A_44 : i32
    "tpu.region"() ({
      %run_scoped3A = tpu.sem_alloc : memref<!tpu.dma_semaphore, #tpu.memory_space<semaphore_mem>>
      %dma_start3A = tpu.memref_slice %arg2[%add3A_45] : memref<6400000xf32, #tpu.memory_space<hbm>> -> memref<50000xf32, #tpu.memory_space<hbm>>
      %dma_start3A_305 = tpu.memref_slice %arg2[%add3A_45] : memref<6400000xf32, #tpu.memory_space<hbm>> -> memref<50000xf32, #tpu.memory_space<hbm>>
      tpu.enqueue_dma source(%dma_start3A_305 : memref<50000xf32, #tpu.memory_space<hbm>>) target(%arg7 : memref<50000xf32, #tpu.memory_space<vmem>>) target_semaphore(%run_scoped3A : memref<!tpu.dma_semaphore, #tpu.memory_space<semaphore_mem>>)
      %dma_wait3A = tpu.memref_slice %arg2[%add3A_45] : memref<6400000xf32, #tpu.memory_space<hbm>> -> memref<50000xf32, #tpu.memory_space<hbm>>
      %dma_wait3A_306 = tpu.memref_slice %arg2[%add3A_45] : memref<6400000xf32, #tpu.memory_space<hbm>> -> memref<50000xf32, #tpu.memory_space<hbm>>
      tpu.wait_dma2 semaphore(%run_scoped3A : memref<!tpu.dma_semaphore, #tpu.memory_space<semaphore_mem>>) src(%dma_wait3A_306 : memref<50000xf32, #tpu.memory_space<hbm>>) dst(%arg7 : memref<50000xf32, #tpu.memory_space<vmem>>)
      tpu.yield
    }) : () -> ()
    %jit3A_46 = arith.constant 512 : i32
    %div3A_47 = arith.divsi %add3A_45, %jit3A_46 : i32
    %sign3A_48 = arith.constant 0 : i32
    %sign3A_49 = arith.cmpi sgt, %add3A_45, %sign3A_48 : i32
    %sign3A_50 = arith.extui %sign3A_49 : i1 to i32
    %sign3A_51 = arith.constant 0 : i32
    %sign3A_52 = arith.cmpi slt, %add3A_45, %sign3A_51 : i32
    %sign3A_53 = arith.extui %sign3A_52 : i1 to i32
    %sign3A_54 = arith.subi %sign3A_50, %sign3A_53 : i32
    %sign3A_55 = arith.constant 0 : i32
    %sign3A_56 = arith.cmpi sgt, %jit3A_46, %sign3A_55 : i32
    %sign3A_57 = arith.extui %sign3A_56 : i1 to i32
    %sign3A_58 = arith.constant 0 : i32
    %sign3A_59 = arith.cmpi slt, %jit3A_46, %sign3A_58 : i32
    %sign3A_60 = arith.extui %sign3A_59 : i1 to i32
    %sign3A_61 = arith.subi %sign3A_57, %sign3A_60 : i32
    %ne3A_62 = arith.cmpi ne, %sign3A_54, %sign3A_61 : i32
    %rem3A_63 = arith.remsi %add3A_45, %jit3A_46 : i32
    %ne3A_64 = arith.constant 0 : i32
    %ne3A_65 = arith.cmpi ne, %rem3A_63, %ne3A_64 : i32
    %and3A_66 = arith.andi %ne3A_62, %ne3A_65 : i1
    %sub3A_67 = arith.constant 1 : i32
    %sub3A_68 = arith.subi %div3A_47, %sub3A_67 : i32
    %select_n3A_69 = arith.select %and3A_66, %sub3A_68, %div3A_47 : i32
    %mul3A_70 = arith.constant 128 : i32
    %mul3A_71 = arith.muli %select_n3A_69, %mul3A_70 : i32
    %min3A_72 = arith.constant 1587264 : i32
    %min3A_73 = arith.minsi %mul3A_71, %min3A_72 : i32
    "tpu.region"() ({
      %run_scoped3A = tpu.sem_alloc : memref<!tpu.dma_semaphore, #tpu.memory_space<semaphore_mem>>
      %dma_start3A = arith.constant 0 : i32
      %dma_start3A_305 = tpu.memref_slice %arg8[%dma_start3A] : memref<12752xi32, #tpu.memory_space<vmem>> -> memref<12736xi32, #tpu.memory_space<vmem>>
      %dma_start3A_306 = tpu.memref_slice %arg3[%min3A_73] : memref<1600000xi32, #tpu.memory_space<hbm>> -> memref<12736xi32, #tpu.memory_space<hbm>>
      %dma_start3A_307 = arith.constant 0 : i32
      %dma_start3A_308 = tpu.memref_slice %arg8[%dma_start3A_307] : memref<12752xi32, #tpu.memory_space<vmem>> -> memref<12736xi32, #tpu.memory_space<vmem>>
      %dma_start3A_309 = tpu.memref_slice %arg3[%min3A_73] : memref<1600000xi32, #tpu.memory_space<hbm>> -> memref<12736xi32, #tpu.memory_space<hbm>>
      tpu.enqueue_dma source(%dma_start3A_309 : memref<12736xi32, #tpu.memory_space<hbm>>) target(%dma_start3A_308 : memref<12736xi32, #tpu.memory_space<vmem>>) target_semaphore(%run_scoped3A : memref<!tpu.dma_semaphore, #tpu.memory_space<semaphore_mem>>)
      %dma_wait3A = arith.constant 0 : i32
      %dma_wait3A_310 = tpu.memref_slice %arg8[%dma_wait3A] : memref<12752xi32, #tpu.memory_space<vmem>> -> memref<12736xi32, #tpu.memory_space<vmem>>
      %dma_wait3A_311 = tpu.memref_slice %arg3[%min3A_73] : memref<1600000xi32, #tpu.memory_space<hbm>> -> memref<12736xi32, #tpu.memory_space<hbm>>
      %dma_wait3A_312 = arith.constant 0 : i32
      %dma_wait3A_313 = tpu.memref_slice %arg8[%dma_wait3A_312] : memref<12752xi32, #tpu.memory_space<vmem>> -> memref<12736xi32, #tpu.memory_space<vmem>>
      %dma_wait3A_314 = tpu.memref_slice %arg3[%min3A_73] : memref<1600000xi32, #tpu.memory_space<hbm>> -> memref<12736xi32, #tpu.memory_space<hbm>>
      tpu.wait_dma2 semaphore(%run_scoped3A : memref<!tpu.dma_semaphore, #tpu.memory_space<semaphore_mem>>) src(%dma_wait3A_314 : memref<12736xi32, #tpu.memory_space<hbm>>) dst(%dma_wait3A_313 : memref<12736xi32, #tpu.memory_space<vmem>>)
      tpu.yield
    }) : () -> ()
    %parallel_loop3A_74 = arith.constant 0 : i32
    %parallel_loop3A_75 = arith.constant 3125 : i32
    %parallel_loop3A_76 = arith.constant 1 : i32
    scf.for %parallel_loop3A_305 = %parallel_loop3A_74 to %parallel_loop3A_75 step %parallel_loop3A_76  : i32 {
      %parallel_loop3A_306 = arith.constant 0 : index
      %parallel_loop3A_307 = tpu.vector_load %arg10[%parallel_loop3A_306] {strides = array<i32>} : memref<16xi32, #tpu.memory_space<vmem>>, vector<16xi32>,
      %parallel_loop3A_308 = arith.constant 16 : i32
      %parallel_loop3A_309 = arith.muli %parallel_loop3A_305, %parallel_loop3A_308 : i32
      %parallel_loop3A_310 = arith.addi %add3A_45, %parallel_loop3A_309 : i32
      %parallel_loop3A_311 = arith.constant 7 : i32
      %parallel_loop3A_312 = arith.shrsi %parallel_loop3A_310, %parallel_loop3A_311 : i32
      %parallel_loop3A_313 = arith.constant 3 : i32
      %parallel_loop3A_314 = arith.andi %parallel_loop3A_312, %parallel_loop3A_313 : i32
      %parallel_loop3A_315 = arith.constant 9 : i32
      %parallel_loop3A_316 = arith.shrsi %parallel_loop3A_310, %parallel_loop3A_315 : i32
      %parallel_loop3A_317 = arith.constant 7 : i32
      %parallel_loop3A_318 = arith.shli %parallel_loop3A_316, %parallel_loop3A_317 : i32
      %parallel_loop3A_319 = arith.constant 127 : i32
      %parallel_loop3A_320 = arith.andi %parallel_loop3A_310, %parallel_loop3A_319 : i32
      %parallel_loop3A_321 = arith.addi %parallel_loop3A_318, %parallel_loop3A_320 : i32
      %parallel_loop3A_322 = arith.subi %parallel_loop3A_321, %min3A_73 : i32
      %parallel_loop3A_323 = tpu.assume_multiple %parallel_loop3A_322, 16 : i32
      %parallel_loop3A_324 = arith.index_cast %parallel_loop3A_323 : i32 to index
      %parallel_loop3A_325 = tpu.vector_load %arg8[%parallel_loop3A_324] {strides = array<i32>} : memref<12752xi32, #tpu.memory_space<vmem>>, vector<16xi32>,
      %parallel_loop3A_326 = arith.constant 1 : i32
      %parallel_loop3A_327 = arith.addi %parallel_loop3A_323, %parallel_loop3A_326 : i32
      %parallel_loop3A_328 = vector.broadcast %parallel_loop3A_327 : i32 to vector<16xi32>
      %parallel_loop3A_329 = arith.addi %parallel_loop3A_307, %parallel_loop3A_328 : vector<16xi32>
      %parallel_loop3A_330 = tpu.vector_load_idx %arg8[%parallel_loop3A_329] : memref<12752xi32, #tpu.memory_space<vmem>>[vector<16xi32>], vector<16xi32>,
      %parallel_loop3A_331 = arith.cmpi ne, %parallel_loop3A_325, %parallel_loop3A_330 : vector<16xi32>
      %parallel_loop3A_332 = arith.constant 15 : i32
      %parallel_loop3A_333 = vector.broadcast %parallel_loop3A_332 : i32 to vector<16xi32>
      %parallel_loop3A_334 = arith.cmpi eq, %parallel_loop3A_307, %parallel_loop3A_333 : vector<16xi32>
      %parallel_loop3A_335 = arith.ori %parallel_loop3A_331, %parallel_loop3A_334 : vector<16xi1>
      %parallel_loop3A_336 = arith.constant dense<true> : vector<16xi1>
      %parallel_loop3A_337 = arith.xori %parallel_loop3A_334, %parallel_loop3A_336 : vector<16xi1>
      %parallel_loop3A_338 = arith.andi %parallel_loop3A_331, %parallel_loop3A_337 : vector<16xi1>
      %parallel_loop3A_339 = arith.constant 16 : i32
      %parallel_loop3A_340 = arith.muli %parallel_loop3A_305, %parallel_loop3A_339 : i32
      %parallel_loop3A_341 = tpu.assume_multiple %parallel_loop3A_340, 16 : i32
      %parallel_loop3A_342 = arith.index_cast %parallel_loop3A_341 : i32 to index
      %parallel_loop3A_343 = tpu.vector_load %arg7[%parallel_loop3A_342] {strides = array<i32>} : memref<50000xf32, #tpu.memory_space<vmem>>, vector<16xf32>,
      %parallel_loop3A_344 = arith.constant true
      %parallel_loop3A_345 = vector.broadcast %parallel_loop3A_344 : i1 to vector<16xi1>
      %parallel_loop3A_346 = tpu.scan <sum>, %parallel_loop3A_343 masked %parallel_loop3A_345 : vector<16xf32>, vector<16xi1> -> vector<16xf32>
      %parallel_loop3A_347 = arith.constant 4096 : i32
      %parallel_loop3A_348 = arith.muli %parallel_loop3A_314, %parallel_loop3A_347 : i32
      %parallel_loop3A_349 = vector.broadcast %parallel_loop3A_348 : i32 to vector<16xi32>
      %parallel_loop3A_350 = arith.addi %parallel_loop3A_325, %parallel_loop3A_349 : vector<16xi32>
      tpu.vector_store_idx %arg9[%parallel_loop3A_350], %parallel_loop3A_346 masked %parallel_loop3A_335 {add = true} : memref<20480xf32, #tpu.memory_space<vmem>>[vector<16xi32>], vector<16xf32>, vector<16xi1>
      %parallel_loop3A_351 = vector.broadcast %parallel_loop3A_348 : i32 to vector<16xi32>
      %parallel_loop3A_352 = arith.addi %parallel_loop3A_330, %parallel_loop3A_351 : vector<16xi32>
      %parallel_loop3A_353 = arith.constant 0.000000e+00 : f32
      %parallel_loop3A_354 = vector.broadcast %parallel_loop3A_353 : f32 to vector<16xf32>
      %parallel_loop3A_355 = arith.subf %parallel_loop3A_354, %parallel_loop3A_346 : vector<16xf32>
      tpu.vector_store_idx %arg9[%parallel_loop3A_352], %parallel_loop3A_355 masked %parallel_loop3A_338 {add = true} : memref<20480xf32, #tpu.memory_space<vmem>>[vector<16xi32>], vector<16xf32>, vector<16xi1>
      %parallel_loop3A_356 = arith.constant 0 : i32
      %parallel_loop3A_357 = arith.cmpi eq, %parallel_loop3A_314, %parallel_loop3A_356 : i32
      %parallel_loop3A_358 = arith.extui %parallel_loop3A_357 : i1 to i32
      %parallel_loop3A_359 = arith.constant 0 : i32
      %parallel_loop3A_360 = arith.cmpi ne, %parallel_loop3A_358, %parallel_loop3A_359 : i32
      scf.if %parallel_loop3A_360 {
        %parallel_loop3A_361 = arith.constant 0 : index
        %parallel_loop3A_362 = tpu.vector_load %arg11[%parallel_loop3A_361] {strides = array<i32>} : memref<32xf32, #tpu.memory_space<vmem>>, vector<16xf32>,
        %parallel_loop3A_363 = arith.constant 16 : index
        %parallel_loop3A_364 = tpu.vector_load %arg11[%parallel_loop3A_363] {strides = array<i32>} : memref<32xf32, #tpu.memory_space<vmem>>, vector<16xf32>,
        %parallel_loop3A_365 = arith.constant 16384 : i32
        %parallel_loop3A_366 = vector.broadcast %parallel_loop3A_365 : i32 to vector<16xi32>
        %parallel_loop3A_367 = arith.addi %parallel_loop3A_325, %parallel_loop3A_366 : vector<16xi32>
        tpu.vector_store_idx %arg9[%parallel_loop3A_367], %parallel_loop3A_362 masked %parallel_loop3A_335 {add = true} : memref<20480xf32, #tpu.memory_space<vmem>>[vector<16xi32>], vector<16xf32>, vector<16xi1>
        %parallel_loop3A_368 = arith.constant 16384 : i32
        %parallel_loop3A_369 = vector.broadcast %parallel_loop3A_368 : i32 to vector<16xi32>
        %parallel_loop3A_370 = arith.addi %parallel_loop3A_330, %parallel_loop3A_369 : vector<16xi32>
        tpu.vector_store_idx %arg9[%parallel_loop3A_370], %parallel_loop3A_364 masked %parallel_loop3A_338 {add = true} : memref<20480xf32, #tpu.memory_space<vmem>>[vector<16xi32>], vector<16xf32>, vector<16xi1>
      } else {
      }
    } {sc.loop_unroll_factor = 8 : i64, sc.parallel_access}
    %mul3A_77 = arith.constant 200000 : i32
    %mul3A_78 = arith.muli %add3A, %mul3A_77 : i32
    %add3A_79 = arith.constant 100000 : i32
    %add3A_80 = arith.addi %mul3A_78, %add3A_79 : i32
    "tpu.region"() ({
      %run_scoped3A = tpu.sem_alloc : memref<!tpu.dma_semaphore, #tpu.memory_space<semaphore_mem>>
      %dma_start3A = tpu.memref_slice %arg2[%add3A_80] : memref<6400000xf32, #tpu.memory_space<hbm>> -> memref<50000xf32, #tpu.memory_space<hbm>>
      %dma_start3A_305 = tpu.memref_slice %arg2[%add3A_80] : memref<6400000xf32, #tpu.memory_space<hbm>> -> memref<50000xf32, #tpu.memory_space<hbm>>
      tpu.enqueue_dma source(%dma_start3A_305 : memref<50000xf32, #tpu.memory_space<hbm>>) target(%arg7 : memref<50000xf32, #tpu.memory_space<vmem>>) target_semaphore(%run_scoped3A : memref<!tpu.dma_semaphore, #tpu.memory_space<semaphore_mem>>)
      %dma_wait3A = tpu.memref_slice %arg2[%add3A_80] : memref<6400000xf32, #tpu.memory_space<hbm>> -> memref<50000xf32, #tpu.memory_space<hbm>>
      %dma_wait3A_306 = tpu.memref_slice %arg2[%add3A_80] : memref<6400000xf32, #tpu.memory_space<hbm>> -> memref<50000xf32, #tpu.memory_space<hbm>>
      tpu.wait_dma2 semaphore(%run_scoped3A : memref<!tpu.dma_semaphore, #tpu.memory_space<semaphore_mem>>) src(%dma_wait3A_306 : memref<50000xf32, #tpu.memory_space<hbm>>) dst(%arg7 : memref<50000xf32, #tpu.memory_space<vmem>>)
      tpu.yield
    }) : () -> ()
    %jit3A_81 = arith.constant 512 : i32
    %div3A_82 = arith.divsi %add3A_80, %jit3A_81 : i32
    %sign3A_83 = arith.constant 0 : i32
    %sign3A_84 = arith.cmpi sgt, %add3A_80, %sign3A_83 : i32
    %sign3A_85 = arith.extui %sign3A_84 : i1 to i32
    %sign3A_86 = arith.constant 0 : i32
    %sign3A_87 = arith.cmpi slt, %add3A_80, %sign3A_86 : i32
    %sign3A_88 = arith.extui %sign3A_87 : i1 to i32
    %sign3A_89 = arith.subi %sign3A_85, %sign3A_88 : i32
    %sign3A_90 = arith.constant 0 : i32
    %sign3A_91 = arith.cmpi sgt, %jit3A_81, %sign3A_90 : i32
    %sign3A_92 = arith.extui %sign3A_91 : i1 to i32
    %sign3A_93 = arith.constant 0 : i32
    %sign3A_94 = arith.cmpi slt, %jit3A_81, %sign3A_93 : i32
    %sign3A_95 = arith.extui %sign3A_94 : i1 to i32
    %sign3A_96 = arith.subi %sign3A_92, %sign3A_95 : i32
    %ne3A_97 = arith.cmpi ne, %sign3A_89, %sign3A_96 : i32
    %rem3A_98 = arith.remsi %add3A_80, %jit3A_81 : i32
    %ne3A_99 = arith.constant 0 : i32
    %ne3A_100 = arith.cmpi ne, %rem3A_98, %ne3A_99 : i32
    %and3A_101 = arith.andi %ne3A_97, %ne3A_100 : i1
    %sub3A_102 = arith.constant 1 : i32
    %sub3A_103 = arith.subi %div3A_82, %sub3A_102 : i32
    %select_n3A_104 = arith.select %and3A_101, %sub3A_103, %div3A_82 : i32
    %mul3A_105 = arith.constant 128 : i32
    %mul3A_106 = arith.muli %select_n3A_104, %mul3A_105 : i32
    %min3A_107 = arith.constant 1587264 : i32
    %min3A_108 = arith.minsi %mul3A_106, %min3A_107 : i32
    "tpu.region"() ({
      %run_scoped3A = tpu.sem_alloc : memref<!tpu.dma_semaphore, #tpu.memory_space<semaphore_mem>>
      %dma_start3A = arith.constant 0 : i32
      %dma_start3A_305 = tpu.memref_slice %arg8[%dma_start3A] : memref<12752xi32, #tpu.memory_space<vmem>> -> memref<12736xi32, #tpu.memory_space<vmem>>
      %dma_start3A_306 = tpu.memref_slice %arg3[%min3A_108] : memref<1600000xi32, #tpu.memory_space<hbm>> -> memref<12736xi32, #tpu.memory_space<hbm>>
      %dma_start3A_307 = arith.constant 0 : i32
      %dma_start3A_308 = tpu.memref_slice %arg8[%dma_start3A_307] : memref<12752xi32, #tpu.memory_space<vmem>> -> memref<12736xi32, #tpu.memory_space<vmem>>
      %dma_start3A_309 = tpu.memref_slice %arg3[%min3A_108] : memref<1600000xi32, #tpu.memory_space<hbm>> -> memref<12736xi32, #tpu.memory_space<hbm>>
      tpu.enqueue_dma source(%dma_start3A_309 : memref<12736xi32, #tpu.memory_space<hbm>>) target(%dma_start3A_308 : memref<12736xi32, #tpu.memory_space<vmem>>) target_semaphore(%run_scoped3A : memref<!tpu.dma_semaphore, #tpu.memory_space<semaphore_mem>>)
      %dma_wait3A = arith.constant 0 : i32
      %dma_wait3A_310 = tpu.memref_slice %arg8[%dma_wait3A] : memref<12752xi32, #tpu.memory_space<vmem>> -> memref<12736xi32, #tpu.memory_space<vmem>>
      %dma_wait3A_311 = tpu.memref_slice %arg3[%min3A_108] : memref<1600000xi32, #tpu.memory_space<hbm>> -> memref<12736xi32, #tpu.memory_space<hbm>>
      %dma_wait3A_312 = arith.constant 0 : i32
      %dma_wait3A_313 = tpu.memref_slice %arg8[%dma_wait3A_312] : memref<12752xi32, #tpu.memory_space<vmem>> -> memref<12736xi32, #tpu.memory_space<vmem>>
      %dma_wait3A_314 = tpu.memref_slice %arg3[%min3A_108] : memref<1600000xi32, #tpu.memory_space<hbm>> -> memref<12736xi32, #tpu.memory_space<hbm>>
      tpu.wait_dma2 semaphore(%run_scoped3A : memref<!tpu.dma_semaphore, #tpu.memory_space<semaphore_mem>>) src(%dma_wait3A_314 : memref<12736xi32, #tpu.memory_space<hbm>>) dst(%dma_wait3A_313 : memref<12736xi32, #tpu.memory_space<vmem>>)
      tpu.yield
    }) : () -> ()
    %parallel_loop3A_109 = arith.constant 0 : i32
    %parallel_loop3A_110 = arith.constant 3125 : i32
    %parallel_loop3A_111 = arith.constant 1 : i32
    scf.for %parallel_loop3A_305 = %parallel_loop3A_109 to %parallel_loop3A_110 step %parallel_loop3A_111  : i32 {
      %parallel_loop3A_306 = arith.constant 0 : index
      %parallel_loop3A_307 = tpu.vector_load %arg10[%parallel_loop3A_306] {strides = array<i32>} : memref<16xi32, #tpu.memory_space<vmem>>, vector<16xi32>,
      %parallel_loop3A_308 = arith.constant 16 : i32
      %parallel_loop3A_309 = arith.muli %parallel_loop3A_305, %parallel_loop3A_308 : i32
      %parallel_loop3A_310 = arith.addi %add3A_80, %parallel_loop3A_309 : i32
      %parallel_loop3A_311 = arith.constant 7 : i32
      %parallel_loop3A_312 = arith.shrsi %parallel_loop3A_310, %parallel_loop3A_311 : i32
      %parallel_loop3A_313 = arith.constant 3 : i32
      %parallel_loop3A_314 = arith.andi %parallel_loop3A_312, %parallel_loop3A_313 : i32
      %parallel_loop3A_315 = arith.constant 9 : i32
      %parallel_loop3A_316 = arith.shrsi %parallel_loop3A_310, %parallel_loop3A_315 : i32
      %parallel_loop3A_317 = arith.constant 7 : i32
      %parallel_loop3A_318 = arith.shli %parallel_loop3A_316, %parallel_loop3A_317 : i32
      %parallel_loop3A_319 = arith.constant 127 : i32
      %parallel_loop3A_320 = arith.andi %parallel_loop3A_310, %parallel_loop3A_319 : i32
      %parallel_loop3A_321 = arith.addi %parallel_loop3A_318, %parallel_loop3A_320 : i32
      %parallel_loop3A_322 = arith.subi %parallel_loop3A_321, %min3A_108 : i32
      %parallel_loop3A_323 = tpu.assume_multiple %parallel_loop3A_322, 16 : i32
      %parallel_loop3A_324 = arith.index_cast %parallel_loop3A_323 : i32 to index
      %parallel_loop3A_325 = tpu.vector_load %arg8[%parallel_loop3A_324] {strides = array<i32>} : memref<12752xi32, #tpu.memory_space<vmem>>, vector<16xi32>,
      %parallel_loop3A_326 = arith.constant 1 : i32
      %parallel_loop3A_327 = arith.addi %parallel_loop3A_323, %parallel_loop3A_326 : i32
      %parallel_loop3A_328 = vector.broadcast %parallel_loop3A_327 : i32 to vector<16xi32>
      %parallel_loop3A_329 = arith.addi %parallel_loop3A_307, %parallel_loop3A_328 : vector<16xi32>
      %parallel_loop3A_330 = tpu.vector_load_idx %arg8[%parallel_loop3A_329] : memref<12752xi32, #tpu.memory_space<vmem>>[vector<16xi32>], vector<16xi32>,
      %parallel_loop3A_331 = arith.cmpi ne, %parallel_loop3A_325, %parallel_loop3A_330 : vector<16xi32>
      %parallel_loop3A_332 = arith.constant 15 : i32
      %parallel_loop3A_333 = vector.broadcast %parallel_loop3A_332 : i32 to vector<16xi32>
      %parallel_loop3A_334 = arith.cmpi eq, %parallel_loop3A_307, %parallel_loop3A_333 : vector<16xi32>
      %parallel_loop3A_335 = arith.ori %parallel_loop3A_331, %parallel_loop3A_334 : vector<16xi1>
      %parallel_loop3A_336 = arith.constant dense<true> : vector<16xi1>
      %parallel_loop3A_337 = arith.xori %parallel_loop3A_334, %parallel_loop3A_336 : vector<16xi1>
      %parallel_loop3A_338 = arith.andi %parallel_loop3A_331, %parallel_loop3A_337 : vector<16xi1>
      %parallel_loop3A_339 = arith.constant 16 : i32
      %parallel_loop3A_340 = arith.muli %parallel_loop3A_305, %parallel_loop3A_339 : i32
      %parallel_loop3A_341 = tpu.assume_multiple %parallel_loop3A_340, 16 : i32
      %parallel_loop3A_342 = arith.index_cast %parallel_loop3A_341 : i32 to index
      %parallel_loop3A_343 = tpu.vector_load %arg7[%parallel_loop3A_342] {strides = array<i32>} : memref<50000xf32, #tpu.memory_space<vmem>>, vector<16xf32>,
      %parallel_loop3A_344 = arith.constant true
      %parallel_loop3A_345 = vector.broadcast %parallel_loop3A_344 : i1 to vector<16xi1>
      %parallel_loop3A_346 = tpu.scan <sum>, %parallel_loop3A_343 masked %parallel_loop3A_345 : vector<16xf32>, vector<16xi1> -> vector<16xf32>
      %parallel_loop3A_347 = arith.constant 4096 : i32
      %parallel_loop3A_348 = arith.muli %parallel_loop3A_314, %parallel_loop3A_347 : i32
      %parallel_loop3A_349 = vector.broadcast %parallel_loop3A_348 : i32 to vector<16xi32>
      %parallel_loop3A_350 = arith.addi %parallel_loop3A_325, %parallel_loop3A_349 : vector<16xi32>
      tpu.vector_store_idx %arg9[%parallel_loop3A_350], %parallel_loop3A_346 masked %parallel_loop3A_335 {add = true} : memref<20480xf32, #tpu.memory_space<vmem>>[vector<16xi32>], vector<16xf32>, vector<16xi1>
      %parallel_loop3A_351 = vector.broadcast %parallel_loop3A_348 : i32 to vector<16xi32>
      %parallel_loop3A_352 = arith.addi %parallel_loop3A_330, %parallel_loop3A_351 : vector<16xi32>
      %parallel_loop3A_353 = arith.constant 0.000000e+00 : f32
      %parallel_loop3A_354 = vector.broadcast %parallel_loop3A_353 : f32 to vector<16xf32>
      %parallel_loop3A_355 = arith.subf %parallel_loop3A_354, %parallel_loop3A_346 : vector<16xf32>
      tpu.vector_store_idx %arg9[%parallel_loop3A_352], %parallel_loop3A_355 masked %parallel_loop3A_338 {add = true} : memref<20480xf32, #tpu.memory_space<vmem>>[vector<16xi32>], vector<16xf32>, vector<16xi1>
      %parallel_loop3A_356 = arith.constant 0 : i32
      %parallel_loop3A_357 = arith.cmpi eq, %parallel_loop3A_314, %parallel_loop3A_356 : i32
      %parallel_loop3A_358 = arith.extui %parallel_loop3A_357 : i1 to i32
      %parallel_loop3A_359 = arith.constant 0 : i32
      %parallel_loop3A_360 = arith.cmpi ne, %parallel_loop3A_358, %parallel_loop3A_359 : i32
      scf.if %parallel_loop3A_360 {
        %parallel_loop3A_361 = arith.constant 0 : index
        %parallel_loop3A_362 = tpu.vector_load %arg11[%parallel_loop3A_361] {strides = array<i32>} : memref<32xf32, #tpu.memory_space<vmem>>, vector<16xf32>,
        %parallel_loop3A_363 = arith.constant 16 : index
        %parallel_loop3A_364 = tpu.vector_load %arg11[%parallel_loop3A_363] {strides = array<i32>} : memref<32xf32, #tpu.memory_space<vmem>>, vector<16xf32>,
        %parallel_loop3A_365 = arith.constant 16384 : i32
        %parallel_loop3A_366 = vector.broadcast %parallel_loop3A_365 : i32 to vector<16xi32>
        %parallel_loop3A_367 = arith.addi %parallel_loop3A_325, %parallel_loop3A_366 : vector<16xi32>
        tpu.vector_store_idx %arg9[%parallel_loop3A_367], %parallel_loop3A_362 masked %parallel_loop3A_335 {add = true} : memref<20480xf32, #tpu.memory_space<vmem>>[vector<16xi32>], vector<16xf32>, vector<16xi1>
        %parallel_loop3A_368 = arith.constant 16384 : i32
        %parallel_loop3A_369 = vector.broadcast %parallel_loop3A_368 : i32 to vector<16xi32>
        %parallel_loop3A_370 = arith.addi %parallel_loop3A_330, %parallel_loop3A_369 : vector<16xi32>
        tpu.vector_store_idx %arg9[%parallel_loop3A_370], %parallel_loop3A_364 masked %parallel_loop3A_338 {add = true} : memref<20480xf32, #tpu.memory_space<vmem>>[vector<16xi32>], vector<16xf32>, vector<16xi1>
      } else {
      }
    } {sc.loop_unroll_factor = 8 : i64, sc.parallel_access}
    %mul3A_112 = arith.constant 200000 : i32
    %mul3A_113 = arith.muli %add3A, %mul3A_112 : i32
    %add3A_114 = arith.constant 150000 : i32
    %add3A_115 = arith.addi %mul3A_113, %add3A_114 : i32
    "tpu.region"() ({
      %run_scoped3A = tpu.sem_alloc : memref<!tpu.dma_semaphore, #tpu.memory_space<semaphore_mem>>
      %dma_start3A = tpu.memref_slice %arg2[%add3A_115] : memref<6400000xf32, #tpu.memory_space<hbm>> -> memref<50000xf32, #tpu.memory_space<hbm>>
      %dma_start3A_305 = tpu.memref_slice %arg2[%add3A_115] : memref<6400000xf32, #tpu.memory_space<hbm>> -> memref<50000xf32, #tpu.memory_space<hbm>>
      tpu.enqueue_dma source(%dma_start3A_305 : memref<50000xf32, #tpu.memory_space<hbm>>) target(%arg7 : memref<50000xf32, #tpu.memory_space<vmem>>) target_semaphore(%run_scoped3A : memref<!tpu.dma_semaphore, #tpu.memory_space<semaphore_mem>>)
      %dma_wait3A = tpu.memref_slice %arg2[%add3A_115] : memref<6400000xf32, #tpu.memory_space<hbm>> -> memref<50000xf32, #tpu.memory_space<hbm>>
      %dma_wait3A_306 = tpu.memref_slice %arg2[%add3A_115] : memref<6400000xf32, #tpu.memory_space<hbm>> -> memref<50000xf32, #tpu.memory_space<hbm>>
      tpu.wait_dma2 semaphore(%run_scoped3A : memref<!tpu.dma_semaphore, #tpu.memory_space<semaphore_mem>>) src(%dma_wait3A_306 : memref<50000xf32, #tpu.memory_space<hbm>>) dst(%arg7 : memref<50000xf32, #tpu.memory_space<vmem>>)
      tpu.yield
    }) : () -> ()
    %jit3A_116 = arith.constant 512 : i32
    %div3A_117 = arith.divsi %add3A_115, %jit3A_116 : i32
    %sign3A_118 = arith.constant 0 : i32
    %sign3A_119 = arith.cmpi sgt, %add3A_115, %sign3A_118 : i32
    %sign3A_120 = arith.extui %sign3A_119 : i1 to i32
    %sign3A_121 = arith.constant 0 : i32
    %sign3A_122 = arith.cmpi slt, %add3A_115, %sign3A_121 : i32
    %sign3A_123 = arith.extui %sign3A_122 : i1 to i32
    %sign3A_124 = arith.subi %sign3A_120, %sign3A_123 : i32
    %sign3A_125 = arith.constant 0 : i32
    %sign3A_126 = arith.cmpi sgt, %jit3A_116, %sign3A_125 : i32
    %sign3A_127 = arith.extui %sign3A_126 : i1 to i32
    %sign3A_128 = arith.constant 0 : i32
    %sign3A_129 = arith.cmpi slt, %jit3A_116, %sign3A_128 : i32
    %sign3A_130 = arith.extui %sign3A_129 : i1 to i32
    %sign3A_131 = arith.subi %sign3A_127, %sign3A_130 : i32
    %ne3A_132 = arith.cmpi ne, %sign3A_124, %sign3A_131 : i32
    %rem3A_133 = arith.remsi %add3A_115, %jit3A_116 : i32
    %ne3A_134 = arith.constant 0 : i32
    %ne3A_135 = arith.cmpi ne, %rem3A_133, %ne3A_134 : i32
    %and3A_136 = arith.andi %ne3A_132, %ne3A_135 : i1
    %sub3A_137 = arith.constant 1 : i32
    %sub3A_138 = arith.subi %div3A_117, %sub3A_137 : i32
    %select_n3A_139 = arith.select %and3A_136, %sub3A_138, %div3A_117 : i32
    %mul3A_140 = arith.constant 128 : i32
    %mul3A_141 = arith.muli %select_n3A_139, %mul3A_140 : i32
    %min3A_142 = arith.constant 1587264 : i32
    %min3A_143 = arith.minsi %mul3A_141, %min3A_142 : i32
    "tpu.region"() ({
      %run_scoped3A = tpu.sem_alloc : memref<!tpu.dma_semaphore, #tpu.memory_space<semaphore_mem>>
      %dma_start3A = arith.constant 0 : i32
      %dma_start3A_305 = tpu.memref_slice %arg8[%dma_start3A] : memref<12752xi32, #tpu.memory_space<vmem>> -> memref<12736xi32, #tpu.memory_space<vmem>>
      %dma_start3A_306 = tpu.memref_slice %arg3[%min3A_143] : memref<1600000xi32, #tpu.memory_space<hbm>> -> memref<12736xi32, #tpu.memory_space<hbm>>
      %dma_start3A_307 = arith.constant 0 : i32
      %dma_start3A_308 = tpu.memref_slice %arg8[%dma_start3A_307] : memref<12752xi32, #tpu.memory_space<vmem>> -> memref<12736xi32, #tpu.memory_space<vmem>>
      %dma_start3A_309 = tpu.memref_slice %arg3[%min3A_143] : memref<1600000xi32, #tpu.memory_space<hbm>> -> memref<12736xi32, #tpu.memory_space<hbm>>
      tpu.enqueue_dma source(%dma_start3A_309 : memref<12736xi32, #tpu.memory_space<hbm>>) target(%dma_start3A_308 : memref<12736xi32, #tpu.memory_space<vmem>>) target_semaphore(%run_scoped3A : memref<!tpu.dma_semaphore, #tpu.memory_space<semaphore_mem>>)
      %dma_wait3A = arith.constant 0 : i32
      %dma_wait3A_310 = tpu.memref_slice %arg8[%dma_wait3A] : memref<12752xi32, #tpu.memory_space<vmem>> -> memref<12736xi32, #tpu.memory_space<vmem>>
      %dma_wait3A_311 = tpu.memref_slice %arg3[%min3A_143] : memref<1600000xi32, #tpu.memory_space<hbm>> -> memref<12736xi32, #tpu.memory_space<hbm>>
      %dma_wait3A_312 = arith.constant 0 : i32
      %dma_wait3A_313 = tpu.memref_slice %arg8[%dma_wait3A_312] : memref<12752xi32, #tpu.memory_space<vmem>> -> memref<12736xi32, #tpu.memory_space<vmem>>
      %dma_wait3A_314 = tpu.memref_slice %arg3[%min3A_143] : memref<1600000xi32, #tpu.memory_space<hbm>> -> memref<12736xi32, #tpu.memory_space<hbm>>
      tpu.wait_dma2 semaphore(%run_scoped3A : memref<!tpu.dma_semaphore, #tpu.memory_space<semaphore_mem>>) src(%dma_wait3A_314 : memref<12736xi32, #tpu.memory_space<hbm>>) dst(%dma_wait3A_313 : memref<12736xi32, #tpu.memory_space<vmem>>)
      tpu.yield
    }) : () -> ()
    %parallel_loop3A_144 = arith.constant 0 : i32
    %parallel_loop3A_145 = arith.constant 3125 : i32
    %parallel_loop3A_146 = arith.constant 1 : i32
    scf.for %parallel_loop3A_305 = %parallel_loop3A_144 to %parallel_loop3A_145 step %parallel_loop3A_146  : i32 {
      %parallel_loop3A_306 = arith.constant 0 : index
      %parallel_loop3A_307 = tpu.vector_load %arg10[%parallel_loop3A_306] {strides = array<i32>} : memref<16xi32, #tpu.memory_space<vmem>>, vector<16xi32>,
      %parallel_loop3A_308 = arith.constant 16 : i32
      %parallel_loop3A_309 = arith.muli %parallel_loop3A_305, %parallel_loop3A_308 : i32
      %parallel_loop3A_310 = arith.addi %add3A_115, %parallel_loop3A_309 : i32
      %parallel_loop3A_311 = arith.constant 7 : i32
      %parallel_loop3A_312 = arith.shrsi %parallel_loop3A_310, %parallel_loop3A_311 : i32
      %parallel_loop3A_313 = arith.constant 3 : i32
      %parallel_loop3A_314 = arith.andi %parallel_loop3A_312, %parallel_loop3A_313 : i32
      %parallel_loop3A_315 = arith.constant 9 : i32
      %parallel_loop3A_316 = arith.shrsi %parallel_loop3A_310, %parallel_loop3A_315 : i32
      %parallel_loop3A_317 = arith.constant 7 : i32
      %parallel_loop3A_318 = arith.shli %parallel_loop3A_316, %parallel_loop3A_317 : i32
      %parallel_loop3A_319 = arith.constant 127 : i32
      %parallel_loop3A_320 = arith.andi %parallel_loop3A_310, %parallel_loop3A_319 : i32
      %parallel_loop3A_321 = arith.addi %parallel_loop3A_318, %parallel_loop3A_320 : i32
      %parallel_loop3A_322 = arith.subi %parallel_loop3A_321, %min3A_143 : i32
      %parallel_loop3A_323 = tpu.assume_multiple %parallel_loop3A_322, 16 : i32
      %parallel_loop3A_324 = arith.index_cast %parallel_loop3A_323 : i32 to index
      %parallel_loop3A_325 = tpu.vector_load %arg8[%parallel_loop3A_324] {strides = array<i32>} : memref<12752xi32, #tpu.memory_space<vmem>>, vector<16xi32>,
      %parallel_loop3A_326 = arith.constant 1 : i32
      %parallel_loop3A_327 = arith.addi %parallel_loop3A_323, %parallel_loop3A_326 : i32
      %parallel_loop3A_328 = vector.broadcast %parallel_loop3A_327 : i32 to vector<16xi32>
      %parallel_loop3A_329 = arith.addi %parallel_loop3A_307, %parallel_loop3A_328 : vector<16xi32>
      %parallel_loop3A_330 = tpu.vector_load_idx %arg8[%parallel_loop3A_329] : memref<12752xi32, #tpu.memory_space<vmem>>[vector<16xi32>], vector<16xi32>,
      %parallel_loop3A_331 = arith.cmpi ne, %parallel_loop3A_325, %parallel_loop3A_330 : vector<16xi32>
      %parallel_loop3A_332 = arith.constant 15 : i32
      %parallel_loop3A_333 = vector.broadcast %parallel_loop3A_332 : i32 to vector<16xi32>
      %parallel_loop3A_334 = arith.cmpi eq, %parallel_loop3A_307, %parallel_loop3A_333 : vector<16xi32>
      %parallel_loop3A_335 = arith.ori %parallel_loop3A_331, %parallel_loop3A_334 : vector<16xi1>
      %parallel_loop3A_336 = arith.constant dense<true> : vector<16xi1>
      %parallel_loop3A_337 = arith.xori %parallel_loop3A_334, %parallel_loop3A_336 : vector<16xi1>
      %parallel_loop3A_338 = arith.andi %parallel_loop3A_331, %parallel_loop3A_337 : vector<16xi1>
      %parallel_loop3A_339 = arith.constant 16 : i32
      %parallel_loop3A_340 = arith.muli %parallel_loop3A_305, %parallel_loop3A_339 : i32
      %parallel_loop3A_341 = tpu.assume_multiple %parallel_loop3A_340, 16 : i32
      %parallel_loop3A_342 = arith.index_cast %parallel_loop3A_341 : i32 to index
      %parallel_loop3A_343 = tpu.vector_load %arg7[%parallel_loop3A_342] {strides = array<i32>} : memref<50000xf32, #tpu.memory_space<vmem>>, vector<16xf32>,
      %parallel_loop3A_344 = arith.constant true
      %parallel_loop3A_345 = vector.broadcast %parallel_loop3A_344 : i1 to vector<16xi1>
      %parallel_loop3A_346 = tpu.scan <sum>, %parallel_loop3A_343 masked %parallel_loop3A_345 : vector<16xf32>, vector<16xi1> -> vector<16xf32>
      %parallel_loop3A_347 = arith.constant 4096 : i32
      %parallel_loop3A_348 = arith.muli %parallel_loop3A_314, %parallel_loop3A_347 : i32
      %parallel_loop3A_349 = vector.broadcast %parallel_loop3A_348 : i32 to vector<16xi32>
      %parallel_loop3A_350 = arith.addi %parallel_loop3A_325, %parallel_loop3A_349 : vector<16xi32>
      tpu.vector_store_idx %arg9[%parallel_loop3A_350], %parallel_loop3A_346 masked %parallel_loop3A_335 {add = true} : memref<20480xf32, #tpu.memory_space<vmem>>[vector<16xi32>], vector<16xf32>, vector<16xi1>
      %parallel_loop3A_351 = vector.broadcast %parallel_loop3A_348 : i32 to vector<16xi32>
      %parallel_loop3A_352 = arith.addi %parallel_loop3A_330, %parallel_loop3A_351 : vector<16xi32>
      %parallel_loop3A_353 = arith.constant 0.000000e+00 : f32
      %parallel_loop3A_354 = vector.broadcast %parallel_loop3A_353 : f32 to vector<16xf32>
      %parallel_loop3A_355 = arith.subf %parallel_loop3A_354, %parallel_loop3A_346 : vector<16xf32>
      tpu.vector_store_idx %arg9[%parallel_loop3A_352], %parallel_loop3A_355 masked %parallel_loop3A_338 {add = true} : memref<20480xf32, #tpu.memory_space<vmem>>[vector<16xi32>], vector<16xf32>, vector<16xi1>
      %parallel_loop3A_356 = arith.constant 0 : i32
      %parallel_loop3A_357 = arith.cmpi eq, %parallel_loop3A_314, %parallel_loop3A_356 : i32
      %parallel_loop3A_358 = arith.extui %parallel_loop3A_357 : i1 to i32
      %parallel_loop3A_359 = arith.constant 0 : i32
      %parallel_loop3A_360 = arith.cmpi ne, %parallel_loop3A_358, %parallel_loop3A_359 : i32
      scf.if %parallel_loop3A_360 {
        %parallel_loop3A_361 = arith.constant 0 : index
        %parallel_loop3A_362 = tpu.vector_load %arg11[%parallel_loop3A_361] {strides = array<i32>} : memref<32xf32, #tpu.memory_space<vmem>>, vector<16xf32>,
        %parallel_loop3A_363 = arith.constant 16 : index
        %parallel_loop3A_364 = tpu.vector_load %arg11[%parallel_loop3A_363] {strides = array<i32>} : memref<32xf32, #tpu.memory_space<vmem>>, vector<16xf32>,
        %parallel_loop3A_365 = arith.constant 16384 : i32
        %parallel_loop3A_366 = vector.broadcast %parallel_loop3A_365 : i32 to vector<16xi32>
        %parallel_loop3A_367 = arith.addi %parallel_loop3A_325, %parallel_loop3A_366 : vector<16xi32>
        tpu.vector_store_idx %arg9[%parallel_loop3A_367], %parallel_loop3A_362 masked %parallel_loop3A_335 {add = true} : memref<20480xf32, #tpu.memory_space<vmem>>[vector<16xi32>], vector<16xf32>, vector<16xi1>
        %parallel_loop3A_368 = arith.constant 16384 : i32
        %parallel_loop3A_369 = vector.broadcast %parallel_loop3A_368 : i32 to vector<16xi32>
        %parallel_loop3A_370 = arith.addi %parallel_loop3A_330, %parallel_loop3A_369 : vector<16xi32>
        tpu.vector_store_idx %arg9[%parallel_loop3A_370], %parallel_loop3A_364 masked %parallel_loop3A_338 {add = true} : memref<20480xf32, #tpu.memory_space<vmem>>[vector<16xi32>], vector<16xf32>, vector<16xi1>
      } else {
      }
    } {sc.loop_unroll_factor = 8 : i64, sc.parallel_access}
    %mul3A_147 = arith.constant 2 : i32
    %mul3A_148 = arith.muli %add3A, %mul3A_147 : i32
    %add3A_149 = arith.constant 0 : i32
    %add3A_150 = arith.addi %mul3A_148, %add3A_149 : i32
    %mul3A_151 = arith.constant 20480 : i32
    %mul3A_152 = arith.muli %add3A_150, %mul3A_151 : i32
    "tpu.region"() ({
      %run_scoped3A = tpu.sem_alloc : memref<!tpu.dma_semaphore, #tpu.memory_space<semaphore_mem>>
      %dma_start3A = tpu.memref_slice %arg6[%mul3A_152] : memref<1310720xf32, #tpu.memory_space<hbm>> -> memref<20480xf32, #tpu.memory_space<hbm>>
      %dma_start3A_305 = tpu.memref_slice %arg6[%mul3A_152] : memref<1310720xf32, #tpu.memory_space<hbm>> -> memref<20480xf32, #tpu.memory_space<hbm>>
      tpu.enqueue_dma source(%arg9 : memref<20480xf32, #tpu.memory_space<vmem>>) target(%dma_start3A_305 : memref<20480xf32, #tpu.memory_space<hbm>>) target_semaphore(%run_scoped3A : memref<!tpu.dma_semaphore, #tpu.memory_space<semaphore_mem>>)
      %dma_wait3A = tpu.memref_slice %arg6[%mul3A_152] : memref<1310720xf32, #tpu.memory_space<hbm>> -> memref<20480xf32, #tpu.memory_space<hbm>>
      %dma_wait3A_306 = tpu.memref_slice %arg6[%mul3A_152] : memref<1310720xf32, #tpu.memory_space<hbm>> -> memref<20480xf32, #tpu.memory_space<hbm>>
      tpu.wait_dma2 semaphore(%run_scoped3A : memref<!tpu.dma_semaphore, #tpu.memory_space<semaphore_mem>>) src(%arg9 : memref<20480xf32, #tpu.memory_space<vmem>>) dst(%dma_wait3A_306 : memref<20480xf32, #tpu.memory_space<hbm>>)
      tpu.yield
    }) : () -> ()
    %scan3A_153 = arith.constant 0 : i32
    %scan3A_154 = arith.constant 0 : i32
    %scan3A_155 = arith.constant 1280 : i32
    %scan3A_156 = arith.addi %scan3A_154, %scan3A_155 : i32
    %scan3A_157 = arith.constant 1 : i32
    scf.for %scan3A_305 = %scan3A_154 to %scan3A_156 step %scan3A_157  : i32 {
      %mul3A_306 = arith.constant 16 : i32
      %mul3A_307 = arith.muli %scan3A_305, %mul3A_306 : i32
      %swap3A_308 = arith.index_cast %mul3A_307 : i32 to index
      %swap3A_309 = tpu.vector_load %arg9[%swap3A_308] {strides = array<i32>} : memref<20480xf32, #tpu.memory_space<vmem>>, vector<16xf32>,
      tpu.vector_store %arg9[%swap3A_308], %broadcast_in_dim3A_4 {strides = array<i32>} : memref<20480xf32, #tpu.memory_space<vmem>>, vector<16xf32>,
    }
    %scan3A_158 = arith.constant 1280 : i32
    %mul3A_159 = arith.constant 200000 : i32
    %mul3A_160 = arith.muli %add3A, %mul3A_159 : i32
    %add3A_161 = arith.constant 0 : i32
    %add3A_162 = arith.addi %mul3A_160, %add3A_161 : i32
    "tpu.region"() ({
      %run_scoped3A = tpu.sem_alloc : memref<!tpu.dma_semaphore, #tpu.memory_space<semaphore_mem>>
      %dma_start3A = tpu.memref_slice %arg4[%add3A_162] : memref<6400000xf32, #tpu.memory_space<hbm>> -> memref<50000xf32, #tpu.memory_space<hbm>>
      %dma_start3A_305 = tpu.memref_slice %arg4[%add3A_162] : memref<6400000xf32, #tpu.memory_space<hbm>> -> memref<50000xf32, #tpu.memory_space<hbm>>
      tpu.enqueue_dma source(%dma_start3A_305 : memref<50000xf32, #tpu.memory_space<hbm>>) target(%arg7 : memref<50000xf32, #tpu.memory_space<vmem>>) target_semaphore(%run_scoped3A : memref<!tpu.dma_semaphore, #tpu.memory_space<semaphore_mem>>)
      %dma_wait3A = tpu.memref_slice %arg4[%add3A_162] : memref<6400000xf32, #tpu.memory_space<hbm>> -> memref<50000xf32, #tpu.memory_space<hbm>>
      %dma_wait3A_306 = tpu.memref_slice %arg4[%add3A_162] : memref<6400000xf32, #tpu.memory_space<hbm>> -> memref<50000xf32, #tpu.memory_space<hbm>>
      tpu.wait_dma2 semaphore(%run_scoped3A : memref<!tpu.dma_semaphore, #tpu.memory_space<semaphore_mem>>) src(%dma_wait3A_306 : memref<50000xf32, #tpu.memory_space<hbm>>) dst(%arg7 : memref<50000xf32, #tpu.memory_space<vmem>>)
      tpu.yield
    }) : () -> ()
    %jit3A_163 = arith.constant 512 : i32
    %div3A_164 = arith.divsi %add3A_162, %jit3A_163 : i32
    %sign3A_165 = arith.constant 0 : i32
    %sign3A_166 = arith.cmpi sgt, %add3A_162, %sign3A_165 : i32
    %sign3A_167 = arith.extui %sign3A_166 : i1 to i32
    %sign3A_168 = arith.constant 0 : i32
    %sign3A_169 = arith.cmpi slt, %add3A_162, %sign3A_168 : i32
    %sign3A_170 = arith.extui %sign3A_169 : i1 to i32
    %sign3A_171 = arith.subi %sign3A_167, %sign3A_170 : i32
    %sign3A_172 = arith.constant 0 : i32
    %sign3A_173 = arith.cmpi sgt, %jit3A_163, %sign3A_172 : i32
    %sign3A_174 = arith.extui %sign3A_173 : i1 to i32
    %sign3A_175 = arith.constant 0 : i32
    %sign3A_176 = arith.cmpi slt, %jit3A_163, %sign3A_175 : i32
    %sign3A_177 = arith.extui %sign3A_176 : i1 to i32
    %sign3A_178 = arith.subi %sign3A_174, %sign3A_177 : i32
    %ne3A_179 = arith.cmpi ne, %sign3A_171, %sign3A_178 : i32
    %rem3A_180 = arith.remsi %add3A_162, %jit3A_163 : i32
    %ne3A_181 = arith.constant 0 : i32
    %ne3A_182 = arith.cmpi ne, %rem3A_180, %ne3A_181 : i32
    %and3A_183 = arith.andi %ne3A_179, %ne3A_182 : i1
    %sub3A_184 = arith.constant 1 : i32
    %sub3A_185 = arith.subi %div3A_164, %sub3A_184 : i32
    %select_n3A_186 = arith.select %and3A_183, %sub3A_185, %div3A_164 : i32
    %mul3A_187 = arith.constant 128 : i32
    %mul3A_188 = arith.muli %select_n3A_186, %mul3A_187 : i32
    %min3A_189 = arith.constant 1587264 : i32
    %min3A_190 = arith.minsi %mul3A_188, %min3A_189 : i32
    "tpu.region"() ({
      %run_scoped3A = tpu.sem_alloc : memref<!tpu.dma_semaphore, #tpu.memory_space<semaphore_mem>>
      %dma_start3A = arith.constant 0 : i32
      %dma_start3A_305 = tpu.memref_slice %arg8[%dma_start3A] : memref<12752xi32, #tpu.memory_space<vmem>> -> memref<12736xi32, #tpu.memory_space<vmem>>
      %dma_start3A_306 = tpu.memref_slice %arg5[%min3A_190] : memref<1600000xi32, #tpu.memory_space<hbm>> -> memref<12736xi32, #tpu.memory_space<hbm>>
      %dma_start3A_307 = arith.constant 0 : i32
      %dma_start3A_308 = tpu.memref_slice %arg8[%dma_start3A_307] : memref<12752xi32, #tpu.memory_space<vmem>> -> memref<12736xi32, #tpu.memory_space<vmem>>
      %dma_start3A_309 = tpu.memref_slice %arg5[%min3A_190] : memref<1600000xi32, #tpu.memory_space<hbm>> -> memref<12736xi32, #tpu.memory_space<hbm>>
      tpu.enqueue_dma source(%dma_start3A_309 : memref<12736xi32, #tpu.memory_space<hbm>>) target(%dma_start3A_308 : memref<12736xi32, #tpu.memory_space<vmem>>) target_semaphore(%run_scoped3A : memref<!tpu.dma_semaphore, #tpu.memory_space<semaphore_mem>>)
      %dma_wait3A = arith.constant 0 : i32
      %dma_wait3A_310 = tpu.memref_slice %arg8[%dma_wait3A] : memref<12752xi32, #tpu.memory_space<vmem>> -> memref<12736xi32, #tpu.memory_space<vmem>>
      %dma_wait3A_311 = tpu.memref_slice %arg5[%min3A_190] : memref<1600000xi32, #tpu.memory_space<hbm>> -> memref<12736xi32, #tpu.memory_space<hbm>>
      %dma_wait3A_312 = arith.constant 0 : i32
      %dma_wait3A_313 = tpu.memref_slice %arg8[%dma_wait3A_312] : memref<12752xi32, #tpu.memory_space<vmem>> -> memref<12736xi32, #tpu.memory_space<vmem>>
      %dma_wait3A_314 = tpu.memref_slice %arg5[%min3A_190] : memref<1600000xi32, #tpu.memory_space<hbm>> -> memref<12736xi32, #tpu.memory_space<hbm>>
      tpu.wait_dma2 semaphore(%run_scoped3A : memref<!tpu.dma_semaphore, #tpu.memory_space<semaphore_mem>>) src(%dma_wait3A_314 : memref<12736xi32, #tpu.memory_space<hbm>>) dst(%dma_wait3A_313 : memref<12736xi32, #tpu.memory_space<vmem>>)
      tpu.yield
    }) : () -> ()
    %parallel_loop3A_191 = arith.constant 0 : i32
    %parallel_loop3A_192 = arith.constant 3125 : i32
    %parallel_loop3A_193 = arith.constant 1 : i32
    scf.for %parallel_loop3A_305 = %parallel_loop3A_191 to %parallel_loop3A_192 step %parallel_loop3A_193  : i32 {
      %parallel_loop3A_306 = arith.constant 0 : index
      %parallel_loop3A_307 = tpu.vector_load %arg10[%parallel_loop3A_306] {strides = array<i32>} : memref<16xi32, #tpu.memory_space<vmem>>, vector<16xi32>,
      %parallel_loop3A_308 = arith.constant 16 : i32
      %parallel_loop3A_309 = arith.muli %parallel_loop3A_305, %parallel_loop3A_308 : i32
      %parallel_loop3A_310 = arith.addi %add3A_162, %parallel_loop3A_309 : i32
      %parallel_loop3A_311 = arith.constant 7 : i32
      %parallel_loop3A_312 = arith.shrsi %parallel_loop3A_310, %parallel_loop3A_311 : i32
      %parallel_loop3A_313 = arith.constant 3 : i32
      %parallel_loop3A_314 = arith.andi %parallel_loop3A_312, %parallel_loop3A_313 : i32
      %parallel_loop3A_315 = arith.constant 9 : i32
      %parallel_loop3A_316 = arith.shrsi %parallel_loop3A_310, %parallel_loop3A_315 : i32
      %parallel_loop3A_317 = arith.constant 7 : i32
      %parallel_loop3A_318 = arith.shli %parallel_loop3A_316, %parallel_loop3A_317 : i32
      %parallel_loop3A_319 = arith.constant 127 : i32
      %parallel_loop3A_320 = arith.andi %parallel_loop3A_310, %parallel_loop3A_319 : i32
      %parallel_loop3A_321 = arith.addi %parallel_loop3A_318, %parallel_loop3A_320 : i32
      %parallel_loop3A_322 = arith.subi %parallel_loop3A_321, %min3A_190 : i32
      %parallel_loop3A_323 = tpu.assume_multiple %parallel_loop3A_322, 16 : i32
      %parallel_loop3A_324 = arith.index_cast %parallel_loop3A_323 : i32 to index
      %parallel_loop3A_325 = tpu.vector_load %arg8[%parallel_loop3A_324] {strides = array<i32>} : memref<12752xi32, #tpu.memory_space<vmem>>, vector<16xi32>,
      %parallel_loop3A_326 = arith.constant 1 : i32
      %parallel_loop3A_327 = arith.addi %parallel_loop3A_323, %parallel_loop3A_326 : i32
      %parallel_loop3A_328 = vector.broadcast %parallel_loop3A_327 : i32 to vector<16xi32>
      %parallel_loop3A_329 = arith.addi %parallel_loop3A_307, %parallel_loop3A_328 : vector<16xi32>
      %parallel_loop3A_330 = tpu.vector_load_idx %arg8[%parallel_loop3A_329] : memref<12752xi32, #tpu.memory_space<vmem>>[vector<16xi32>], vector<16xi32>,
      %parallel_loop3A_331 = arith.cmpi ne, %parallel_loop3A_325, %parallel_loop3A_330 : vector<16xi32>
      %parallel_loop3A_332 = arith.constant 15 : i32
      %parallel_loop3A_333 = vector.broadcast %parallel_loop3A_332 : i32 to vector<16xi32>
      %parallel_loop3A_334 = arith.cmpi eq, %parallel_loop3A_307, %parallel_loop3A_333 : vector<16xi32>
      %parallel_loop3A_335 = arith.ori %parallel_loop3A_331, %parallel_loop3A_334 : vector<16xi1>
      %parallel_loop3A_336 = arith.constant dense<true> : vector<16xi1>
      %parallel_loop3A_337 = arith.xori %parallel_loop3A_334, %parallel_loop3A_336 : vector<16xi1>
      %parallel_loop3A_338 = arith.andi %parallel_loop3A_331, %parallel_loop3A_337 : vector<16xi1>
      %parallel_loop3A_339 = arith.constant 16 : i32
      %parallel_loop3A_340 = arith.muli %parallel_loop3A_305, %parallel_loop3A_339 : i32
      %parallel_loop3A_341 = tpu.assume_multiple %parallel_loop3A_340, 16 : i32
      %parallel_loop3A_342 = arith.index_cast %parallel_loop3A_341 : i32 to index
      %parallel_loop3A_343 = tpu.vector_load %arg7[%parallel_loop3A_342] {strides = array<i32>} : memref<50000xf32, #tpu.memory_space<vmem>>, vector<16xf32>,
      %parallel_loop3A_344 = arith.constant true
      %parallel_loop3A_345 = vector.broadcast %parallel_loop3A_344 : i1 to vector<16xi1>
      %parallel_loop3A_346 = tpu.scan <sum>, %parallel_loop3A_343 masked %parallel_loop3A_345 : vector<16xf32>, vector<16xi1> -> vector<16xf32>
      %parallel_loop3A_347 = arith.constant 4096 : i32
      %parallel_loop3A_348 = arith.muli %parallel_loop3A_314, %parallel_loop3A_347 : i32
      %parallel_loop3A_349 = vector.broadcast %parallel_loop3A_348 : i32 to vector<16xi32>
      %parallel_loop3A_350 = arith.addi %parallel_loop3A_325, %parallel_loop3A_349 : vector<16xi32>
      tpu.vector_store_idx %arg9[%parallel_loop3A_350], %parallel_loop3A_346 masked %parallel_loop3A_335 {add = true} : memref<20480xf32, #tpu.memory_space<vmem>>[vector<16xi32>], vector<16xf32>, vector<16xi1>
      %parallel_loop3A_351 = vector.broadcast %parallel_loop3A_348 : i32 to vector<16xi32>
      %parallel_loop3A_352 = arith.addi %parallel_loop3A_330, %parallel_loop3A_351 : vector<16xi32>
      %parallel_loop3A_353 = arith.constant 0.000000e+00 : f32
      %parallel_loop3A_354 = vector.broadcast %parallel_loop3A_353 : f32 to vector<16xf32>
      %parallel_loop3A_355 = arith.subf %parallel_loop3A_354, %parallel_loop3A_346 : vector<16xf32>
      tpu.vector_store_idx %arg9[%parallel_loop3A_352], %parallel_loop3A_355 masked %parallel_loop3A_338 {add = true} : memref<20480xf32, #tpu.memory_space<vmem>>[vector<16xi32>], vector<16xf32>, vector<16xi1>
      %parallel_loop3A_356 = arith.constant 0 : i32
      %parallel_loop3A_357 = arith.cmpi eq, %parallel_loop3A_314, %parallel_loop3A_356 : i32
      %parallel_loop3A_358 = arith.extui %parallel_loop3A_357 : i1 to i32
      %parallel_loop3A_359 = arith.constant 0 : i32
      %parallel_loop3A_360 = arith.cmpi ne, %parallel_loop3A_358, %parallel_loop3A_359 : i32
      scf.if %parallel_loop3A_360 {
        %parallel_loop3A_361 = arith.constant 0 : index
        %parallel_loop3A_362 = tpu.vector_load %arg11[%parallel_loop3A_361] {strides = array<i32>} : memref<32xf32, #tpu.memory_space<vmem>>, vector<16xf32>,
        %parallel_loop3A_363 = arith.constant 16 : index
        %parallel_loop3A_364 = tpu.vector_load %arg11[%parallel_loop3A_363] {strides = array<i32>} : memref<32xf32, #tpu.memory_space<vmem>>, vector<16xf32>,
        %parallel_loop3A_365 = arith.constant 16384 : i32
        %parallel_loop3A_366 = vector.broadcast %parallel_loop3A_365 : i32 to vector<16xi32>
        %parallel_loop3A_367 = arith.addi %parallel_loop3A_325, %parallel_loop3A_366 : vector<16xi32>
        tpu.vector_store_idx %arg9[%parallel_loop3A_367], %parallel_loop3A_362 masked %parallel_loop3A_335 {add = true} : memref<20480xf32, #tpu.memory_space<vmem>>[vector<16xi32>], vector<16xf32>, vector<16xi1>
        %parallel_loop3A_368 = arith.constant 16384 : i32
        %parallel_loop3A_369 = vector.broadcast %parallel_loop3A_368 : i32 to vector<16xi32>
        %parallel_loop3A_370 = arith.addi %parallel_loop3A_330, %parallel_loop3A_369 : vector<16xi32>
        tpu.vector_store_idx %arg9[%parallel_loop3A_370], %parallel_loop3A_364 masked %parallel_loop3A_338 {add = true} : memref<20480xf32, #tpu.memory_space<vmem>>[vector<16xi32>], vector<16xf32>, vector<16xi1>
      } else {
      }
    } {sc.loop_unroll_factor = 8 : i64, sc.parallel_access}
    %mul3A_194 = arith.constant 200000 : i32
    %mul3A_195 = arith.muli %add3A, %mul3A_194 : i32
    %add3A_196 = arith.constant 50000 : i32
    %add3A_197 = arith.addi %mul3A_195, %add3A_196 : i32
    "tpu.region"() ({
      %run_scoped3A = tpu.sem_alloc : memref<!tpu.dma_semaphore, #tpu.memory_space<semaphore_mem>>
      %dma_start3A = tpu.memref_slice %arg4[%add3A_197] : memref<6400000xf32, #tpu.memory_space<hbm>> -> memref<50000xf32, #tpu.memory_space<hbm>>
      %dma_start3A_305 = tpu.memref_slice %arg4[%add3A_197] : memref<6400000xf32, #tpu.memory_space<hbm>> -> memref<50000xf32, #tpu.memory_space<hbm>>
      tpu.enqueue_dma source(%dma_start3A_305 : memref<50000xf32, #tpu.memory_space<hbm>>) target(%arg7 : memref<50000xf32, #tpu.memory_space<vmem>>) target_semaphore(%run_scoped3A : memref<!tpu.dma_semaphore, #tpu.memory_space<semaphore_mem>>)
      %dma_wait3A = tpu.memref_slice %arg4[%add3A_197] : memref<6400000xf32, #tpu.memory_space<hbm>> -> memref<50000xf32, #tpu.memory_space<hbm>>
      %dma_wait3A_306 = tpu.memref_slice %arg4[%add3A_197] : memref<6400000xf32, #tpu.memory_space<hbm>> -> memref<50000xf32, #tpu.memory_space<hbm>>
      tpu.wait_dma2 semaphore(%run_scoped3A : memref<!tpu.dma_semaphore, #tpu.memory_space<semaphore_mem>>) src(%dma_wait3A_306 : memref<50000xf32, #tpu.memory_space<hbm>>) dst(%arg7 : memref<50000xf32, #tpu.memory_space<vmem>>)
      tpu.yield
    }) : () -> ()
    %jit3A_198 = arith.constant 512 : i32
    %div3A_199 = arith.divsi %add3A_197, %jit3A_198 : i32
    %sign3A_200 = arith.constant 0 : i32
    %sign3A_201 = arith.cmpi sgt, %add3A_197, %sign3A_200 : i32
    %sign3A_202 = arith.extui %sign3A_201 : i1 to i32
    %sign3A_203 = arith.constant 0 : i32
    %sign3A_204 = arith.cmpi slt, %add3A_197, %sign3A_203 : i32
    %sign3A_205 = arith.extui %sign3A_204 : i1 to i32
    %sign3A_206 = arith.subi %sign3A_202, %sign3A_205 : i32
    %sign3A_207 = arith.constant 0 : i32
    %sign3A_208 = arith.cmpi sgt, %jit3A_198, %sign3A_207 : i32
    %sign3A_209 = arith.extui %sign3A_208 : i1 to i32
    %sign3A_210 = arith.constant 0 : i32
    %sign3A_211 = arith.cmpi slt, %jit3A_198, %sign3A_210 : i32
    %sign3A_212 = arith.extui %sign3A_211 : i1 to i32
    %sign3A_213 = arith.subi %sign3A_209, %sign3A_212 : i32
    %ne3A_214 = arith.cmpi ne, %sign3A_206, %sign3A_213 : i32
    %rem3A_215 = arith.remsi %add3A_197, %jit3A_198 : i32
    %ne3A_216 = arith.constant 0 : i32
    %ne3A_217 = arith.cmpi ne, %rem3A_215, %ne3A_216 : i32
    %and3A_218 = arith.andi %ne3A_214, %ne3A_217 : i1
    %sub3A_219 = arith.constant 1 : i32
    %sub3A_220 = arith.subi %div3A_199, %sub3A_219 : i32
    %select_n3A_221 = arith.select %and3A_218, %sub3A_220, %div3A_199 : i32
    %mul3A_222 = arith.constant 128 : i32
    %mul3A_223 = arith.muli %select_n3A_221, %mul3A_222 : i32
    %min3A_224 = arith.constant 1587264 : i32
    %min3A_225 = arith.minsi %mul3A_223, %min3A_224 : i32
    "tpu.region"() ({
      %run_scoped3A = tpu.sem_alloc : memref<!tpu.dma_semaphore, #tpu.memory_space<semaphore_mem>>
      %dma_start3A = arith.constant 0 : i32
      %dma_start3A_305 = tpu.memref_slice %arg8[%dma_start3A] : memref<12752xi32, #tpu.memory_space<vmem>> -> memref<12736xi32, #tpu.memory_space<vmem>>
      %dma_start3A_306 = tpu.memref_slice %arg5[%min3A_225] : memref<1600000xi32, #tpu.memory_space<hbm>> -> memref<12736xi32, #tpu.memory_space<hbm>>
      %dma_start3A_307 = arith.constant 0 : i32
      %dma_start3A_308 = tpu.memref_slice %arg8[%dma_start3A_307] : memref<12752xi32, #tpu.memory_space<vmem>> -> memref<12736xi32, #tpu.memory_space<vmem>>
      %dma_start3A_309 = tpu.memref_slice %arg5[%min3A_225] : memref<1600000xi32, #tpu.memory_space<hbm>> -> memref<12736xi32, #tpu.memory_space<hbm>>
      tpu.enqueue_dma source(%dma_start3A_309 : memref<12736xi32, #tpu.memory_space<hbm>>) target(%dma_start3A_308 : memref<12736xi32, #tpu.memory_space<vmem>>) target_semaphore(%run_scoped3A : memref<!tpu.dma_semaphore, #tpu.memory_space<semaphore_mem>>)
      %dma_wait3A = arith.constant 0 : i32
      %dma_wait3A_310 = tpu.memref_slice %arg8[%dma_wait3A] : memref<12752xi32, #tpu.memory_space<vmem>> -> memref<12736xi32, #tpu.memory_space<vmem>>
      %dma_wait3A_311 = tpu.memref_slice %arg5[%min3A_225] : memref<1600000xi32, #tpu.memory_space<hbm>> -> memref<12736xi32, #tpu.memory_space<hbm>>
      %dma_wait3A_312 = arith.constant 0 : i32
      %dma_wait3A_313 = tpu.memref_slice %arg8[%dma_wait3A_312] : memref<12752xi32, #tpu.memory_space<vmem>> -> memref<12736xi32, #tpu.memory_space<vmem>>
      %dma_wait3A_314 = tpu.memref_slice %arg5[%min3A_225] : memref<1600000xi32, #tpu.memory_space<hbm>> -> memref<12736xi32, #tpu.memory_space<hbm>>
      tpu.wait_dma2 semaphore(%run_scoped3A : memref<!tpu.dma_semaphore, #tpu.memory_space<semaphore_mem>>) src(%dma_wait3A_314 : memref<12736xi32, #tpu.memory_space<hbm>>) dst(%dma_wait3A_313 : memref<12736xi32, #tpu.memory_space<vmem>>)
      tpu.yield
    }) : () -> ()
    %parallel_loop3A_226 = arith.constant 0 : i32
    %parallel_loop3A_227 = arith.constant 3125 : i32
    %parallel_loop3A_228 = arith.constant 1 : i32
    scf.for %parallel_loop3A_305 = %parallel_loop3A_226 to %parallel_loop3A_227 step %parallel_loop3A_228  : i32 {
      %parallel_loop3A_306 = arith.constant 0 : index
      %parallel_loop3A_307 = tpu.vector_load %arg10[%parallel_loop3A_306] {strides = array<i32>} : memref<16xi32, #tpu.memory_space<vmem>>, vector<16xi32>,
      %parallel_loop3A_308 = arith.constant 16 : i32
      %parallel_loop3A_309 = arith.muli %parallel_loop3A_305, %parallel_loop3A_308 : i32
      %parallel_loop3A_310 = arith.addi %add3A_197, %parallel_loop3A_309 : i32
      %parallel_loop3A_311 = arith.constant 7 : i32
      %parallel_loop3A_312 = arith.shrsi %parallel_loop3A_310, %parallel_loop3A_311 : i32
      %parallel_loop3A_313 = arith.constant 3 : i32
      %parallel_loop3A_314 = arith.andi %parallel_loop3A_312, %parallel_loop3A_313 : i32
      %parallel_loop3A_315 = arith.constant 9 : i32
      %parallel_loop3A_316 = arith.shrsi %parallel_loop3A_310, %parallel_loop3A_315 : i32
      %parallel_loop3A_317 = arith.constant 7 : i32
      %parallel_loop3A_318 = arith.shli %parallel_loop3A_316, %parallel_loop3A_317 : i32
      %parallel_loop3A_319 = arith.constant 127 : i32
      %parallel_loop3A_320 = arith.andi %parallel_loop3A_310, %parallel_loop3A_319 : i32
      %parallel_loop3A_321 = arith.addi %parallel_loop3A_318, %parallel_loop3A_320 : i32
      %parallel_loop3A_322 = arith.subi %parallel_loop3A_321, %min3A_225 : i32
      %parallel_loop3A_323 = tpu.assume_multiple %parallel_loop3A_322, 16 : i32
      %parallel_loop3A_324 = arith.index_cast %parallel_loop3A_323 : i32 to index
      %parallel_loop3A_325 = tpu.vector_load %arg8[%parallel_loop3A_324] {strides = array<i32>} : memref<12752xi32, #tpu.memory_space<vmem>>, vector<16xi32>,
      %parallel_loop3A_326 = arith.constant 1 : i32
      %parallel_loop3A_327 = arith.addi %parallel_loop3A_323, %parallel_loop3A_326 : i32
      %parallel_loop3A_328 = vector.broadcast %parallel_loop3A_327 : i32 to vector<16xi32>
      %parallel_loop3A_329 = arith.addi %parallel_loop3A_307, %parallel_loop3A_328 : vector<16xi32>
      %parallel_loop3A_330 = tpu.vector_load_idx %arg8[%parallel_loop3A_329] : memref<12752xi32, #tpu.memory_space<vmem>>[vector<16xi32>], vector<16xi32>,
      %parallel_loop3A_331 = arith.cmpi ne, %parallel_loop3A_325, %parallel_loop3A_330 : vector<16xi32>
      %parallel_loop3A_332 = arith.constant 15 : i32
      %parallel_loop3A_333 = vector.broadcast %parallel_loop3A_332 : i32 to vector<16xi32>
      %parallel_loop3A_334 = arith.cmpi eq, %parallel_loop3A_307, %parallel_loop3A_333 : vector<16xi32>
      %parallel_loop3A_335 = arith.ori %parallel_loop3A_331, %parallel_loop3A_334 : vector<16xi1>
      %parallel_loop3A_336 = arith.constant dense<true> : vector<16xi1>
      %parallel_loop3A_337 = arith.xori %parallel_loop3A_334, %parallel_loop3A_336 : vector<16xi1>
      %parallel_loop3A_338 = arith.andi %parallel_loop3A_331, %parallel_loop3A_337 : vector<16xi1>
      %parallel_loop3A_339 = arith.constant 16 : i32
      %parallel_loop3A_340 = arith.muli %parallel_loop3A_305, %parallel_loop3A_339 : i32
      %parallel_loop3A_341 = tpu.assume_multiple %parallel_loop3A_340, 16 : i32
      %parallel_loop3A_342 = arith.index_cast %parallel_loop3A_341 : i32 to index
      %parallel_loop3A_343 = tpu.vector_load %arg7[%parallel_loop3A_342] {strides = array<i32>} : memref<50000xf32, #tpu.memory_space<vmem>>, vector<16xf32>,
      %parallel_loop3A_344 = arith.constant true
      %parallel_loop3A_345 = vector.broadcast %parallel_loop3A_344 : i1 to vector<16xi1>
      %parallel_loop3A_346 = tpu.scan <sum>, %parallel_loop3A_343 masked %parallel_loop3A_345 : vector<16xf32>, vector<16xi1> -> vector<16xf32>
      %parallel_loop3A_347 = arith.constant 4096 : i32
      %parallel_loop3A_348 = arith.muli %parallel_loop3A_314, %parallel_loop3A_347 : i32
      %parallel_loop3A_349 = vector.broadcast %parallel_loop3A_348 : i32 to vector<16xi32>
      %parallel_loop3A_350 = arith.addi %parallel_loop3A_325, %parallel_loop3A_349 : vector<16xi32>
      tpu.vector_store_idx %arg9[%parallel_loop3A_350], %parallel_loop3A_346 masked %parallel_loop3A_335 {add = true} : memref<20480xf32, #tpu.memory_space<vmem>>[vector<16xi32>], vector<16xf32>, vector<16xi1>
      %parallel_loop3A_351 = vector.broadcast %parallel_loop3A_348 : i32 to vector<16xi32>
      %parallel_loop3A_352 = arith.addi %parallel_loop3A_330, %parallel_loop3A_351 : vector<16xi32>
      %parallel_loop3A_353 = arith.constant 0.000000e+00 : f32
      %parallel_loop3A_354 = vector.broadcast %parallel_loop3A_353 : f32 to vector<16xf32>
      %parallel_loop3A_355 = arith.subf %parallel_loop3A_354, %parallel_loop3A_346 : vector<16xf32>
      tpu.vector_store_idx %arg9[%parallel_loop3A_352], %parallel_loop3A_355 masked %parallel_loop3A_338 {add = true} : memref<20480xf32, #tpu.memory_space<vmem>>[vector<16xi32>], vector<16xf32>, vector<16xi1>
      %parallel_loop3A_356 = arith.constant 0 : i32
      %parallel_loop3A_357 = arith.cmpi eq, %parallel_loop3A_314, %parallel_loop3A_356 : i32
      %parallel_loop3A_358 = arith.extui %parallel_loop3A_357 : i1 to i32
      %parallel_loop3A_359 = arith.constant 0 : i32
      %parallel_loop3A_360 = arith.cmpi ne, %parallel_loop3A_358, %parallel_loop3A_359 : i32
      scf.if %parallel_loop3A_360 {
        %parallel_loop3A_361 = arith.constant 0 : index
        %parallel_loop3A_362 = tpu.vector_load %arg11[%parallel_loop3A_361] {strides = array<i32>} : memref<32xf32, #tpu.memory_space<vmem>>, vector<16xf32>,
        %parallel_loop3A_363 = arith.constant 16 : index
        %parallel_loop3A_364 = tpu.vector_load %arg11[%parallel_loop3A_363] {strides = array<i32>} : memref<32xf32, #tpu.memory_space<vmem>>, vector<16xf32>,
        %parallel_loop3A_365 = arith.constant 16384 : i32
        %parallel_loop3A_366 = vector.broadcast %parallel_loop3A_365 : i32 to vector<16xi32>
        %parallel_loop3A_367 = arith.addi %parallel_loop3A_325, %parallel_loop3A_366 : vector<16xi32>
        tpu.vector_store_idx %arg9[%parallel_loop3A_367], %parallel_loop3A_362 masked %parallel_loop3A_335 {add = true} : memref<20480xf32, #tpu.memory_space<vmem>>[vector<16xi32>], vector<16xf32>, vector<16xi1>
        %parallel_loop3A_368 = arith.constant 16384 : i32
        %parallel_loop3A_369 = vector.broadcast %parallel_loop3A_368 : i32 to vector<16xi32>
        %parallel_loop3A_370 = arith.addi %parallel_loop3A_330, %parallel_loop3A_369 : vector<16xi32>
        tpu.vector_store_idx %arg9[%parallel_loop3A_370], %parallel_loop3A_364 masked %parallel_loop3A_338 {add = true} : memref<20480xf32, #tpu.memory_space<vmem>>[vector<16xi32>], vector<16xf32>, vector<16xi1>
      } else {
      }
    } {sc.loop_unroll_factor = 8 : i64, sc.parallel_access}
    %mul3A_229 = arith.constant 200000 : i32
    %mul3A_230 = arith.muli %add3A, %mul3A_229 : i32
    %add3A_231 = arith.constant 100000 : i32
    %add3A_232 = arith.addi %mul3A_230, %add3A_231 : i32
    "tpu.region"() ({
      %run_scoped3A = tpu.sem_alloc : memref<!tpu.dma_semaphore, #tpu.memory_space<semaphore_mem>>
      %dma_start3A = tpu.memref_slice %arg4[%add3A_232] : memref<6400000xf32, #tpu.memory_space<hbm>> -> memref<50000xf32, #tpu.memory_space<hbm>>
      %dma_start3A_305 = tpu.memref_slice %arg4[%add3A_232] : memref<6400000xf32, #tpu.memory_space<hbm>> -> memref<50000xf32, #tpu.memory_space<hbm>>
      tpu.enqueue_dma source(%dma_start3A_305 : memref<50000xf32, #tpu.memory_space<hbm>>) target(%arg7 : memref<50000xf32, #tpu.memory_space<vmem>>) target_semaphore(%run_scoped3A : memref<!tpu.dma_semaphore, #tpu.memory_space<semaphore_mem>>)
      %dma_wait3A = tpu.memref_slice %arg4[%add3A_232] : memref<6400000xf32, #tpu.memory_space<hbm>> -> memref<50000xf32, #tpu.memory_space<hbm>>
      %dma_wait3A_306 = tpu.memref_slice %arg4[%add3A_232] : memref<6400000xf32, #tpu.memory_space<hbm>> -> memref<50000xf32, #tpu.memory_space<hbm>>
      tpu.wait_dma2 semaphore(%run_scoped3A : memref<!tpu.dma_semaphore, #tpu.memory_space<semaphore_mem>>) src(%dma_wait3A_306 : memref<50000xf32, #tpu.memory_space<hbm>>) dst(%arg7 : memref<50000xf32, #tpu.memory_space<vmem>>)
      tpu.yield
    }) : () -> ()
    %jit3A_233 = arith.constant 512 : i32
    %div3A_234 = arith.divsi %add3A_232, %jit3A_233 : i32
    %sign3A_235 = arith.constant 0 : i32
    %sign3A_236 = arith.cmpi sgt, %add3A_232, %sign3A_235 : i32
    %sign3A_237 = arith.extui %sign3A_236 : i1 to i32
    %sign3A_238 = arith.constant 0 : i32
    %sign3A_239 = arith.cmpi slt, %add3A_232, %sign3A_238 : i32
    %sign3A_240 = arith.extui %sign3A_239 : i1 to i32
    %sign3A_241 = arith.subi %sign3A_237, %sign3A_240 : i32
    %sign3A_242 = arith.constant 0 : i32
    %sign3A_243 = arith.cmpi sgt, %jit3A_233, %sign3A_242 : i32
    %sign3A_244 = arith.extui %sign3A_243 : i1 to i32
    %sign3A_245 = arith.constant 0 : i32
    %sign3A_246 = arith.cmpi slt, %jit3A_233, %sign3A_245 : i32
    %sign3A_247 = arith.extui %sign3A_246 : i1 to i32
    %sign3A_248 = arith.subi %sign3A_244, %sign3A_247 : i32
    %ne3A_249 = arith.cmpi ne, %sign3A_241, %sign3A_248 : i32
    %rem3A_250 = arith.remsi %add3A_232, %jit3A_233 : i32
    %ne3A_251 = arith.constant 0 : i32
    %ne3A_252 = arith.cmpi ne, %rem3A_250, %ne3A_251 : i32
    %and3A_253 = arith.andi %ne3A_249, %ne3A_252 : i1
    %sub3A_254 = arith.constant 1 : i32
    %sub3A_255 = arith.subi %div3A_234, %sub3A_254 : i32
    %select_n3A_256 = arith.select %and3A_253, %sub3A_255, %div3A_234 : i32
    %mul3A_257 = arith.constant 128 : i32
    %mul3A_258 = arith.muli %select_n3A_256, %mul3A_257 : i32
    %min3A_259 = arith.constant 1587264 : i32
    %min3A_260 = arith.minsi %mul3A_258, %min3A_259 : i32
    "tpu.region"() ({
      %run_scoped3A = tpu.sem_alloc : memref<!tpu.dma_semaphore, #tpu.memory_space<semaphore_mem>>
      %dma_start3A = arith.constant 0 : i32
      %dma_start3A_305 = tpu.memref_slice %arg8[%dma_start3A] : memref<12752xi32, #tpu.memory_space<vmem>> -> memref<12736xi32, #tpu.memory_space<vmem>>
      %dma_start3A_306 = tpu.memref_slice %arg5[%min3A_260] : memref<1600000xi32, #tpu.memory_space<hbm>> -> memref<12736xi32, #tpu.memory_space<hbm>>
      %dma_start3A_307 = arith.constant 0 : i32
      %dma_start3A_308 = tpu.memref_slice %arg8[%dma_start3A_307] : memref<12752xi32, #tpu.memory_space<vmem>> -> memref<12736xi32, #tpu.memory_space<vmem>>
      %dma_start3A_309 = tpu.memref_slice %arg5[%min3A_260] : memref<1600000xi32, #tpu.memory_space<hbm>> -> memref<12736xi32, #tpu.memory_space<hbm>>
      tpu.enqueue_dma source(%dma_start3A_309 : memref<12736xi32, #tpu.memory_space<hbm>>) target(%dma_start3A_308 : memref<12736xi32, #tpu.memory_space<vmem>>) target_semaphore(%run_scoped3A : memref<!tpu.dma_semaphore, #tpu.memory_space<semaphore_mem>>)
      %dma_wait3A = arith.constant 0 : i32
      %dma_wait3A_310 = tpu.memref_slice %arg8[%dma_wait3A] : memref<12752xi32, #tpu.memory_space<vmem>> -> memref<12736xi32, #tpu.memory_space<vmem>>
      %dma_wait3A_311 = tpu.memref_slice %arg5[%min3A_260] : memref<1600000xi32, #tpu.memory_space<hbm>> -> memref<12736xi32, #tpu.memory_space<hbm>>
      %dma_wait3A_312 = arith.constant 0 : i32
      %dma_wait3A_313 = tpu.memref_slice %arg8[%dma_wait3A_312] : memref<12752xi32, #tpu.memory_space<vmem>> -> memref<12736xi32, #tpu.memory_space<vmem>>
      %dma_wait3A_314 = tpu.memref_slice %arg5[%min3A_260] : memref<1600000xi32, #tpu.memory_space<hbm>> -> memref<12736xi32, #tpu.memory_space<hbm>>
      tpu.wait_dma2 semaphore(%run_scoped3A : memref<!tpu.dma_semaphore, #tpu.memory_space<semaphore_mem>>) src(%dma_wait3A_314 : memref<12736xi32, #tpu.memory_space<hbm>>) dst(%dma_wait3A_313 : memref<12736xi32, #tpu.memory_space<vmem>>)
      tpu.yield
    }) : () -> ()
    %parallel_loop3A_261 = arith.constant 0 : i32
    %parallel_loop3A_262 = arith.constant 3125 : i32
    %parallel_loop3A_263 = arith.constant 1 : i32
    scf.for %parallel_loop3A_305 = %parallel_loop3A_261 to %parallel_loop3A_262 step %parallel_loop3A_263  : i32 {
      %parallel_loop3A_306 = arith.constant 0 : index
      %parallel_loop3A_307 = tpu.vector_load %arg10[%parallel_loop3A_306] {strides = array<i32>} : memref<16xi32, #tpu.memory_space<vmem>>, vector<16xi32>,
      %parallel_loop3A_308 = arith.constant 16 : i32
      %parallel_loop3A_309 = arith.muli %parallel_loop3A_305, %parallel_loop3A_308 : i32
      %parallel_loop3A_310 = arith.addi %add3A_232, %parallel_loop3A_309 : i32
      %parallel_loop3A_311 = arith.constant 7 : i32
      %parallel_loop3A_312 = arith.shrsi %parallel_loop3A_310, %parallel_loop3A_311 : i32
      %parallel_loop3A_313 = arith.constant 3 : i32
      %parallel_loop3A_314 = arith.andi %parallel_loop3A_312, %parallel_loop3A_313 : i32
      %parallel_loop3A_315 = arith.constant 9 : i32
      %parallel_loop3A_316 = arith.shrsi %parallel_loop3A_310, %parallel_loop3A_315 : i32
      %parallel_loop3A_317 = arith.constant 7 : i32
      %parallel_loop3A_318 = arith.shli %parallel_loop3A_316, %parallel_loop3A_317 : i32
      %parallel_loop3A_319 = arith.constant 127 : i32
      %parallel_loop3A_320 = arith.andi %parallel_loop3A_310, %parallel_loop3A_319 : i32
      %parallel_loop3A_321 = arith.addi %parallel_loop3A_318, %parallel_loop3A_320 : i32
      %parallel_loop3A_322 = arith.subi %parallel_loop3A_321, %min3A_260 : i32
      %parallel_loop3A_323 = tpu.assume_multiple %parallel_loop3A_322, 16 : i32
      %parallel_loop3A_324 = arith.index_cast %parallel_loop3A_323 : i32 to index
      %parallel_loop3A_325 = tpu.vector_load %arg8[%parallel_loop3A_324] {strides = array<i32>} : memref<12752xi32, #tpu.memory_space<vmem>>, vector<16xi32>,
      %parallel_loop3A_326 = arith.constant 1 : i32
      %parallel_loop3A_327 = arith.addi %parallel_loop3A_323, %parallel_loop3A_326 : i32
      %parallel_loop3A_328 = vector.broadcast %parallel_loop3A_327 : i32 to vector<16xi32>
      %parallel_loop3A_329 = arith.addi %parallel_loop3A_307, %parallel_loop3A_328 : vector<16xi32>
      %parallel_loop3A_330 = tpu.vector_load_idx %arg8[%parallel_loop3A_329] : memref<12752xi32, #tpu.memory_space<vmem>>[vector<16xi32>], vector<16xi32>,
      %parallel_loop3A_331 = arith.cmpi ne, %parallel_loop3A_325, %parallel_loop3A_330 : vector<16xi32>
      %parallel_loop3A_332 = arith.constant 15 : i32
      %parallel_loop3A_333 = vector.broadcast %parallel_loop3A_332 : i32 to vector<16xi32>
      %parallel_loop3A_334 = arith.cmpi eq, %parallel_loop3A_307, %parallel_loop3A_333 : vector<16xi32>
      %parallel_loop3A_335 = arith.ori %parallel_loop3A_331, %parallel_loop3A_334 : vector<16xi1>
      %parallel_loop3A_336 = arith.constant dense<true> : vector<16xi1>
      %parallel_loop3A_337 = arith.xori %parallel_loop3A_334, %parallel_loop3A_336 : vector<16xi1>
      %parallel_loop3A_338 = arith.andi %parallel_loop3A_331, %parallel_loop3A_337 : vector<16xi1>
      %parallel_loop3A_339 = arith.constant 16 : i32
      %parallel_loop3A_340 = arith.muli %parallel_loop3A_305, %parallel_loop3A_339 : i32
      %parallel_loop3A_341 = tpu.assume_multiple %parallel_loop3A_340, 16 : i32
      %parallel_loop3A_342 = arith.index_cast %parallel_loop3A_341 : i32 to index
      %parallel_loop3A_343 = tpu.vector_load %arg7[%parallel_loop3A_342] {strides = array<i32>} : memref<50000xf32, #tpu.memory_space<vmem>>, vector<16xf32>,
      %parallel_loop3A_344 = arith.constant true
      %parallel_loop3A_345 = vector.broadcast %parallel_loop3A_344 : i1 to vector<16xi1>
      %parallel_loop3A_346 = tpu.scan <sum>, %parallel_loop3A_343 masked %parallel_loop3A_345 : vector<16xf32>, vector<16xi1> -> vector<16xf32>
      %parallel_loop3A_347 = arith.constant 4096 : i32
      %parallel_loop3A_348 = arith.muli %parallel_loop3A_314, %parallel_loop3A_347 : i32
      %parallel_loop3A_349 = vector.broadcast %parallel_loop3A_348 : i32 to vector<16xi32>
      %parallel_loop3A_350 = arith.addi %parallel_loop3A_325, %parallel_loop3A_349 : vector<16xi32>
      tpu.vector_store_idx %arg9[%parallel_loop3A_350], %parallel_loop3A_346 masked %parallel_loop3A_335 {add = true} : memref<20480xf32, #tpu.memory_space<vmem>>[vector<16xi32>], vector<16xf32>, vector<16xi1>
      %parallel_loop3A_351 = vector.broadcast %parallel_loop3A_348 : i32 to vector<16xi32>
      %parallel_loop3A_352 = arith.addi %parallel_loop3A_330, %parallel_loop3A_351 : vector<16xi32>
      %parallel_loop3A_353 = arith.constant 0.000000e+00 : f32
      %parallel_loop3A_354 = vector.broadcast %parallel_loop3A_353 : f32 to vector<16xf32>
      %parallel_loop3A_355 = arith.subf %parallel_loop3A_354, %parallel_loop3A_346 : vector<16xf32>
      tpu.vector_store_idx %arg9[%parallel_loop3A_352], %parallel_loop3A_355 masked %parallel_loop3A_338 {add = true} : memref<20480xf32, #tpu.memory_space<vmem>>[vector<16xi32>], vector<16xf32>, vector<16xi1>
      %parallel_loop3A_356 = arith.constant 0 : i32
      %parallel_loop3A_357 = arith.cmpi eq, %parallel_loop3A_314, %parallel_loop3A_356 : i32
      %parallel_loop3A_358 = arith.extui %parallel_loop3A_357 : i1 to i32
      %parallel_loop3A_359 = arith.constant 0 : i32
      %parallel_loop3A_360 = arith.cmpi ne, %parallel_loop3A_358, %parallel_loop3A_359 : i32
      scf.if %parallel_loop3A_360 {
        %parallel_loop3A_361 = arith.constant 0 : index
        %parallel_loop3A_362 = tpu.vector_load %arg11[%parallel_loop3A_361] {strides = array<i32>} : memref<32xf32, #tpu.memory_space<vmem>>, vector<16xf32>,
        %parallel_loop3A_363 = arith.constant 16 : index
        %parallel_loop3A_364 = tpu.vector_load %arg11[%parallel_loop3A_363] {strides = array<i32>} : memref<32xf32, #tpu.memory_space<vmem>>, vector<16xf32>,
        %parallel_loop3A_365 = arith.constant 16384 : i32
        %parallel_loop3A_366 = vector.broadcast %parallel_loop3A_365 : i32 to vector<16xi32>
        %parallel_loop3A_367 = arith.addi %parallel_loop3A_325, %parallel_loop3A_366 : vector<16xi32>
        tpu.vector_store_idx %arg9[%parallel_loop3A_367], %parallel_loop3A_362 masked %parallel_loop3A_335 {add = true} : memref<20480xf32, #tpu.memory_space<vmem>>[vector<16xi32>], vector<16xf32>, vector<16xi1>
        %parallel_loop3A_368 = arith.constant 16384 : i32
        %parallel_loop3A_369 = vector.broadcast %parallel_loop3A_368 : i32 to vector<16xi32>
        %parallel_loop3A_370 = arith.addi %parallel_loop3A_330, %parallel_loop3A_369 : vector<16xi32>
        tpu.vector_store_idx %arg9[%parallel_loop3A_370], %parallel_loop3A_364 masked %parallel_loop3A_338 {add = true} : memref<20480xf32, #tpu.memory_space<vmem>>[vector<16xi32>], vector<16xf32>, vector<16xi1>
      } else {
      }
    } {sc.loop_unroll_factor = 8 : i64, sc.parallel_access}
    %mul3A_264 = arith.constant 200000 : i32
    %mul3A_265 = arith.muli %add3A, %mul3A_264 : i32
    %add3A_266 = arith.constant 150000 : i32
    %add3A_267 = arith.addi %mul3A_265, %add3A_266 : i32
    "tpu.region"() ({
      %run_scoped3A = tpu.sem_alloc : memref<!tpu.dma_semaphore, #tpu.memory_space<semaphore_mem>>
      %dma_start3A = tpu.memref_slice %arg4[%add3A_267] : memref<6400000xf32, #tpu.memory_space<hbm>> -> memref<50000xf32, #tpu.memory_space<hbm>>
      %dma_start3A_305 = tpu.memref_slice %arg4[%add3A_267] : memref<6400000xf32, #tpu.memory_space<hbm>> -> memref<50000xf32, #tpu.memory_space<hbm>>
      tpu.enqueue_dma source(%dma_start3A_305 : memref<50000xf32, #tpu.memory_space<hbm>>) target(%arg7 : memref<50000xf32, #tpu.memory_space<vmem>>) target_semaphore(%run_scoped3A : memref<!tpu.dma_semaphore, #tpu.memory_space<semaphore_mem>>)
      %dma_wait3A = tpu.memref_slice %arg4[%add3A_267] : memref<6400000xf32, #tpu.memory_space<hbm>> -> memref<50000xf32, #tpu.memory_space<hbm>>
      %dma_wait3A_306 = tpu.memref_slice %arg4[%add3A_267] : memref<6400000xf32, #tpu.memory_space<hbm>> -> memref<50000xf32, #tpu.memory_space<hbm>>
      tpu.wait_dma2 semaphore(%run_scoped3A : memref<!tpu.dma_semaphore, #tpu.memory_space<semaphore_mem>>) src(%dma_wait3A_306 : memref<50000xf32, #tpu.memory_space<hbm>>) dst(%arg7 : memref<50000xf32, #tpu.memory_space<vmem>>)
      tpu.yield
    }) : () -> ()
    %jit3A_268 = arith.constant 512 : i32
    %div3A_269 = arith.divsi %add3A_267, %jit3A_268 : i32
    %sign3A_270 = arith.constant 0 : i32
    %sign3A_271 = arith.cmpi sgt, %add3A_267, %sign3A_270 : i32
    %sign3A_272 = arith.extui %sign3A_271 : i1 to i32
    %sign3A_273 = arith.constant 0 : i32
    %sign3A_274 = arith.cmpi slt, %add3A_267, %sign3A_273 : i32
    %sign3A_275 = arith.extui %sign3A_274 : i1 to i32
    %sign3A_276 = arith.subi %sign3A_272, %sign3A_275 : i32
    %sign3A_277 = arith.constant 0 : i32
    %sign3A_278 = arith.cmpi sgt, %jit3A_268, %sign3A_277 : i32
    %sign3A_279 = arith.extui %sign3A_278 : i1 to i32
    %sign3A_280 = arith.constant 0 : i32
    %sign3A_281 = arith.cmpi slt, %jit3A_268, %sign3A_280 : i32
    %sign3A_282 = arith.extui %sign3A_281 : i1 to i32
    %sign3A_283 = arith.subi %sign3A_279, %sign3A_282 : i32
    %ne3A_284 = arith.cmpi ne, %sign3A_276, %sign3A_283 : i32
    %rem3A_285 = arith.remsi %add3A_267, %jit3A_268 : i32
    %ne3A_286 = arith.constant 0 : i32
    %ne3A_287 = arith.cmpi ne, %rem3A_285, %ne3A_286 : i32
    %and3A_288 = arith.andi %ne3A_284, %ne3A_287 : i1
    %sub3A_289 = arith.constant 1 : i32
    %sub3A_290 = arith.subi %div3A_269, %sub3A_289 : i32
    %select_n3A_291 = arith.select %and3A_288, %sub3A_290, %div3A_269 : i32
    %mul3A_292 = arith.constant 128 : i32
    %mul3A_293 = arith.muli %select_n3A_291, %mul3A_292 : i32
    %min3A_294 = arith.constant 1587264 : i32
    %min3A_295 = arith.minsi %mul3A_293, %min3A_294 : i32
    "tpu.region"() ({
      %run_scoped3A = tpu.sem_alloc : memref<!tpu.dma_semaphore, #tpu.memory_space<semaphore_mem>>
      %dma_start3A = arith.constant 0 : i32
      %dma_start3A_305 = tpu.memref_slice %arg8[%dma_start3A] : memref<12752xi32, #tpu.memory_space<vmem>> -> memref<12736xi32, #tpu.memory_space<vmem>>
      %dma_start3A_306 = tpu.memref_slice %arg5[%min3A_295] : memref<1600000xi32, #tpu.memory_space<hbm>> -> memref<12736xi32, #tpu.memory_space<hbm>>
      %dma_start3A_307 = arith.constant 0 : i32
      %dma_start3A_308 = tpu.memref_slice %arg8[%dma_start3A_307] : memref<12752xi32, #tpu.memory_space<vmem>> -> memref<12736xi32, #tpu.memory_space<vmem>>
      %dma_start3A_309 = tpu.memref_slice %arg5[%min3A_295] : memref<1600000xi32, #tpu.memory_space<hbm>> -> memref<12736xi32, #tpu.memory_space<hbm>>
      tpu.enqueue_dma source(%dma_start3A_309 : memref<12736xi32, #tpu.memory_space<hbm>>) target(%dma_start3A_308 : memref<12736xi32, #tpu.memory_space<vmem>>) target_semaphore(%run_scoped3A : memref<!tpu.dma_semaphore, #tpu.memory_space<semaphore_mem>>)
      %dma_wait3A = arith.constant 0 : i32
      %dma_wait3A_310 = tpu.memref_slice %arg8[%dma_wait3A] : memref<12752xi32, #tpu.memory_space<vmem>> -> memref<12736xi32, #tpu.memory_space<vmem>>
      %dma_wait3A_311 = tpu.memref_slice %arg5[%min3A_295] : memref<1600000xi32, #tpu.memory_space<hbm>> -> memref<12736xi32, #tpu.memory_space<hbm>>
      %dma_wait3A_312 = arith.constant 0 : i32
      %dma_wait3A_313 = tpu.memref_slice %arg8[%dma_wait3A_312] : memref<12752xi32, #tpu.memory_space<vmem>> -> memref<12736xi32, #tpu.memory_space<vmem>>
      %dma_wait3A_314 = tpu.memref_slice %arg5[%min3A_295] : memref<1600000xi32, #tpu.memory_space<hbm>> -> memref<12736xi32, #tpu.memory_space<hbm>>
      tpu.wait_dma2 semaphore(%run_scoped3A : memref<!tpu.dma_semaphore, #tpu.memory_space<semaphore_mem>>) src(%dma_wait3A_314 : memref<12736xi32, #tpu.memory_space<hbm>>) dst(%dma_wait3A_313 : memref<12736xi32, #tpu.memory_space<vmem>>)
      tpu.yield
    }) : () -> ()
    %parallel_loop3A_296 = arith.constant 0 : i32
    %parallel_loop3A_297 = arith.constant 3125 : i32
    %parallel_loop3A_298 = arith.constant 1 : i32
    scf.for %parallel_loop3A_305 = %parallel_loop3A_296 to %parallel_loop3A_297 step %parallel_loop3A_298  : i32 {
      %parallel_loop3A_306 = arith.constant 0 : index
      %parallel_loop3A_307 = tpu.vector_load %arg10[%parallel_loop3A_306] {strides = array<i32>} : memref<16xi32, #tpu.memory_space<vmem>>, vector<16xi32>,
      %parallel_loop3A_308 = arith.constant 16 : i32
      %parallel_loop3A_309 = arith.muli %parallel_loop3A_305, %parallel_loop3A_308 : i32
      %parallel_loop3A_310 = arith.addi %add3A_267, %parallel_loop3A_309 : i32
      %parallel_loop3A_311 = arith.constant 7 : i32
      %parallel_loop3A_312 = arith.shrsi %parallel_loop3A_310, %parallel_loop3A_311 : i32
      %parallel_loop3A_313 = arith.constant 3 : i32
      %parallel_loop3A_314 = arith.andi %parallel_loop3A_312, %parallel_loop3A_313 : i32
      %parallel_loop3A_315 = arith.constant 9 : i32
      %parallel_loop3A_316 = arith.shrsi %parallel_loop3A_310, %parallel_loop3A_315 : i32
      %parallel_loop3A_317 = arith.constant 7 : i32
      %parallel_loop3A_318 = arith.shli %parallel_loop3A_316, %parallel_loop3A_317 : i32
      %parallel_loop3A_319 = arith.constant 127 : i32
      %parallel_loop3A_320 = arith.andi %parallel_loop3A_310, %parallel_loop3A_319 : i32
      %parallel_loop3A_321 = arith.addi %parallel_loop3A_318, %parallel_loop3A_320 : i32
      %parallel_loop3A_322 = arith.subi %parallel_loop3A_321, %min3A_295 : i32
      %parallel_loop3A_323 = tpu.assume_multiple %parallel_loop3A_322, 16 : i32
      %parallel_loop3A_324 = arith.index_cast %parallel_loop3A_323 : i32 to index
      %parallel_loop3A_325 = tpu.vector_load %arg8[%parallel_loop3A_324] {strides = array<i32>} : memref<12752xi32, #tpu.memory_space<vmem>>, vector<16xi32>,
      %parallel_loop3A_326 = arith.constant 1 : i32
      %parallel_loop3A_327 = arith.addi %parallel_loop3A_323, %parallel_loop3A_326 : i32
      %parallel_loop3A_328 = vector.broadcast %parallel_loop3A_327 : i32 to vector<16xi32>
      %parallel_loop3A_329 = arith.addi %parallel_loop3A_307, %parallel_loop3A_328 : vector<16xi32>
      %parallel_loop3A_330 = tpu.vector_load_idx %arg8[%parallel_loop3A_329] : memref<12752xi32, #tpu.memory_space<vmem>>[vector<16xi32>], vector<16xi32>,
      %parallel_loop3A_331 = arith.cmpi ne, %parallel_loop3A_325, %parallel_loop3A_330 : vector<16xi32>
      %parallel_loop3A_332 = arith.constant 15 : i32
      %parallel_loop3A_333 = vector.broadcast %parallel_loop3A_332 : i32 to vector<16xi32>
      %parallel_loop3A_334 = arith.cmpi eq, %parallel_loop3A_307, %parallel_loop3A_333 : vector<16xi32>
      %parallel_loop3A_335 = arith.ori %parallel_loop3A_331, %parallel_loop3A_334 : vector<16xi1>
      %parallel_loop3A_336 = arith.constant dense<true> : vector<16xi1>
      %parallel_loop3A_337 = arith.xori %parallel_loop3A_334, %parallel_loop3A_336 : vector<16xi1>
      %parallel_loop3A_338 = arith.andi %parallel_loop3A_331, %parallel_loop3A_337 : vector<16xi1>
      %parallel_loop3A_339 = arith.constant 16 : i32
      %parallel_loop3A_340 = arith.muli %parallel_loop3A_305, %parallel_loop3A_339 : i32
      %parallel_loop3A_341 = tpu.assume_multiple %parallel_loop3A_340, 16 : i32
      %parallel_loop3A_342 = arith.index_cast %parallel_loop3A_341 : i32 to index
      %parallel_loop3A_343 = tpu.vector_load %arg7[%parallel_loop3A_342] {strides = array<i32>} : memref<50000xf32, #tpu.memory_space<vmem>>, vector<16xf32>,
      %parallel_loop3A_344 = arith.constant true
      %parallel_loop3A_345 = vector.broadcast %parallel_loop3A_344 : i1 to vector<16xi1>
      %parallel_loop3A_346 = tpu.scan <sum>, %parallel_loop3A_343 masked %parallel_loop3A_345 : vector<16xf32>, vector<16xi1> -> vector<16xf32>
      %parallel_loop3A_347 = arith.constant 4096 : i32
      %parallel_loop3A_348 = arith.muli %parallel_loop3A_314, %parallel_loop3A_347 : i32
      %parallel_loop3A_349 = vector.broadcast %parallel_loop3A_348 : i32 to vector<16xi32>
      %parallel_loop3A_350 = arith.addi %parallel_loop3A_325, %parallel_loop3A_349 : vector<16xi32>
      tpu.vector_store_idx %arg9[%parallel_loop3A_350], %parallel_loop3A_346 masked %parallel_loop3A_335 {add = true} : memref<20480xf32, #tpu.memory_space<vmem>>[vector<16xi32>], vector<16xf32>, vector<16xi1>
      %parallel_loop3A_351 = vector.broadcast %parallel_loop3A_348 : i32 to vector<16xi32>
      %parallel_loop3A_352 = arith.addi %parallel_loop3A_330, %parallel_loop3A_351 : vector<16xi32>
      %parallel_loop3A_353 = arith.constant 0.000000e+00 : f32
      %parallel_loop3A_354 = vector.broadcast %parallel_loop3A_353 : f32 to vector<16xf32>
      %parallel_loop3A_355 = arith.subf %parallel_loop3A_354, %parallel_loop3A_346 : vector<16xf32>
      tpu.vector_store_idx %arg9[%parallel_loop3A_352], %parallel_loop3A_355 masked %parallel_loop3A_338 {add = true} : memref<20480xf32, #tpu.memory_space<vmem>>[vector<16xi32>], vector<16xf32>, vector<16xi1>
      %parallel_loop3A_356 = arith.constant 0 : i32
      %parallel_loop3A_357 = arith.cmpi eq, %parallel_loop3A_314, %parallel_loop3A_356 : i32
      %parallel_loop3A_358 = arith.extui %parallel_loop3A_357 : i1 to i32
      %parallel_loop3A_359 = arith.constant 0 : i32
      %parallel_loop3A_360 = arith.cmpi ne, %parallel_loop3A_358, %parallel_loop3A_359 : i32
      scf.if %parallel_loop3A_360 {
        %parallel_loop3A_361 = arith.constant 0 : index
        %parallel_loop3A_362 = tpu.vector_load %arg11[%parallel_loop3A_361] {strides = array<i32>} : memref<32xf32, #tpu.memory_space<vmem>>, vector<16xf32>,
        %parallel_loop3A_363 = arith.constant 16 : index
        %parallel_loop3A_364 = tpu.vector_load %arg11[%parallel_loop3A_363] {strides = array<i32>} : memref<32xf32, #tpu.memory_space<vmem>>, vector<16xf32>,
        %parallel_loop3A_365 = arith.constant 16384 : i32
        %parallel_loop3A_366 = vector.broadcast %parallel_loop3A_365 : i32 to vector<16xi32>
        %parallel_loop3A_367 = arith.addi %parallel_loop3A_325, %parallel_loop3A_366 : vector<16xi32>
        tpu.vector_store_idx %arg9[%parallel_loop3A_367], %parallel_loop3A_362 masked %parallel_loop3A_335 {add = true} : memref<20480xf32, #tpu.memory_space<vmem>>[vector<16xi32>], vector<16xf32>, vector<16xi1>
        %parallel_loop3A_368 = arith.constant 16384 : i32
        %parallel_loop3A_369 = vector.broadcast %parallel_loop3A_368 : i32 to vector<16xi32>
        %parallel_loop3A_370 = arith.addi %parallel_loop3A_330, %parallel_loop3A_369 : vector<16xi32>
        tpu.vector_store_idx %arg9[%parallel_loop3A_370], %parallel_loop3A_364 masked %parallel_loop3A_338 {add = true} : memref<20480xf32, #tpu.memory_space<vmem>>[vector<16xi32>], vector<16xf32>, vector<16xi1>
      } else {
      }
    } {sc.loop_unroll_factor = 8 : i64, sc.parallel_access}
    %mul3A_299 = arith.constant 2 : i32
    %mul3A_300 = arith.muli %add3A, %mul3A_299 : i32
    %add3A_301 = arith.constant 1 : i32
    %add3A_302 = arith.addi %mul3A_300, %add3A_301 : i32
    %mul3A_303 = arith.constant 20480 : i32
    %mul3A_304 = arith.muli %add3A_302, %mul3A_303 : i32
    "tpu.region"() ({
      %run_scoped3A = tpu.sem_alloc : memref<!tpu.dma_semaphore, #tpu.memory_space<semaphore_mem>>
      %dma_start3A = tpu.memref_slice %arg6[%mul3A_304] : memref<1310720xf32, #tpu.memory_space<hbm>> -> memref<20480xf32, #tpu.memory_space<hbm>>
      %dma_start3A_305 = tpu.memref_slice %arg6[%mul3A_304] : memref<1310720xf32, #tpu.memory_space<hbm>> -> memref<20480xf32, #tpu.memory_space<hbm>>
      tpu.enqueue_dma source(%arg9 : memref<20480xf32, #tpu.memory_space<vmem>>) target(%dma_start3A_305 : memref<20480xf32, #tpu.memory_space<hbm>>) target_semaphore(%run_scoped3A : memref<!tpu.dma_semaphore, #tpu.memory_space<semaphore_mem>>)
      %dma_wait3A = tpu.memref_slice %arg6[%mul3A_304] : memref<1310720xf32, #tpu.memory_space<hbm>> -> memref<20480xf32, #tpu.memory_space<hbm>>
      %dma_wait3A_306 = tpu.memref_slice %arg6[%mul3A_304] : memref<1310720xf32, #tpu.memory_space<hbm>> -> memref<20480xf32, #tpu.memory_space<hbm>>
      tpu.wait_dma2 semaphore(%run_scoped3A : memref<!tpu.dma_semaphore, #tpu.memory_space<semaphore_mem>>) src(%arg9 : memref<20480xf32, #tpu.memory_space<vmem>>) dst(%dma_wait3A_306 : memref<20480xf32, #tpu.memory_space<hbm>>)
      tpu.yield
    }) : () -> ()
    return
  }
}

</mosaic_0001>

<sc_bundles>
// kernel: kernel.3.cloned.1.call-start
scs
__scs_entry_jumppad:
0x0: {  	(pc) =	sbr.rel $0x88, $3  }
0x1: {  	(tag) =	ssettag $0x0;
	lr =	simm.s32 $0x1  }
0x2: {  	[smem:$0x3F9D] =	sst lr;
	_ =	strace $0xD0000000  }
0x3: {  	_ = 	snop  }
0x4: {  	_ = 	snop  }
0x5: {  	_ = 	snop  }
0x6: {  	_ = 	snop  }
0x7: {  	_ = 	snop  }
__scs_overlays_trampoline_lowered:
0x8: {  	[smem:$0x3FAC] =	sst s0  }
0x9: {  	[smem:$0x3FAD] =	sst s1  }
0xa: {  	[smem:$0x3FAE] =	sst s2  }
0xb: {  	[smem:$0x3FAF] =	sst s3  }
0xc: {  	[smem:$0x3FB0] =	sst s4  }
0xd: {  	[smem:$0x3FB1] =	sst s5  }
0xe: {  	[smem:$0x3FB2] =	sst s6  }
0xf: {  	[smem:$0x3FB3] =	sst s7  }
0x10: {  	[smem:$0x3FB4] =	sst s8  }
0x11: {  	[smem:$0x3FB5] =	sst s9;
	s0 =	simm.s32 @!p0 $0x0  }
0x12: {  	s1 =	sld [smem:$0x3F9B];
	s0 =	simm.s32 @p0 $0x1  }
0x13: {  	[smem:$0x3FB6] =	sst s0;
	s0 =	simm.s32 @!p1 $0x0  }
0x14: {  	s2 =	sld [smem:$0x3F9A];
	s0 =	simm.s32 @p1 $0x1  }
0x15: {  	[smem:$0x3FB7] =	sst s0;
	s0 =	simm.s32 @!p2 $0x0  }
0x16: {  	s3 =	sld [smem:$0x3FDB];
	s0 =	simm.s32 @p2 $0x1  }
0x17: {  	s4 =	simm.s32 $0x1BF5;
	[smem:$0x3FB9] =	sst s0  }
0x18: {  	s0 =	sld [smem:$0x3F9C];
	_ =	swait.ge [sflag:s4], $0x0  }
0x19: {  	s7 =	sld [smem:$0x3F9D]  }
0x1a: {  	s8 =	sadd.s32 $0xFFFFE003, lr  }
0x1b: {  	s9 =	sadd.s32 $0xFFFFFEF7, lr;
	s5 =	simm.s32 $0xFFFFFFFF;
	p2 =	slt.u32 s8, $0xFFFFF086  }
0x1c: {  	p1 =	slt.u32 s9, $0xF7A;
	s5 =	simm.s32 @!p2 $0x0  }
0x1d: {  	s5 =	simm.s32 @p1 $0x1;
	p0 =	seq.s32 s7, s2  }
0x1e: {  	s7 =	smul.u32 @!p0 $0xF7A, s2;
	p2 =	seq.s32 @!p0 s5, $0x0  }
0x1f: {  	s9 =	smul.u32 $0xF7A, s1;
	s8 =	simm.s32 @!p0 $0x1BF5;
	p2 =	por !p2, p0  }
0x20: {  	[sflag:s8] =	ssyncset.s32 @!p0 $0xFFFFF086;
	s6 =	sadd.s32 @!p0 s3, s7;
	s7 =	simm.s32 @!p0 $0x108  }
0x21: {  	s3 =	sadd.s32 s3, s9;
	s6 =	sadd.s32 @!p0 $0x88, s6;
	s7 =	simm.s32 @p2 $0x1082  }
0x22: {  	[simem:s7], [sflag:s8] =	dma.local @!p0 [hbm:s6], $0xF7A  }
0x23: {  	s9 =	sor.u32 $0xD0000000, s2;
	s6 =	simm.s32 $0x108;
	_ =	swait.ge @!p0 [sflag:s8], $0x0  }
0x24: {  	s3 =	sadd.s32 $0x88, s3;
	s6 =	simm.s32 @!p1 $0x1082;
	[sflag:s4] =	ssyncset.s32 $0xFFFFF086  }
0x25: {  	[simem:s6], [sflag:s4] =	dma.local [hbm:s3], $0xF7A  }
0x26: {  	[smem:$0x3F9D] =	sst s1;
	(tag) =	ssettag s2;
	_ =	strace s9  }
0x27: {  	s1 =	sld [smem:$0x3FAD]  }
0x28: {  	s2 =	sld [smem:$0x3FAE]  }
0x29: {  	s4 =	sld [smem:$0x3FB0]  }
0x2a: {  	p0 =	seq.s32 s5, $0x0;
	s5 =	sld [smem:$0x3FB1]  }
0x2b: {  	s6 =	sld [smem:$0x3FB2]  }
0x2c: {  	s7 =	sld [smem:$0x3FB3]  }
0x2d: {  	s3 =	simm.s32 $0x108;
	s8 =	sld [smem:$0x3FB4]  }
0x2e: {  	s3 =	simm.s32 @!p0 $0x1082;
	s9 =	sld [smem:$0x3FB5]  }
0x2f: {  	lr =	sadd.s32 s0, s3;
	s0 =	sld [smem:$0x3FAC]  }
0x30: {  	s3 =	sld [smem:$0x3FAF]  }
0x31: {  	[smem:$0x3FB8] =	sst s10  }
0x32: {  	s10 =	sld [smem:$0x3FB6];
	_ =	sdelay $0x3  }
0x33: {  	p0 =	seq.s32 s10, $0x1;
	s10 =	sld [smem:$0x3FB8];
	_ =	sdelay $0x3  }
0x34: {  	[smem:$0x3FB8] =	sst s10  }
0x35: {  	s10 =	sld [smem:$0x3FB7];
	_ =	sdelay $0x3  }
0x36: {  	p1 =	seq.s32 s10, $0x1;
	s10 =	sld [smem:$0x3FB8];
	_ =	sdelay $0x3  }
0x37: {  	[smem:$0x3FB8] =	sst s10  }
0x38: {  	s10 =	sld [smem:$0x3FB9]  }
0x39: {  	_ = 	snop;
	(pc) =	sbr.ind lr, $3  }
0x3a: {  	_ = 	snop  }
0x3b: {  	_ = 	snop  }
0x3c: {  	p2 =	seq.s32 s10, $0x1;
	s10 =	sld [smem:$0x3FB8]  }
0x3d: {  	_ =	shalt  }
0x3e: {  	_ =	shalt  }
0x3f: {  	_ =	shalt  }
0x40: {  	_ =	shalt  }
0x41: {  	_ =	shalt  }
0x42: {  	_ =	shalt  }
0x43: {  	_ =	shalt  }
0x44: {  	_ =	shalt  }
0x45: {  	_ =	shalt  }
0x46: {  	_ =	shalt  }
0x47: {  	_ =	shalt  }
0x48: {  	_ =	shalt  }
0x49: {  	_ =	shalt  }
0x4a: {  	_ =	shalt  }
0x4b: {  	_ =	shalt  }
0x4c: {  	_ =	shalt  }
0x4d: {  	_ =	shalt  }
0x4e: {  	_ =	shalt  }
0x4f: {  	_ =	shalt  }
0x50: {  	_ =	shalt  }
0x51: {  	_ =	shalt  }
0x52: {  	_ =	shalt  }
0x53: {  	_ =	shalt  }
0x54: {  	_ =	shalt  }
0x55: {  	_ =	shalt  }
0x56: {  	_ =	shalt  }
0x57: {  	_ =	shalt  }
0x58: {  	_ =	shalt  }
0x59: {  	_ =	shalt  }
0x5a: {  	_ =	shalt  }
0x5b: {  	_ =	shalt  }
0x5c: {  	_ =	shalt  }
0x5d: {  	_ =	shalt  }
0x5e: {  	_ =	shalt  }
0x5f: {  	_ =	shalt  }
0x60: {  	_ =	shalt  }
0x61: {  	_ =	shalt  }
0x62: {  	_ =	shalt  }
0x63: {  	_ =	shalt  }
0x64: {  	_ =	shalt  }
0x65: {  	_ =	shalt  }
0x66: {  	_ =	shalt  }
0x67: {  	_ =	shalt  }
0x68: {  	_ =	shalt  }
0x69: {  	_ =	shalt  }
0x6a: {  	_ =	shalt  }
0x6b: {  	_ =	shalt  }
0x6c: {  	_ =	shalt  }
0x6d: {  	_ =	shalt  }
0x6e: {  	_ =	shalt  }
0x6f: {  	_ =	shalt  }
0x70: {  	_ =	shalt  }
0x71: {  	_ =	shalt  }
0x72: {  	_ =	shalt  }
0x73: {  	_ =	shalt  }
0x74: {  	_ =	shalt  }
0x75: {  	_ =	shalt  }
0x76: {  	_ =	shalt  }
0x77: {  	_ =	shalt  }
0x78: {  	_ =	shalt  }
0x79: {  	_ =	shalt  }
0x7a: {  	_ =	shalt  }
0x7b: {  	_ =	shalt  }
0x7c: {  	_ =	shalt  }
0x7d: {  	_ =	shalt  }
0x7e: {  	_ =	shalt  }
0x7f: {  	_ =	shalt  }
0x80: {  	_ =	shalt  }
0x81: {  	_ =	shalt  }
0x82: {  	_ =	shalt  }
0x83: {  	_ =	shalt  }
0x84: {  	_ =	shalt  }
0x85: {  	_ =	shalt  }
0x86: {  	_ =	shalt  }
0x87: {  	_ =	shalt  }
.Lfunc_end0:
.L_simem_size_0:
called_computation_lowered:
.L_overlay_start_0:
0x88: {  	s2 =	sld [smem:$0x3FD9]  }
0x89: {  	s3 =	sld [smem:$0x3FFE];
	_ =	sdelay $0x1  }
0x8a: {  	s1 =	srdreg.scid  }
0x8b: {  	s0 =	sand.u32 $0x1, s1  }
0x8c: {  	s17 =	sshll.u32 s0, $0xA;
	s2 =	sadd.s32 s3, s2  }
0x8d: {  	s2 =	sadd.s32 s2, s17  }
0x8e: {  	[smem:$0x3FC4] =	sst s2  }
0x8f: {  	_ = 	snop  }
0x90: {  	s2 =	sld [smem:$0x3FC7]  }
0x91: {  	s18 =	sld [smem:$0x3FC6];
	(tm) =	ssettm $0x1  }
0x92: {  	s4 =	sld [smem:$0x3FFB];
	_ =	sdelay $0x3  }
0x93: {  	_ =	strace s4  }
0x94: {  	s4 =	sld [smem:$0x3FFC];
	_ =	sdelay $0x3  }
0x95: {  	_ =	strace s4  }
0x96: {  	s4 =	sld [smem:$0x3FFD];
	_ =	sdelay $0x3  }
0x97: {  	_ =	strace s4  }
0x98: {  	_ =	strace $0x8FFFFFFF  }
0x99: {  	s19 =	sld [smem:$0x3FDB];
	_ =	sdelay $0x1  }
0x9a: {  	s5 =	simm.s32 $_scs_section_size  }
0x9b: {  	s6 =	simm.s32 $_size__tile_overlayer_lowered;
	s7 =	simm.s32 $_tile_overlayer_lowered  }
0x9c: {  	s22 =	simm.s32 $0x1BFF;
	s21 =	sshll.u32 s7, $0x1;
	s4 =	sadd.s32 s5, s19  }
0x9d: {  	s8 =	simm.s32 $0x0;
	s20 =	sshll.u32 s6, $0x1;
	s6 =	sadd.s32 s21, s4  }
0x9e: {  	[timem:s8], [sflag:s22] =	dma.local [hbm:s6], s20  }
0x9f: {  	_ =	swait.ge [sflag:s22], s20  }
0xa0: {  	s5 =	ssub.s32 $0x0, s20;
	[sflag:s22] =	ssyncset.done $0x0  }
0xa1: {  	[sflag:s22] =	ssyncadd.s32 s5;
	_ =	sdelay $0x1  }
0xa2: {  	s23 =	simm.s32 $0x1B8B  }
0xa3: {  	_ =	swait.ge [sflag:s23], $0x1  }
0xa4: {  	[sflag:s23] =	ssyncset.done $0x0  }
0xa5: {  	s25 =	simm.s32 $0x1B8E;
	s24 =	sld [smem:$0x3FFE];
	[sflag:s23] =	ssyncadd.s32 $0xFFFFFFFF  }
0xa6: {  	s26 =	simm.s32 $execute0_lowered;
	[smem:$0x3FD2] =	sst s25  }
0xa7: {  	s6 =	sshll.u32 s26, $0x1;
	_ =	strace $0x80000046;
	[dreg:$0x1] =	wrdreg $0xFFFFFFFF  }
0xa8: {  	s28 =	simm.s32 $_size_execute0_lowered;
	s4 =	sadd.s32 s4, s6;
	[dreg:$0x0] =	wrdreg $0x0  }
0xa9: {  	s6 =	sshll.u32 s28, $0x1;
	[dreg:$0x2] =	wrdreg s4  }
0xaa: {  	[dreg:$0x3] =	wrdreg s6  }
0xab: {  	[dreg:$0x4] =	wrdreg $0xC0  }
0xac: {  	_ =	task [dreg:s8], $0x5FFFF  }
0xad: {  	[dreg:$0x1] =	wrdreg $0xFFFFFFFF  }
0xae: {  	[dreg:$0x0] =	wrdreg $0x60  }
0xaf: {  	[dreg:$0x2] =	wrdreg s24  }
0xb0: {  	[dreg:$0x3] =	wrdreg s2  }
0xb1: {  	[dreg:$0x4] =	wrdreg s18  }
0xb2: {  	[dreg:$0x5] =	wrdreg $0x9  }
0xb3: {  	_ =	task.clear_ibuf [dreg:s8], $0x6FFFF;
	_ =	strace $0x90000046  }
0xb4: {  	s29 =	simm.s32 $0x9;
	_ =	strace $0x80000048  }
0xb5: {  	_ =	swait.ge [sflag:s29], $0x1  }
0xb6: {  	[sflag:s29] =	ssyncadd.s32 $0xFFFFFFFF  }
0xb7: {  	_ =	strace $0x90000048  }
0xb8: {  	_ =	sfence  }
0xb9: {  	s30 =	sld [smem:$0x0];
	_ =	sdelay $0x2  }
0xba: {  	s31 =	sshll.u32 s1, $0xD;
	s1 =	sshrl.u32 s1, $0x2  }
0xbb: {  	s3 =	sand.u32 $0x4000, s31;
	s1 =	sadd.s32 s1, s30  }
0xbc: {  	s0 =	sor.u32 s3, s0;
	s1 =	sshll.u32 s1, $0x11  }
0xbd: {  	s0 =	sor.u32 s1, s0  }
0xbe: {  	s0 =	sadd.s32 $0x8F2B, s0  }
0xbf: {  	[sflag:s0] =	ssyncadd.remote.s32 $0x1  }
0xc0: {  	_ =	sfence.sel $0xFFFF  }
0xc1: {  	[dreg:$0x0] =	wrdreg $0xFFFFFFFF;
	(pc) =	sbr.abs _section_cstart, $3  }
0xc2: {  	[dreg:$0x1] =	wrdreg $0xFFFFFFFF  }
0xc3: {  	_ =	task.clear_ibuf [dreg:s8], $0x2FFFF;
	_ =	strace $0x9FFFFFFF  }
0xc4: {  	(tm) =	ssettm $0x7FFFFFFF  }
0xc5: {  	_ =	shalt  }
tec
execute0_lowered:
.L_overlay_start_1:
0x0: {  	(tag) =	ssettag $0x1  }
0x1: {  	s0 =	srdreg.scid;
	s21 =	stileid.u32  }
0x2: {  	s0 =	sand.u32 $0x1, s0;
	s1 =	sshll.u32 s21, $0x1  }
0x3: {  	s3 =	rddreg [dreg:$0x0];
	s2 =	sor.u32 s0, s1  }
0x4: {  	s6 =	rddreg [dreg:$0x1];
	s5 =	ssub.s32 $0x2, s0;
	s4 =	smul.u32 $0x30D40, s2  }
0x5: {  	s8 =	sadd.s32 $0x400, s3;
	s9 =	sadd.s32 $0xC3A00, s3;
	s7 =	sshrl.u32 s5, $0x1  }
0x6: {  	s10 =	ssub.s32 s5, s7;
	s20 =	sshrl.u32 s4, $0x2;
	s11 =	sshrl.u32 s4, $0x3  }
0x7: {  	s14 =	sadd.s32 $0xC350, s4;
	s15 =	sadd.s32 $0x186A0, s4;
	s22 =	sadd.s32 s8, s11  }
0x8: {  	s18 =	sadd.s32 $0x249F0, s4;
	s11 =	sadd.s32 s9, s11;
	[smem:$0x7B9] =	sst s22  }
0x9: {  	s1 =	sand.u32 $0x1FFF80, s20;
	s13 =	sshrl.u32 s14, $0x3;
	[smem:$0x7BE] =	sst s11  }
0xa: {  	s16 =	sshrl.u32 s15, $0x3;
	s25 =	sadd.s32 s8, s13;
	s22 =	rddreg [dreg:$0x2]  }
0xb: {  	s19 =	sshrl.u32 s18, $0x3;
	s26 =	sadd.s32 s8, s16;
	[smem:$0x7BB] =	sst s25  }
0xc: {  	s24 =	sshrl.u32 s14, $0x2;
	s8 =	sadd.s32 s8, s19;
	[smem:$0x7BC] =	sst s26  }
0xd: {  	s28 =	sshrl.u32 s15, $0x2;
	s30 =	sadd.s32 s9, s13;
	[smem:$0x7BD] =	sst s8  }
0xe: {  	s20 =	sshrl.u32 s18, $0x2;
	s31 =	sadd.s32 s9, s16;
	[smem:$0x7BF] =	sst s30  }
0xf: {  	s12 =	sshrl.u32 s1, $0x3;
	s9 =	sadd.s32 s9, s19;
	[smem:$0x7C0] =	sst s31  }
0x10: {  	s5 =	sand.u32 $0x3FFF80, s24;
	s23 =	sadd.s32 s6, s12;
	[smem:$0x7C1] =	sst s9  }
0x11: {  	s7 =	sand.u32 $0x3FFF80, s28;
	s12 =	sadd.s32 s22, s12;
	[smem:$0x7BA] =	sst s23  }
0x12: {  	s17 =	sshrl.u32 s5, $0x3;
	s25 =	simm.s32 $0x0;
	[smem:$0x7C5] =	sst s12  }
0x13: {  	s11 =	sshrl.u32 s7, $0x3;
	s16 =	sadd.s32 s6, s17;
	[smem:$0x7FF] =	sst s25  }
0x14: {  	s29 =	sand.u32 $0x3FFF80, s20;
	s19 =	sadd.s32 s6, s11;
	[smem:$0x7C2] =	sst s16  }
0x15: {  	s13 =	smin.u32 s29, $0x183840;
	s24 =	sadd.s32 s22, s17;
	[smem:$0x7C3] =	sst s19  }
0x16: {  	s20 =	sshrl.u32 s13, $0x3;
	s9 =	sadd.s32 s22, s11;
	[smem:$0x7C6] =	sst s24  }
0x17: {  	s23 =	smul.u32 $0x1400, s2;
	s6 =	sadd.s32 s6, s20;
	[smem:$0x7C7] =	sst s9  }
0x18: {  	s3 =	sadd.s32 $0x187000, s3;
	[smem:$0x7C4] =	sst s6;
	s6 =	sadd.s32 s22, s20  }
0x19: {  	s0 =	smul.u32 $0x30D40, s0;
	s28 =	sadd.s32 s3, s23;
	[smem:$0x7C8] =	sst s6  }
0x1a: {  	s26 =	smul.u32 $0x61A80, s21;
	s29 =	sand.u32 $0x40, s4;
	[smem:$0x7C9] =	sst s28  }
0x1b: {  	s30 =	sand.u32 $0x50, s14;
	_ =	strace $0x80000047;
	[dreg:$0x4] =	wrdreg s29  }
0x1c: {  	s31 =	sand.u32 $0x60, s15;
	[dreg:$0x5] =	wrdreg s30  }
0x1d: {  	s4 =	sand.u32 $0x70, s18;
	s0 =	sadd.s32 s0, s26;
	[dreg:$0x6] =	wrdreg s31  }
0x1e: {  	s8 =	sadd.s32 $0x60, s0;
	s6 =	smax.u32 s10, $0x1;
	[dreg:$0x7] =	wrdreg s4  }
0x1f: {  	s16 =	sadd.s32 $0xC3B0, s0;
	s10 =	sshrl.u32 s8, $0x2;
	[smem:$0x7CB] =	sst s6  }
0x20: {  	s9 =	sadd.s32 $0x50, s0;
	s18 =	sshrl.u32 s16, $0x2;
	[dreg:$0x8] =	wrdreg s10  }
0x21: {  	s24 =	sshrl.u32 s9, $0x2;
	[dreg:$0x10] =	wrdreg s18  }
0x22: {  	s11 =	sadd.s32 $0x40, s0;
	s25 =	sshrl.u32 s9, $0x7;
	[dreg:$0xa] =	wrdreg s24  }
0x23: {  	s22 =	sshrl.u32 s11, $0x2;
	[smem:$0x7F4] =	sst s25  }
0x24: {  	s12 =	sor.u32 $0x30, s0;
	s26 =	sshrl.u32 s11, $0x7;
	[dreg:$0xb] =	wrdreg s22  }
0x25: {  	s14 =	sor.u32 $0x20, s0;
	s19 =	sshrl.u32 s12, $0x2;
	[dreg:$0xc] =	wrdreg s26  }
0x26: {  	s15 =	sor.u32 $0x10, s0;
	s17 =	sshrl.u32 s14, $0x2;
	[dreg:$0xd] =	wrdreg s19  }
0x27: {  	s2 =	smul.u32 $0xA000, s2;
	s15 =	sshrl.u32 s15, $0x2;
	[dreg:$0xe] =	wrdreg s17  }
0x28: {  	s20 =	sadd.s32 $0xC3A0, s0;
	s21 =	sshrl.u32 s16, $0x7;
	[dreg:$0xf] =	wrdreg s15  }
0x29: {  	s23 =	sadd.s32 $0xC390, s0;
	s9 =	sshrl.u32 s20, $0x2;
	[smem:$0x7F5] =	sst s21  }
0x2a: {  	s2 =	sshrl.u32 s2, $0x3;
	s11 =	sshrl.u32 s23, $0x2;
	[dreg:$0x11] =	wrdreg s9  }
0x2b: {  	s2 =	sadd.s32 s3, s2;
	s12 =	sshrl.u32 s23, $0x7;
	[dreg:$0x12] =	wrdreg s11  }
0x2c: {  	s28 =	sadd.s32 $0xC380, s0;
	s2 =	sadd.s32 $0xA00, s2;
	[smem:$0x7F7] =	sst s12  }
0x2d: {  	s30 =	sshrl.u32 s28, $0x2;
	[smem:$0x7CA] =	sst s2  }
0x2e: {  	s10 =	sshrl.u32 s20, $0x7;
	[dreg:$0x13] =	wrdreg s30  }
0x2f: {  	s14 =	sshrl.u32 s28, $0x7;
	[smem:$0x7F6] =	sst s10  }
0x30: {  	s29 =	sadd.s32 $0xC370, s0;
	s2 =	sshrl.u32 s8, $0x7;
	[dreg:$0x14] =	wrdreg s14  }
0x31: {  	s4 =	sadd.s32 $0xC360, s0;
	s31 =	sshrl.u32 s29, $0x2;
	[dreg:$0x9] =	wrdreg s2  }
0x32: {  	s6 =	sadd.s32 $0xC350, s0;
	s23 =	sshrl.u32 s4, $0x2;
	[dreg:$0x15] =	wrdreg s31  }
0x33: {  	s3 =	sadd.s32 $0x186B0, s0;
	s28 =	sshrl.u32 s6, $0x2;
	[dreg:$0x17] =	wrdreg s23  }
0x34: {  	s8 =	sshrl.u32 s3, $0x7;
	[dreg:$0x1a] =	wrdreg s28  }
0x35: {  	s16 =	sshrl.u32 s29, $0x7;
	[smem:$0x7CF] =	sst s8  }
0x36: {  	s18 =	sshrl.u32 s4, $0x7;
	s20 =	sshrl.u32 s6, $0x7;
	[dreg:$0x16] =	wrdreg s16  }
0x37: {  	s29 =	sadd.s32 $0x18700, s0;
	s30 =	sadd.s32 $0x186F0, s0;
	[dreg:$0x18] =	wrdreg s18  }
0x38: {  	s4 =	sadd.s32 $0x186E0, s0;
	s31 =	sshrl.u32 s29, $0x2;
	[dreg:$0x19] =	wrdreg s20  }
0x39: {  	s6 =	sadd.s32 $0x186D0, s0;
	s2 =	sshrl.u32 s29, $0x7;
	[dreg:$0x1b] =	wrdreg s31  }
0x3a: {  	s23 =	sshrl.u32 s30, $0x2;
	s29 =	sshrl.u32 s4, $0x2;
	[smem:$0x7CC] =	sst s2  }
0x3b: {  	s28 =	sshrl.u32 s30, $0x7;
	s30 =	sshrl.u32 s6, $0x2;
	[dreg:$0x1d] =	wrdreg s29  }
0x3c: {  	s29 =	sshrl.u32 s4, $0x7;
	[dreg:$0x1e] =	wrdreg s30;
	s30 =	sshrl.u32 s6, $0x7  }
0x3d: {  	s31 =	sadd.s32 $0x186C0, s0;
	s6 =	sshrl.u32 s3, $0x2;
	[dreg:$0x1c] =	wrdreg s23  }
0x3e: {  	s3 =	sadd.s32 $0x186A0, s0;
	s4 =	sshrl.u32 s31, $0x2;
	[smem:$0x7CE] =	sst s6  }
0x3f: {  	s6 =	sadd.s32 $0x24A50, s0;
	s2 =	sshrl.u32 s3, $0x2;
	[smem:$0x7CD] =	sst s4  }
0x40: {  	s4 =	sshrl.u32 s3, $0x7;
	[smem:$0x7D1] =	sst s2;
	s2 =	sadd.s32 $0x24A40, s0  }
0x41: {  	[smem:$0x7D0] =	sst s4;
	s4 =	sshrl.u32 s6, $0x2;
	s6 =	sshrl.u32 s6, $0x7  }
0x42: {  	s8 =	sshrl.u32 s2, $0x2;
	[smem:$0x7D2] =	sst s6  }
0x43: {  	s3 =	sadd.s32 $0x24A30, s0;
	s2 =	sshrl.u32 s2, $0x7;
	[smem:$0x7D3] =	sst s8  }
0x44: {  	[smem:$0x7D4] =	sst s2;
	s8 =	sshrl.u32 s3, $0x2  }
0x45: {  	s6 =	sshrl.u32 s3, $0x7;
	s2 =	sadd.s32 $0x24A20, s0;
	[smem:$0x7D5] =	sst s8  }
0x46: {  	[smem:$0x7D6] =	sst s6;
	s8 =	sshrl.u32 s2, $0x2  }
0x47: {  	s3 =	sadd.s32 $0x24A10, s0;
	s2 =	sshrl.u32 s2, $0x7;
	[smem:$0x7D7] =	sst s8  }
0x48: {  	s6 =	sshrl.u32 s3, $0x7;
	[smem:$0x7D8] =	sst s2  }
0x49: {  	s8 =	sshrl.u32 s3, $0x2;
	[smem:$0x7DA] =	sst s6;
	s2 =	sadd.s32 $0x24A00, s0  }
0x4a: {  	[smem:$0x7D9] =	sst s8;
	s8 =	sshrl.u32 s2, $0x2  }
0x4b: {  	s3 =	sadd.s32 $0x249F0, s0;
	s2 =	sshrl.u32 s2, $0x7;
	[smem:$0x7DB] =	sst s8  }
0x4c: {  	s6 =	sshrl.u32 s3, $0x7;
	[smem:$0x7DC] =	sst s2  }
0x4d: {  	[smem:$0x7DD] =	sst s6;
	s8 =	sshrl.u32 s3, $0x2  }
0x4e: {  	s3 =	sadd.s32 $0x70, s0;
	[smem:$0x7DE] =	sst s8  }
0x4f: {  	s6 =	sshrl.u32 s0, $0x7;
	[smem:$0x7E0] =	sst s3  }
0x50: {  	s2 =	sadd.s32 $0x249A0, s0;
	[smem:$0x7DF] =	sst s6  }
0x51: {  	[smem:$0x7EC] =	sst s2;
	s2 =	sadd.s32 $0x24A60, s0  }
0x52: {  	[smem:$0x7EE] =	sst s2  }
0x53: {  	s3 =	sshrl.u32 s0, $0x2;
	s8 =	sadd.s32 $0xC300, s0;
	s2 =	sld [smem:$0x7E0]  }
0x54: {  	s6 =	sadd.s32 $0x18650, s0;
	[smem:$0x7E2] =	sst s8;
	s8 =	sadd.s32 $0xC3C0, s0  }
0x55: {  	[smem:$0x7E7] =	sst s6;
	s6 =	sadd.s32 $0x18710, s0;
	s0 =	sadd.s32 $0x30CF0, s0  }
0x56: {  	[smem:$0x7F1] =	sst s0;
	s0 =	sshrl.u32 s2, $0x2  }
0x57: {  	[smem:$0x7E1] =	sst s0  }
0x58: {  	s0 =	sld [smem:$0x7E2]  }
0x59: {  	[smem:$0x7F8] =	sst s28  }
0x5a: {  	[smem:$0x7F9] =	sst s29  }
0x5b: {  	[smem:$0x7E5] =	sst s8;
	s0 =	sshrl.u32 s0, $0x2  }
0x5c: {  	[smem:$0x7E3] =	sst s0;
	s0 =	sshrl.u32 s8, $0x2;
	s8 =	sshrl.u32 s8, $0x7  }
0x5d: {  	[smem:$0x7E6] =	sst s8  }
0x5e: {  	s8 =	sld [smem:$0x7E7]  }
0x5f: {  	[dreg:$0x1f] =	wrdreg s30  }
0x60: {  	v0 =	vlaneseq.u32;
	[smem:$0x7EA] =	sst s6  }
0x61: {  	v1 =	vimm.f32 $1.600000000e+01;
	vm0 =	vcmask $0x300;
	v2 =	vimm.f32 $-1.600000000e+01;
	[smem:$0x7E4] =	sst s0;
	s0 =	sshrl.u32 s8, $0x2;
	s8 =	sshrl.u32 s6, $0x2  }
0x62: {  	vm1 =	vcmask $0x704;
	v1 =	vsel vm0, $0x3F800000, v1;
	v2 =	vsel vm0, $0xBF800000, v2;
	[smem:$0x7E9] =	sst s8  }
0x63: {  	vm15 =	vcmask $0xB08;
	v1 =	vsel vm1, $0x40000000, v1;
	v2 =	vsel vm1, $0xC0000000, v2;
	s31 =	sshrl.u32 s31, $0x7;
	s8 =	sshrl.u32 s6, $0x7;
	s6 =	sld [smem:$0x7EC]  }
0x64: {  	vm4 =	vcmask $0xF0C;
	v1 =	vsel vm15, $0x40400000, v1;
	v2 =	vsel vm15, $0xC0400000, v2;
	[smem:$0x7FA] =	sst s31  }
0x65: {  	vm5 =	vcmask $0x1310;
	v1 =	vsel vm4, $0x40800000, v1;
	v2 =	vsel vm4, $0xC0800000, v2;
	[smem:$0x7E8] =	sst s0  }
0x66: {  	vm6 =	vcmask $0x1714;
	v1 =	vsel vm5, $0x40A00000, v1;
	v2 =	vsel vm5, $0xC0A00000, v2;
	s0 =	sshrl.u32 s6, $0x2;
	s6 =	sld [smem:$0x7EE]  }
0x67: {  	vm7 =	vcmask $0x1B18;
	v1 =	vsel vm6, $0x40C00000, v1;
	v2 =	vsel vm6, $0xC0C00000, v2;
	[smem:$0x7FB] =	sst s4  }
0x68: {  	vm8 =	vcmask $0x1F1C;
	v1 =	vsel vm7, $0x40E00000, v1;
	v2 =	vsel vm7, $0xC0E00000, v2;
	[smem:$0x7FC] =	sst s3  }
0x69: {  	vm9 =	vcmask $0x2320;
	v1 =	vsel vm8, $0x41000000, v1;
	v2 =	vsel vm8, $0xC1000000, v2;
	[smem:$0x7EB] =	sst s8;
	s8 =	sshrl.u32 s6, $0x2  }
0x6a: {  	vm10 =	vcmask $0x2724;
	v1 =	vsel vm9, $0x41100000, v1;
	v2 =	vsel vm9, $0xC1100000, v2;
	[smem:$0x7EF] =	sst s8  }
0x6b: {  	vm11 =	vcmask $0x2B28;
	v1 =	vsel vm10, $0x41200000, v1;
	v2 =	vsel vm10, $0xC1200000, v2;
	s2 =	sshrl.u32 s2, $0x7;
	s8 =	sld [smem:$0x7F1]  }
0x6c: {  	vm12 =	vcmask $0x2F2C;
	v1 =	vsel vm11, $0x41300000, v1;
	v2 =	vsel vm11, $0xC1300000, v2;
	[smem:$0x7FD] =	sst s2  }
0x6d: {  	vm13 =	vcmask $0x3330;
	v1 =	vsel vm12, $0x41400000, v1;
	v2 =	vsel vm12, $0xC1400000, v2;
	[smem:$0x7ED] =	sst s0;
	s6 =	sshrl.u32 s6, $0x7  }
0x6e: {  	vm14 =	vcmask $0x3734;
	v1 =	vsel vm13, $0x41500000, v1;
	v2 =	vsel vm13, $0xC1500000, v2;
	[smem:$0x7F0] =	sst s6;
	s0 =	sshrl.u32 s8, $0x2  }
0x6f: {  	vm15 =	vcmask $0x3B38;
	v1 =	vsel vm14, $0x41600000, v1;
	v2 =	vsel vm14, $0xC1600000, v2;
	[smem:$0x7F2] =	sst s0;
	s0 =	simm.s32 $0x0  }
0x70: {  	v3 =	vimm.f32 $0.0e+00;
	v1 =	vsel vm15, $0x41700000, v1;
	v2 =	vsel vm15, $0xC1700000, v2;
	s6 =	simm.s32 $0xC380;
	s8 =	simm.s32 $0xF580;
	[smem:$0x7F3] =	sst s0  }
.LBB2_1:
0x71: {  	[tilespmem:$0x14580] =	vst v0  }
0x72: {  	[tilespmem:$0x14600] =	vst v1  }
0x73: {  	[tilespmem:$0x14610] =	vst v2;
	s9 =	simm.s32 $0x40;
	s10 =	simm.s32 $0x0  }
.LBB2_2:
0x74: {  	p0 =	sne.s32 s9, $0x13FC0;
	[tilespmem:s10+$0xF580] =	vst v3;
	s10 =	smov.u32 s9;
	s9 =	sadd.s32 $0x40, s9  }
.Ltmp0:
0x75: {  	(pc) =	sbr.rel @p0 .LBB2_2-.Ltmp0, $2  }
0x76: {  	_ =	sdelay $0x2  }
0x77: {  	s10 =	sshra.s32 s10, $0x2  }
0x78: {  	s0 =	sld [smem:$0x7B9];
	_ =	sdelay $0x1  }
0x79: {  	[tilespmem:s10+$0xF580] =	vst v3;
	s9 =	simm.s32 $0x0;
	s4 =	simm.s32 $0x1  }
0x7a: {  	[tilespmem:s9], [sflag:$0x1] =	stream.linear.gather [hbm4b:s0+s9], $0xC350, $0x38;
	[tilespmem:$0x14680] =	vst v63  }
0x7b: {  	_ =	swait.ge [sflag:s4], $0xC350  }
0x7c: {  	s28 =	sld [smem:$0x7BA]  }
0x7d: {  	[sflag:s4] =	ssyncset.done $0x0  }
0x7e: {  	[sflag:s4] =	ssyncadd.s32 $0xFFFF3CB0  }
0x7f: {  	[tilespmem:s6], [sflag:$0x1] =	stream.linear.gather [hbm4b:s28+s9], $0x31C0, $0x38;
	[tilespmem:$0x14680] =	vst v63  }
0x80: {  	_ =	swait.ge [sflag:s4], $0x31C0  }
0x81: {  	s29 =	sld [smem:$0x7E1]  }
0x82: {  	[sflag:s4] =	ssyncset.done $0x0;
	s0 =	sld [smem:$0x7E0]  }
0x83: {  	[sflag:s4] =	ssyncadd.s32 $0xFFFFCE40  }
0x84: {  	v8 =	vld [tilespmem:$0x14580];
	s30 =	sadd.s32 $0x0, s29  }
0x85: {  	s31 =	sand.u32 $0x70, s0;
	s10 =	sand.u32 $0x1FFFFF80, s30  }
0x86: {  	s10 =	sor.u32 s31, s10  }
0x87: {  	[smem:$0x7B2] =	sst s31;
	s11 =	ssub.s32 s10, s1;
	s10 =	simm.s32 $0x40  }
0x88: {  	s3 =	sadd.s32 $0x0, s3;
	s15 =	sadd.s32 $0x0, s15;
	s12 =	sor.u32 $0x1, s11;
	v5 =	vld [tilespmem:s10+$0x30]  }
0x89: {  	s17 =	sadd.s32 $0x0, s17;
	s19 =	sadd.s32 $0x0, s19;
	s22 =	sadd.s32 $0x0, s22;
	v9 =	vld [tilespmem:s10+$0xFFFFFFC0];
	v4 =	vadd.s32 s12, v8  }
0x8a: {  	s24 =	sadd.s32 $0x0, s24;
	s21 =	sadd.s32 $0x0, s2;
	s9 =	sand.u32 $0x1FFFFF80, s15;
	v10 =	vld [tilespmem:s10+$0xFFFFFFD0]  }
0x8b: {  	s15 =	sand.u32 $0x1FFFFF80, s17;
	s17 =	sand.u32 $0x1FFFFF80, s19;
	s4 =	sand.u32 $0x1FFFFF80, s3;
	v13 =	vld [tilespmem:s11+$0xC380]  }
0x8c: {  	s3 =	sand.u32 $0x1FFFFF80, s24;
	s14 =	sadd.s32 $0xFFFFFFA0, s0;
	s16 =	sadd.s32 $0xFFFFFFB0, s0;
	v15 =	vld [tilespmem:s10+$0xFFFFFFE0]  }
0x8d: {  	s18 =	sadd.s32 $0xFFFFFFC0, s0;
	s20 =	sadd.s32 $0xFFFFFFD0, s0;
	s23 =	sadd.s32 $0xFFFFFFE0, s0;
	v16 =	vld [tilespmem:s10+$0xFFFFFFF0]  }
0x8e: {  	s29 =	sand.u32 $0x50, s14;
	s28 =	sand.u32 $0x60, s16;
	s19 =	sand.u32 $0x70, s18;
	(xrf2) =	vadd.scan.msk.f32 $0xffff, v5;
	v11 =	vld.idx.msk [tilespmem:v4+s6+$0x0], $0xffff  }
0x8f: {  	s30 =	sand.u32 $0x1FFFFF80, s22;
	s31 =	sand.u32 $0x40, s20;
	s20 =	rddreg [dreg:$0x4];
	v17 =	vld [tilespmem:s10+$0x0]  }
0x90: {  	s18 =	sand.u32 $0x3, s21;
	s11 =	sor.u32 s20, s4;
	v18 =	vld [tilespmem:s10+$0x10];
	[smem:$0x7B3] =	sst s29  }
0x91: {  	s12 =	sor.u32 s29, s9;
	s11 =	ssub.s32 s11, s1;
	v19 =	vld [tilespmem:s10+$0x20];
	[smem:$0x7B4] =	sst s28  }
0x92: {  	s24 =	sand.u32 $0x50, s23;
	s12 =	ssub.s32 s12, s1;
	v4 =	vld [tilespmem:s11+$0xC380];
	[smem:$0x7B5] =	sst s19  }
0x93: {  	s14 =	sor.u32 s28, s15;
	s22 =	sshll.u32 s18, $0xC;
	vm0 =	veq.s32 v8, $0xF;
	v5 =	vld [tilespmem:s12+$0xC380];
	s12 =	sor.u32 $0x1, s12;
	vm1 =	vne.s32 v13, v11  }
0x94: {  	s15 =	sor.u32 s19, s17;
	s14 =	ssub.s32 s14, s1;
	vm9 =	vne.s32 v8, $0xF;
	[smem:$0x7B6] =	sst s31;
	v24 =	vadd.s32 s12, v8;
	vm2 =	vmor vm0, vm1  }
0x95: {  	s16 =	sor.u32 s31, s30;
	s15 =	ssub.s32 s15, s1;
	v20 =	vadd.s32 s22, v13;
	v6 =	vld [tilespmem:s14+$0xC380];
	[smem:$0x7B7] =	sst s24;
	vm1 =	vmand vm1, vm9  }
0x96: {  	s17 =	sor.u32 s24, s3;
	s16 =	ssub.s32 s16, s1;
	s11 =	sor.u32 $0x1, s11;
	v21 =	vadd.s32 s22, v11;
	v7 =	vld [tilespmem:s15+$0xC380]  }
0x97: {  	s28 =	ssub.s32 s17, s1;
	v22 =	vadd.s32 s11, v8;
	v12 =	vld [tilespmem:s16+$0xC380]  }
0x98: {  	p0 =	sne.s32 s18, $0x0;
	(xrf2) =	vadd.scan.msk.f32 $0xffff, v9;
	v14 =	vld [tilespmem:s28+$0xC380];
	v23, _, _ =	vpop (xrf2)  }
0x99: {  	(xrf2) =	vadd.scan.msk.f32 $0xffff, v10;
	v10 =	vadd.s32 @!p0 $0x4000, v13;
	v13 =	vld.idx.msk [tilespmem:v24+s6+$0x0], $0xffff;
	v25 =	vsub.f32 $0.0e+00, v23  }
0x9a: {  	s29 =	sor.u32 $0x1, s14;
	[tilespmem:v20+s8+$0x0] =	vst.idx.add.f32.msk vm2, v23  }
0x9b: {  	v9 =	vadd.s32 s29, v8;
	s31 =	sadd.s32 $0xFFFFFFF0, s0;
	[tilespmem:v21+s8+$0x0] =	vst.idx.add.f32.msk vm1, v25  }
0x9c: {  	s30 =	sor.u32 $0x1, s15;
	s18 =	sand.u32 $0x60, s31;
	v21 =	vld.idx.msk [tilespmem:v22+s6+$0x0], $0xffff;
	s3 =	rddreg [dreg:$0x8]  }
0x9d: {  	v20 =	vadd.s32 s30, v8;
	v22 =	vld @!p0 [tilespmem:$0x14600];
	[smem:$0x7B8] =	sst s18  }
0x9e: {  	s19 =	sor.u32 $0x1, s16;
	s9 =	sadd.s32 $0x0, s3;
	s3 =	sld [smem:$0x7DF]  }
0x9f: {  	v23 =	vadd.s32 s19, v8;
	v24 =	vld @!p0 [tilespmem:$0x14610];
	s17 =	sand.u32 $0x1FFFFF80, s9  }
0xa0: {  	(xrf2) =	vadd.scan.msk.f32 $0xffff, v15;
	v11 =	vadd.s32 @!p0 $0x4000, v11;
	v15 =	vld.idx.msk [tilespmem:v9+s6+$0x0], $0xffff;
	s12 =	sor.u32 s18, s17  }
0xa1: {  	s20 =	sor.u32 $0x1, s28;
	s12 =	ssub.s32 s12, s1;
	s21 =	sadd.s32 $0x0, s3  }
0xa2: {  	(xrf2) =	vadd.scan.msk.f32 $0xffff, v16;
	s14 =	simm.s32 @!p0 $0xF580;
	v9 =	vadd.s32 s20, v8;
	v16 =	vld.idx.msk [tilespmem:v20+s6+$0x0], $0xffff;
	vm3 =	vne.s32 v4, v21;
	s22 =	sor.u32 $0x1, s12;
	s11 =	sand.u32 $0x3, s21  }
0xa3: {  	vm10 =	vmor vm0, vm3;
	[tilespmem:v10+s14+$0x0] =	vst.idx.add.f32.msk @!p0 vm2, v22;
	vm2 =	vne.s32 v5, v13;
	v8 =	vadd.s32 s22, v8;
	s23 =	sshll.u32 s11, $0xC  }
0xa4: {  	v26 =	vld.idx.msk [tilespmem:v23+s6+$0x0], $0xffff;
	vm14 =	vmor vm0, vm2;
	v20 =	vadd.s32 s23, v4  }
0xa5: {  	vm13 =	vmand vm3, vm9;
	[tilespmem:v11+s14+$0x0] =	vst.idx.add.f32.msk @!p0 vm1, v24;
	vm1 =	vne.s32 v6, v15;
	v10 =	vadd.s32 s23, v5  }
0xa6: {  	(xrf2) =	vadd.scan.msk.f32 $0xffff, v17;
	v25 =	vld [tilespmem:s12+$0xC380];
	vm12 =	vmand vm2, vm9;
	v17 =	vadd.s32 s23, v21;
	vm11 =	vmor vm0, vm1  }
0xa7: {  	v23, _, _ =	vpop (xrf2);
	v27 =	vld.idx.msk [tilespmem:v9+s6+$0x0], $0xffff;
	v9 =	vadd.s32 s23, v13;
	vm4 =	vmand vm1, vm9;
	vm1 =	vne.s32 v7, v16  }
0xa8: {  	v11 =	vsub.f32 $0.0e+00, v23;
	v22 =	vadd.s32 s23, v6;
	vm5 =	vmor vm0, vm1;
	v28 =	vld.idx.msk [tilespmem:v8+s6+$0x0], $0xffff  }
0xa9: {  	(xrf2) =	vadd.scan.msk.f32 $0xffff, v18;
	v18 =	vadd.s32 s23, v7;
	v8, _, _ =	vpop (xrf2);
	[tilespmem:v20+s8+$0x0] =	vst.idx.add.f32.msk vm10, v23  }
0xaa: {  	v20 =	vsub.f32 $0.0e+00, v8;
	[tilespmem:v10+s8+$0x0] =	vst.idx.add.f32.msk vm14, v8  }
0xab: {  	[tilespmem:v17+s8+$0x0] =	vst.idx.add.f32.msk vm13, v11  }
0xac: {  	vm6 =	vmand vm1, vm9;
	(xrf2) =	vadd.scan.msk.f32 $0xffff, v19;
	v19 =	vadd.s32 s23, v15;
	v11, _, _ =	vpop (xrf2);
	[tilespmem:v9+s8+$0x0] =	vst.idx.add.f32.msk vm12, v20  }
0xad: {  	v23 =	vadd.s32 s23, v16;
	v10, _, _ =	vpop (xrf2);
	s9 =	rddreg [dreg:$0x9];
	[tilespmem:v22+s8+$0x0] =	vst.idx.add.f32.msk vm11, v11  }
0xae: {  	s24 =	sadd.s32 $0x0, s26;
	p3 =	sne.s32 s11, $0x0;
	[tilespmem:v18+s8+$0x0] =	vst.idx.add.f32.msk vm5, v10  }
0xaf: {  	s26 =	sadd.s32 $0x0, s25;
	s14 =	sand.u32 $0x3, s24;
	vm1 =	vne.s32 v12, v26;
	v8 =	vsub.f32 $0.0e+00, v11;
	v29 =	vld @!p3 [tilespmem:$0x14600]  }
0xb0: {  	s15 =	sand.u32 $0x3, s26;
	s28 =	sshll.u32 s14, $0xC;
	vm7 =	vmor vm0, vm1;
	vm2 =	vne.s32 v14, v27;
	v11 =	vsub.f32 $0.0e+00, v10;
	v30 =	vld @!p3 [tilespmem:$0x14610]  }
0xb1: {  	s29 =	sshll.u32 s15, $0xC;
	vm8 =	vmand vm1, vm9;
	vm1 =	vmor vm0, vm2;
	v17 =	vadd.s32 s28, v12;
	[tilespmem:v19+s8+$0x0] =	vst.idx.add.f32.msk vm4, v8  }
0xb2: {  	v9 =	vadd.s32 s29, v14;
	[tilespmem:v23+s8+$0x0] =	vst.idx.add.f32.msk vm6, v11  }
0xb3: {  	v32 =	vadd.s32 @!p3 $0x4000, v5;
	v31 =	vld @!p3 [tilespmem:$0x14600]  }
0xb4: {  	v20 =	vadd.s32 s28, v26;
	v24 =	vld @!p3 [tilespmem:$0x14610]  }
0xb5: {  	v8, _, _ =	vpop (xrf2);
	v23 =	vld @!p3 [tilespmem:$0x14600]  }
0xb6: {  	v33 =	vadd.s32 @!p3 $0x4000, v13;
	vm3 =	vmand vm2, vm9;
	v11, _, _ =	vpop (xrf2);
	[tilespmem:v17+s8+$0x0] =	vst.idx.add.f32.msk vm7, v8  }
0xb7: {  	s18 =	simm.s32 @!p3 $0xF580;
	v19 =	vadd.s32 s29, v27;
	v18 =	vsub.f32 $0.0e+00, v8;
	[tilespmem:v9+s8+$0x0] =	vst.idx.add.f32.msk vm1, v11  }
0xb8: {  	[tilespmem:v32+s18+$0x0] =	vst.idx.add.f32.msk @!p3 vm14, v29  }
0xb9: {  	s30 =	sadd.s32 $0x0, s9;
	[tilespmem:v20+s8+$0x0] =	vst.idx.add.f32.msk vm8, v18  }
0xba: {  	v34 =	vadd.s32 @!p3 $0x4000, v6;
	vm15 =	vne.s32 v25, v28;
	s31 =	sand.u32 $0x3, s30;
	v8 =	vsub.f32 $0.0e+00, v11;
	v18 =	vld @!p3 [tilespmem:$0x14610]  }
0xbb: {  	vm0 =	vmor vm0, vm15;
	s17 =	sshll.u32 s31, $0xC;
	[tilespmem:v33+s18+$0x0] =	vst.idx.add.f32.msk @!p3 vm12, v30  }
0xbc: {  	p4 =	sne.s32 s14, $0x0;
	v10 =	vadd.s32 s17, v25;
	[tilespmem:v19+s8+$0x0] =	vst.idx.add.f32.msk vm3, v8  }
0xbd: {  	v20 =	vld @!p4 [tilespmem:$0x14600]  }
0xbe: {  	p5 =	sne.s32 s15, $0x0;
	vm2 =	vmand vm15, vm9;
	v19 =	vld @!p4 [tilespmem:$0x14610]  }
0xbf: {  	p2 =	por p5, p5;
	v22 =	vadd.s32 s17, v28;
	[tilespmem:v34+s18+$0x0] =	vst.idx.add.f32.msk @!p3 vm11, v31  }
0xc0: {  	v17, _, _ =	vpop (xrf2);
	v11 =	vld @!p2 [tilespmem:$0x14600]  }
0xc1: {  	[tilespmem:v10+s8+$0x0] =	vst.idx.add.f32.msk vm0, v17  }
0xc2: {  	v9 =	vsub.f32 $0.0e+00, v17;
	v17 =	vld @!p3 [tilespmem:$0x14600]  }
0xc3: {  	v4 =	vadd.s32 @!p3 $0x4000, v4;
	v10 =	vld @!p2 [tilespmem:$0x14610]  }
0xc4: {  	v21 =	vadd.s32 @!p3 $0x4000, v21;
	p0 =	sne.s32 s31, $0x0;
	[tilespmem:v22+s8+$0x0] =	vst.idx.add.f32.msk vm2, v9  }
0xc5: {  	p1 =	por p0, p0;
	v22 =	vld @!p3 [tilespmem:$0x14610]  }
0xc6: {  	v9 =	vld @!p1 [tilespmem:$0x14600]  }
0xc7: {  	s4 =	smov.u32 s25;
	s16 =	smov.u32 s0;
	v13 =	vadd.s32 @!p3 $0x4000, v7;
	v5 =	vadd.s32 @!p5 $0x4000, v14;
	v7 =	vadd.s32 @!p2 $0x4000, v27;
	v8 =	vld @!p1 [tilespmem:$0x14610]  }
0xc8: {  	s15 =	simm.s32 $0x20;
	s11 =	simm.s32 @!p5 $0xF580;
	s14 =	simm.s32 $0x0;
	v12 =	vadd.s32 @!p4 $0x4000, v12;
	v6 =	vadd.s32 @!p1 $0x4000, v28;
	[tilespmem:v4+s18+$0x0] =	vst.idx.add.f32.msk @!p3 vm10, v17;
	v4 =	vadd.s32 @!p0 $0x4000, v25  }
0xc9: {  	s19 =	simm.s32 @!p4 $0xF580;
	s12 =	simm.s32 @!p0 $0xF580;
	s17 =	simm.s32 $0x0;
	v17 =	vadd.s32 @!p4 $0x4000, v26;
	[tilespmem:v21+s18+$0x0] =	vst.idx.add.f32.msk @!p3 vm13, v18;
	v21 =	vadd.s32 @!p3 $0x4000, v15;
	v18 =	vadd.s32 @!p3 $0x4000, v16  }
.LBB2_4:
0xca: {  	s0 =	sld [smem:$0x7FC]  }
0xcb: {  	s28 =	sld [smem:$0x7E1]  }
0xcc: {  	s29 =	rddreg [dreg:$0xf]  }
0xcd: {  	s30 =	rddreg [dreg:$0xe]  }
0xce: {  	s16 =	sadd.s32 $0x80, s16;
	s14 =	sadd.s32 $0x8, s14;
	s31 =	rddreg [dreg:$0xd]  }
0xcf: {  	v14 =	vld [tilespmem:$0x14580];
	s10 =	sadd.s32 $0x80, s10;
	s21 =	rddreg [dreg:$0xa];
	s17 =	sadd.s32 $0x1, s17  }
0xd0: {  	s23 =	sadd.s32 $0xFFFFFFA0, s16;
	s24 =	sand.u32 $0x70, s16;
	s25 =	sadd.s32 s15, s29;
	v15 =	vld [tilespmem:s10+$0xFFFFFFC0]  }
0xd1: {  	p0 =	slt.u32 s14, $0xC28;
	s29 =	sadd.s32 s15, s31;
	v16 =	vld [tilespmem:s10+$0xFFFFFFD0];
	s22 =	sadd.s32 s15, s28  }
0xd2: {  	s31 =	sadd.s32 s15, s21;
	s21 =	rddreg [dreg:$0x8];
	s22 =	sand.u32 $0x1FFFFF80, s22;
	[tilespmem:v21+s18+$0x0] =	vst.idx.add.f32.msk @!p3 vm4, v24  }
0xd3: {  	s26 =	sadd.s32 $0xFFFFFFC0, s16;
	s21 =	sadd.s32 s15, s21;
	[tilespmem:v13+s18+$0x0] =	vst.idx.add.f32.msk @!p3 vm5, v23;
	s22 =	sor.u32 s24, s22  }
0xd4: {  	s25 =	sand.u32 $0x1FFFFF80, s25;
	s23 =	sand.u32 $0x50, s23;
	[tilespmem:v12+s19+$0x0] =	vst.idx.add.f32.msk @!p4 vm7, v20;
	s22 =	ssub.s32 s22, s1  }
0xd5: {  	s29 =	sand.u32 $0x1FFFFF80, s29;
	s26 =	sand.u32 $0x70, s26;
	v13 =	vld [tilespmem:s10+$0x30];
	s28 =	sor.u32 $0x1, s22  }
0xd6: {  	s31 =	sand.u32 $0x1FFFFF80, s31;
	s20 =	sadd.s32 s15, s0;
	s0 =	simm.s32 @!p0 $0x0;
	v20 =	vld [tilespmem:s10+$0x10];
	v12 =	vadd.s32 s28, v14  }
0xd7: {  	s21 =	sand.u32 $0x1FFFFF80, s21;
	s23 =	sor.u32 s23, s25;
	s25 =	sor.u32 s26, s29;
	v21 =	vld [tilespmem:s10+$0x20]  }
0xd8: {  	s0 =	simm.s32 @p0 $0x1;
	s20 =	sand.u32 $0x1FFFFF80, s20;
	s29 =	ssub.s32 s23, s1;
	[tilespmem:v18+s18+$0x0] =	vst.idx.add.f32.msk @!p3 vm6, v22  }
0xd9: {  	s23 =	ssub.s32 s25, s1;
	s24 =	sadd.s32 $0xFFFFFFB0, s16;
	[smem:$0x7B1] =	sst s0;
	[tilespmem:v17+s19+$0x0] =	vst.idx.add.f32.msk @!p4 vm8, v19  }
0xda: {  	s18 =	sadd.s32 s15, s30;
	s30 =	sadd.s32 $0xFFFFFFD0, s16;
	s19 =	rddreg [dreg:$0xb];
	v18 =	vld [tilespmem:s22+$0xC380]  }
0xdb: {  	s0 =	sadd.s32 $0xFFFFFFF0, s16;
	s19 =	sadd.s32 s15, s19;
	s18 =	sand.u32 $0x1FFFFF80, s18;
	(xrf2) =	vadd.scan.msk.f32 $0xffff, v13;
	v12 =	vld.idx.msk [tilespmem:v12+s6+$0x0], $0xffff  }
0xdc: {  	v17 =	vld [tilespmem:s10+$0xFFFFFFE0];
	s24 =	sand.u32 $0x60, s24;
	s30 =	sand.u32 $0x40, s30;
	s0 =	sand.u32 $0x60, s0  }
0xdd: {  	v23 =	vld [tilespmem:s29+$0xC380];
	s19 =	sand.u32 $0x1FFFFF80, s19;
	s22 =	rddreg [dreg:$0x4];
	s18 =	sor.u32 s24, s18  }
0xde: {  	v19 =	vld [tilespmem:s10+$0x0];
	s0 =	sor.u32 s0, s21;
	s21 =	sor.u32 $0x1, s29;
	s28 =	sadd.s32 $0xFFFFFFE0, s16  }
0xdf: {  	v26 =	vld [tilespmem:s23+$0xC380];
	s20 =	sor.u32 s22, s20;
	s19 =	sor.u32 s30, s19;
	s30 =	sadd.s32 s17, s2  }
0xe0: {  	vm9 =	veq.s32 v14, $0xF;
	s18 =	ssub.s32 s18, s1;
	s28 =	sand.u32 $0x50, s28;
	v13 =	vld [tilespmem:s10+$0xFFFFFFF0];
	s22 =	sand.u32 $0x3, s30;
	(xrf2) =	vadd.scan.msk.f32 $0xffff, v15;
	vm5 =	vne.s32 v18, v12  }
0xe1: {  	vm10 =	vne.s32 v14, $0xF;
	s0 =	ssub.s32 s0, s1;
	v25 =	vadd.s32 s21, v14;
	v24 =	vld [tilespmem:s18+$0xC380];
	s28 =	sor.u32 s28, s31;
	s31 =	sshll.u32 s22, $0xC;
	vm4 =	vmor vm9, vm5  }
0xe2: {  	s20 =	ssub.s32 s20, s1;
	s19 =	ssub.s32 s19, s1;
	s18 =	sor.u32 $0x1, s18;
	v34 =	vld [tilespmem:s0+$0xC380];
	v15 =	vadd.s32 s31, v18;
	vm5 =	vmand vm5, vm10  }
0xe3: {  	s21 =	sor.u32 $0x1, s0;
	v22 =	vld [tilespmem:s20+$0xC380];
	s20 =	sor.u32 $0x1, s20;
	s24 =	ssub.s32 s28, s1;
	v27 =	vadd.s32 s31, v12  }
0xe4: {  	s29 =	sor.u32 $0x1, s19;
	v28 =	vadd.s32 s18, v14;
	v30 =	vld [tilespmem:s19+$0xC380];
	v33 =	vadd.s32 s21, v14;
	(xrf2) =	vadd.scan.msk.f32 $0xffff, v16;
	v16 =	vadd.s32 s20, v14;
	s28 =	sor.u32 $0x1, s23;
	s30 =	sor.u32 $0x1, s24  }
0xe5: {  	v31 =	vadd.s32 s29, v14;
	v29 =	vadd.s32 s28, v14;
	(xrf2) =	vadd.scan.msk.f32 $0xffff, v17;
	v17 =	vld [tilespmem:s24+$0xC380];
	v32 =	vadd.s32 s30, v14;
	v14, _, _ =	vpop (xrf2)  }
0xe6: {  	v25 =	vld.idx.msk [tilespmem:v25+s6+$0x0], $0xffff;
	v35 =	vsub.f32 $0.0e+00, v14  }
0xe7: {  	[tilespmem:v15+s8+$0x0] =	vst.idx.add.f32.msk vm4, v14  }
0xe8: {  	p0 =	sne.s32 s22, $0x0;
	[tilespmem:v27+s8+$0x0] =	vst.idx.add.f32.msk vm5, v35  }
0xe9: {  	v18 =	vadd.s32 @!p0 $0x4000, v18;
	(xrf2) =	vadd.scan.msk.f32 $0xffff, v13;
	v40 =	vld @!p0 [tilespmem:$0x14600]  }
0xea: {  	v27, _, _ =	vpop (xrf2);
	(xrf2) =	vadd.scan.msk.f32 $0xffff, v19;
	v19 =	vld.idx.msk [tilespmem:v16+s6+$0x0], $0xffff  }
0xeb: {  	v28 =	vld.idx.msk [tilespmem:v28+s6+$0x0], $0xffff  }
0xec: {  	v29 =	vld.idx.msk [tilespmem:v29+s6+$0x0], $0xffff;
	s31 =	sadd.s32 s17, s3  }
0xed: {  	s21 =	simm.s32 @!p0 $0xF580;
	v44 =	vadd.s32 @!p0 $0x4000, v12;
	s25 =	sand.u32 $0x3, s31;
	v43 =	vld @!p0 [tilespmem:$0x14610]  }
0xee: {  	s23 =	sshll.u32 s25, $0xC;
	p3 =	sne.s32 s25, $0x0;
	v46, _, _ =	vpop (xrf2);
	(xrf2) =	vadd.scan.msk.f32 $0xffff, v20;
	[tilespmem:v18+s21+$0x0] =	vst.idx.add.f32.msk @!p0 vm4, v40  }
0xef: {  	v18, _, _ =	vpop (xrf2);
	(xrf2) =	vadd.scan.msk.f32 $0xffff, v21;
	vm4 =	vne.s32 v22, v19;
	v21 =	vadd.s32 s23, v19;
	v40 =	vadd.s32 @!p3 $0x4000, v19;
	v19 =	vld.idx.msk [tilespmem:v31+s6+$0x0], $0xffff  }
0xf0: {  	v31 =	vld.idx.msk [tilespmem:v32+s6+$0x0], $0xffff  }
0xf1: {  	v36 =	vadd.s32 s23, v22;
	[tilespmem:v5+s11+$0x0] =	vst.idx.add.f32.msk @!p2 vm1, v11;
	vm11 =	vmor vm9, vm4  }
0xf2: {  	v38 =	vadd.s32 s23, v24;
	[tilespmem:v44+s21+$0x0] =	vst.idx.add.f32.msk @!p0 vm5, v43;
	vm5 =	vne.s32 v23, v25;
	vm13 =	vmand vm4, vm10  }
0xf3: {  	v16 =	vadd.s32 @!p3 $0x4000, v24;
	vm4 =	vne.s32 v24, v28;
	v24 =	vld.idx.msk [tilespmem:v33+s6+$0x0], $0xffff;
	vm12 =	vmor vm9, vm5  }
0xf4: {  	v37 =	vadd.s32 s23, v23;
	vm1 =	vne.s32 v26, v29;
	[tilespmem:v7+s11+$0x0] =	vst.idx.add.f32.msk @!p2 vm3, v10;
	vm14 =	vmor vm9, vm4  }
0xf5: {  	[tilespmem:v4+s12+$0x0] =	vst.idx.add.f32.msk @!p1 vm0, v9;
	vm15 =	vmand vm5, vm10;
	vm5 =	vmor vm9, vm1  }
0xf6: {  	v39 =	vadd.s32 s23, v26;
	v58 =	vsub.f32 $0.0e+00, v27;
	[tilespmem:v6+s12+$0x0] =	vst.idx.add.f32.msk @!p1 vm2, v8  }
0xf7: {  	v11 =	vadd.s32 s23, v25;
	vm4 =	vmand vm4, vm10;
	[tilespmem:v36+s8+$0x0] =	vst.idx.add.f32.msk vm11, v27  }
0xf8: {  	v60 =	vadd.s32 s23, v28;
	vm6 =	vmand vm1, vm10;
	[tilespmem:v21+s8+$0x0] =	vst.idx.add.f32.msk vm13, v58  }
0xf9: {  	s26 =	rddreg [dreg:$0xc];
	v10 =	vadd.s32 s23, v29;
	[tilespmem:v37+s8+$0x0] =	vst.idx.add.f32.msk vm12, v46  }
0xfa: {  	s20 =	sadd.s32 s17, s26;
	v15 =	vadd.s32 @!p3 $0x4000, v22;
	v47 =	vsub.f32 $0.0e+00, v46;
	v22, _, _ =	vpop (xrf2);
	[tilespmem:v38+s8+$0x0] =	vst.idx.add.f32.msk vm14, v18  }
0xfb: {  	s18 =	sand.u32 $0x3, s20;
	v20 =	vsub.f32 $0.0e+00, v18;
	[tilespmem:v39+s8+$0x0] =	vst.idx.add.f32.msk vm5, v22  }
0xfc: {  	s26 =	sshll.u32 s18, $0xC;
	v14 =	vadd.s32 @!p3 $0x4000, v23;
	v23 =	vsub.f32 $0.0e+00, v22;
	vm1 =	vne.s32 v30, v19;
	[tilespmem:v11+s8+$0x0] =	vst.idx.add.f32.msk vm15, v47  }
0xfd: {  	v41 =	vadd.s32 s26, v30;
	vm0 =	vne.s32 v17, v31;
	vm7 =	vmor vm9, vm1;
	[tilespmem:v60+s8+$0x0] =	vst.idx.add.f32.msk vm4, v20  }
0xfe: {  	s29 =	sadd.s32 s17, s4;
	s30 =	sadd.s32 s17, s9;
	vm8 =	vmand vm1, vm10;
	vm2 =	vmor vm9, vm0;
	vm1 =	vne.s32 v34, v24;
	[tilespmem:v10+s8+$0x0] =	vst.idx.add.f32.msk vm6, v23  }
0xff: {  	s20 =	sand.u32 $0x3, s30;
	s31 =	sand.u32 $0x3, s29;
	vm3 =	vmand vm0, vm10;
	vm0 =	vmor vm9, vm1;
	v21 =	vadd.s32 @!p3 $0x4000, v28;
	v28 =	vld @!p3 [tilespmem:$0x14600]  }
0x100: {  	p4 =	sne.s32 s18, $0x0;
	p5 =	sne.s32 s20, $0x0;
	s28 =	sshll.u32 s31, $0xC;
	vm9 =	vmand vm1, vm10;
	vm1 =	vmmov vm2;
	v18 =	vadd.s32 @!p3 $0x4000, v29;
	v29 =	vld @!p3 [tilespmem:$0x14610]  }
0x101: {  	s30 =	sshll.u32 s20, $0xC;
	v12 =	vadd.s32 @!p4 $0x4000, v30;
	v42 =	vadd.s32 s28, v17;
	p1 =	por p5, p5;
	v30 =	vld @!p3 [tilespmem:$0x14600]  }
0x102: {  	v45 =	vadd.s32 s30, v34;
	v63 =	vadd.s32 s30, v24;
	v6 =	vadd.s32 @!p1 $0x4000, v24;
	v24 =	vld @!p3 [tilespmem:$0x14610]  }
0x103: {  	v23 =	vld @!p3 [tilespmem:$0x14600]  }
0x104: {  	v59, _, _ =	vpop (xrf2);
	v11 =	vadd.s32 s26, v19;
	v22 =	vld @!p3 [tilespmem:$0x14610]  }
0x105: {  	v9, _, _ =	vpop (xrf2);
	v27 =	vadd.s32 s28, v31;
	[tilespmem:v41+s8+$0x0] =	vst.idx.add.f32.msk vm7, v59  }
0x106: {  	v13 =	vadd.s32 @!p3 $0x4000, v26;
	v26, _, _ =	vpop (xrf2);
	[tilespmem:v42+s8+$0x0] =	vst.idx.add.f32.msk vm1, v9  }
0x107: {  	v61 =	vsub.f32 $0.0e+00, v59;
	[tilespmem:v45+s8+$0x0] =	vst.idx.add.f32.msk vm0, v26  }
0x108: {  	v8 =	vsub.f32 $0.0e+00, v9;
	v62 =	vsub.f32 $0.0e+00, v26;
	v26 =	vld @!p3 [tilespmem:$0x14600]  }
0x109: {  	[tilespmem:v11+s8+$0x0] =	vst.idx.add.f32.msk vm8, v61  }
0x10a: {  	[tilespmem:v27+s8+$0x0] =	vst.idx.add.f32.msk vm3, v8  }
0x10b: {  	[tilespmem:v63+s8+$0x0] =	vst.idx.add.f32.msk vm9, v62  }
0x10c: {  	v27 =	vld @!p3 [tilespmem:$0x14610]  }
0x10d: {  	p6 =	sne.s32 s31, $0x0;
	v20 =	vld @!p4 [tilespmem:$0x14600]  }
0x10e: {  	v48 =	vadd.s32 @!p6 $0x4000, v17;
	p2 =	por p6, p6;
	v17 =	vadd.s32 @!p4 $0x4000, v19;
	v19 =	vld @!p4 [tilespmem:$0x14610]  }
0x10f: {  	s31 =	sld [smem:$0x7B1];
	v11 =	vld @!p2 [tilespmem:$0x14600]  }
0x110: {  	v25 =	vadd.s32 @!p3 $0x4000, v25;
	v10 =	vld @!p2 [tilespmem:$0x14610]  }
0x111: {  	v9 =	vld @!p1 [tilespmem:$0x14600]  }
0x112: {  	s18 =	simm.s32 @!p3 $0xF580;
	p0 =	seq.s32 s31, $0x1;
	v8 =	vld @!p1 [tilespmem:$0x14610]  }
.Ltmp1:
0x113: {  	[tilespmem:v14+s18+$0x0] =	vst.idx.add.f32.msk @!p3 vm12, v28;
	(pc) =	sbr.rel @p0 .LBB2_4-.Ltmp1, $4  }
0x114: {  	[tilespmem:v16+s18+$0x0] =	vst.idx.add.f32.msk @!p3 vm14, v30  }
0x115: {  	[tilespmem:v25+s18+$0x0] =	vst.idx.add.f32.msk @!p3 vm15, v29  }
0x116: {  	s15 =	sadd.s32 $0x20, s15;
	v49 =	vadd.s32 @!p5 $0x4000, v34;
	s25 =	simm.s32 @!p5 $0xF580;
	s0 =	simm.s32 @!p6 $0xF580;
	[tilespmem:v15+s18+$0x0] =	vst.idx.add.f32.msk @!p3 vm11, v26  }
0x117: {  	s19 =	simm.s32 @!p4 $0xF580;
	v5 =	vmovc v48;
	s11 =	smov.u32 s0;
	v4 =	vmov v49;
	s12 =	smov.u32 s25;
	v7 =	vadd.s32 @!p2 $0x4000, v31;
	vm2 =	vmmov vm9;
	[tilespmem:v40+s18+$0x0] =	vst.idx.add.f32.msk @!p3 vm13, v27  }
0x118: {  	_ =	sdelay $0x4  }
0x119: {  	[tilespmem:v21+s18+$0x0] =	vst.idx.add.f32.msk @!p3 vm4, v24  }
0x11a: {  	[tilespmem:v13+s18+$0x0] =	vst.idx.add.f32.msk @!p3 vm5, v23  }
0x11b: {  	[tilespmem:v12+s19+$0x0] =	vst.idx.add.f32.msk @!p4 vm7, v20  }
0x11c: {  	[tilespmem:v5+s11+$0x0] =	vst.idx.add.f32.msk @!p2 vm1, v11  }
0x11d: {  	[tilespmem:v4+s12+$0x0] =	vst.idx.add.f32.msk @!p1 vm0, v9  }
0x11e: {  	[tilespmem:v18+s18+$0x0] =	vst.idx.add.f32.msk @!p3 vm6, v22  }
0x11f: {  	[tilespmem:v17+s19+$0x0] =	vst.idx.add.f32.msk @!p4 vm8, v19  }
0x120: {  	[tilespmem:v7+s11+$0x0] =	vst.idx.add.f32.msk @!p2 vm3, v10  }
0x121: {  	[tilespmem:v6+s12+$0x0] =	vst.idx.add.f32.msk @!p1 vm2, v8  }
0x122: {  	s10 =	sld [smem:$0x7E2]  }
0x123: {  	s11 =	sld [smem:$0x7E3]  }
0x124: {  	s2 =	simm.s32 $0x0  }
.LBB2_6:
0x125: {  	v4 =	vld [tilespmem:$0x14580]  }
0x126: {  	s0 =	sand.u32 $0x1FFFFF80, s11;
	s12 =	sand.u32 $0x70, s10  }
0x127: {  	s0 =	sor.u32 s12, s0  }
0x128: {  	s0 =	ssub.s32 s0, s1  }
0x129: {  	s14 =	sshra.s32 s2, $0x2;
	s29 =	sor.u32 $0x1, s0  }
0x12a: {  	v6 =	vld [tilespmem:s14+$0xC300];
	v5 =	vadd.s32 s29, v4;
	_ =	sdelay $0x3  }
0x12b: {  	v7 =	vld [tilespmem:s0+$0xC380]  }
0x12c: {  	(xrf2) =	vadd.scan.msk.f32 $0xffff, v6;
	v5 =	vld.idx.msk [tilespmem:v5+s6+$0x0], $0xffff;
	_ =	sdelay $0x3  }
0x12d: {  	s30 =	sshrl.u32 s10, $0x7  }
0x12e: {  	s0 =	sand.u32 $0x3, s30;
	vm1 =	veq.s32 v4, $0xF;
	vm0 =	vne.s32 v7, v5  }
0x12f: {  	s31 =	sshll.u32 s0, $0xC;
	vm2 =	vne.s32 v4, $0xF;
	vm1 =	vmor vm1, vm0  }
0x130: {  	v4 =	vadd.s32 s31, v7;
	vm0 =	vmand vm0, vm2  }
0x131: {  	v63 =	vadd.s32 s31, v5;
	_ =	sdelay $0x1  }
0x132: {  	v8, _, _ =	vpop (xrf2)  }
0x133: {  	v9 =	vsub.f32 $0.0e+00, v8  }
0x134: {  	[tilespmem:v4+s8+$0x0] =	vst.idx.add.f32.msk vm1, v8  }
0x135: {  	p0 =	sne.s32 s0, $0x0;
	[tilespmem:v63+s8+$0x0] =	vst.idx.add.f32.msk vm0, v9  }
0x136: {  	s2 =	sadd.s32 $0x40, s2;
	v6 =	vadd.s32 @!p0 $0x4000, v7;
	v4 =	vld @!p0 [tilespmem:$0x14600]  }
0x137: {  	p1 =	sne.s32 s2, $0x140;
	v5 =	vadd.s32 @!p0 $0x4000, v5;
	v7 =	vld @!p0 [tilespmem:$0x14610]  }
.Ltmp2:
0x138: {  	_ = 	snop;
	(pc) =	sbr.rel @p1 .LBB2_6-.Ltmp2, $4  }
0x139: {  	_ = 	snop  }
0x13a: {  	s0 =	simm.s32 @!p0 $0xF580  }
0x13b: {  	[tilespmem:v6+s0+$0x0] =	vst.idx.add.f32.msk @!p0 vm1, v4  }
0x13c: {  	s11 =	sadd.s32 $0x4, s11;
	s10 =	sadd.s32 $0x10, s10;
	[tilespmem:v5+s0+$0x0] =	vst.idx.add.f32.msk @!p0 vm0, v7  }
0x13d: {  	s0 =	sld [smem:$0x7BB];
	_ =	sdelay $0x1  }
0x13e: {  	s3 =	simm.s32 $0x0;
	s2 =	simm.s32 $0x1  }
0x13f: {  	[tilespmem:s3], [sflag:$0x1] =	stream.linear.gather [hbm4b:s0+s3], $0xC350, $0x38;
	[tilespmem:$0x14680] =	vst v63  }
0x140: {  	_ =	swait.ge [sflag:s2], $0xC350  }
0x141: {  	s21 =	sld [smem:$0x7C2]  }
0x142: {  	[sflag:s2] =	ssyncset.done $0x0  }
0x143: {  	[sflag:s2] =	ssyncadd.s32 $0xFFFF3CB0  }
0x144: {  	[tilespmem:s6], [sflag:$0x1] =	stream.linear.gather [hbm4b:s21+s3], $0x31C0, $0x38;
	[tilespmem:$0x14680] =	vst v63  }
0x145: {  	_ =	swait.ge [sflag:s2], $0x31C0  }
0x146: {  	s22 =	sld [smem:$0x7E4];
	_ =	sdelay $0x1  }
0x147: {  	s24 =	rddreg [dreg:$0x1a]  }
0x148: {  	[sflag:s2] =	ssyncset.done $0x0;
	s0 =	sadd.s32 $0x0, s22;
	s22 =	sld [smem:$0x7E5]  }
0x149: {  	s26 =	rddreg [dreg:$0x17];
	[sflag:s2] =	ssyncadd.s32 $0xFFFFCE40  }
0x14a: {  	s28 =	rddreg [dreg:$0x13];
	v13 =	vld [tilespmem:$0x14580]  }
0x14b: {  	s29 =	rddreg [dreg:$0x12];
	s0 =	sand.u32 $0x1FFFFF80, s0;
	s23 =	sand.u32 $0x40, s22  }
0x14c: {  	s30 =	rddreg [dreg:$0x11];
	s0 =	sor.u32 s23, s0  }
0x14d: {  	s31 =	sld [smem:$0x7E6];
	s0 =	ssub.s32 s0, s5  }
0x14e: {  	s25 =	sadd.s32 $0x0, s24;
	s24 =	rddreg [dreg:$0x15];
	s9 =	sor.u32 $0x1, s0  }
0x14f: {  	s10 =	simm.s32 $0x40;
	s12 =	sadd.s32 $0x0, s26;
	[smem:$0x7A8] =	sst s23;
	v4 =	vadd.s32 s9, v13  }
0x150: {  	s17 =	sadd.s32 $0x0, s28;
	s19 =	sadd.s32 $0x0, s29;
	s21 =	sadd.s32 $0x0, s30;
	v5 =	vld [tilespmem:s10+$0x30]  }
0x151: {  	s26 =	rddreg [dreg:$0x5];
	s15 =	sadd.s32 $0x0, s24;
	s2 =	sand.u32 $0x1FFFFF80, s25;
	v9 =	vld [tilespmem:s10+$0xFFFFFFC0]  }
0x152: {  	s3 =	sand.u32 $0x1FFFFF80, s12;
	s25 =	sand.u32 $0x1FFFFF80, s21;
	s12 =	sand.u32 $0x1FFFFF80, s15;
	v11 =	vld [tilespmem:s10+$0xFFFFFFD0]  }
0x153: {  	s28 =	sadd.s32 $0x0, s31;
	s11 =	sadd.s32 $0xFFFFFFA0, s22;
	s14 =	sadd.s32 $0xFFFFFFB0, s22;
	v14 =	vld [tilespmem:s0+$0xC380]  }
0x154: {  	s16 =	sadd.s32 $0xFFFFFFC0, s22;
	s18 =	sadd.s32 $0xFFFFFFD0, s22;
	s20 =	sadd.s32 $0xFFFFFFE0, s22;
	v12 =	vld.idx.msk [tilespmem:v4+s6+$0x0], $0xffff  }
0x155: {  	s23 =	sand.u32 $0x60, s11;
	s4 =	sand.u32 $0x70, s14;
	s14 =	sand.u32 $0x1FFFFF80, s17;
	v15 =	vld [tilespmem:s10+$0xFFFFFFE0];
	(xrf2) =	vadd.scan.msk.f32 $0xffff, v5  }
0x156: {  	s15 =	sand.u32 $0x40, s16;
	s17 =	sand.u32 $0x1FFFFF80, s19;
	s19 =	sand.u32 $0x50, s18;
	v16 =	vld [tilespmem:s10+$0xFFFFFFF0]  }
0x157: {  	s16 =	sand.u32 $0x3, s28;
	s30 =	sand.u32 $0x60, s20;
	v17 =	vld [tilespmem:s10+$0x0];
	s11 =	sor.u32 s4, s12  }
0x158: {  	v18 =	vld [tilespmem:s10+$0x10];
	s29 =	sshll.u32 s16, $0xC;
	s0 =	sor.u32 s26, s2;
	[smem:$0x7A9] =	sst s23  }
0x159: {  	vm0 =	veq.s32 v13, $0xF;
	s9 =	sor.u32 s23, s3;
	s0 =	ssub.s32 s0, s5;
	v19 =	vld [tilespmem:s10+$0x20];
	[smem:$0x7AA] =	sst s4;
	vm1 =	vne.s32 v14, v12  }
0x15a: {  	s12 =	sor.u32 s15, s14;
	s9 =	ssub.s32 s9, s5;
	v5 =	vld [tilespmem:s0+$0xC380];
	[smem:$0x7AB] =	sst s15;
	vm2 =	vmor vm0, vm1  }
0x15b: {  	vm9 =	vne.s32 v13, $0xF;
	s11 =	ssub.s32 s11, s5;
	v10 =	vadd.s32 s29, v14;
	s0 =	sor.u32 $0x1, s0;
	v8 =	vld [tilespmem:s9+$0xC380];
	[smem:$0x7AC] =	sst s19  }
0x15c: {  	s14 =	sor.u32 s19, s17;
	s12 =	ssub.s32 s12, s5;
	v21 =	vadd.s32 s0, v13;
	v4 =	vld [tilespmem:s11+$0xC380];
	[smem:$0x7AD] =	sst s30;
	vm1 =	vmand vm1, vm9  }
0x15d: {  	s14 =	ssub.s32 s14, s5;
	s15 =	sor.u32 s30, s25;
	s9 =	sor.u32 $0x1, s9;
	v20 =	vadd.s32 s29, v12;
	v6 =	vld [tilespmem:s12+$0xC380]  }
0x15e: {  	s17 =	ssub.s32 s15, s5;
	v23 =	vadd.s32 s9, v13;
	v7 =	vld [tilespmem:s14+$0xC380]  }
0x15f: {  	(xrf2) =	vadd.scan.msk.f32 $0xffff, v9;
	v9 =	vld [tilespmem:s17+$0xC380];
	v22, _, _ =	vpop (xrf2)  }
0x160: {  	v24 =	vsub.f32 $0.0e+00, v22;
	[tilespmem:v10+s8+$0x0] =	vst.idx.add.f32.msk vm2, v22  }
0x161: {  	s18 =	sor.u32 $0x1, s11;
	v10 =	vld.idx.msk [tilespmem:v21+s6+$0x0], $0xffff  }
0x162: {  	s20 =	sadd.s32 $0xFFFFFFF0, s22;
	p0 =	sne.s32 s16, $0x0;
	s28 =	sor.u32 $0x1, s14;
	v22 =	vadd.s32 s18, v13;
	[tilespmem:v20+s8+$0x0] =	vst.idx.add.f32.msk vm1, v24  }
0x163: {  	s26 =	sand.u32 $0x70, s20;
	s19 =	sor.u32 $0x1, s12;
	v25 =	vld.idx.msk [tilespmem:v23+s6+$0x0], $0xffff;
	v23 =	vadd.s32 s28, v13;
	s21 =	rddreg [dreg:$0x10]  }
0x164: {  	v20 =	vadd.s32 s19, v13;
	v21 =	vld @!p0 [tilespmem:$0x14600];
	[smem:$0x7AE] =	sst s26  }
0x165: {  	(xrf2) =	vadd.scan.msk.f32 $0xffff, v11;
	v24 =	vadd.s32 @!p0 $0x4000, v14;
	s29 =	rddreg [dreg:$0x19];
	s23 =	sadd.s32 $0x0, s21  }
0x166: {  	s15 =	simm.s32 @!p0 $0xF580;
	v26 =	vld @!p0 [tilespmem:$0x14610];
	s30 =	sadd.s32 $0x0, s29;
	s25 =	sand.u32 $0x1FFFFF80, s23  }
0x167: {  	(xrf2) =	vadd.scan.msk.f32 $0xffff, v15;
	s0 =	sor.u32 $0x1, s17;
	v15 =	vadd.s32 @!p0 $0x4000, v12;
	s11 =	sand.u32 $0x3, s30;
	s9 =	sor.u32 s26, s25;
	v11 =	vld.idx.msk [tilespmem:v22+s6+$0x0], $0xffff;
	vm3 =	vne.s32 v5, v10  }
0x168: {  	s3 =	rddreg [dreg:$0x18];
	v27 =	vld.idx.msk [tilespmem:v23+s6+$0x0], $0xffff;
	v22 =	vadd.s32 s0, v13;
	s4 =	sshll.u32 s11, $0xC;
	s9 =	ssub.s32 s9, s5;
	vm10 =	vmor vm0, vm3  }
0x169: {  	(xrf2) =	vadd.scan.msk.f32 $0xffff, v16;
	s12 =	rddreg [dreg:$0x16];
	s0 =	sadd.s32 $0x0, s3;
	v14 =	vld.idx.msk [tilespmem:v20+s6+$0x0], $0xffff;
	v20 =	vadd.s32 s4, v5;
	s2 =	sor.u32 $0x1, s9  }
0x16a: {  	s16 =	sadd.s32 $0x0, s12;
	s12 =	sand.u32 $0x3, s0;
	vm12 =	vmand vm3, vm9;
	[tilespmem:v24+s15+$0x0] =	vst.idx.add.f32.msk @!p0 vm2, v21;
	vm2 =	vne.s32 v8, v25;
	v13 =	vadd.s32 s2, v13  }
0x16b: {  	v16, _, _ =	vpop (xrf2);
	(xrf2) =	vadd.scan.msk.f32 $0xffff, v17;
	v17 =	vadd.s32 s4, v10;
	v12 =	vld [tilespmem:s9+$0xC380];
	s18 =	sshll.u32 s12, $0xC;
	vm13 =	vmor vm0, vm2  }
0x16c: {  	s9 =	sand.u32 $0x3, s16;
	s17 =	rddreg [dreg:$0x14];
	v23 =	vadd.s32 s18, v8;
	[tilespmem:v15+s15+$0x0] =	vst.idx.add.f32.msk @!p0 vm1, v26;
	vm14 =	vmand vm2, vm9;
	vm1 =	vne.s32 v4, v11  }
0x16d: {  	(xrf2) =	vadd.scan.msk.f32 $0xffff, v18;
	v21 =	vsub.f32 $0.0e+00, v16;
	s20 =	sshll.u32 s9, $0xC;
	v18 =	vadd.s32 s18, v25;
	s0 =	sadd.s32 $0x0, s17;
	v26 =	vld.idx.msk [tilespmem:v22+s6+$0x0], $0xffff;
	vm11 =	vmor vm0, vm1  }
0x16e: {  	v15 =	vadd.s32 s20, v4;
	s3 =	sld [smem:$0x7F7];
	s19 =	sand.u32 $0x3, s0;
	vm4 =	vmand vm1, vm9;
	vm1 =	vne.s32 v6, v14;
	[tilespmem:v20+s8+$0x0] =	vst.idx.add.f32.msk vm10, v16  }
0x16f: {  	s21 =	sshll.u32 s19, $0xC;
	vm5 =	vmor vm0, vm1;
	v28 =	vld.idx.msk [tilespmem:v13+s6+$0x0], $0xffff;
	v13, _, _ =	vpop (xrf2);
	(xrf2) =	vadd.scan.msk.f32 $0xffff, v19;
	v19 =	vadd.s32 s20, v11  }
0x170: {  	v22 =	vadd.s32 s21, v6;
	vm6 =	vmand vm1, vm9;
	s2 =	sld [smem:$0x7F6];
	[tilespmem:v17+s8+$0x0] =	vst.idx.add.f32.msk vm12, v21;
	v16 =	vsub.f32 $0.0e+00, v13  }
0x171: {  	s23 =	sadd.s32 $0x0, s3;
	v21 =	vadd.s32 s21, v14;
	v17, _, _ =	vpop (xrf2);
	[tilespmem:v23+s8+$0x0] =	vst.idx.add.f32.msk vm13, v13  }
0x172: {  	vm1 =	vne.s32 v7, v27;
	s15 =	sand.u32 $0x3, s23;
	v13 =	vsub.f32 $0.0e+00, v17;
	[tilespmem:v18+s8+$0x0] =	vst.idx.add.f32.msk vm14, v16  }
0x173: {  	vm7 =	vmor vm0, vm1;
	s26 =	sshll.u32 s15, $0xC;
	v18, _, _ =	vpop (xrf2);
	s4 =	sld [smem:$0x7F5];
	[tilespmem:v15+s8+$0x0] =	vst.idx.add.f32.msk vm11, v17  }
0x174: {  	vm8 =	vmand vm1, vm9;
	v20 =	vadd.s32 s26, v7;
	v15 =	vsub.f32 $0.0e+00, v18;
	[tilespmem:v19+s8+$0x0] =	vst.idx.add.f32.msk vm4, v13  }
0x175: {  	v23 =	vadd.s32 s26, v27;
	s25 =	sadd.s32 $0x0, s2;
	[tilespmem:v22+s8+$0x0] =	vst.idx.add.f32.msk vm5, v18  }
0x176: {  	p3 =	sne.s32 s9, $0x0;
	vm2 =	vne.s32 v9, v26;
	s0 =	sand.u32 $0x3, s25;
	[tilespmem:v21+s8+$0x0] =	vst.idx.add.f32.msk vm6, v15  }
0x177: {  	vm1 =	vmor vm0, vm2;
	s28 =	sshll.u32 s0, $0xC;
	v13, _, _ =	vpop (xrf2);
	v29 =	vld @!p3 [tilespmem:$0x14600]  }
0x178: {  	v16 =	vadd.s32 s28, v9;
	v24 =	vld @!p3 [tilespmem:$0x14610];
	v19 =	vsub.f32 $0.0e+00, v13  }
0x179: {  	vm3 =	vmand vm2, vm9;
	[tilespmem:v20+s8+$0x0] =	vst.idx.add.f32.msk vm7, v13  }
0x17a: {  	p4 =	sne.s32 s19, $0x0;
	v17 =	vadd.s32 s28, v26;
	s29 =	sadd.s32 $0x0, s4;
	[tilespmem:v23+s8+$0x0] =	vst.idx.add.f32.msk vm8, v19  }
0x17b: {  	p6 =	sne.s32 s15, $0x0;
	vm15 =	vne.s32 v12, v28;
	s30 =	sand.u32 $0x3, s29;
	v23 =	vld @!p4 [tilespmem:$0x14600]  }
0x17c: {  	vm0 =	vmor vm0, vm15;
	v15, _, _ =	vpop (xrf2);
	s18 =	sshll.u32 s30, $0xC;
	v20 =	vld @!p6 [tilespmem:$0x14600]  }
0x17d: {  	p0 =	sne.s32 s12, $0x0;
	v13 =	vsub.f32 $0.0e+00, v15;
	v18 =	vadd.s32 s18, v12;
	[tilespmem:v16+s8+$0x0] =	vst.idx.add.f32.msk vm1, v15  }
0x17e: {  	vm2 =	vmand vm15, vm9;
	v16 =	vld @!p0 [tilespmem:$0x14600]  }
0x17f: {  	p1 =	sne.s32 s11, $0x0;
	v21 =	vadd.s32 s18, v28;
	[tilespmem:v17+s8+$0x0] =	vst.idx.add.f32.msk vm3, v13  }
0x180: {  	v13 =	vld @!p1 [tilespmem:$0x14600]  }
0x181: {  	v19, _, _ =	vpop (xrf2);
	v17 =	vld @!p0 [tilespmem:$0x14610]  }
0x182: {  	v15 =	vsub.f32 $0.0e+00, v19;
	[tilespmem:v18+s8+$0x0] =	vst.idx.add.f32.msk vm0, v19  }
0x183: {  	v5 =	vadd.s32 @!p1 $0x4000, v5;
	v19 =	vld @!p6 [tilespmem:$0x14610]  }
0x184: {  	p2 =	sne.s32 s0, $0x0;
	v18 =	vadd.s32 @!p0 $0x4000, v8;
	[tilespmem:v21+s8+$0x0] =	vst.idx.add.f32.msk vm2, v15  }
0x185: {  	v10 =	vadd.s32 @!p1 $0x4000, v10;
	p5 =	por p2, p2;
	v15 =	vld @!p1 [tilespmem:$0x14610]  }
0x186: {  	v22 =	vadd.s32 @!p0 $0x4000, v25;
	v8 =	vld @!p5 [tilespmem:$0x14600]  }
0x187: {  	s0 =	simm.s32 @!p1 $0xF580;
	v21 =	vld @!p4 [tilespmem:$0x14610]  }
0x188: {  	s9 =	simm.s32 @!p0 $0xF580;
	[tilespmem:v5+s0+$0x0] =	vst.idx.add.f32.msk @!p1 vm10, v13  }
0x189: {  	[tilespmem:v18+s9+$0x0] =	vst.idx.add.f32.msk @!p0 vm13, v16  }
0x18a: {  	[tilespmem:v10+s0+$0x0] =	vst.idx.add.f32.msk @!p1 vm12, v15  }
0x18b: {  	s14 =	simm.s32 $0x0;
	p1 =	sne.s32 s30, $0x0;
	[tilespmem:v22+s9+$0x0] =	vst.idx.add.f32.msk @!p0 vm14, v17  }
0x18c: {  	s16 =	smov.u32 s22;
	v15 =	vadd.s32 @!p3 $0x4000, v4;
	v10 =	vld @!p5 [tilespmem:$0x14610];
	s0 =	simm.s32 @!p6 $0x0;
	p0 =	por p1, p1  }
0x18d: {  	s17 =	simm.s32 $0x0;
	s19 =	simm.s32 @!p4 $0xF580;
	v5 =	vadd.s32 @!p2 $0x4000, v9;
	s0 =	simm.s32 @p6 $0x1;
	v9 =	vld @!p0 [tilespmem:$0x14600]  }
0x18e: {  	s20 =	simm.s32 @!p3 $0xF580;
	v22 =	vadd.s32 @!p3 $0x4000, v11;
	v11 =	vld @!p0 [tilespmem:$0x14610];
	[smem:$0x7AF] =	sst s0;
	s0 =	simm.s32 @!p0 $0x0  }
0x18f: {  	s15 =	simm.s32 $0x20;
	s12 =	simm.s32 @!p2 $0xF580;
	v13 =	vadd.s32 @!p4 $0x4000, v6;
	s0 =	simm.s32 @p0 $0x1  }
0x190: {  	s18 =	simm.s32 @!p6 $0xF580;
	v18 =	vadd.s32 @!p4 $0x4000, v14;
	v17 =	vadd.s32 @!p6 $0x4000, v27;
	v4 =	vadd.s32 @!p1 $0x4000, v12;
	s11 =	simm.s32 @!p1 $0xF580;
	[smem:$0x7B0] =	sst s0  }
0x191: {  	p1 =	por p4, p4;
	v12 =	vadd.s32 @!p6 $0x4000, v7;
	p4 =	por p5, p5;
	v7 =	vadd.s32 @!p5 $0x4000, v26;
	p6 =	por p3, p3;
	v6 =	vadd.s32 @!p0 $0x4000, v28;
	[tilespmem:v15+s20+$0x0] =	vst.idx.add.f32.msk @!p3 vm11, v29  }
.LBB2_8:
0x192: {  	s25 =	rddreg [dreg:$0x1a]  }
0x193: {  	s9 =	sld [smem:$0x7E4]  }
0x194: {  	s0 =	simm.s32 @!p4 $0x0;
	s26 =	rddreg [dreg:$0x17]  }
0x195: {  	s16 =	sadd.s32 $0x80, s16;
	s14 =	sadd.s32 $0x8, s14;
	s29 =	rddreg [dreg:$0x13]  }
0x196: {  	s10 =	sadd.s32 $0x80, s10;
	s30 =	rddreg [dreg:$0x12];
	s17 =	sadd.s32 $0x1, s17  }
0x197: {  	v14 =	vld [tilespmem:$0x14580];
	s0 =	simm.s32 @p4 $0x1;
	s21 =	sadd.s32 $0xFFFFFFA0, s16;
	s22 =	sand.u32 $0x40, s16  }
0x198: {  	p0 =	slt.u32 s14, $0xC28;
	v15 =	vld [tilespmem:s10+$0xFFFFFFC0];
	[smem:$0x7A3] =	sst s0;
	s0 =	sadd.s32 s15, s25  }
0x199: {  	v16 =	vld [tilespmem:s10+$0xFFFFFFD0];
	s23 =	simm.s32 @!p0 $0x0;
	s25 =	sld [smem:$0x7AF];
	s21 =	sand.u32 $0x60, s21  }
0x19a: {  	s9 =	sadd.s32 s15, s9;
	s23 =	simm.s32 @p0 $0x1;
	s0 =	sand.u32 $0x1FFFFF80, s0;
	[tilespmem:v22+s20+$0x0] =	vst.idx.add.f32.msk @!p6 vm4, v24  }
0x19b: {  	s9 =	sand.u32 $0x1FFFFF80, s9;
	s20 =	sadd.s32 s15, s26;
	[tilespmem:v13+s19+$0x0] =	vst.idx.add.f32.msk @!p1 vm5, v23;
	[smem:$0x7A7] =	sst s23  }
0x19c: {  	s23 =	sadd.s32 $0xFFFFFFC0, s16;
	s26 =	sadd.s32 $0xFFFFFFD0, s16;
	v13 =	vld [tilespmem:s10+$0x30];
	s9 =	sor.u32 s22, s9  }
0x19d: {  	s22 =	sadd.s32 $0xFFFFFFB0, s16;
	[tilespmem:v18+s19+$0x0] =	vst.idx.add.f32.msk @!p1 vm6, v21;
	s19 =	sadd.s32 s15, s24;
	s9 =	ssub.s32 s9, s5  }
0x19e: {  	v24 =	vld [tilespmem:s10+$0x10];
	p0 =	seq.s32 s25, $0x1;
	s25 =	sadd.s32 s15, s29;
	s28 =	sor.u32 $0x1, s9  }
0x19f: {  	s24 =	sadd.s32 $0xFFFFFFE0, s16;
	s29 =	sadd.s32 $0xFFFFFFF0, s16;
	s20 =	sand.u32 $0x1FFFFF80, s20;
	[tilespmem:v12+s18+$0x0] =	vst.idx.add.f32.msk @!p0 vm7, v20;
	v12 =	vadd.s32 s28, v14  }
0x1a0: {  	s23 =	sand.u32 $0x40, s23;
	s26 =	sand.u32 $0x50, s26;
	v21 =	vld [tilespmem:s10+$0x20];
	s19 =	sand.u32 $0x1FFFFF80, s19  }
0x1a1: {  	s22 =	sand.u32 $0x70, s22;
	s25 =	sand.u32 $0x1FFFFF80, s25;
	s24 =	sand.u32 $0x60, s24;
	[tilespmem:v17+s18+$0x0] =	vst.idx.add.f32.msk @!p0 vm8, v19  }
0x1a2: {  	s29 =	sand.u32 $0x70, s29;
	s18 =	sadd.s32 s15, s30;
	s30 =	rddreg [dreg:$0x10];
	v19 =	vld [tilespmem:s10+$0xFFFFFFE0]  }
0x1a3: {  	s21 =	sor.u32 s21, s20;
	v22 =	vld [tilespmem:s9+$0xC380];
	s9 =	rddreg [dreg:$0x5];
	s19 =	sor.u32 s22, s19  }
0x1a4: {  	s25 =	sor.u32 s23, s25;
	s28 =	rddreg [dreg:$0x11];
	s30 =	sadd.s32 s15, s30;
	(xrf2) =	vadd.scan.msk.f32 $0xffff, v13;
	v12 =	vld.idx.msk [tilespmem:v12+s6+$0x0], $0xffff  }
0x1a5: {  	s18 =	sand.u32 $0x1FFFFF80, s18;
	s0 =	sor.u32 s9, s0;
	v23 =	vld [tilespmem:s10+$0x0];
	s9 =	ssub.s32 s21, s5;
	(xrf2) =	vadd.scan.msk.f32 $0xffff, v15  }
0x1a6: {  	s19 =	ssub.s32 s19, s5;
	s20 =	ssub.s32 s25, s5;
	s28 =	sadd.s32 s15, s28;
	v13 =	vld [tilespmem:s10+$0xFFFFFFF0]  }
0x1a7: {  	s30 =	sand.u32 $0x1FFFFF80, s30;
	s0 =	ssub.s32 s0, s5;
	v26 =	vld [tilespmem:s9+$0xC380];
	s28 =	sand.u32 $0x1FFFFF80, s28  }
0x1a8: {  	s9 =	sor.u32 $0x1, s9;
	v27 =	vld [tilespmem:s19+$0xC380];
	s28 =	sor.u32 s24, s28;
	s24 =	sadd.s32 s17, s31  }
0x1a9: {  	vm9 =	veq.s32 v14, $0xF;
	s18 =	sor.u32 s26, s18;
	v25 =	vld [tilespmem:s0+$0xC380];
	s0 =	sor.u32 $0x1, s0;
	v28 =	vadd.s32 s9, v14;
	s23 =	sand.u32 $0x3, s24;
	vm5 =	vne.s32 v22, v12  }
0x1aa: {  	vm10 =	vne.s32 v14, $0xF;
	v17 =	vld [tilespmem:s20+$0xC380];
	s30 =	sor.u32 s29, s30;
	s18 =	ssub.s32 s18, s5;
	(xrf2) =	vadd.scan.msk.f32 $0xffff, v16;
	v16 =	vadd.s32 s0, v14;
	s25 =	sshll.u32 s23, $0xC;
	vm4 =	vmor vm9, vm5  }
0x1ab: {  	s22 =	ssub.s32 s30, s5;
	v18 =	vld [tilespmem:s18+$0xC380];
	v15 =	vadd.s32 s25, v22;
	vm5 =	vmand vm5, vm10  }
0x1ac: {  	s19 =	sor.u32 $0x1, s19;
	s26 =	sor.u32 $0x1, s20;
	s21 =	ssub.s32 s28, s5;
	v20 =	vld [tilespmem:s22+$0xC380];
	v29 =	vadd.s32 s25, v12  }
0x1ad: {  	v30 =	vadd.s32 s19, v14;
	v31 =	vadd.s32 s26, v14;
	s28 =	sor.u32 $0x1, s18;
	s26 =	sor.u32 $0x1, s22;
	(xrf2) =	vadd.scan.msk.f32 $0xffff, v19;
	s20 =	sor.u32 $0x1, s21;
	v19 =	vld [tilespmem:s21+$0xC380]  }
0x1ae: {  	s29 =	rddreg [dreg:$0x19];
	v32 =	vadd.s32 s28, v14;
	v34 =	vadd.s32 s26, v14;
	v33 =	vadd.s32 s20, v14;
	v28 =	vld.idx.msk [tilespmem:v28+s6+$0x0], $0xffff;
	v14, _, _ =	vpop (xrf2);
	(xrf2) =	vadd.scan.msk.f32 $0xffff, v13  }
0x1af: {  	s30 =	rddreg [dreg:$0x18];
	v35 =	vsub.f32 $0.0e+00, v14;
	v57, _, _ =	vpop (xrf2);
	(xrf2) =	vadd.scan.msk.f32 $0xffff, v23;
	v23 =	vld.idx.msk [tilespmem:v16+s6+$0x0], $0xffff  }
0x1b0: {  	s24 =	sadd.s32 s17, s29;
	s29 =	rddreg [dreg:$0x14];
	[tilespmem:v15+s8+$0x0] =	vst.idx.add.f32.msk vm4, v14  }
0x1b1: {  	s28 =	rddreg [dreg:$0x16];
	p2 =	sne.s32 s23, $0x0;
	s25 =	sadd.s32 s17, s30;
	[tilespmem:v29+s8+$0x0] =	vst.idx.add.f32.msk vm5, v35  }
0x1b2: {  	s18 =	sadd.s32 s17, s29;
	s0 =	sand.u32 $0x3, s24;
	v22 =	vadd.s32 @!p2 $0x4000, v22;
	s22 =	sand.u32 $0x3, s25;
	v36 =	vld @!p2 [tilespmem:$0x14600]  }
0x1b3: {  	s9 =	sadd.s32 s17, s28;
	s31 =	sshll.u32 s0, $0xC;
	v40 =	vadd.s32 @!p2 $0x4000, v12;
	p0 =	sne.s32 s22, $0x0;
	v39 =	vld @!p2 [tilespmem:$0x14610]  }
0x1b4: {  	p5 =	sne.s32 s0, $0x0;
	s29 =	sand.u32 $0x3, s9;
	v30 =	vld.idx.msk [tilespmem:v30+s6+$0x0], $0xffff;
	s0 =	simm.s32 @!p0 $0x0  }
0x1b5: {  	v31 =	vld.idx.msk [tilespmem:v31+s6+$0x0], $0xffff;
	s9 =	sshll.u32 s22, $0xC;
	s22 =	sld [smem:$0x7A3];
	s0 =	simm.s32 @p0 $0x1  }
0x1b6: {  	v37 =	vadd.s32 s31, v25;
	s28 =	sshll.u32 s29, $0xC;
	v33 =	vld.idx.msk [tilespmem:v33+s6+$0x0], $0xffff;
	[smem:$0x7A6] =	sst s0;
	s0 =	simm.s32 @!p2 $0xF580  }
0x1b7: {  	v41 =	vadd.s32 s28, v27;
	v16 =	vadd.s32 @!p5 $0x4000, v25;
	v44, _, _ =	vpop (xrf2);
	(xrf2) =	vadd.scan.msk.f32 $0xffff, v24;
	[tilespmem:v22+s0+$0x0] =	vst.idx.add.f32.msk @!p2 vm4, v36  }
0x1b8: {  	v38 =	vadd.s32 s9, v26;
	v22, _, _ =	vpop (xrf2);
	(xrf2) =	vadd.scan.msk.f32 $0xffff, v21;
	vm4 =	vne.s32 v25, v23;
	[tilespmem:v40+s0+$0x0] =	vst.idx.add.f32.msk @!p2 vm5, v39;
	p2 =	seq.s32 s22, $0x1  }
0x1b9: {  	s24 =	sadd.s32 s17, s2;
	v21 =	vadd.s32 s31, v23;
	vm11 =	vmor vm9, vm4;
	[tilespmem:v5+s12+$0x0] =	vst.idx.add.f32.msk @!p2 vm1, v8;
	v8 =	vadd.s32 s9, v28;
	s9 =	sld [smem:$0x7B0]  }
0x1ba: {  	s20 =	sand.u32 $0x3, s24;
	p4 =	sne.s32 s29, $0x0;
	v25 =	vadd.s32 @!p5 $0x4000, v23;
	v23 =	vld.idx.msk [tilespmem:v32+s6+$0x0], $0xffff;
	vm5 =	vne.s32 v26, v28;
	vm13 =	vmand vm4, vm10  }
0x1bb: {  	s26 =	sadd.s32 s17, s4;
	p3 =	sne.s32 s20, $0x0;
	v14 =	vadd.s32 @!p4 $0x4000, v27;
	vm4 =	vne.s32 v27, v30;
	v27 =	vld.idx.msk [tilespmem:v34+s6+$0x0], $0xffff;
	vm12 =	vmor vm9, vm5  }
0x1bc: {  	v24 =	vadd.s32 @!p3 $0x4000, v19;
	s0 =	simm.s32 @!p3 $0xF580;
	vm14 =	vmor vm9, vm4;
	[tilespmem:v7+s12+$0x0] =	vst.idx.add.f32.msk @!p2 vm3, v10;
	p2 =	por p3, p3;
	p3 =	seq.s32 s9, $0x1  }
0x1bd: {  	s18 =	sand.u32 $0x3, s18;
	s21 =	sand.u32 $0x3, s26;
	vm15 =	vmand vm5, vm10;
	[tilespmem:v4+s11+$0x0] =	vst.idx.add.f32.msk @!p3 vm0, v9  }
0x1be: {  	s26 =	sshll.u32 s18, $0xC;
	p1 =	sne.s32 s18, $0x0;
	s18 =	simm.s32 @!p5 $0x0;
	v58 =	vsub.f32 $0.0e+00, v57;
	vm4 =	vmand vm4, vm10;
	vm1 =	vne.s32 v17, v31;
	[tilespmem:v6+s11+$0x0] =	vst.idx.add.f32.msk @!p3 vm2, v11  }
0x1bf: {  	s18 =	simm.s32 @p5 $0x1;
	v62 =	vadd.s32 s28, v30;
	vm5 =	vmor vm9, vm1;
	[tilespmem:v37+s8+$0x0] =	vst.idx.add.f32.msk vm11, v57  }
0x1c0: {  	s24 =	sshll.u32 s21, $0xC;
	v42 =	vadd.s32 s26, v17;
	[smem:$0x7A5] =	sst s18;
	s30 =	sadd.s32 s17, s3;
	[tilespmem:v21+s8+$0x0] =	vst.idx.add.f32.msk vm13, v58  }
0x1c1: {  	s18 =	simm.s32 @!p1 $0x0;
	s19 =	sand.u32 $0x3, s30;
	v45 =	vsub.f32 $0.0e+00, v44;
	s28 =	sld [smem:$0x7A6];
	vm6 =	vmand vm1, vm10;
	[tilespmem:v38+s8+$0x0] =	vst.idx.add.f32.msk vm12, v44  }
0x1c2: {  	s18 =	simm.s32 @p1 $0x1;
	s30 =	sshll.u32 s19, $0xC;
	v59 =	vsub.f32 $0.0e+00, v22;
	v10 =	vadd.s32 s26, v31;
	s26 =	sld [smem:$0x7A5];
	[tilespmem:v41+s8+$0x0] =	vst.idx.add.f32.msk vm14, v22  }
0x1c3: {  	v13 =	vadd.s32 @!p1 $0x4000, v17;
	p6 =	sne.s32 s19, $0x0;
	s23 =	simm.s32 @!p0 $0xF580;
	v15 =	vadd.s32 @!p0 $0x4000, v26;
	p0 =	sne.s32 s21, $0x0;
	[tilespmem:v8+s8+$0x0] =	vst.idx.add.f32.msk vm15, v45  }
0x1c4: {  	s19 =	simm.s32 @!p1 $0xF580;
	v43 =	vadd.s32 s30, v18;
	v48 =	vadd.s32 @!p0 $0x4000, v20;
	s21 =	simm.s32 @!p0 $0xF580;
	p1 =	seq.s32 s28, $0x1;
	v60, _, _ =	vpop (xrf2);
	vm1 =	vne.s32 v18, v23;
	[tilespmem:v62+s8+$0x0] =	vst.idx.add.f32.msk vm4, v59  }
0x1c5: {  	s28 =	sld [smem:$0x7A6];
	v26 =	vsub.f32 $0.0e+00, v60;
	vm7 =	vmor vm9, vm1;
	vm8 =	vmand vm1, vm10;
	p3 =	por p0, p0;
	p0 =	seq.s32 s26, $0x1;
	[tilespmem:v42+s8+$0x0] =	vst.idx.add.f32.msk vm5, v60  }
0x1c6: {  	s29 =	simm.s32 @!p5 $0xF580;
	s25 =	sshll.u32 s20, $0xC;
	[smem:$0x7A4] =	sst s18;
	v5 =	vmovc v24;
	vm1 =	vne.s32 v20, v27;
	v24 =	vadd.s32 s24, v27;
	v6 =	vadd.s32 @!p3 $0x4000, v27;
	v27 =	vld @!p0 [tilespmem:$0x14610]  }
0x1c7: {  	s20 =	simm.s32 @!p4 $0xF580;
	v12 =	vadd.s32 @!p6 $0x4000, v18;
	s18 =	simm.s32 @!p6 $0xF580;
	s22 =	sld [smem:$0x7A4];
	v17 =	vadd.s32 @!p6 $0x4000, v23;
	vm0 =	vne.s32 v19, v33;
	[tilespmem:v10+s8+$0x0] =	vst.idx.add.f32.msk vm6, v26  }
0x1c8: {  	p5 =	por p4, p4;
	p4 =	por p6, p6;
	p6 =	seq.s32 s28, $0x1;
	vm2 =	vmor vm9, vm0;
	vm3 =	vmand vm0, vm10;
	vm0 =	vmor vm9, vm1;
	v26 =	vld @!p0 [tilespmem:$0x14600]  }
0x1c9: {  	v47 =	vadd.s32 s24, v20;
	v28 =	vadd.s32 @!p1 $0x4000, v28;
	vm9 =	vmand vm1, vm10;
	v29 =	vld @!p6 [tilespmem:$0x14600]  }
0x1ca: {  	p1 =	seq.s32 s22, $0x1;
	vm1 =	vmmov vm2;
	v22 =	vadd.s32 @!p5 $0x4000, v30;
	v8 =	vadd.s32 s30, v23;
	v30 =	vld @!p6 [tilespmem:$0x14610]  }
0x1cb: {  	v46 =	vadd.s32 s25, v19;
	v61, _, _ =	vpop (xrf2);
	v18 =	vadd.s32 @!p1 $0x4000, v31;
	v31 =	vld @!p5 [tilespmem:$0x14600]  }
0x1cc: {  	v9, _, _ =	vpop (xrf2);
	v23 =	vld @!p1 [tilespmem:$0x14600]  }
0x1cd: {  	v63 =	vsub.f32 $0.0e+00, v61;
	v19, _, _ =	vpop (xrf2);
	[tilespmem:v43+s8+$0x0] =	vst.idx.add.f32.msk vm7, v61  }
0x1ce: {  	[tilespmem:v47+s8+$0x0] =	vst.idx.add.f32.msk vm0, v19  }
0x1cf: {  	v20 =	vadd.s32 s25, v33;
	v21 =	vsub.f32 $0.0e+00, v19;
	[tilespmem:v8+s8+$0x0] =	vst.idx.add.f32.msk vm8, v63  }
0x1d0: {  	[tilespmem:v46+s8+$0x0] =	vst.idx.add.f32.msk vm1, v9  }
0x1d1: {  	[tilespmem:v24+s8+$0x0] =	vst.idx.add.f32.msk vm9, v21  }
0x1d2: {  	v11 =	vsub.f32 $0.0e+00, v9;
	v24 =	vld @!p5 [tilespmem:$0x14610]  }
0x1d3: {  	v21 =	vld @!p1 [tilespmem:$0x14610]  }
0x1d4: {  	[tilespmem:v20+s8+$0x0] =	vst.idx.add.f32.msk vm3, v11  }
0x1d5: {  	v20 =	vld @!p4 [tilespmem:$0x14600]  }
0x1d6: {  	v19 =	vld @!p4 [tilespmem:$0x14610]  }
0x1d7: {  	s30 =	sld [smem:$0x7A7];
	v9 =	vld @!p3 [tilespmem:$0x14600]  }
0x1d8: {  	v11 =	vld @!p3 [tilespmem:$0x14610]  }
0x1d9: {  	[tilespmem:v16+s29+$0x0] =	vst.idx.add.f32.msk @!p0 vm11, v26  }
0x1da: {  	[tilespmem:v25+s29+$0x0] =	vst.idx.add.f32.msk @!p0 vm13, v27;
	p0 =	seq.s32 s30, $0x1  }
.Ltmp3:
0x1db: {  	s12 =	smov.u32 s0;
	s0 =	simm.s32 @!p4 $0x0;
	[tilespmem:v15+s23+$0x0] =	vst.idx.add.f32.msk @!p6 vm12, v29;
	(pc) =	sbr.rel @p0 .LBB2_8-.Ltmp3, $4  }
0x1dc: {  	s31 =	sld [smem:$0x7E6];
	s0 =	simm.s32 @p4 $0x1;
	[tilespmem:v14+s20+$0x0] =	vst.idx.add.f32.msk @!p5 vm14, v31  }
0x1dd: {  	s15 =	sadd.s32 $0x20, s15;
	[smem:$0x7AF] =	sst s0;
	s0 =	simm.s32 @!p3 $0x0;
	v8 =	vld @!p2 [tilespmem:$0x14600]  }
0x1de: {  	s24 =	rddreg [dreg:$0x15];
	s11 =	smov.u32 s21;
	s0 =	simm.s32 @p3 $0x1;
	v10 =	vld @!p2 [tilespmem:$0x14610]  }
0x1df: {  	v7 =	vadd.s32 @!p2 $0x4000, v33;
	v4 =	vmov v48;
	vm2 =	vmmov vm9;
	[smem:$0x7B0] =	sst s0;
	p4 =	por p2, p2;
	[tilespmem:v28+s23+$0x0] =	vst.idx.add.f32.msk @!p6 vm15, v30;
	p6 =	por p5, p5  }
0x1e0: {  	_ =	sdelay $0x4  }
0x1e1: {  	[tilespmem:v22+s20+$0x0] =	vst.idx.add.f32.msk @!p6 vm4, v24  }
0x1e2: {  	[tilespmem:v13+s19+$0x0] =	vst.idx.add.f32.msk @!p1 vm5, v23  }
0x1e3: {  	[tilespmem:v18+s19+$0x0] =	vst.idx.add.f32.msk @!p1 vm6, v21  }
0x1e4: {  	s0 =	sld [smem:$0x7AF];
	_ =	sdelay $0x1  }
0x1e5: {  	[tilespmem:v5+s12+$0x0] =	vst.idx.add.f32.msk @!p4 vm1, v8  }
0x1e6: {  	[tilespmem:v7+s12+$0x0] =	vst.idx.add.f32.msk @!p4 vm3, v10;
	p0 =	seq.s32 s0, $0x1  }
0x1e7: {  	[tilespmem:v12+s18+$0x0] =	vst.idx.add.f32.msk @!p0 vm7, v20  }
0x1e8: {  	[tilespmem:v17+s18+$0x0] =	vst.idx.add.f32.msk @!p0 vm8, v19  }
0x1e9: {  	s31 =	sld [smem:$0x7B0];
	_ =	sdelay $0x2  }
0x1ea: {  	p0 =	seq.s32 s31, $0x1  }
0x1eb: {  	[tilespmem:v4+s11+$0x0] =	vst.idx.add.f32.msk @!p0 vm0, v9  }
0x1ec: {  	[tilespmem:v6+s11+$0x0] =	vst.idx.add.f32.msk @!p0 vm2, v11  }
0x1ed: {  	s9 =	sld [smem:$0x7E7]  }
0x1ee: {  	s10 =	sld [smem:$0x7E8]  }
0x1ef: {  	s2 =	simm.s32 $0x0  }
.LBB2_10:
0x1f0: {  	v4 =	vld [tilespmem:$0x14580]  }
0x1f1: {  	s0 =	sand.u32 $0x1FFFFF80, s10;
	s11 =	sand.u32 $0x70, s9  }
0x1f2: {  	s0 =	sor.u32 s11, s0  }
0x1f3: {  	s0 =	ssub.s32 s0, s5  }
0x1f4: {  	s12 =	sshra.s32 s2, $0x2;
	s29 =	sor.u32 $0x1, s0  }
0x1f5: {  	v6 =	vld [tilespmem:s12+$0xC300];
	v5 =	vadd.s32 s29, v4;
	_ =	sdelay $0x3  }
0x1f6: {  	v7 =	vld [tilespmem:s0+$0xC380]  }
0x1f7: {  	(xrf2) =	vadd.scan.msk.f32 $0xffff, v6;
	v5 =	vld.idx.msk [tilespmem:v5+s6+$0x0], $0xffff;
	_ =	sdelay $0x3  }
0x1f8: {  	s30 =	sshrl.u32 s9, $0x7  }
0x1f9: {  	s0 =	sand.u32 $0x3, s30;
	vm1 =	veq.s32 v4, $0xF;
	vm0 =	vne.s32 v7, v5  }
0x1fa: {  	s31 =	sshll.u32 s0, $0xC;
	vm2 =	vne.s32 v4, $0xF;
	vm1 =	vmor vm1, vm0  }
0x1fb: {  	v4 =	vadd.s32 s31, v7;
	vm0 =	vmand vm0, vm2  }
0x1fc: {  	v63 =	vadd.s32 s31, v5;
	_ =	sdelay $0x1  }
0x1fd: {  	v8, _, _ =	vpop (xrf2)  }
0x1fe: {  	v9 =	vsub.f32 $0.0e+00, v8  }
0x1ff: {  	[tilespmem:v4+s8+$0x0] =	vst.idx.add.f32.msk vm1, v8  }
0x200: {  	p0 =	sne.s32 s0, $0x0;
	[tilespmem:v63+s8+$0x0] =	vst.idx.add.f32.msk vm0, v9  }
0x201: {  	s2 =	sadd.s32 $0x40, s2;
	v6 =	vadd.s32 @!p0 $0x4000, v7;
	v4 =	vld @!p0 [tilespmem:$0x14600]  }
0x202: {  	p1 =	sne.s32 s2, $0x140;
	v5 =	vadd.s32 @!p0 $0x4000, v5;
	v7 =	vld @!p0 [tilespmem:$0x14610]  }
.Ltmp4:
0x203: {  	_ = 	snop;
	(pc) =	sbr.rel @p1 .LBB2_10-.Ltmp4, $4  }
0x204: {  	_ = 	snop  }
0x205: {  	s0 =	simm.s32 @!p0 $0xF580  }
0x206: {  	[tilespmem:v6+s0+$0x0] =	vst.idx.add.f32.msk @!p0 vm1, v4  }
0x207: {  	s10 =	sadd.s32 $0x4, s10;
	s9 =	sadd.s32 $0x10, s9;
	[tilespmem:v5+s0+$0x0] =	vst.idx.add.f32.msk @!p0 vm0, v7  }
0x208: {  	s0 =	sld [smem:$0x7BC];
	_ =	sdelay $0x1  }
0x209: {  	s3 =	simm.s32 $0x0;
	s2 =	simm.s32 $0x1  }
0x20a: {  	[tilespmem:s3], [sflag:$0x1] =	stream.linear.gather [hbm4b:s0+s3], $0xC350, $0x38;
	[tilespmem:$0x14680] =	vst v63  }
0x20b: {  	_ =	swait.ge [sflag:s2], $0xC350  }
0x20c: {  	s22 =	sld [smem:$0x7C3]  }
0x20d: {  	[sflag:s2] =	ssyncset.done $0x0  }
0x20e: {  	[sflag:s2] =	ssyncadd.s32 $0xFFFF3CB0  }
0x20f: {  	[tilespmem:s6], [sflag:$0x1] =	stream.linear.gather [hbm4b:s22+s3], $0x31C0, $0x38;
	[tilespmem:$0x14680] =	vst v63  }
0x210: {  	_ =	swait.ge [sflag:s2], $0x31C0  }
0x211: {  	s23 =	sld [smem:$0x7E9]  }
0x212: {  	[sflag:s2] =	ssyncset.done $0x0;
	s22 =	sld [smem:$0x7EA]  }
0x213: {  	s25 =	sld [smem:$0x7D1];
	[sflag:s2] =	ssyncadd.s32 $0xFFFFCE40  }
0x214: {  	s29 =	rddreg [dreg:$0x1e];
	v13 =	vld [tilespmem:$0x14580];
	s0 =	sadd.s32 $0x0, s23  }
0x215: {  	s28 =	rddreg [dreg:$0x1d];
	s24 =	sand.u32 $0x50, s22;
	s0 =	sand.u32 $0x1FFFFF80, s0  }
0x216: {  	s10 =	simm.s32 $0x40;
	s30 =	rddreg [dreg:$0x1c];
	s0 =	sor.u32 s24, s0  }
0x217: {  	s17 =	sadd.s32 $0x0, s29;
	[smem:$0x79A] =	sst s24;
	s0 =	ssub.s32 s0, s7  }
0x218: {  	s19 =	sadd.s32 $0x0, s28;
	s21 =	sadd.s32 $0x0, s30;
	v5 =	vld [tilespmem:s10+$0x30];
	s9 =	sor.u32 $0x1, s0  }
0x219: {  	s26 =	sadd.s32 $0x0, s25;
	s11 =	sadd.s32 $0xFFFFFFA0, s22;
	s14 =	sadd.s32 $0xFFFFFFB0, s22;
	v9 =	vld [tilespmem:s10+$0xFFFFFFC0];
	v4 =	vadd.s32 s9, v13  }
0x21a: {  	s23 =	sld [smem:$0x7CD];
	s16 =	sadd.s32 $0xFFFFFFC0, s22;
	s18 =	sadd.s32 $0xFFFFFFD0, s22;
	v11 =	vld [tilespmem:s10+$0xFFFFFFD0]  }
0x21b: {  	s20 =	sadd.s32 $0xFFFFFFE0, s22;
	s2 =	sand.u32 $0x1FFFFF80, s26;
	s25 =	sand.u32 $0x70, s11;
	v15 =	vld [tilespmem:s10+$0xFFFFFFE0]  }
0x21c: {  	s4 =	sand.u32 $0x40, s14;
	s14 =	sand.u32 $0x1FFFFF80, s17;
	s24 =	sld [smem:$0x7CE];
	v16 =	vld [tilespmem:s10+$0xFFFFFFF0]  }
0x21d: {  	s17 =	sand.u32 $0x1FFFFF80, s19;
	s19 =	sand.u32 $0x1FFFFF80, s21;
	s21 =	rddreg [dreg:$0x6];
	v14 =	vld [tilespmem:s0+$0xC380]  }
0x21e: {  	s18 =	sand.u32 $0x60, s18;
	s26 =	sld [smem:$0x7EB];
	s0 =	sor.u32 s21, s2;
	(xrf2) =	vadd.scan.msk.f32 $0xffff, v5;
	v12 =	vld.idx.msk [tilespmem:v4+s6+$0x0], $0xffff  }
0x21f: {  	v17 =	vld [tilespmem:s10+$0x0];
	s15 =	sadd.s32 $0x0, s23;
	s12 =	sadd.s32 $0x0, s24;
	s0 =	ssub.s32 s0, s7  }
0x220: {  	v18 =	vld [tilespmem:s10+$0x10];
	s3 =	sand.u32 $0x1FFFFF80, s12;
	s12 =	sand.u32 $0x1FFFFF80, s15;
	[smem:$0x79B] =	sst s25  }
0x221: {  	s15 =	sand.u32 $0x50, s16;
	s9 =	sor.u32 s25, s3;
	v19 =	vld [tilespmem:s10+$0x20];
	[smem:$0x79C] =	sst s4  }
0x222: {  	s16 =	sadd.s32 $0x0, s26;
	s9 =	ssub.s32 s9, s7;
	v5 =	vld [tilespmem:s0+$0xC380];
	[smem:$0x79D] =	sst s15  }
0x223: {  	s30 =	sand.u32 $0x70, s20;
	vm0 =	veq.s32 v13, $0xF;
	s16 =	sand.u32 $0x3, s16;
	v8 =	vld [tilespmem:s9+$0xC380];
	s9 =	sor.u32 $0x1, s9;
	vm1 =	vne.s32 v14, v12  }
0x224: {  	vm9 =	vne.s32 v13, $0xF;
	s11 =	sor.u32 s4, s12;
	s12 =	sor.u32 s15, s14;
	s29 =	sshll.u32 s16, $0xC;
	v23 =	vadd.s32 s9, v13;
	vm2 =	vmor vm0, vm1  }
0x225: {  	s14 =	sor.u32 s18, s17;
	s11 =	ssub.s32 s11, s7;
	v10 =	vadd.s32 s29, v14;
	[smem:$0x79E] =	sst s18;
	vm1 =	vmand vm1, vm9  }
0x226: {  	s12 =	ssub.s32 s12, s7;
	s0 =	sor.u32 $0x1, s0;
	v4 =	vld [tilespmem:s11+$0xC380];
	[smem:$0x79F] =	sst s30;
	v20 =	vadd.s32 s29, v12  }
0x227: {  	s14 =	ssub.s32 s14, s7;
	v21 =	vadd.s32 s0, v13;
	v6 =	vld [tilespmem:s12+$0xC380]  }
0x228: {  	v7 =	vld [tilespmem:s14+$0xC380];
	v22, _, _ =	vpop (xrf2)  }
0x229: {  	v24 =	vsub.f32 $0.0e+00, v22;
	v25 =	vld.idx.msk [tilespmem:v23+s6+$0x0], $0xffff  }
0x22a: {  	s17 =	sadd.s32 $0xFFFFFFF0, s22;
	(xrf2) =	vadd.scan.msk.f32 $0xffff, v9;
	s11 =	sor.u32 $0x1, s11;
	[tilespmem:v10+s8+$0x0] =	vst.idx.add.f32.msk vm2, v22  }
0x22b: {  	p0 =	sne.s32 s16, $0x0;
	s25 =	sor.u32 $0x1, s14;
	s15 =	sor.u32 s30, s19;
	v22 =	vadd.s32 s11, v13;
	[tilespmem:v20+s8+$0x0] =	vst.idx.add.f32.msk vm1, v24  }
0x22c: {  	s4 =	ssub.s32 s15, s7;
	s15 =	sor.u32 $0x1, s12;
	v23 =	vadd.s32 s25, v13;
	v10 =	vld.idx.msk [tilespmem:v21+s6+$0x0], $0xffff;
	s18 =	rddreg [dreg:$0x1b]  }
0x22d: {  	s21 =	sand.u32 $0x40, s17;
	v9 =	vld [tilespmem:s4+$0xC380];
	v20 =	vadd.s32 s15, v13;
	s26 =	sld [smem:$0x7D0];
	s19 =	sadd.s32 $0x0, s18  }
0x22e: {  	(xrf2) =	vadd.scan.msk.f32 $0xffff, v11;
	v24 =	vadd.s32 @!p0 $0x4000, v14;
	v21 =	vld @!p0 [tilespmem:$0x14600];
	[smem:$0x7A0] =	sst s21;
	s20 =	sand.u32 $0x1FFFFF80, s19  }
0x22f: {  	s2 =	sld [smem:$0x7CF];
	v26 =	vld @!p0 [tilespmem:$0x14610];
	s9 =	sor.u32 s21, s20  }
0x230: {  	(xrf2) =	vadd.scan.msk.f32 $0xffff, v15;
	s0 =	sor.u32 $0x1, s4;
	v15 =	vadd.s32 @!p0 $0x4000, v12;
	s29 =	sadd.s32 $0x0, s26;
	v11 =	vld.idx.msk [tilespmem:v22+s6+$0x0], $0xffff;
	s9 =	ssub.s32 s9, s7  }
0x231: {  	s31 =	sld [smem:$0x7FA];
	v27 =	vld.idx.msk [tilespmem:v23+s6+$0x0], $0xffff;
	v22 =	vadd.s32 s0, v13;
	vm3 =	vne.s32 v5, v10;
	s11 =	sand.u32 $0x3, s29;
	s30 =	sor.u32 $0x1, s9  }
0x232: {  	(xrf2) =	vadd.scan.msk.f32 $0xffff, v16;
	s15 =	simm.s32 @!p0 $0xF580;
	s0 =	sadd.s32 $0x0, s2;
	v14 =	vld.idx.msk [tilespmem:v20+s6+$0x0], $0xffff;
	vm10 =	vmor vm0, vm3;
	s3 =	sshll.u32 s11, $0xC;
	v13 =	vadd.s32 s30, v13  }
0x233: {  	s12 =	sand.u32 $0x3, s0;
	vm12 =	vmand vm3, vm9;
	[tilespmem:v24+s15+$0x0] =	vst.idx.add.f32.msk @!p0 vm2, v21;
	vm2 =	vne.s32 v8, v25;
	v20 =	vadd.s32 s3, v5  }
0x234: {  	v16, _, _ =	vpop (xrf2);
	(xrf2) =	vadd.scan.msk.f32 $0xffff, v17;
	s4 =	sadd.s32 $0x0, s31;
	v12 =	vld [tilespmem:s9+$0xC380];
	s17 =	sshll.u32 s12, $0xC;
	v17 =	vadd.s32 s3, v10;
	vm13 =	vmor vm0, vm2  }
0x235: {  	s9 =	sand.u32 $0x3, s4;
	s16 =	rddreg [dreg:$0x1f];
	v23 =	vadd.s32 s17, v8;
	[tilespmem:v15+s15+$0x0] =	vst.idx.add.f32.msk @!p0 vm1, v26;
	vm14 =	vmand vm2, vm9;
	vm1 =	vne.s32 v4, v11  }
0x236: {  	(xrf2) =	vadd.scan.msk.f32 $0xffff, v18;
	v21 =	vsub.f32 $0.0e+00, v16;
	s18 =	sshll.u32 s9, $0xC;
	v18 =	vadd.s32 s17, v25;
	s0 =	sadd.s32 $0x0, s16;
	v26 =	vld.idx.msk [tilespmem:v22+s6+$0x0], $0xffff;
	vm11 =	vmor vm0, vm1  }
0x237: {  	v15 =	vadd.s32 s18, v4;
	s3 =	sld [smem:$0x7F9];
	s14 =	sand.u32 $0x3, s0;
	vm4 =	vmand vm1, vm9;
	vm1 =	vne.s32 v6, v14;
	v28 =	vld.idx.msk [tilespmem:v13+s6+$0x0], $0xffff  }
0x238: {  	s19 =	sshll.u32 s14, $0xC;
	vm5 =	vmor vm0, vm1;
	v13, _, _ =	vpop (xrf2);
	(xrf2) =	vadd.scan.msk.f32 $0xffff, v19;
	v19 =	vadd.s32 s18, v11;
	[tilespmem:v20+s8+$0x0] =	vst.idx.add.f32.msk vm10, v16  }
0x239: {  	v22 =	vadd.s32 s19, v6;
	vm6 =	vmand vm1, vm9;
	s2 =	sld [smem:$0x7F8];
	v16 =	vsub.f32 $0.0e+00, v13;
	[tilespmem:v17+s8+$0x0] =	vst.idx.add.f32.msk vm12, v21  }
0x23a: {  	s20 =	sadd.s32 $0x0, s3;
	v17, _, _ =	vpop (xrf2);
	v21 =	vadd.s32 s19, v14;
	[tilespmem:v23+s8+$0x0] =	vst.idx.add.f32.msk vm13, v13  }
0x23b: {  	vm1 =	vne.s32 v7, v27;
	s15 =	sand.u32 $0x3, s20;
	v13 =	vsub.f32 $0.0e+00, v17;
	[tilespmem:v18+s8+$0x0] =	vst.idx.add.f32.msk vm14, v16  }
0x23c: {  	vm7 =	vmor vm0, vm1;
	s25 =	sshll.u32 s15, $0xC;
	v18, _, _ =	vpop (xrf2);
	s4 =	sld [smem:$0x7CC];
	[tilespmem:v15+s8+$0x0] =	vst.idx.add.f32.msk vm11, v17  }
0x23d: {  	vm8 =	vmand vm1, vm9;
	v20 =	vadd.s32 s25, v7;
	v15 =	vsub.f32 $0.0e+00, v18;
	[tilespmem:v19+s8+$0x0] =	vst.idx.add.f32.msk vm4, v13  }
0x23e: {  	v23 =	vadd.s32 s25, v27;
	s21 =	sadd.s32 $0x0, s2;
	[tilespmem:v22+s8+$0x0] =	vst.idx.add.f32.msk vm5, v18  }
0x23f: {  	p3 =	sne.s32 s9, $0x0;
	vm2 =	vne.s32 v9, v26;
	s0 =	sand.u32 $0x3, s21;
	[tilespmem:v21+s8+$0x0] =	vst.idx.add.f32.msk vm6, v15  }
0x240: {  	vm1 =	vmor vm0, vm2;
	s26 =	sshll.u32 s0, $0xC;
	v13, _, _ =	vpop (xrf2);
	v29 =	vld @!p3 [tilespmem:$0x14600]  }
0x241: {  	v24 =	vld @!p3 [tilespmem:$0x14610];
	v16 =	vadd.s32 s26, v9;
	v19 =	vsub.f32 $0.0e+00, v13  }
0x242: {  	vm3 =	vmand vm2, vm9;
	[tilespmem:v20+s8+$0x0] =	vst.idx.add.f32.msk vm7, v13  }
0x243: {  	p4 =	sne.s32 s14, $0x0;
	s29 =	sadd.s32 $0x0, s4;
	v17 =	vadd.s32 s26, v26;
	[tilespmem:v23+s8+$0x0] =	vst.idx.add.f32.msk vm8, v19  }
0x244: {  	p6 =	sne.s32 s15, $0x0;
	vm15 =	vne.s32 v12, v28;
	s30 =	sand.u32 $0x3, s29;
	v23 =	vld @!p4 [tilespmem:$0x14600]  }
0x245: {  	vm0 =	vmor vm0, vm15;
	v15, _, _ =	vpop (xrf2);
	s18 =	sshll.u32 s30, $0xC;
	v20 =	vld @!p6 [tilespmem:$0x14600]  }
0x246: {  	p0 =	sne.s32 s12, $0x0;
	v13 =	vsub.f32 $0.0e+00, v15;
	v18 =	vadd.s32 s18, v12;
	[tilespmem:v16+s8+$0x0] =	vst.idx.add.f32.msk vm1, v15  }
0x247: {  	vm2 =	vmand vm15, vm9;
	v16 =	vld @!p0 [tilespmem:$0x14600]  }
0x248: {  	p1 =	sne.s32 s11, $0x0;
	v21 =	vadd.s32 s18, v28;
	[tilespmem:v17+s8+$0x0] =	vst.idx.add.f32.msk vm3, v13  }
0x249: {  	v13 =	vld @!p1 [tilespmem:$0x14600]  }
0x24a: {  	v19, _, _ =	vpop (xrf2);
	v17 =	vld @!p0 [tilespmem:$0x14610]  }
0x24b: {  	v15 =	vsub.f32 $0.0e+00, v19;
	[tilespmem:v18+s8+$0x0] =	vst.idx.add.f32.msk vm0, v19  }
0x24c: {  	v5 =	vadd.s32 @!p1 $0x4000, v5;
	v19 =	vld @!p6 [tilespmem:$0x14610]  }
0x24d: {  	p2 =	sne.s32 s0, $0x0;
	v18 =	vadd.s32 @!p0 $0x4000, v8;
	[tilespmem:v21+s8+$0x0] =	vst.idx.add.f32.msk vm2, v15  }
0x24e: {  	v10 =	vadd.s32 @!p1 $0x4000, v10;
	p5 =	por p2, p2;
	v15 =	vld @!p1 [tilespmem:$0x14610]  }
0x24f: {  	v22 =	vadd.s32 @!p0 $0x4000, v25;
	v8 =	vld @!p5 [tilespmem:$0x14600]  }
0x250: {  	s0 =	simm.s32 @!p1 $0xF580;
	v21 =	vld @!p4 [tilespmem:$0x14610]  }
0x251: {  	s9 =	simm.s32 @!p0 $0xF580;
	[tilespmem:v5+s0+$0x0] =	vst.idx.add.f32.msk @!p1 vm10, v13  }
0x252: {  	[tilespmem:v18+s9+$0x0] =	vst.idx.add.f32.msk @!p0 vm13, v16  }
0x253: {  	[tilespmem:v10+s0+$0x0] =	vst.idx.add.f32.msk @!p1 vm12, v15  }
0x254: {  	s17 =	simm.s32 $0x0;
	p1 =	sne.s32 s30, $0x0;
	[tilespmem:v22+s9+$0x0] =	vst.idx.add.f32.msk @!p0 vm14, v17  }
0x255: {  	s16 =	smov.u32 s22;
	v15 =	vadd.s32 @!p3 $0x4000, v4;
	v10 =	vld @!p5 [tilespmem:$0x14610];
	s0 =	simm.s32 @!p6 $0x0;
	p0 =	por p1, p1  }
0x256: {  	s14 =	simm.s32 $0x0;
	s20 =	simm.s32 @!p3 $0xF580;
	v5 =	vadd.s32 @!p2 $0x4000, v9;
	s0 =	simm.s32 @p6 $0x1;
	v9 =	vld @!p0 [tilespmem:$0x14600]  }
0x257: {  	s19 =	simm.s32 @!p4 $0xF580;
	v22 =	vadd.s32 @!p3 $0x4000, v11;
	v11 =	vld @!p0 [tilespmem:$0x14610];
	[smem:$0x7A1] =	sst s0;
	s0 =	simm.s32 @!p0 $0x0  }
0x258: {  	s15 =	simm.s32 $0x20;
	s12 =	simm.s32 @!p2 $0xF580;
	v13 =	vadd.s32 @!p4 $0x4000, v6;
	s0 =	simm.s32 @p0 $0x1  }
0x259: {  	s18 =	simm.s32 @!p6 $0xF580;
	v18 =	vadd.s32 @!p4 $0x4000, v14;
	v17 =	vadd.s32 @!p6 $0x4000, v27;
	v4 =	vadd.s32 @!p1 $0x4000, v12;
	s11 =	simm.s32 @!p1 $0xF580;
	[smem:$0x7A2] =	sst s0  }
0x25a: {  	p1 =	por p4, p4;
	v12 =	vadd.s32 @!p6 $0x4000, v7;
	p4 =	por p5, p5;
	v7 =	vadd.s32 @!p5 $0x4000, v26;
	p6 =	por p3, p3;
	v6 =	vadd.s32 @!p0 $0x4000, v28;
	[tilespmem:v15+s20+$0x0] =	vst.idx.add.f32.msk @!p3 vm11, v29  }
.LBB2_12:
0x25b: {  	s26 =	sld [smem:$0x7D1]  }
0x25c: {  	s0 =	simm.s32 @!p4 $0x0;
	s9 =	sld [smem:$0x7E9]  }
0x25d: {  	s16 =	sadd.s32 $0x80, s16;
	s14 =	sadd.s32 $0x8, s14;
	s25 =	sld [smem:$0x7A1]  }
0x25e: {  	s30 =	rddreg [dreg:$0x1e];
	s10 =	sadd.s32 $0x80, s10;
	s17 =	sadd.s32 $0x1, s17  }
0x25f: {  	v14 =	vld [tilespmem:$0x14580];
	s0 =	simm.s32 @p4 $0x1;
	s21 =	sadd.s32 $0xFFFFFFA0, s16;
	s22 =	sand.u32 $0x50, s16  }
0x260: {  	p0 =	slt.u32 s14, $0xC28;
	v15 =	vld [tilespmem:s10+$0xFFFFFFC0];
	[smem:$0x795] =	sst s0;
	s21 =	sand.u32 $0x70, s21  }
0x261: {  	v16 =	vld [tilespmem:s10+$0xFFFFFFD0];
	s0 =	sadd.s32 s15, s26;
	s9 =	sadd.s32 s15, s9;
	s26 =	sadd.s32 $0xFFFFFFD0, s16  }
0x262: {  	s9 =	sand.u32 $0x1FFFFF80, s9;
	[tilespmem:v22+s20+$0x0] =	vst.idx.add.f32.msk @!p6 vm4, v24;
	s20 =	sadd.s32 s15, s24;
	s24 =	simm.s32 @!p0 $0x0  }
0x263: {  	[tilespmem:v13+s19+$0x0] =	vst.idx.add.f32.msk @!p1 vm5, v23;
	s0 =	sand.u32 $0x1FFFFF80, s0;
	s26 =	sand.u32 $0x60, s26;
	s9 =	sor.u32 s22, s9  }
0x264: {  	s22 =	sadd.s32 $0xFFFFFFB0, s16;
	s24 =	simm.s32 @p0 $0x1;
	[tilespmem:v18+s19+$0x0] =	vst.idx.add.f32.msk @!p1 vm6, v21;
	s19 =	sadd.s32 s15, s23  }
0x265: {  	v13 =	vld [tilespmem:s10+$0x30];
	s23 =	sadd.s32 $0xFFFFFFC0, s16;
	p0 =	seq.s32 s25, $0x1;
	s9 =	ssub.s32 s9, s7  }
0x266: {  	v24 =	vld [tilespmem:s10+$0x10];
	s25 =	sadd.s32 s15, s30;
	s30 =	rddreg [dreg:$0x1b];
	s29 =	sor.u32 $0x1, s9  }
0x267: {  	s20 =	sand.u32 $0x1FFFFF80, s20;
	[smem:$0x799] =	sst s24;
	[tilespmem:v12+s18+$0x0] =	vst.idx.add.f32.msk @!p0 vm7, v20;
	s24 =	sadd.s32 $0xFFFFFFE0, s16;
	v12 =	vadd.s32 s29, v14  }
0x268: {  	v21 =	vld [tilespmem:s10+$0x20];
	s30 =	sadd.s32 s15, s30;
	s19 =	sand.u32 $0x1FFFFF80, s19;
	s22 =	sand.u32 $0x40, s22  }
0x269: {  	s25 =	sand.u32 $0x1FFFFF80, s25;
	s23 =	sand.u32 $0x50, s23;
	s21 =	sor.u32 s21, s20;
	[tilespmem:v17+s18+$0x0] =	vst.idx.add.f32.msk @!p0 vm8, v19  }
0x26a: {  	s18 =	sadd.s32 s15, s28;
	s28 =	rddreg [dreg:$0x1c];
	v19 =	vld [tilespmem:s10+$0xFFFFFFE0];
	s24 =	sand.u32 $0x70, s24  }
0x26b: {  	s30 =	sand.u32 $0x1FFFFF80, s30;
	v22 =	vld [tilespmem:s9+$0xC380];
	s9 =	rddreg [dreg:$0x6];
	s29 =	sadd.s32 $0xFFFFFFF0, s16  }
0x26c: {  	s19 =	sor.u32 s22, s19;
	s18 =	sand.u32 $0x1FFFFF80, s18;
	s29 =	sand.u32 $0x40, s29;
	(xrf2) =	vadd.scan.msk.f32 $0xffff, v13;
	v12 =	vld.idx.msk [tilespmem:v12+s6+$0x0], $0xffff  }
0x26d: {  	v23 =	vld [tilespmem:s10+$0x0];
	s18 =	sor.u32 s26, s18;
	s26 =	sor.u32 s29, s30;
	(xrf2) =	vadd.scan.msk.f32 $0xffff, v15;
	s29 =	sld [smem:$0x7EB]  }
0x26e: {  	s22 =	sor.u32 s23, s25;
	s0 =	sor.u32 s9, s0;
	s9 =	ssub.s32 s21, s7;
	v13 =	vld [tilespmem:s10+$0xFFFFFFF0]  }
0x26f: {  	s28 =	sadd.s32 s15, s28;
	s19 =	ssub.s32 s19, s7;
	s20 =	ssub.s32 s22, s7;
	v26 =	vld [tilespmem:s9+$0xC380]  }
0x270: {  	s0 =	ssub.s32 s0, s7;
	s9 =	sor.u32 $0x1, s9;
	v27 =	vld [tilespmem:s19+$0xC380];
	s23 =	sadd.s32 s17, s29  }
0x271: {  	vm9 =	veq.s32 v14, $0xF;
	s28 =	sand.u32 $0x1FFFFF80, s28;
	v25 =	vld [tilespmem:s0+$0xC380];
	s0 =	sor.u32 $0x1, s0;
	v28 =	vadd.s32 s9, v14;
	s23 =	sand.u32 $0x3, s23;
	vm5 =	vne.s32 v22, v12  }
0x272: {  	vm10 =	vne.s32 v14, $0xF;
	v17 =	vld [tilespmem:s20+$0xC380];
	s25 =	sor.u32 s24, s28;
	s18 =	ssub.s32 s18, s7;
	(xrf2) =	vadd.scan.msk.f32 $0xffff, v16;
	v16 =	vadd.s32 s0, v14;
	s30 =	sshll.u32 s23, $0xC;
	vm4 =	vmor vm9, vm5  }
0x273: {  	s21 =	ssub.s32 s25, s7;
	v18 =	vld [tilespmem:s18+$0xC380];
	v15 =	vadd.s32 s30, v22;
	vm5 =	vmand vm5, vm10  }
0x274: {  	s19 =	sor.u32 $0x1, s19;
	s22 =	ssub.s32 s26, s7;
	s26 =	sor.u32 $0x1, s18;
	(xrf2) =	vadd.scan.msk.f32 $0xffff, v19;
	v19 =	vld [tilespmem:s21+$0xC380];
	v29 =	vadd.s32 s30, v12  }
0x275: {  	s9 =	sor.u32 $0x1, s20;
	v30 =	vadd.s32 s19, v14;
	s20 =	sor.u32 $0x1, s21;
	v32 =	vadd.s32 s26, v14;
	s26 =	sor.u32 $0x1, s22;
	v20 =	vld [tilespmem:s22+$0xC380]  }
0x276: {  	v31 =	vadd.s32 s9, v14;
	v33 =	vadd.s32 s20, v14;
	v34 =	vadd.s32 s26, v14;
	v28 =	vld.idx.msk [tilespmem:v28+s6+$0x0], $0xffff;
	s30 =	sld [smem:$0x7CF];
	v14, _, _ =	vpop (xrf2);
	(xrf2) =	vadd.scan.msk.f32 $0xffff, v13  }
0x277: {  	s29 =	sld [smem:$0x7D0];
	v35 =	vsub.f32 $0.0e+00, v14;
	v57, _, _ =	vpop (xrf2);
	(xrf2) =	vadd.scan.msk.f32 $0xffff, v23;
	v23 =	vld.idx.msk [tilespmem:v16+s6+$0x0], $0xffff  }
0x278: {  	[tilespmem:v15+s8+$0x0] =	vst.idx.add.f32.msk vm4, v14  }
0x279: {  	p2 =	sne.s32 s23, $0x0;
	s25 =	sadd.s32 s17, s30;
	[tilespmem:v29+s8+$0x0] =	vst.idx.add.f32.msk vm5, v35  }
0x27a: {  	s24 =	sadd.s32 s17, s29;
	s29 =	sadd.s32 s17, s31;
	v22 =	vadd.s32 @!p2 $0x4000, v22;
	s22 =	sand.u32 $0x3, s25;
	v36 =	vld @!p2 [tilespmem:$0x14600]  }
0x27b: {  	s24 =	sand.u32 $0x3, s24;
	s29 =	sand.u32 $0x3, s29;
	v40 =	vadd.s32 @!p2 $0x4000, v12;
	p0 =	sne.s32 s22, $0x0;
	v39 =	vld @!p2 [tilespmem:$0x14610]  }
0x27c: {  	v30 =	vld.idx.msk [tilespmem:v30+s6+$0x0], $0xffff;
	s31 =	sshll.u32 s24, $0xC;
	s28 =	sshll.u32 s29, $0xC;
	s0 =	simm.s32 @!p0 $0x0  }
0x27d: {  	v31 =	vld.idx.msk [tilespmem:v31+s6+$0x0], $0xffff;
	s9 =	sshll.u32 s22, $0xC;
	s22 =	sld [smem:$0x795];
	s0 =	simm.s32 @p0 $0x1  }
0x27e: {  	p5 =	sne.s32 s24, $0x0;
	v33 =	vld.idx.msk [tilespmem:v33+s6+$0x0], $0xffff;
	v37 =	vadd.s32 s31, v25;
	[smem:$0x798] =	sst s0;
	s0 =	simm.s32 @!p2 $0xF580  }
0x27f: {  	v41 =	vadd.s32 s28, v27;
	v16 =	vadd.s32 @!p5 $0x4000, v25;
	v44, _, _ =	vpop (xrf2);
	(xrf2) =	vadd.scan.msk.f32 $0xffff, v24;
	[tilespmem:v22+s0+$0x0] =	vst.idx.add.f32.msk @!p2 vm4, v36  }
0x280: {  	s19 =	rddreg [dreg:$0x1f];
	v38 =	vadd.s32 s9, v26;
	v22, _, _ =	vpop (xrf2);
	(xrf2) =	vadd.scan.msk.f32 $0xffff, v21;
	vm4 =	vne.s32 v25, v23;
	[tilespmem:v40+s0+$0x0] =	vst.idx.add.f32.msk @!p2 vm5, v39;
	p2 =	seq.s32 s22, $0x1  }
0x281: {  	s18 =	sadd.s32 s17, s19;
	s26 =	sadd.s32 s17, s2;
	v21 =	vadd.s32 s31, v23;
	vm11 =	vmor vm9, vm4;
	[tilespmem:v5+s12+$0x0] =	vst.idx.add.f32.msk @!p2 vm1, v8;
	v8 =	vadd.s32 s9, v28;
	s9 =	sld [smem:$0x7A2]  }
0x282: {  	s18 =	sand.u32 $0x3, s18;
	s20 =	sand.u32 $0x3, s26;
	p4 =	sne.s32 s29, $0x0;
	v25 =	vadd.s32 @!p5 $0x4000, v23;
	v23 =	vld.idx.msk [tilespmem:v32+s6+$0x0], $0xffff;
	vm5 =	vne.s32 v26, v28;
	vm13 =	vmand vm4, vm10  }
0x283: {  	s26 =	sshll.u32 s18, $0xC;
	p3 =	sne.s32 s20, $0x0;
	v14 =	vadd.s32 @!p4 $0x4000, v27;
	vm4 =	vne.s32 v27, v30;
	v27 =	vld.idx.msk [tilespmem:v34+s6+$0x0], $0xffff;
	vm12 =	vmor vm9, vm5  }
0x284: {  	v24 =	vadd.s32 @!p3 $0x4000, v19;
	s0 =	simm.s32 @!p3 $0xF580;
	vm14 =	vmor vm9, vm4;
	[tilespmem:v7+s12+$0x0] =	vst.idx.add.f32.msk @!p2 vm3, v10;
	p2 =	por p3, p3;
	p3 =	seq.s32 s9, $0x1  }
0x285: {  	v42 =	vadd.s32 s26, v17;
	s30 =	sadd.s32 s17, s4;
	vm15 =	vmand vm5, vm10;
	[tilespmem:v4+s11+$0x0] =	vst.idx.add.f32.msk @!p3 vm0, v9  }
0x286: {  	p1 =	sne.s32 s18, $0x0;
	s18 =	simm.s32 @!p5 $0x0;
	v58 =	vsub.f32 $0.0e+00, v57;
	s21 =	sand.u32 $0x3, s30;
	vm4 =	vmand vm4, vm10;
	vm1 =	vne.s32 v17, v31;
	[tilespmem:v6+s11+$0x0] =	vst.idx.add.f32.msk @!p3 vm2, v11  }
0x287: {  	s18 =	simm.s32 @p5 $0x1;
	v62 =	vadd.s32 s28, v30;
	s25 =	sshll.u32 s20, $0xC;
	v45 =	vsub.f32 $0.0e+00, v44;
	s24 =	sshll.u32 s21, $0xC;
	vm5 =	vmor vm9, vm1;
	[tilespmem:v37+s8+$0x0] =	vst.idx.add.f32.msk vm11, v57  }
0x288: {  	s19 =	sadd.s32 s17, s3;
	[smem:$0x797] =	sst s18;
	s18 =	simm.s32 @!p1 $0x0;
	v46 =	vadd.s32 s25, v19;
	v47 =	vadd.s32 s24, v20;
	vm6 =	vmand vm1, vm10;
	[tilespmem:v21+s8+$0x0] =	vst.idx.add.f32.msk vm13, v58  }
0x289: {  	s18 =	simm.s32 @p1 $0x1;
	s23 =	simm.s32 @!p0 $0xF580;
	v15 =	vadd.s32 @!p0 $0x4000, v26;
	p0 =	sne.s32 s21, $0x0;
	v10 =	vadd.s32 s26, v31;
	vm1 =	vne.s32 v18, v23;
	[tilespmem:v38+s8+$0x0] =	vst.idx.add.f32.msk vm12, v44  }
0x28a: {  	s19 =	sand.u32 $0x3, s19;
	[smem:$0x796] =	sst s18;
	v48 =	vadd.s32 @!p0 $0x4000, v20;
	v59 =	vsub.f32 $0.0e+00, v22;
	vm7 =	vmor vm9, vm1;
	[tilespmem:v41+s8+$0x0] =	vst.idx.add.f32.msk vm14, v22  }
0x28b: {  	p6 =	sne.s32 s19, $0x0;
	v60, _, _ =	vpop (xrf2);
	vm8 =	vmand vm1, vm10;
	vm1 =	vne.s32 v20, v27;
	v20 =	vadd.s32 s25, v33;
	s25 =	sld [smem:$0x797];
	[tilespmem:v8+s8+$0x0] =	vst.idx.add.f32.msk vm15, v45  }
0x28c: {  	s29 =	simm.s32 @!p5 $0xF580;
	s30 =	sshll.u32 s19, $0xC;
	s22 =	sld [smem:$0x798];
	v26 =	vsub.f32 $0.0e+00, v60;
	[tilespmem:v62+s8+$0x0] =	vst.idx.add.f32.msk vm4, v59  }
0x28d: {  	v12 =	vadd.s32 @!p6 $0x4000, v18;
	s20 =	simm.s32 @!p4 $0xF580;
	s19 =	simm.s32 @!p1 $0xF580;
	s26 =	sld [smem:$0x798];
	[tilespmem:v42+s8+$0x0] =	vst.idx.add.f32.msk vm5, v60  }
0x28e: {  	v13 =	vadd.s32 @!p1 $0x4000, v17;
	v43 =	vadd.s32 s30, v18;
	s21 =	simm.s32 @!p0 $0xF580;
	vm0 =	vne.s32 v19, v33;
	p3 =	por p0, p0;
	p0 =	seq.s32 s25, $0x1;
	[tilespmem:v10+s8+$0x0] =	vst.idx.add.f32.msk vm6, v26  }
0x28f: {  	s18 =	simm.s32 @!p6 $0xF580;
	v5 =	vmovc v24;
	p1 =	seq.s32 s22, $0x1;
	s22 =	sld [smem:$0x796];
	v17 =	vadd.s32 @!p6 $0x4000, v23;
	v24 =	vadd.s32 s24, v27;
	vm2 =	vmor vm9, vm0;
	v26 =	vld @!p0 [tilespmem:$0x14600]  }
0x290: {  	p5 =	por p4, p4;
	p4 =	por p6, p6;
	p6 =	seq.s32 s26, $0x1;
	vm3 =	vmand vm0, vm10;
	vm0 =	vmor vm9, vm1;
	v6 =	vadd.s32 @!p3 $0x4000, v27;
	v27 =	vld @!p0 [tilespmem:$0x14610]  }
0x291: {  	v28 =	vadd.s32 @!p1 $0x4000, v28;
	vm9 =	vmand vm1, vm10;
	v29 =	vld @!p6 [tilespmem:$0x14600]  }
0x292: {  	p1 =	seq.s32 s22, $0x1;
	vm1 =	vmmov vm2;
	v22 =	vadd.s32 @!p5 $0x4000, v30;
	v8 =	vadd.s32 s30, v23;
	v30 =	vld @!p6 [tilespmem:$0x14610]  }
0x293: {  	v61, _, _ =	vpop (xrf2);
	v18 =	vadd.s32 @!p1 $0x4000, v31;
	v31 =	vld @!p5 [tilespmem:$0x14600]  }
0x294: {  	v9, _, _ =	vpop (xrf2);
	v23 =	vld @!p1 [tilespmem:$0x14600]  }
0x295: {  	v63 =	vsub.f32 $0.0e+00, v61;
	v19, _, _ =	vpop (xrf2);
	[tilespmem:v43+s8+$0x0] =	vst.idx.add.f32.msk vm7, v61  }
0x296: {  	[tilespmem:v47+s8+$0x0] =	vst.idx.add.f32.msk vm0, v19  }
0x297: {  	v21 =	vsub.f32 $0.0e+00, v19;
	[tilespmem:v8+s8+$0x0] =	vst.idx.add.f32.msk vm8, v63  }
0x298: {  	[tilespmem:v46+s8+$0x0] =	vst.idx.add.f32.msk vm1, v9  }
0x299: {  	[tilespmem:v24+s8+$0x0] =	vst.idx.add.f32.msk vm9, v21  }
0x29a: {  	v11 =	vsub.f32 $0.0e+00, v9;
	v24 =	vld @!p5 [tilespmem:$0x14610]  }
0x29b: {  	v21 =	vld @!p1 [tilespmem:$0x14610]  }
0x29c: {  	[tilespmem:v20+s8+$0x0] =	vst.idx.add.f32.msk vm3, v11  }
0x29d: {  	v20 =	vld @!p4 [tilespmem:$0x14600]  }
0x29e: {  	v19 =	vld @!p4 [tilespmem:$0x14610]  }
0x29f: {  	s30 =	sld [smem:$0x799];
	v9 =	vld @!p3 [tilespmem:$0x14600]  }
0x2a0: {  	v11 =	vld @!p3 [tilespmem:$0x14610]  }
0x2a1: {  	s28 =	rddreg [dreg:$0x1d];
	[tilespmem:v16+s29+$0x0] =	vst.idx.add.f32.msk @!p0 vm11, v26  }
0x2a2: {  	s12 =	smov.u32 s0;
	s0 =	simm.s32 @!p4 $0x0;
	[tilespmem:v25+s29+$0x0] =	vst.idx.add.f32.msk @!p0 vm13, v27;
	p0 =	seq.s32 s30, $0x1  }
.Ltmp5:
0x2a3: {  	s31 =	sld [smem:$0x7FA];
	s0 =	simm.s32 @p4 $0x1;
	[tilespmem:v15+s23+$0x0] =	vst.idx.add.f32.msk @!p6 vm12, v29;
	(pc) =	sbr.rel @p0 .LBB2_12-.Ltmp5, $4  }
0x2a4: {  	[smem:$0x7A1] =	sst s0;
	s0 =	simm.s32 @!p3 $0x0;
	[tilespmem:v14+s20+$0x0] =	vst.idx.add.f32.msk @!p5 vm14, v31  }
0x2a5: {  	s24 =	sld [smem:$0x7CE];
	s0 =	simm.s32 @p3 $0x1;
	v8 =	vld @!p2 [tilespmem:$0x14600]  }
0x2a6: {  	s15 =	sadd.s32 $0x20, s15;
	s11 =	smov.u32 s21;
	[smem:$0x7A2] =	sst s0;
	v10 =	vld @!p2 [tilespmem:$0x14610]  }
0x2a7: {  	v7 =	vadd.s32 @!p2 $0x4000, v33;
	v4 =	vmov v48;
	vm2 =	vmmov vm9;
	p4 =	por p2, p2;
	[tilespmem:v28+s23+$0x0] =	vst.idx.add.f32.msk @!p6 vm15, v30;
	s23 =	sld [smem:$0x7CD];
	p6 =	por p5, p5  }
0x2a8: {  	_ =	sdelay $0x4  }
0x2a9: {  	[tilespmem:v22+s20+$0x0] =	vst.idx.add.f32.msk @!p6 vm4, v24  }
0x2aa: {  	[tilespmem:v13+s19+$0x0] =	vst.idx.add.f32.msk @!p1 vm5, v23  }
0x2ab: {  	[tilespmem:v18+s19+$0x0] =	vst.idx.add.f32.msk @!p1 vm6, v21  }
0x2ac: {  	s0 =	sld [smem:$0x7A1];
	_ =	sdelay $0x1  }
0x2ad: {  	[tilespmem:v5+s12+$0x0] =	vst.idx.add.f32.msk @!p4 vm1, v8  }
0x2ae: {  	[tilespmem:v7+s12+$0x0] =	vst.idx.add.f32.msk @!p4 vm3, v10;
	p0 =	seq.s32 s0, $0x1  }
0x2af: {  	[tilespmem:v12+s18+$0x0] =	vst.idx.add.f32.msk @!p0 vm7, v20  }
0x2b0: {  	[tilespmem:v17+s18+$0x0] =	vst.idx.add.f32.msk @!p0 vm8, v19  }
0x2b1: {  	s31 =	sld [smem:$0x7A2];
	_ =	sdelay $0x2  }
0x2b2: {  	p0 =	seq.s32 s31, $0x1  }
0x2b3: {  	[tilespmem:v4+s11+$0x0] =	vst.idx.add.f32.msk @!p0 vm0, v9  }
0x2b4: {  	[tilespmem:v6+s11+$0x0] =	vst.idx.add.f32.msk @!p0 vm2, v11  }
0x2b5: {  	s9 =	sld [smem:$0x7EC]  }
0x2b6: {  	s10 =	sld [smem:$0x7ED]  }
0x2b7: {  	s2 =	simm.s32 $0x0  }
.LBB2_14:
0x2b8: {  	v4 =	vld [tilespmem:$0x14580]  }
0x2b9: {  	s0 =	sand.u32 $0x1FFFFF80, s10;
	s11 =	sand.u32 $0x70, s9  }
0x2ba: {  	s0 =	sor.u32 s11, s0  }
0x2bb: {  	s0 =	ssub.s32 s0, s7  }
0x2bc: {  	s12 =	sshra.s32 s2, $0x2;
	s29 =	sor.u32 $0x1, s0  }
0x2bd: {  	v6 =	vld [tilespmem:s12+$0xC300];
	v5 =	vadd.s32 s29, v4;
	_ =	sdelay $0x3  }
0x2be: {  	v7 =	vld [tilespmem:s0+$0xC380]  }
0x2bf: {  	(xrf2) =	vadd.scan.msk.f32 $0xffff, v6;
	v5 =	vld.idx.msk [tilespmem:v5+s6+$0x0], $0xffff;
	_ =	sdelay $0x3  }
0x2c0: {  	s30 =	sshrl.u32 s9, $0x7  }
0x2c1: {  	s0 =	sand.u32 $0x3, s30;
	vm1 =	veq.s32 v4, $0xF;
	vm0 =	vne.s32 v7, v5  }
0x2c2: {  	s31 =	sshll.u32 s0, $0xC;
	vm2 =	vne.s32 v4, $0xF;
	vm1 =	vmor vm1, vm0  }
0x2c3: {  	v4 =	vadd.s32 s31, v7;
	vm0 =	vmand vm0, vm2  }
0x2c4: {  	v63 =	vadd.s32 s31, v5;
	_ =	sdelay $0x1  }
0x2c5: {  	v8, _, _ =	vpop (xrf2)  }
0x2c6: {  	v9 =	vsub.f32 $0.0e+00, v8  }
0x2c7: {  	[tilespmem:v4+s8+$0x0] =	vst.idx.add.f32.msk vm1, v8  }
0x2c8: {  	p0 =	sne.s32 s0, $0x0;
	[tilespmem:v63+s8+$0x0] =	vst.idx.add.f32.msk vm0, v9  }
0x2c9: {  	s2 =	sadd.s32 $0x40, s2;
	v6 =	vadd.s32 @!p0 $0x4000, v7;
	v4 =	vld @!p0 [tilespmem:$0x14600]  }
0x2ca: {  	p1 =	sne.s32 s2, $0x140;
	v5 =	vadd.s32 @!p0 $0x4000, v5;
	v7 =	vld @!p0 [tilespmem:$0x14610]  }
.Ltmp6:
0x2cb: {  	_ = 	snop;
	(pc) =	sbr.rel @p1 .LBB2_14-.Ltmp6, $4  }
0x2cc: {  	_ = 	snop  }
0x2cd: {  	s0 =	simm.s32 @!p0 $0xF580  }
0x2ce: {  	[tilespmem:v6+s0+$0x0] =	vst.idx.add.f32.msk @!p0 vm1, v4  }
0x2cf: {  	s10 =	sadd.s32 $0x4, s10;
	s9 =	sadd.s32 $0x10, s9;
	[tilespmem:v5+s0+$0x0] =	vst.idx.add.f32.msk @!p0 vm0, v7  }
0x2d0: {  	s0 =	sld [smem:$0x7BD];
	_ =	sdelay $0x1  }
0x2d1: {  	s3 =	simm.s32 $0x0;
	s2 =	simm.s32 $0x1  }
0x2d2: {  	[tilespmem:s3], [sflag:$0x1] =	stream.linear.gather [hbm4b:s0+s3], $0xC350, $0x38;
	[tilespmem:$0x14680] =	vst v63  }
0x2d3: {  	_ =	swait.ge [sflag:s2], $0xC350  }
0x2d4: {  	s22 =	sld [smem:$0x7C4]  }
0x2d5: {  	[sflag:s2] =	ssyncset.done $0x0  }
0x2d6: {  	[sflag:s2] =	ssyncadd.s32 $0xFFFF3CB0  }
0x2d7: {  	[tilespmem:s6], [sflag:$0x1] =	stream.linear.gather [hbm4b:s22+s3], $0x31C0, $0x38;
	[tilespmem:$0x14680] =	vst v63  }
0x2d8: {  	_ =	swait.ge [sflag:s2], $0x31C0  }
0x2d9: {  	s23 =	sld [smem:$0x7EF]  }
0x2da: {  	[sflag:s2] =	ssyncset.done $0x0;
	s22 =	sld [smem:$0x7EE]  }
0x2db: {  	[sflag:s2] =	ssyncadd.s32 $0xFFFFCE40  }
0x2dc: {  	s25 =	sld [smem:$0x7DE];
	v13 =	vld [tilespmem:$0x14580];
	s0 =	sadd.s32 $0x0, s23  }
0x2dd: {  	s29 =	sld [smem:$0x7D7];
	s24 =	sand.u32 $0x60, s22;
	s0 =	sand.u32 $0x1FFFFF80, s0  }
0x2de: {  	s10 =	simm.s32 $0x40;
	s28 =	sld [smem:$0x7D5];
	s0 =	sor.u32 s24, s0  }
0x2df: {  	s30 =	sld [smem:$0x7D3];
	s26 =	sadd.s32 $0x0, s25;
	s0 =	ssub.s32 s0, s13  }
0x2e0: {  	s11 =	sadd.s32 $0xFFFFFFA0, s22;
	[smem:$0x78C] =	sst s24;
	s9 =	sor.u32 $0x1, s0  }
0x2e1: {  	s14 =	sadd.s32 $0xFFFFFFB0, s22;
	s23 =	sld [smem:$0x7D9];
	s16 =	sadd.s32 $0xFFFFFFC0, s22;
	v5 =	vld [tilespmem:s10+$0x30];
	v4 =	vadd.s32 s9, v13  }
0x2e2: {  	s17 =	sadd.s32 $0x0, s29;
	s18 =	sadd.s32 $0xFFFFFFD0, s22;
	s19 =	sadd.s32 $0x0, s28  }
0x2e3: {  	s20 =	sadd.s32 $0xFFFFFFE0, s22;
	s21 =	sadd.s32 $0x0, s30;
	s2 =	sand.u32 $0x1FFFFF80, s26;
	v9 =	vld [tilespmem:s10+$0xFFFFFFC0]  }
0x2e4: {  	s4 =	sand.u32 $0x50, s14;
	s14 =	sand.u32 $0x1FFFFF80, s17;
	s24 =	sld [smem:$0x7DB];
	v11 =	vld [tilespmem:s10+$0xFFFFFFD0]  }
0x2e5: {  	s17 =	sand.u32 $0x1FFFFF80, s19;
	s19 =	sand.u32 $0x1FFFFF80, s21;
	s21 =	rddreg [dreg:$0x7];
	v14 =	vld [tilespmem:s0+$0xC380]  }
0x2e6: {  	s25 =	sand.u32 $0x40, s11;
	s18 =	sand.u32 $0x70, s18;
	s26 =	sld [smem:$0x7F0];
	(xrf2) =	vadd.scan.msk.f32 $0xffff, v5;
	v12 =	vld.idx.msk [tilespmem:v4+s6+$0x0], $0xffff  }
0x2e7: {  	s30 =	sand.u32 $0x40, s20;
	v15 =	vld [tilespmem:s10+$0xFFFFFFE0];
	s0 =	sor.u32 s21, s2;
	s12 =	sadd.s32 $0x0, s24  }
0x2e8: {  	v16 =	vld [tilespmem:s10+$0xFFFFFFF0];
	s15 =	sadd.s32 $0x0, s23;
	s0 =	ssub.s32 s0, s13;
	s3 =	sand.u32 $0x1FFFFF80, s12  }
0x2e9: {  	v17 =	vld [tilespmem:s10+$0x0];
	s12 =	sand.u32 $0x1FFFFF80, s15;
	s15 =	sand.u32 $0x60, s16;
	s16 =	sadd.s32 $0x0, s26  }
0x2ea: {  	v18 =	vld [tilespmem:s10+$0x10];
	s9 =	sor.u32 s25, s3;
	s16 =	sand.u32 $0x3, s16;
	[smem:$0x78D] =	sst s25  }
0x2eb: {  	vm0 =	veq.s32 v13, $0xF;
	s11 =	sor.u32 s4, s12;
	s12 =	sor.u32 s15, s14;
	v19 =	vld [tilespmem:s10+$0x20];
	[smem:$0x78E] =	sst s4;
	vm1 =	vne.s32 v14, v12  }
0x2ec: {  	vm9 =	vne.s32 v13, $0xF;
	s9 =	ssub.s32 s9, s13;
	s29 =	sshll.u32 s16, $0xC;
	v5 =	vld [tilespmem:s0+$0xC380];
	[smem:$0x78F] =	sst s15;
	vm2 =	vmor vm0, vm1  }
0x2ed: {  	s14 =	sor.u32 s18, s17;
	s11 =	ssub.s32 s11, s13;
	v10 =	vadd.s32 s29, v14;
	v8 =	vld [tilespmem:s9+$0xC380];
	[smem:$0x790] =	sst s18;
	vm1 =	vmand vm1, vm9  }
0x2ee: {  	s12 =	ssub.s32 s12, s13;
	s0 =	sor.u32 $0x1, s0;
	v4 =	vld [tilespmem:s11+$0xC380];
	[smem:$0x791] =	sst s30;
	v20 =	vadd.s32 s29, v12  }
0x2ef: {  	s14 =	ssub.s32 s14, s13;
	s15 =	sor.u32 s30, s19;
	v21 =	vadd.s32 s0, v13;
	v6 =	vld [tilespmem:s12+$0xC380]  }
0x2f0: {  	s4 =	ssub.s32 s15, s13;
	s9 =	sor.u32 $0x1, s9;
	v7 =	vld [tilespmem:s14+$0xC380];
	v22, _, _ =	vpop (xrf2)  }
0x2f1: {  	(xrf2) =	vadd.scan.msk.f32 $0xffff, v9;
	v23 =	vadd.s32 s9, v13;
	v9 =	vld [tilespmem:s4+$0xC380];
	v24 =	vsub.f32 $0.0e+00, v22  }
0x2f2: {  	s11 =	sor.u32 $0x1, s11;
	[tilespmem:v10+s8+$0x0] =	vst.idx.add.f32.msk vm2, v22  }
0x2f3: {  	s12 =	sor.u32 $0x1, s12;
	v22 =	vadd.s32 s11, v13;
	[tilespmem:v20+s8+$0x0] =	vst.idx.add.f32.msk vm1, v24  }
0x2f4: {  	p0 =	sne.s32 s16, $0x0;
	s15 =	sadd.s32 $0xFFFFFFF0, s22;
	v10 =	vld.idx.msk [tilespmem:v21+s6+$0x0], $0xffff;
	v20 =	vadd.s32 s12, v13;
	s16 =	sld [smem:$0x7FB]  }
0x2f5: {  	s19 =	sand.u32 $0x50, s15;
	v24 =	vadd.s32 @!p0 $0x4000, v14;
	v21 =	vld @!p0 [tilespmem:$0x14600];
	s21 =	sld [smem:$0x7DD]  }
0x2f6: {  	s20 =	sor.u32 $0x1, s14;
	v25 =	vld.idx.msk [tilespmem:v23+s6+$0x0], $0xffff;
	[smem:$0x792] =	sst s19  }
0x2f7: {  	(xrf2) =	vadd.scan.msk.f32 $0xffff, v11;
	s0 =	sor.u32 $0x1, s4;
	v23 =	vadd.s32 s20, v13;
	s29 =	sld [smem:$0x7DC];
	v26 =	vld @!p0 [tilespmem:$0x14610];
	s17 =	sadd.s32 $0x0, s16  }
0x2f8: {  	(xrf2) =	vadd.scan.msk.f32 $0xffff, v15;
	s15 =	simm.s32 @!p0 $0xF580;
	v15 =	vadd.s32 @!p0 $0x4000, v12;
	s25 =	sadd.s32 $0x0, s21;
	v11 =	vld.idx.msk [tilespmem:v22+s6+$0x0], $0xffff;
	s18 =	sand.u32 $0x1FFFFF80, s17  }
0x2f9: {  	s3 =	sld [smem:$0x7DA];
	vm3 =	vne.s32 v5, v10;
	s11 =	sand.u32 $0x3, s25;
	v14 =	vld.idx.msk [tilespmem:v20+s6+$0x0], $0xffff;
	s9 =	sor.u32 s19, s18  }
0x2fa: {  	v22 =	vadd.s32 s0, v13;
	s0 =	sadd.s32 $0x0, s29;
	vm10 =	vmor vm0, vm3;
	s30 =	sshll.u32 s11, $0xC;
	[tilespmem:v24+s15+$0x0] =	vst.idx.add.f32.msk @!p0 vm2, v21;
	s9 =	ssub.s32 s9, s13  }
0x2fb: {  	(xrf2) =	vadd.scan.msk.f32 $0xffff, v16;
	s12 =	sand.u32 $0x3, s0;
	v20 =	vadd.s32 s30, v5;
	s2 =	sld [smem:$0x7D8];
	s26 =	sor.u32 $0x1, s9  }
0x2fc: {  	v16, _, _ =	vpop (xrf2);
	(xrf2) =	vadd.scan.msk.f32 $0xffff, v17;
	v27 =	vld.idx.msk [tilespmem:v23+s6+$0x0], $0xffff;
	vm12 =	vmand vm3, vm9;
	vm2 =	vne.s32 v8, v25;
	s17 =	sshll.u32 s12, $0xC;
	v13 =	vadd.s32 s26, v13  }
0x2fd: {  	s4 =	sadd.s32 $0x0, s3;
	v17 =	vadd.s32 s30, v10;
	vm13 =	vmor vm0, vm2;
	v23 =	vadd.s32 s17, v8;
	[tilespmem:v15+s15+$0x0] =	vst.idx.add.f32.msk @!p0 vm1, v26  }
0x2fe: {  	(xrf2) =	vadd.scan.msk.f32 $0xffff, v18;
	vm14 =	vmand vm2, vm9;
	v18 =	vadd.s32 s17, v25;
	v12 =	vld [tilespmem:s9+$0xC380];
	s9 =	sand.u32 $0x3, s4;
	vm1 =	vne.s32 v4, v11;
	s16 =	sadd.s32 $0x0, s2  }
0x2ff: {  	s18 =	sshll.u32 s9, $0xC;
	v26 =	vld.idx.msk [tilespmem:v22+s6+$0x0], $0xffff;
	vm11 =	vmor vm0, vm1;
	vm4 =	vmand vm1, vm9;
	vm1 =	vne.s32 v6, v14;
	s14 =	sand.u32 $0x3, s16  }
0x300: {  	v21 =	vsub.f32 $0.0e+00, v16;
	s4 =	sld [smem:$0x7D6];
	v15 =	vadd.s32 s18, v4;
	vm5 =	vmor vm0, vm1;
	s19 =	sshll.u32 s14, $0xC;
	[tilespmem:v20+s8+$0x0] =	vst.idx.add.f32.msk vm10, v16  }
0x301: {  	vm6 =	vmand vm1, vm9;
	v22 =	vadd.s32 s19, v6;
	v28 =	vld.idx.msk [tilespmem:v13+s6+$0x0], $0xffff;
	v13, _, _ =	vpop (xrf2)  }
0x302: {  	s31 =	sld [smem:$0x7D4];
	[tilespmem:v17+s8+$0x0] =	vst.idx.add.f32.msk vm12, v21;
	(xrf2) =	vadd.scan.msk.f32 $0xffff, v19;
	v19 =	vadd.s32 s18, v11;
	v16 =	vsub.f32 $0.0e+00, v13  }
0x303: {  	s20 =	sadd.s32 $0x0, s4;
	v21 =	vadd.s32 s19, v14;
	[tilespmem:v23+s8+$0x0] =	vst.idx.add.f32.msk vm13, v13  }
0x304: {  	vm1 =	vne.s32 v7, v27;
	s15 =	sand.u32 $0x3, s20;
	v17, _, _ =	vpop (xrf2);
	[tilespmem:v18+s8+$0x0] =	vst.idx.add.f32.msk vm14, v16  }
0x305: {  	vm7 =	vmor vm0, vm1;
	s25 =	sshll.u32 s15, $0xC;
	v13 =	vsub.f32 $0.0e+00, v17;
	v18, _, _ =	vpop (xrf2);
	s3 =	sld [smem:$0x7D2];
	[tilespmem:v15+s8+$0x0] =	vst.idx.add.f32.msk vm11, v17  }
0x306: {  	vm8 =	vmand vm1, vm9;
	v20 =	vadd.s32 s25, v7;
	s21 =	sadd.s32 $0x0, s31;
	v15 =	vsub.f32 $0.0e+00, v18;
	[tilespmem:v22+s8+$0x0] =	vst.idx.add.f32.msk vm5, v18  }
0x307: {  	vm2 =	vne.s32 v9, v26;
	v23 =	vadd.s32 s25, v27;
	s0 =	sand.u32 $0x3, s21;
	[tilespmem:v19+s8+$0x0] =	vst.idx.add.f32.msk vm4, v13  }
0x308: {  	p3 =	sne.s32 s9, $0x0;
	vm1 =	vmor vm0, vm2;
	s26 =	sshll.u32 s0, $0xC;
	[tilespmem:v21+s8+$0x0] =	vst.idx.add.f32.msk vm6, v15  }
0x309: {  	v16 =	vadd.s32 s26, v9;
	v13, _, _ =	vpop (xrf2);
	v29 =	vld @!p3 [tilespmem:$0x14600]  }
0x30a: {  	v24 =	vld @!p3 [tilespmem:$0x14610];
	v19 =	vsub.f32 $0.0e+00, v13  }
0x30b: {  	vm3 =	vmand vm2, vm9;
	[tilespmem:v20+s8+$0x0] =	vst.idx.add.f32.msk vm7, v13  }
0x30c: {  	p4 =	sne.s32 s14, $0x0;
	v17 =	vadd.s32 s26, v26;
	s29 =	sadd.s32 $0x0, s3;
	[tilespmem:v23+s8+$0x0] =	vst.idx.add.f32.msk vm8, v19  }
0x30d: {  	vm15 =	vne.s32 v12, v28;
	s30 =	sand.u32 $0x3, s29;
	v15, _, _ =	vpop (xrf2);
	v23 =	vld @!p4 [tilespmem:$0x14600]  }
0x30e: {  	p0 =	sne.s32 s12, $0x0;
	vm0 =	vmor vm0, vm15;
	s18 =	sshll.u32 s30, $0xC;
	[tilespmem:v16+s8+$0x0] =	vst.idx.add.f32.msk vm1, v15  }
0x30f: {  	p6 =	sne.s32 s15, $0x0;
	v13 =	vsub.f32 $0.0e+00, v15;
	v18 =	vadd.s32 s18, v12;
	v16 =	vld @!p0 [tilespmem:$0x14600]  }
0x310: {  	vm2 =	vmand vm15, vm9;
	v20 =	vld @!p6 [tilespmem:$0x14600]  }
0x311: {  	p1 =	sne.s32 s11, $0x0;
	v21 =	vadd.s32 s18, v28;
	[tilespmem:v17+s8+$0x0] =	vst.idx.add.f32.msk vm3, v13  }
0x312: {  	v13 =	vld @!p1 [tilespmem:$0x14600]  }
0x313: {  	v19, _, _ =	vpop (xrf2);
	v17 =	vld @!p0 [tilespmem:$0x14610]  }
0x314: {  	v15 =	vsub.f32 $0.0e+00, v19;
	[tilespmem:v18+s8+$0x0] =	vst.idx.add.f32.msk vm0, v19  }
0x315: {  	v5 =	vadd.s32 @!p1 $0x4000, v5;
	v19 =	vld @!p6 [tilespmem:$0x14610]  }
0x316: {  	p2 =	sne.s32 s0, $0x0;
	v18 =	vadd.s32 @!p0 $0x4000, v8;
	[tilespmem:v21+s8+$0x0] =	vst.idx.add.f32.msk vm2, v15  }
0x317: {  	v10 =	vadd.s32 @!p1 $0x4000, v10;
	p5 =	por p2, p2;
	v15 =	vld @!p1 [tilespmem:$0x14610]  }
0x318: {  	v22 =	vadd.s32 @!p0 $0x4000, v25;
	v8 =	vld @!p5 [tilespmem:$0x14600]  }
0x319: {  	s0 =	simm.s32 @!p1 $0xF580;
	v21 =	vld @!p4 [tilespmem:$0x14610]  }
0x31a: {  	s9 =	simm.s32 @!p0 $0xF580;
	[tilespmem:v5+s0+$0x0] =	vst.idx.add.f32.msk @!p1 vm10, v13  }
0x31b: {  	[tilespmem:v18+s9+$0x0] =	vst.idx.add.f32.msk @!p0 vm13, v16  }
0x31c: {  	[tilespmem:v10+s0+$0x0] =	vst.idx.add.f32.msk @!p1 vm12, v15  }
0x31d: {  	s17 =	simm.s32 $0x0;
	p1 =	sne.s32 s30, $0x0;
	[tilespmem:v22+s9+$0x0] =	vst.idx.add.f32.msk @!p0 vm14, v17  }
0x31e: {  	s16 =	smov.u32 s22;
	v15 =	vadd.s32 @!p3 $0x4000, v4;
	v10 =	vld @!p5 [tilespmem:$0x14610];
	s0 =	simm.s32 @!p6 $0x0;
	p0 =	por p1, p1  }
0x31f: {  	s14 =	simm.s32 $0x0;
	s20 =	simm.s32 @!p3 $0xF580;
	v5 =	vadd.s32 @!p2 $0x4000, v9;
	s0 =	simm.s32 @p6 $0x1;
	v9 =	vld @!p0 [tilespmem:$0x14600]  }
0x320: {  	s19 =	simm.s32 @!p4 $0xF580;
	v22 =	vadd.s32 @!p3 $0x4000, v11;
	v11 =	vld @!p0 [tilespmem:$0x14610];
	[smem:$0x793] =	sst s0;
	s0 =	simm.s32 @!p0 $0x0  }
0x321: {  	s15 =	simm.s32 $0x20;
	s12 =	simm.s32 @!p2 $0xF580;
	v13 =	vadd.s32 @!p4 $0x4000, v6;
	s0 =	simm.s32 @p0 $0x1  }
0x322: {  	s18 =	simm.s32 @!p6 $0xF580;
	v18 =	vadd.s32 @!p4 $0x4000, v14;
	v17 =	vadd.s32 @!p6 $0x4000, v27;
	v4 =	vadd.s32 @!p1 $0x4000, v12;
	s11 =	simm.s32 @!p1 $0xF580;
	[smem:$0x794] =	sst s0  }
0x323: {  	p1 =	por p4, p4;
	v12 =	vadd.s32 @!p6 $0x4000, v7;
	p4 =	por p5, p5;
	v7 =	vadd.s32 @!p5 $0x4000, v26;
	p6 =	por p3, p3;
	v6 =	vadd.s32 @!p0 $0x4000, v28;
	[tilespmem:v15+s20+$0x0] =	vst.idx.add.f32.msk @!p3 vm11, v29  }
.LBB2_16:
0x324: {  	s26 =	sld [smem:$0x7DE]  }
0x325: {  	s9 =	sld [smem:$0x7EF]  }
0x326: {  	s0 =	simm.s32 @!p4 $0x0;
	s16 =	sadd.s32 $0x80, s16;
	s25 =	sld [smem:$0x793]  }
0x327: {  	s14 =	sadd.s32 $0x8, s14;
	s30 =	sld [smem:$0x7D7];
	s10 =	sadd.s32 $0x80, s10  }
0x328: {  	v14 =	vld [tilespmem:$0x14580];
	s17 =	sadd.s32 $0x1, s17;
	s0 =	simm.s32 @p4 $0x1;
	s21 =	sadd.s32 $0xFFFFFFA0, s16  }
0x329: {  	s22 =	sand.u32 $0x60, s16;
	p0 =	slt.u32 s14, $0xC28;
	v15 =	vld [tilespmem:s10+$0xFFFFFFC0];
	[smem:$0x787] =	sst s0  }
0x32a: {  	v16 =	vld [tilespmem:s10+$0xFFFFFFD0];
	s21 =	sand.u32 $0x40, s21;
	s0 =	sadd.s32 s15, s26;
	s9 =	sadd.s32 s15, s9  }
0x32b: {  	s26 =	sadd.s32 $0xFFFFFFD0, s16;
	s9 =	sand.u32 $0x1FFFFF80, s9;
	[tilespmem:v22+s20+$0x0] =	vst.idx.add.f32.msk @!p6 vm4, v24;
	s20 =	sadd.s32 s15, s24  }
0x32c: {  	[tilespmem:v13+s19+$0x0] =	vst.idx.add.f32.msk @!p1 vm5, v23;
	s24 =	simm.s32 @!p0 $0x0;
	s0 =	sand.u32 $0x1FFFFF80, s0;
	s26 =	sand.u32 $0x70, s26  }
0x32d: {  	v13 =	vld [tilespmem:s10+$0x30];
	s9 =	sor.u32 s22, s9;
	s22 =	sadd.s32 $0xFFFFFFB0, s16;
	s24 =	simm.s32 @p0 $0x1  }
0x32e: {  	[tilespmem:v18+s19+$0x0] =	vst.idx.add.f32.msk @!p1 vm6, v21;
	s19 =	sadd.s32 s15, s23;
	p0 =	seq.s32 s25, $0x1;
	s9 =	ssub.s32 s9, s13  }
0x32f: {  	v24 =	vld [tilespmem:s10+$0x10];
	s25 =	sadd.s32 s15, s30;
	s30 =	sld [smem:$0x7FB];
	s29 =	sor.u32 $0x1, s9  }
0x330: {  	s23 =	sadd.s32 $0xFFFFFFC0, s16;
	s20 =	sand.u32 $0x1FFFFF80, s20;
	[smem:$0x78B] =	sst s24;
	[tilespmem:v12+s18+$0x0] =	vst.idx.add.f32.msk @!p0 vm7, v20;
	v12 =	vadd.s32 s29, v14  }
0x331: {  	v21 =	vld [tilespmem:s10+$0x20];
	s24 =	sadd.s32 $0xFFFFFFE0, s16;
	s19 =	sand.u32 $0x1FFFFF80, s19;
	s22 =	sand.u32 $0x50, s22  }
0x332: {  	s25 =	sand.u32 $0x1FFFFF80, s25;
	s23 =	sand.u32 $0x60, s23;
	s21 =	sor.u32 s21, s20;
	[tilespmem:v17+s18+$0x0] =	vst.idx.add.f32.msk @!p0 vm8, v19  }
0x333: {  	s18 =	sadd.s32 s15, s28;
	s28 =	sld [smem:$0x7D3];
	v19 =	vld [tilespmem:s10+$0xFFFFFFE0];
	s24 =	sand.u32 $0x40, s24  }
0x334: {  	v22 =	vld [tilespmem:s9+$0xC380];
	s9 =	rddreg [dreg:$0x7];
	s19 =	sor.u32 s22, s19;
	s22 =	sor.u32 s23, s25  }
0x335: {  	s29 =	sadd.s32 $0xFFFFFFF0, s16;
	s30 =	sadd.s32 s15, s30;
	s18 =	sand.u32 $0x1FFFFF80, s18;
	(xrf2) =	vadd.scan.msk.f32 $0xffff, v13;
	v12 =	vld.idx.msk [tilespmem:v12+s6+$0x0], $0xffff  }
0x336: {  	s0 =	sor.u32 s9, s0;
	v23 =	vld [tilespmem:s10+$0x0];
	s18 =	sor.u32 s26, s18;
	s26 =	sld [smem:$0x7F0];
	(xrf2) =	vadd.scan.msk.f32 $0xffff, v15  }
0x337: {  	s9 =	ssub.s32 s21, s13;
	s19 =	ssub.s32 s19, s13;
	s20 =	ssub.s32 s22, s13;
	v13 =	vld [tilespmem:s10+$0xFFFFFFF0]  }
0x338: {  	s30 =	sand.u32 $0x1FFFFF80, s30;
	s29 =	sand.u32 $0x50, s29;
	s0 =	ssub.s32 s0, s13;
	v26 =	vld [tilespmem:s9+$0xC380]  }
0x339: {  	s9 =	sor.u32 $0x1, s9;
	v27 =	vld [tilespmem:s19+$0xC380];
	s28 =	sadd.s32 s15, s28;
	s23 =	sadd.s32 s17, s26  }
0x33a: {  	vm9 =	veq.s32 v14, $0xF;
	s25 =	sor.u32 s29, s30;
	v25 =	vld [tilespmem:s0+$0xC380];
	s0 =	sor.u32 $0x1, s0;
	v28 =	vadd.s32 s9, v14;
	s23 =	sand.u32 $0x3, s23;
	vm5 =	vne.s32 v22, v12  }
0x33b: {  	vm10 =	vne.s32 v14, $0xF;
	v17 =	vld [tilespmem:s20+$0xC380];
	s18 =	ssub.s32 s18, s13;
	s28 =	sand.u32 $0x1FFFFF80, s28;
	(xrf2) =	vadd.scan.msk.f32 $0xffff, v16;
	v16 =	vadd.s32 s0, v14;
	s29 =	sshll.u32 s23, $0xC;
	vm4 =	vmor vm9, vm5  }
0x33c: {  	s19 =	sor.u32 $0x1, s19;
	s22 =	ssub.s32 s25, s13;
	v18 =	vld [tilespmem:s18+$0xC380];
	s24 =	sor.u32 s24, s28;
	v15 =	vadd.s32 s29, v22;
	vm5 =	vmand vm5, vm10  }
0x33d: {  	s9 =	sor.u32 $0x1, s20;
	s30 =	sor.u32 $0x1, s18;
	v20 =	vld [tilespmem:s22+$0xC380];
	s21 =	ssub.s32 s24, s13;
	v29 =	vadd.s32 s29, v12  }
0x33e: {  	v30 =	vadd.s32 s19, v14;
	s26 =	sld [smem:$0x7DD];
	v32 =	vadd.s32 s30, v14;
	s30 =	sor.u32 $0x1, s22;
	(xrf2) =	vadd.scan.msk.f32 $0xffff, v19;
	s20 =	sor.u32 $0x1, s21;
	v19 =	vld [tilespmem:s21+$0xC380]  }
0x33f: {  	v31 =	vadd.s32 s9, v14;
	v34 =	vadd.s32 s30, v14;
	v33 =	vadd.s32 s20, v14;
	v28 =	vld.idx.msk [tilespmem:v28+s6+$0x0], $0xffff;
	s29 =	sld [smem:$0x7DC];
	v14, _, _ =	vpop (xrf2);
	(xrf2) =	vadd.scan.msk.f32 $0xffff, v13  }
0x340: {  	s19 =	sld [smem:$0x7DA];
	v35 =	vsub.f32 $0.0e+00, v14;
	v57, _, _ =	vpop (xrf2);
	(xrf2) =	vadd.scan.msk.f32 $0xffff, v23;
	v23 =	vld.idx.msk [tilespmem:v16+s6+$0x0], $0xffff  }
0x341: {  	[tilespmem:v15+s8+$0x0] =	vst.idx.add.f32.msk vm4, v14  }
0x342: {  	p2 =	sne.s32 s23, $0x0;
	s24 =	sadd.s32 s17, s26;
	s25 =	sadd.s32 s17, s29;
	[tilespmem:v29+s8+$0x0] =	vst.idx.add.f32.msk vm5, v35  }
0x343: {  	s9 =	sadd.s32 s17, s19;
	s24 =	sand.u32 $0x3, s24;
	v22 =	vadd.s32 @!p2 $0x4000, v22;
	s22 =	sand.u32 $0x3, s25;
	v36 =	vld @!p2 [tilespmem:$0x14600]  }
0x344: {  	s26 =	sadd.s32 s17, s31;
	s31 =	sshll.u32 s24, $0xC;
	v40 =	vadd.s32 @!p2 $0x4000, v12;
	p0 =	sne.s32 s22, $0x0;
	v39 =	vld @!p2 [tilespmem:$0x14610]  }
0x345: {  	v30 =	vld.idx.msk [tilespmem:v30+s6+$0x0], $0xffff;
	p5 =	sne.s32 s24, $0x0;
	s29 =	sand.u32 $0x3, s9;
	s0 =	simm.s32 @!p0 $0x0  }
0x346: {  	v31 =	vld.idx.msk [tilespmem:v31+s6+$0x0], $0xffff;
	s9 =	sshll.u32 s22, $0xC;
	s22 =	sld [smem:$0x787];
	s0 =	simm.s32 @p0 $0x1  }
0x347: {  	v37 =	vadd.s32 s31, v25;
	v33 =	vld.idx.msk [tilespmem:v33+s6+$0x0], $0xffff;
	s28 =	sshll.u32 s29, $0xC;
	[smem:$0x78A] =	sst s0;
	s0 =	simm.s32 @!p2 $0xF580  }
0x348: {  	v16 =	vadd.s32 @!p5 $0x4000, v25;
	v44, _, _ =	vpop (xrf2);
	(xrf2) =	vadd.scan.msk.f32 $0xffff, v24;
	v41 =	vadd.s32 s28, v27;
	[tilespmem:v22+s0+$0x0] =	vst.idx.add.f32.msk @!p2 vm4, v36  }
0x349: {  	v38 =	vadd.s32 s9, v26;
	v22, _, _ =	vpop (xrf2);
	(xrf2) =	vadd.scan.msk.f32 $0xffff, v21;
	vm4 =	vne.s32 v25, v23;
	[tilespmem:v40+s0+$0x0] =	vst.idx.add.f32.msk @!p2 vm5, v39;
	p2 =	seq.s32 s22, $0x1  }
0x34a: {  	s18 =	sadd.s32 s17, s2;
	v21 =	vadd.s32 s31, v23;
	vm11 =	vmor vm9, vm4;
	[tilespmem:v5+s12+$0x0] =	vst.idx.add.f32.msk @!p2 vm1, v8;
	v8 =	vadd.s32 s9, v28;
	s9 =	sld [smem:$0x794]  }
0x34b: {  	s18 =	sand.u32 $0x3, s18;
	s20 =	sand.u32 $0x3, s26;
	p4 =	sne.s32 s29, $0x0;
	v25 =	vadd.s32 @!p5 $0x4000, v23;
	v23 =	vld.idx.msk [tilespmem:v32+s6+$0x0], $0xffff;
	vm5 =	vne.s32 v26, v28;
	vm13 =	vmand vm4, vm10  }
0x34c: {  	s30 =	sadd.s32 s17, s3;
	s26 =	sshll.u32 s18, $0xC;
	p3 =	sne.s32 s20, $0x0;
	v14 =	vadd.s32 @!p4 $0x4000, v27;
	vm4 =	vne.s32 v27, v30;
	v27 =	vld.idx.msk [tilespmem:v34+s6+$0x0], $0xffff;
	vm12 =	vmor vm9, vm5  }
0x34d: {  	v24 =	vadd.s32 @!p3 $0x4000, v19;
	s0 =	simm.s32 @!p3 $0xF580;
	vm14 =	vmor vm9, vm4;
	[tilespmem:v7+s12+$0x0] =	vst.idx.add.f32.msk @!p2 vm3, v10;
	p2 =	por p3, p3;
	p3 =	seq.s32 s9, $0x1  }
0x34e: {  	s21 =	sand.u32 $0x3, s30;
	v42 =	vadd.s32 s26, v17;
	vm15 =	vmand vm5, vm10;
	[tilespmem:v4+s11+$0x0] =	vst.idx.add.f32.msk @!p3 vm0, v9  }
0x34f: {  	p1 =	sne.s32 s18, $0x0;
	s24 =	sshll.u32 s21, $0xC;
	s18 =	simm.s32 @!p5 $0x0;
	v58 =	vsub.f32 $0.0e+00, v57;
	vm4 =	vmand vm4, vm10;
	vm1 =	vne.s32 v17, v31;
	[tilespmem:v6+s11+$0x0] =	vst.idx.add.f32.msk @!p3 vm2, v11  }
0x350: {  	v47 =	vadd.s32 s24, v20;
	s18 =	simm.s32 @p5 $0x1;
	s25 =	sshll.u32 s20, $0xC;
	v62 =	vadd.s32 s28, v30;
	vm5 =	vmor vm9, vm1;
	[tilespmem:v37+s8+$0x0] =	vst.idx.add.f32.msk vm11, v57  }
0x351: {  	s19 =	sadd.s32 s17, s4;
	[smem:$0x789] =	sst s18;
	s18 =	simm.s32 @!p1 $0x0;
	v45 =	vsub.f32 $0.0e+00, v44;
	v46 =	vadd.s32 s25, v19;
	vm6 =	vmand vm1, vm10;
	[tilespmem:v21+s8+$0x0] =	vst.idx.add.f32.msk vm13, v58  }
0x352: {  	s18 =	simm.s32 @p1 $0x1;
	s23 =	simm.s32 @!p0 $0xF580;
	v15 =	vadd.s32 @!p0 $0x4000, v26;
	p0 =	sne.s32 s21, $0x0;
	v10 =	vadd.s32 s26, v31;
	vm1 =	vne.s32 v18, v23;
	[tilespmem:v38+s8+$0x0] =	vst.idx.add.f32.msk vm12, v44  }
0x353: {  	s19 =	sand.u32 $0x3, s19;
	[smem:$0x788] =	sst s18;
	v48 =	vadd.s32 @!p0 $0x4000, v20;
	v59 =	vsub.f32 $0.0e+00, v22;
	vm7 =	vmor vm9, vm1;
	[tilespmem:v41+s8+$0x0] =	vst.idx.add.f32.msk vm14, v22  }
0x354: {  	s30 =	sshll.u32 s19, $0xC;
	v60, _, _ =	vpop (xrf2);
	vm8 =	vmand vm1, vm10;
	vm1 =	vne.s32 v20, v27;
	v20 =	vadd.s32 s25, v33;
	s25 =	sld [smem:$0x789];
	[tilespmem:v8+s8+$0x0] =	vst.idx.add.f32.msk vm15, v45  }
0x355: {  	p6 =	sne.s32 s19, $0x0;
	s19 =	simm.s32 @!p1 $0xF580;
	s22 =	sld [smem:$0x78A];
	v26 =	vsub.f32 $0.0e+00, v60;
	[tilespmem:v62+s8+$0x0] =	vst.idx.add.f32.msk vm4, v59  }
0x356: {  	v43 =	vadd.s32 s30, v18;
	s29 =	simm.s32 @!p5 $0xF580;
	s18 =	simm.s32 @!p6 $0xF580;
	s26 =	sld [smem:$0x78A];
	[tilespmem:v42+s8+$0x0] =	vst.idx.add.f32.msk vm5, v60  }
0x357: {  	v12 =	vadd.s32 @!p6 $0x4000, v18;
	v13 =	vadd.s32 @!p1 $0x4000, v17;
	s21 =	simm.s32 @!p0 $0xF580;
	vm0 =	vne.s32 v19, v33;
	p3 =	por p0, p0;
	p0 =	seq.s32 s25, $0x1;
	[tilespmem:v10+s8+$0x0] =	vst.idx.add.f32.msk vm6, v26  }
0x358: {  	s20 =	simm.s32 @!p4 $0xF580;
	v5 =	vmovc v24;
	p1 =	seq.s32 s22, $0x1;
	s22 =	sld [smem:$0x788];
	v17 =	vadd.s32 @!p6 $0x4000, v23;
	v24 =	vadd.s32 s24, v27;
	vm2 =	vmor vm9, vm0;
	v26 =	vld @!p0 [tilespmem:$0x14600]  }
0x359: {  	p5 =	por p4, p4;
	p4 =	por p6, p6;
	p6 =	seq.s32 s26, $0x1;
	vm3 =	vmand vm0, vm10;
	vm0 =	vmor vm9, vm1;
	v6 =	vadd.s32 @!p3 $0x4000, v27;
	v27 =	vld @!p0 [tilespmem:$0x14610]  }
0x35a: {  	v28 =	vadd.s32 @!p1 $0x4000, v28;
	vm9 =	vmand vm1, vm10;
	v29 =	vld @!p6 [tilespmem:$0x14600]  }
0x35b: {  	p1 =	seq.s32 s22, $0x1;
	vm1 =	vmmov vm2;
	v22 =	vadd.s32 @!p5 $0x4000, v30;
	v8 =	vadd.s32 s30, v23;
	v30 =	vld @!p6 [tilespmem:$0x14610]  }
0x35c: {  	v61, _, _ =	vpop (xrf2);
	v18 =	vadd.s32 @!p1 $0x4000, v31;
	v31 =	vld @!p5 [tilespmem:$0x14600]  }
0x35d: {  	v9, _, _ =	vpop (xrf2);
	v23 =	vld @!p1 [tilespmem:$0x14600]  }
0x35e: {  	v63 =	vsub.f32 $0.0e+00, v61;
	v19, _, _ =	vpop (xrf2);
	[tilespmem:v43+s8+$0x0] =	vst.idx.add.f32.msk vm7, v61  }
0x35f: {  	[tilespmem:v47+s8+$0x0] =	vst.idx.add.f32.msk vm0, v19  }
0x360: {  	v21 =	vsub.f32 $0.0e+00, v19;
	[tilespmem:v8+s8+$0x0] =	vst.idx.add.f32.msk vm8, v63  }
0x361: {  	[tilespmem:v46+s8+$0x0] =	vst.idx.add.f32.msk vm1, v9  }
0x362: {  	[tilespmem:v24+s8+$0x0] =	vst.idx.add.f32.msk vm9, v21  }
0x363: {  	v11 =	vsub.f32 $0.0e+00, v9;
	v24 =	vld @!p5 [tilespmem:$0x14610]  }
0x364: {  	v21 =	vld @!p1 [tilespmem:$0x14610]  }
0x365: {  	[tilespmem:v20+s8+$0x0] =	vst.idx.add.f32.msk vm3, v11  }
0x366: {  	v20 =	vld @!p4 [tilespmem:$0x14600]  }
0x367: {  	v19 =	vld @!p4 [tilespmem:$0x14610]  }
0x368: {  	s30 =	sld [smem:$0x78B];
	v9 =	vld @!p3 [tilespmem:$0x14600]  }
0x369: {  	v11 =	vld @!p3 [tilespmem:$0x14610]  }
0x36a: {  	s28 =	sld [smem:$0x7D5];
	[tilespmem:v16+s29+$0x0] =	vst.idx.add.f32.msk @!p0 vm11, v26  }
0x36b: {  	s12 =	smov.u32 s0;
	s0 =	simm.s32 @!p4 $0x0;
	[tilespmem:v25+s29+$0x0] =	vst.idx.add.f32.msk @!p0 vm13, v27;
	p0 =	seq.s32 s30, $0x1  }
.Ltmp7:
0x36c: {  	s31 =	sld [smem:$0x7D4];
	s0 =	simm.s32 @p4 $0x1;
	[tilespmem:v15+s23+$0x0] =	vst.idx.add.f32.msk @!p6 vm12, v29;
	(pc) =	sbr.rel @p0 .LBB2_16-.Ltmp7, $4  }
0x36d: {  	[smem:$0x793] =	sst s0;
	s0 =	simm.s32 @!p3 $0x0;
	[tilespmem:v14+s20+$0x0] =	vst.idx.add.f32.msk @!p5 vm14, v31  }
0x36e: {  	s24 =	sld [smem:$0x7DB];
	s0 =	simm.s32 @p3 $0x1;
	v8 =	vld @!p2 [tilespmem:$0x14600]  }
0x36f: {  	s15 =	sadd.s32 $0x20, s15;
	s11 =	smov.u32 s21;
	[smem:$0x794] =	sst s0;
	v10 =	vld @!p2 [tilespmem:$0x14610]  }
0x370: {  	v7 =	vadd.s32 @!p2 $0x4000, v33;
	v4 =	vmov v48;
	vm2 =	vmmov vm9;
	p4 =	por p2, p2;
	[tilespmem:v28+s23+$0x0] =	vst.idx.add.f32.msk @!p6 vm15, v30;
	s23 =	sld [smem:$0x7D9];
	p6 =	por p5, p5  }
0x371: {  	_ =	sdelay $0x4  }
0x372: {  	[tilespmem:v22+s20+$0x0] =	vst.idx.add.f32.msk @!p6 vm4, v24  }
0x373: {  	[tilespmem:v13+s19+$0x0] =	vst.idx.add.f32.msk @!p1 vm5, v23  }
0x374: {  	[tilespmem:v18+s19+$0x0] =	vst.idx.add.f32.msk @!p1 vm6, v21  }
0x375: {  	s0 =	sld [smem:$0x793];
	_ =	sdelay $0x1  }
0x376: {  	[tilespmem:v5+s12+$0x0] =	vst.idx.add.f32.msk @!p4 vm1, v8  }
0x377: {  	[tilespmem:v7+s12+$0x0] =	vst.idx.add.f32.msk @!p4 vm3, v10;
	p0 =	seq.s32 s0, $0x1  }
0x378: {  	[tilespmem:v12+s18+$0x0] =	vst.idx.add.f32.msk @!p0 vm7, v20  }
0x379: {  	[tilespmem:v17+s18+$0x0] =	vst.idx.add.f32.msk @!p0 vm8, v19  }
0x37a: {  	s31 =	sld [smem:$0x794];
	_ =	sdelay $0x2  }
0x37b: {  	p0 =	seq.s32 s31, $0x1  }
0x37c: {  	[tilespmem:v4+s11+$0x0] =	vst.idx.add.f32.msk @!p0 vm0, v9  }
0x37d: {  	[tilespmem:v6+s11+$0x0] =	vst.idx.add.f32.msk @!p0 vm2, v11  }
0x37e: {  	s9 =	sld [smem:$0x7F1]  }
0x37f: {  	s10 =	sld [smem:$0x7F2]  }
0x380: {  	s2 =	simm.s32 $0x0  }
.LBB2_18:
0x381: {  	v4 =	vld [tilespmem:$0x14580]  }
0x382: {  	s0 =	sand.u32 $0x1FFFFF80, s10;
	s11 =	sand.u32 $0x70, s9  }
0x383: {  	s0 =	sor.u32 s11, s0  }
0x384: {  	s0 =	ssub.s32 s0, s13  }
0x385: {  	s12 =	sshra.s32 s2, $0x2;
	s29 =	sor.u32 $0x1, s0  }
0x386: {  	v6 =	vld [tilespmem:s12+$0xC300];
	v5 =	vadd.s32 s29, v4;
	_ =	sdelay $0x3  }
0x387: {  	v7 =	vld [tilespmem:s0+$0xC380]  }
0x388: {  	(xrf2) =	vadd.scan.msk.f32 $0xffff, v6;
	v5 =	vld.idx.msk [tilespmem:v5+s6+$0x0], $0xffff;
	_ =	sdelay $0x3  }
0x389: {  	s30 =	sshrl.u32 s9, $0x7  }
0x38a: {  	s0 =	sand.u32 $0x3, s30;
	vm1 =	veq.s32 v4, $0xF;
	vm0 =	vne.s32 v7, v5  }
0x38b: {  	s31 =	sshll.u32 s0, $0xC;
	vm2 =	vne.s32 v4, $0xF;
	vm1 =	vmor vm1, vm0  }
0x38c: {  	v4 =	vadd.s32 s31, v7;
	vm0 =	vmand vm0, vm2  }
0x38d: {  	v63 =	vadd.s32 s31, v5;
	_ =	sdelay $0x1  }
0x38e: {  	v8, _, _ =	vpop (xrf2)  }
0x38f: {  	v9 =	vsub.f32 $0.0e+00, v8  }
0x390: {  	[tilespmem:v4+s8+$0x0] =	vst.idx.add.f32.msk vm1, v8  }
0x391: {  	p0 =	sne.s32 s0, $0x0;
	[tilespmem:v63+s8+$0x0] =	vst.idx.add.f32.msk vm0, v9  }
0x392: {  	s2 =	sadd.s32 $0x40, s2;
	v6 =	vadd.s32 @!p0 $0x4000, v7;
	v4 =	vld @!p0 [tilespmem:$0x14600]  }
0x393: {  	p1 =	sne.s32 s2, $0x140;
	v5 =	vadd.s32 @!p0 $0x4000, v5;
	v7 =	vld @!p0 [tilespmem:$0x14610]  }
.Ltmp8:
0x394: {  	_ = 	snop;
	(pc) =	sbr.rel @p1 .LBB2_18-.Ltmp8, $4  }
0x395: {  	_ = 	snop  }
0x396: {  	s0 =	simm.s32 @!p0 $0xF580  }
0x397: {  	[tilespmem:v6+s0+$0x0] =	vst.idx.add.f32.msk @!p0 vm1, v4  }
0x398: {  	s10 =	sadd.s32 $0x4, s10;
	s9 =	sadd.s32 $0x10, s9;
	[tilespmem:v5+s0+$0x0] =	vst.idx.add.f32.msk @!p0 vm0, v7  }
0x399: {  	s2 =	sld [smem:$0x7C9];
	_ =	sdelay $0x1  }
0x39a: {  	s0 =	simm.s32 $0x0;
	s31 =	simm.s32 $0x1  }
0x39b: {  	[hbm4b:s2+s0] =	stream.linear.scatter [tilespmem:s8], [sflag:$0x1], $0x5000, $0x38;
	[tilespmem:$0x14680] =	vst v63  }
0x39c: {  	_ =	swait.ge [sflag:s31], $0x5000  }
0x39d: {  	s20 =	rddreg [dreg:$0x9]  }
0x39e: {  	s3 =	rddreg [dreg:$0xa]  }
0x39f: {  	s4 =	sld [smem:$0x7F4]  }
0x3a0: {  	s2 =	rddreg [dreg:$0xb]  }
0x3a1: {  	s19 =	rddreg [dreg:$0xc]  }
0x3a2: {  	s17 =	rddreg [dreg:$0xe]  }
0x3a3: {  	s15 =	rddreg [dreg:$0xf]  }
0x3a4: {  	s21 =	sld [smem:$0x7DF]  }
0x3a5: {  	s9 =	simm.s32 $0x40;
	[sflag:s31] =	ssyncset.done $0x0;
	s14 =	sld [smem:$0x7E1]  }
0x3a6: {  	s10 =	simm.s32 $0x0;
	s22 =	rddreg [dreg:$0x8];
	[sflag:s31] =	ssyncadd.s32 $0xFFFFB000  }
.LBB2_20:
0x3a7: {  	p0 =	sne.s32 s9, $0x13FC0;
	[tilespmem:s10+$0xF580] =	vst v3;
	s0 =	smov.u32 s9;
	s9 =	sadd.s32 $0x40, s9  }
.Ltmp9:
0x3a8: {  	(pc) =	sbr.rel @p0 .LBB2_20-.Ltmp9, $2  }
0x3a9: {  	_ =	sdelay $0x2  }
0x3aa: {  	s10 =	sshra.s32 s0, $0x2  }
0x3ab: {  	s0 =	sld [smem:$0x7BE];
	_ =	sdelay $0x1  }
0x3ac: {  	[tilespmem:s10+$0xF580] =	vst v3;
	s16 =	simm.s32 $0x0;
	s9 =	simm.s32 $0x1  }
0x3ad: {  	[tilespmem:s16], [sflag:$0x1] =	stream.linear.gather [hbm4b:s0+s16], $0xC350, $0x38;
	[tilespmem:$0x14680] =	vst v63  }
0x3ae: {  	_ =	swait.ge [sflag:s9], $0xC350  }
0x3af: {  	s18 =	sld [smem:$0x7C5]  }
0x3b0: {  	[sflag:s9] =	ssyncset.done $0x0  }
0x3b1: {  	[sflag:s9] =	ssyncadd.s32 $0xFFFF3CB0  }
0x3b2: {  	[tilespmem:s6], [sflag:$0x1] =	stream.linear.gather [hbm4b:s18+s16], $0x31C0, $0x38;
	[tilespmem:$0x14680] =	vst v63  }
0x3b3: {  	_ =	swait.ge [sflag:s9], $0x31C0  }
0x3b4: {  	[sflag:s9] =	ssyncset.done $0x0  }
0x3b5: {  	s24 =	sld [smem:$0x7B2];
	[sflag:s9] =	ssyncadd.s32 $0xFFFFCE40  }
0x3b6: {  	s23 =	sadd.s32 $0x0, s14;
	v8 =	vld [tilespmem:$0x14580]  }
0x3b7: {  	s0 =	sand.u32 $0x1FFFFF80, s23  }
0x3b8: {  	s0 =	sor.u32 s24, s0  }
0x3b9: {  	s0 =	ssub.s32 s0, s1  }
0x3ba: {  	s10 =	simm.s32 $0x40;
	s11 =	sor.u32 $0x1, s0  }
0x3bb: {  	s26 =	sld [smem:$0x7FC];
	v5 =	vld [tilespmem:s10+$0x30];
	v4 =	vadd.s32 s11, v8  }
0x3bc: {  	s28 =	rddreg [dreg:$0xd]  }
0x3bd: {  	s30 =	sld [smem:$0x7B3];
	v9 =	vld [tilespmem:s10+$0xFFFFFFC0]  }
0x3be: {  	s16 =	rddreg [dreg:$0x4];
	v10 =	vld [tilespmem:s10+$0xFFFFFFD0]  }
0x3bf: {  	s12 =	sadd.s32 $0x0, s17;
	s17 =	sld [smem:$0x7B4];
	v13 =	vld [tilespmem:s0+$0xC380]  }
0x3c0: {  	s25 =	sadd.s32 $0x0, s15;
	s18 =	sld [smem:$0x7FD];
	(xrf2) =	vadd.scan.msk.f32 $0xffff, v5;
	v11 =	vld.idx.msk [tilespmem:v4+s6+$0x0], $0xffff  }
0x3c1: {  	s12 =	sand.u32 $0x1FFFFF80, s12;
	s23 =	sld [smem:$0x7B5];
	s29 =	sadd.s32 $0x0, s28;
	v15 =	vld [tilespmem:s10+$0xFFFFFFE0]  }
0x3c2: {  	s28 =	sld [smem:$0x7B7];
	v16 =	vld [tilespmem:s10+$0xFFFFFFF0];
	s0 =	sadd.s32 $0x0, s26;
	s11 =	sand.u32 $0x1FFFFF80, s25  }
0x3c3: {  	s14 =	sand.u32 $0x1FFFFF80, s29;
	v17 =	vld [tilespmem:s10+$0x0];
	s0 =	sand.u32 $0x1FFFFF80, s0;
	s11 =	sor.u32 s30, s11  }
0x3c4: {  	v18 =	vld [tilespmem:s10+$0x10];
	s0 =	sor.u32 s16, s0;
	s16 =	sadd.s32 $0x0, s18;
	s11 =	ssub.s32 s11, s1  }
0x3c5: {  	s12 =	sor.u32 s17, s12;
	vm0 =	veq.s32 v8, $0xF;
	s16 =	sand.u32 $0x3, s16;
	v5 =	vld [tilespmem:s11+$0xC380];
	s11 =	sor.u32 $0x1, s11;
	vm1 =	vne.s32 v13, v11  }
0x3c6: {  	v19 =	vld [tilespmem:s10+$0x20];
	s12 =	ssub.s32 s12, s1;
	vm9 =	vne.s32 v8, $0xF;
	s18 =	sadd.s32 $0x0, s3;
	s24 =	sshll.u32 s16, $0xC;
	v24 =	vadd.s32 s11, v8;
	vm2 =	vmor vm0, vm1  }
0x3c7: {  	s14 =	sor.u32 s23, s14;
	v6 =	vld [tilespmem:s12+$0xC380];
	s0 =	ssub.s32 s0, s1;
	s26 =	sand.u32 $0x1FFFFF80, s18;
	v20 =	vadd.s32 s24, v13;
	vm1 =	vmand vm1, vm9  }
0x3c8: {  	s14 =	ssub.s32 s14, s1;
	s17 =	sor.u32 s28, s26;
	v4 =	vld [tilespmem:s0+$0xC380];
	s0 =	sor.u32 $0x1, s0;
	v21 =	vadd.s32 s24, v11  }
0x3c9: {  	v7 =	vld [tilespmem:s14+$0xC380];
	s29 =	ssub.s32 s17, s1;
	v22 =	vadd.s32 s0, v8  }
0x3ca: {  	s30 =	sor.u32 $0x1, s12;
	(xrf2) =	vadd.scan.msk.f32 $0xffff, v9;
	p0 =	sne.s32 s16, $0x0;
	v14 =	vld [tilespmem:s29+$0xC380];
	v23, _, _ =	vpop (xrf2)  }
0x3cb: {  	v9 =	vadd.s32 s30, v8;
	(xrf2) =	vadd.scan.msk.f32 $0xffff, v10;
	v10 =	vadd.s32 @!p0 $0x4000, v13;
	v13 =	vld.idx.msk [tilespmem:v24+s6+$0x0], $0xffff;
	v25 =	vsub.f32 $0.0e+00, v23  }
0x3cc: {  	s31 =	sadd.s32 $0x0, s2;
	s25 =	sld [smem:$0x7B6];
	[tilespmem:v20+s8+$0x0] =	vst.idx.add.f32.msk vm2, v23  }
0x3cd: {  	s15 =	sand.u32 $0x1FFFFF80, s31;
	s31 =	sor.u32 $0x1, s14;
	[tilespmem:v21+s8+$0x0] =	vst.idx.add.f32.msk vm1, v25  }
0x3ce: {  	v20 =	vadd.s32 s31, v8;
	v21 =	vld.idx.msk [tilespmem:v22+s6+$0x0], $0xffff;
	s17 =	sld [smem:$0x7B8]  }
0x3cf: {  	s9 =	sadd.s32 $0x0, s22;
	s15 =	sor.u32 s25, s15;
	s0 =	sor.u32 $0x1, s29;
	v22 =	vld @!p0 [tilespmem:$0x14600]  }
0x3d0: {  	s14 =	sand.u32 $0x1FFFFF80, s9;
	(xrf2) =	vadd.scan.msk.f32 $0xffff, v15;
	s15 =	ssub.s32 s15, s1;
	v15 =	vld.idx.msk [tilespmem:v9+s6+$0x0], $0xffff;
	v9 =	vadd.s32 s0, v8  }
0x3d1: {  	s16 =	sor.u32 $0x1, s15;
	v11 =	vadd.s32 @!p0 $0x4000, v11;
	v24 =	vld @!p0 [tilespmem:$0x14610];
	s11 =	sor.u32 s17, s14  }
0x3d2: {  	s22 =	sadd.s32 $0x0, s21;
	v12 =	vld [tilespmem:s15+$0xC380];
	v23 =	vadd.s32 s16, v8;
	s18 =	ssub.s32 s11, s1  }
0x3d3: {  	s12 =	simm.s32 @!p0 $0xF580;
	(xrf2) =	vadd.scan.msk.f32 $0xffff, v16;
	v16 =	vld.idx.msk [tilespmem:v20+s6+$0x0], $0xffff;
	s11 =	sand.u32 $0x3, s22;
	vm3 =	vne.s32 v4, v21;
	s23 =	sor.u32 $0x1, s18  }
0x3d4: {  	s24 =	sshll.u32 s11, $0xC;
	vm10 =	vmor vm0, vm3;
	[tilespmem:v10+s12+$0x0] =	vst.idx.add.f32.msk @!p0 vm2, v22;
	vm2 =	vne.s32 v5, v13;
	v8 =	vadd.s32 s23, v8  }
0x3d5: {  	(xrf2) =	vadd.scan.msk.f32 $0xffff, v17;
	v27 =	vld.idx.msk [tilespmem:v9+s6+$0x0], $0xffff;
	vm13 =	vmand vm3, vm9;
	v20 =	vadd.s32 s24, v4;
	v10 =	vadd.s32 s24, v5  }
0x3d6: {  	v17 =	vadd.s32 s24, v21;
	vm14 =	vmor vm0, vm2;
	[tilespmem:v11+s12+$0x0] =	vst.idx.add.f32.msk @!p0 vm1, v24;
	vm1 =	vne.s32 v6, v15  }
0x3d7: {  	v26 =	vld.idx.msk [tilespmem:v23+s6+$0x0], $0xffff;
	v23, _, _ =	vpop (xrf2);
	v22 =	vadd.s32 s24, v6;
	vm12 =	vmand vm2, vm9;
	vm11 =	vmor vm0, vm1  }
0x3d8: {  	v25 =	vld [tilespmem:s18+$0xC380];
	v11 =	vsub.f32 $0.0e+00, v23;
	vm4 =	vmand vm1, vm9;
	vm1 =	vne.s32 v7, v16  }
0x3d9: {  	v9 =	vadd.s32 s24, v13;
	vm5 =	vmor vm0, vm1;
	v28 =	vld.idx.msk [tilespmem:v8+s6+$0x0], $0xffff  }
0x3da: {  	(xrf2) =	vadd.scan.msk.f32 $0xffff, v18;
	v18 =	vadd.s32 s24, v7;
	[tilespmem:v20+s8+$0x0] =	vst.idx.add.f32.msk vm10, v23  }
0x3db: {  	v8, _, _ =	vpop (xrf2);
	[tilespmem:v17+s8+$0x0] =	vst.idx.add.f32.msk vm13, v11  }
0x3dc: {  	v20 =	vsub.f32 $0.0e+00, v8;
	v11, _, _ =	vpop (xrf2);
	[tilespmem:v10+s8+$0x0] =	vst.idx.add.f32.msk vm14, v8  }
0x3dd: {  	vm6 =	vmand vm1, vm9;
	(xrf2) =	vadd.scan.msk.f32 $0xffff, v19;
	v19 =	vadd.s32 s24, v15;
	[tilespmem:v22+s8+$0x0] =	vst.idx.add.f32.msk vm11, v11  }
0x3de: {  	v23 =	vadd.s32 s24, v16;
	v10, _, _ =	vpop (xrf2);
	[tilespmem:v9+s8+$0x0] =	vst.idx.add.f32.msk vm12, v20  }
0x3df: {  	s25 =	sadd.s32 $0x0, s19;
	p3 =	sne.s32 s11, $0x0;
	[tilespmem:v18+s8+$0x0] =	vst.idx.add.f32.msk vm5, v10  }
0x3e0: {  	s26 =	sadd.s32 $0x0, s4;
	s12 =	sand.u32 $0x3, s25;
	vm1 =	vne.s32 v12, v26;
	v8 =	vsub.f32 $0.0e+00, v11;
	v29 =	vld @!p3 [tilespmem:$0x14600]  }
0x3e1: {  	s14 =	sand.u32 $0x3, s26;
	vm2 =	vne.s32 v14, v27;
	s28 =	sshll.u32 s12, $0xC;
	vm7 =	vmor vm0, vm1;
	v11 =	vsub.f32 $0.0e+00, v10;
	v30 =	vld @!p3 [tilespmem:$0x14610]  }
0x3e2: {  	s29 =	sshll.u32 s14, $0xC;
	vm8 =	vmand vm1, vm9;
	vm1 =	vmor vm0, vm2;
	v17 =	vadd.s32 s28, v12;
	[tilespmem:v19+s8+$0x0] =	vst.idx.add.f32.msk vm4, v8  }
0x3e3: {  	v9 =	vadd.s32 s29, v14;
	[tilespmem:v23+s8+$0x0] =	vst.idx.add.f32.msk vm6, v11  }
0x3e4: {  	v20 =	vadd.s32 s28, v26;
	v31 =	vld @!p3 [tilespmem:$0x14600]  }
0x3e5: {  	v24 =	vld @!p3 [tilespmem:$0x14610]  }
0x3e6: {  	v32 =	vadd.s32 @!p3 $0x4000, v5;
	vm3 =	vmand vm2, vm9;
	v8, _, _ =	vpop (xrf2);
	v23 =	vld @!p3 [tilespmem:$0x14600]  }
0x3e7: {  	v19 =	vadd.s32 s29, v27;
	v18 =	vsub.f32 $0.0e+00, v8;
	v11, _, _ =	vpop (xrf2);
	[tilespmem:v17+s8+$0x0] =	vst.idx.add.f32.msk vm7, v8  }
0x3e8: {  	[tilespmem:v9+s8+$0x0] =	vst.idx.add.f32.msk vm1, v11  }
0x3e9: {  	[tilespmem:v20+s8+$0x0] =	vst.idx.add.f32.msk vm8, v18  }
0x3ea: {  	s30 =	sadd.s32 $0x0, s20;
	v33 =	vadd.s32 @!p3 $0x4000, v13;
	s18 =	simm.s32 @!p3 $0xF580;
	v8 =	vsub.f32 $0.0e+00, v11;
	v18 =	vld @!p3 [tilespmem:$0x14610]  }
0x3eb: {  	s31 =	sand.u32 $0x3, s30;
	vm15 =	vne.s32 v25, v28;
	[tilespmem:v32+s18+$0x0] =	vst.idx.add.f32.msk @!p3 vm14, v29  }
0x3ec: {  	s16 =	sshll.u32 s31, $0xC;
	v34 =	vadd.s32 @!p3 $0x4000, v6;
	p4 =	sne.s32 s12, $0x0;
	vm0 =	vmor vm0, vm15;
	[tilespmem:v19+s8+$0x0] =	vst.idx.add.f32.msk vm3, v8  }
0x3ed: {  	v10 =	vadd.s32 s16, v25;
	v20 =	vld @!p4 [tilespmem:$0x14600]  }
0x3ee: {  	p5 =	sne.s32 s14, $0x0;
	v19 =	vld @!p4 [tilespmem:$0x14610]  }
0x3ef: {  	p2 =	por p5, p5;
	vm2 =	vmand vm15, vm9;
	[tilespmem:v33+s18+$0x0] =	vst.idx.add.f32.msk @!p3 vm12, v30  }
0x3f0: {  	v22 =	vadd.s32 s16, v28;
	v11 =	vld @!p2 [tilespmem:$0x14600]  }
0x3f1: {  	v17, _, _ =	vpop (xrf2);
	[tilespmem:v34+s18+$0x0] =	vst.idx.add.f32.msk @!p3 vm11, v31  }
0x3f2: {  	[tilespmem:v10+s8+$0x0] =	vst.idx.add.f32.msk vm0, v17  }
0x3f3: {  	v4 =	vadd.s32 @!p3 $0x4000, v4;
	v9 =	vsub.f32 $0.0e+00, v17;
	v17 =	vld @!p3 [tilespmem:$0x14600]  }
0x3f4: {  	v21 =	vadd.s32 @!p3 $0x4000, v21;
	v10 =	vld @!p2 [tilespmem:$0x14610]  }
0x3f5: {  	p0 =	sne.s32 s31, $0x0;
	[tilespmem:v22+s8+$0x0] =	vst.idx.add.f32.msk vm2, v9  }
0x3f6: {  	p1 =	por p0, p0;
	v22 =	vld @!p3 [tilespmem:$0x14610]  }
0x3f7: {  	v9 =	vld @!p1 [tilespmem:$0x14600]  }
0x3f8: {  	s9 =	smov.u32 s21;
	s15 =	simm.s32 $0x20;
	v13 =	vadd.s32 @!p3 $0x4000, v7;
	v5 =	vadd.s32 @!p5 $0x4000, v14;
	v7 =	vadd.s32 @!p2 $0x4000, v27;
	[tilespmem:v4+s18+$0x0] =	vst.idx.add.f32.msk @!p3 vm10, v17  }
0x3f9: {  	s17 =	simm.s32 $0x0;
	s14 =	simm.s32 $0x0;
	s11 =	simm.s32 @!p5 $0xF580;
	v12 =	vadd.s32 @!p4 $0x4000, v12;
	v6 =	vadd.s32 @!p1 $0x4000, v28;
	v4 =	vadd.s32 @!p0 $0x4000, v25;
	[tilespmem:v21+s18+$0x0] =	vst.idx.add.f32.msk @!p3 vm13, v18  }
0x3fa: {  	s12 =	simm.s32 @!p0 $0xF580;
	s19 =	simm.s32 @!p4 $0xF580;
	v8 =	vld @!p1 [tilespmem:$0x14610];
	v17 =	vadd.s32 @!p4 $0x4000, v26;
	v21 =	vadd.s32 @!p3 $0x4000, v15;
	v18 =	vadd.s32 @!p3 $0x4000, v16;
	s16 =	sld [smem:$0x7E0]  }
.LBB2_22:
0x3fb: {  	s0 =	sld [smem:$0x7FC]  }
0x3fc: {  	s20 =	sld [smem:$0x7E1]  }
0x3fd: {  	s23 =	rddreg [dreg:$0xf]  }
0x3fe: {  	s16 =	sadd.s32 $0x80, s16;
	s14 =	sadd.s32 $0x8, s14;
	s31 =	rddreg [dreg:$0xe]  }
0x3ff: {  	v14 =	vld [tilespmem:$0x14580];
	s26 =	rddreg [dreg:$0xd];
	s10 =	sadd.s32 $0x80, s10;
	s29 =	sadd.s32 s15, s3  }
0x400: {  	s17 =	sadd.s32 $0x1, s17;
	s21 =	sadd.s32 $0xFFFFFFA0, s16;
	s22 =	sand.u32 $0x70, s16;
	v15 =	vld [tilespmem:s10+$0xFFFFFFC0]  }
0x401: {  	s23 =	sadd.s32 s15, s23;
	p0 =	slt.u32 s14, $0xC28;
	v16 =	vld [tilespmem:s10+$0xFFFFFFD0];
	s20 =	sadd.s32 s15, s20  }
0x402: {  	s26 =	sadd.s32 s15, s26;
	s28 =	sadd.s32 $0xFFFFFFD0, s16;
	s20 =	sand.u32 $0x1FFFFF80, s20;
	[tilespmem:v21+s18+$0x0] =	vst.idx.add.f32.msk @!p3 vm4, v24  }
0x403: {  	s30 =	sadd.s32 $0xFFFFFFF0, s16;
	s29 =	sand.u32 $0x1FFFFF80, s29;
	[tilespmem:v13+s18+$0x0] =	vst.idx.add.f32.msk @!p3 vm5, v23;
	s20 =	sor.u32 s22, s20  }
0x404: {  	s24 =	simm.s32 @!p0 $0x0;
	s23 =	sand.u32 $0x1FFFFF80, s23;
	[tilespmem:v12+s19+$0x0] =	vst.idx.add.f32.msk @!p4 vm7, v20;
	s20 =	ssub.s32 s20, s1  }
0x405: {  	s21 =	sand.u32 $0x50, s21;
	s26 =	sand.u32 $0x1FFFFF80, s26;
	v13 =	vld [tilespmem:s10+$0x30];
	s25 =	sor.u32 $0x1, s20  }
0x406: {  	s28 =	sand.u32 $0x40, s28;
	s30 =	sand.u32 $0x60, s30;
	s24 =	simm.s32 @p0 $0x1;
	v20 =	vld [tilespmem:s10+$0x10];
	v12 =	vadd.s32 s25, v14  }
0x407: {  	s0 =	sadd.s32 s15, s0;
	s21 =	sor.u32 s21, s23;
	[smem:$0x786] =	sst s24;
	v21 =	vld [tilespmem:s10+$0x20]  }
0x408: {  	s24 =	sadd.s32 $0xFFFFFFC0, s16;
	s0 =	sand.u32 $0x1FFFFF80, s0;
	s22 =	sadd.s32 $0xFFFFFFB0, s16;
	[tilespmem:v18+s18+$0x0] =	vst.idx.add.f32.msk @!p3 vm6, v22  }
0x409: {  	s18 =	sadd.s32 s15, s31;
	[tilespmem:v17+s19+$0x0] =	vst.idx.add.f32.msk @!p4 vm8, v19;
	s19 =	sadd.s32 s15, s2;
	s31 =	rddreg [dreg:$0x8]  }
0x40a: {  	s24 =	sand.u32 $0x70, s24;
	s31 =	sadd.s32 s15, s31;
	s18 =	sand.u32 $0x1FFFFF80, s18;
	v18 =	vld [tilespmem:s20+$0xC380]  }
0x40b: {  	s22 =	sand.u32 $0x60, s22;
	s19 =	sand.u32 $0x1FFFFF80, s19;
	s20 =	rddreg [dreg:$0x4];
	(xrf2) =	vadd.scan.msk.f32 $0xffff, v13;
	v12 =	vld.idx.msk [tilespmem:v12+s6+$0x0], $0xffff  }
0x40c: {  	v17 =	vld [tilespmem:s10+$0xFFFFFFE0];
	s31 =	sand.u32 $0x1FFFFF80, s31;
	s19 =	sor.u32 s28, s19;
	s28 =	sld [smem:$0x7FD]  }
0x40d: {  	v19 =	vld [tilespmem:s10+$0x0];
	s18 =	sor.u32 s22, s18;
	s22 =	sor.u32 s24, s26;
	s25 =	sadd.s32 $0xFFFFFFE0, s16  }
0x40e: {  	s0 =	sor.u32 s20, s0;
	s20 =	ssub.s32 s21, s1;
	s18 =	ssub.s32 s18, s1;
	v13 =	vld [tilespmem:s10+$0xFFFFFFF0]  }
0x40f: {  	s21 =	ssub.s32 s22, s1;
	s25 =	sand.u32 $0x50, s25;
	v23 =	vld [tilespmem:s20+$0xC380];
	s24 =	sadd.s32 s17, s28  }
0x410: {  	vm9 =	veq.s32 v14, $0xF;
	s20 =	sor.u32 $0x1, s20;
	v24 =	vld [tilespmem:s18+$0xC380];
	s23 =	sor.u32 s25, s29;
	(xrf2) =	vadd.scan.msk.f32 $0xffff, v15;
	s25 =	sand.u32 $0x3, s24;
	vm5 =	vne.s32 v18, v12  }
0x411: {  	vm10 =	vne.s32 v14, $0xF;
	s26 =	sor.u32 s30, s31;
	s19 =	ssub.s32 s19, s1;
	v26 =	vld [tilespmem:s21+$0xC380];
	v25 =	vadd.s32 s20, v14;
	s24 =	sshll.u32 s25, $0xC;
	vm4 =	vmor vm9, vm5  }
0x412: {  	s0 =	ssub.s32 s0, s1;
	s18 =	sor.u32 $0x1, s18;
	s30 =	sor.u32 $0x1, s19;
	v30 =	vld [tilespmem:s19+$0xC380];
	v15 =	vadd.s32 s24, v18;
	vm5 =	vmand vm5, vm10  }
0x413: {  	v22 =	vld [tilespmem:s0+$0xC380];
	s0 =	sor.u32 $0x1, s0;
	s22 =	ssub.s32 s23, s1;
	s23 =	ssub.s32 s26, s1;
	(xrf2) =	vadd.scan.msk.f32 $0xffff, v16;
	v27 =	vadd.s32 s24, v12  }
0x414: {  	s29 =	sor.u32 $0x1, s21;
	v28 =	vadd.s32 s18, v14;
	v31 =	vadd.s32 s30, v14;
	v16 =	vadd.s32 s0, v14;
	s21 =	sor.u32 $0x1, s22;
	s28 =	sor.u32 $0x1, s23;
	(xrf2) =	vadd.scan.msk.f32 $0xffff, v17;
	v17 =	vld [tilespmem:s22+$0xC380]  }
0x415: {  	v29 =	vadd.s32 s29, v14;
	v34 =	vld [tilespmem:s23+$0xC380];
	v32 =	vadd.s32 s21, v14;
	v33 =	vadd.s32 s28, v14;
	v14, _, _ =	vpop (xrf2)  }
0x416: {  	v25 =	vld.idx.msk [tilespmem:v25+s6+$0x0], $0xffff;
	v35 =	vsub.f32 $0.0e+00, v14  }
0x417: {  	[tilespmem:v15+s8+$0x0] =	vst.idx.add.f32.msk vm4, v14  }
0x418: {  	p0 =	sne.s32 s25, $0x0;
	[tilespmem:v27+s8+$0x0] =	vst.idx.add.f32.msk vm5, v35  }
0x419: {  	s31 =	sadd.s32 s17, s9;
	v18 =	vadd.s32 @!p0 $0x4000, v18;
	(xrf2) =	vadd.scan.msk.f32 $0xffff, v13;
	v40 =	vld @!p0 [tilespmem:$0x14600]  }
0x41a: {  	s29 =	sand.u32 $0x3, s31;
	s31 =	rddreg [dreg:$0x9];
	v27, _, _ =	vpop (xrf2);
	(xrf2) =	vadd.scan.msk.f32 $0xffff, v19;
	v19 =	vld.idx.msk [tilespmem:v16+s6+$0x0], $0xffff  }
0x41b: {  	s30 =	sadd.s32 s17, s4;
	s21 =	sadd.s32 s17, s31;
	v28 =	vld.idx.msk [tilespmem:v28+s6+$0x0], $0xffff  }
0x41c: {  	s22 =	sand.u32 $0x3, s30;
	s21 =	sand.u32 $0x3, s21;
	v29 =	vld.idx.msk [tilespmem:v29+s6+$0x0], $0xffff  }
0x41d: {  	s30 =	sshll.u32 s21, $0xC;
	p5 =	sne.s32 s21, $0x0;
	s21 =	simm.s32 @!p0 $0xF580;
	v44 =	vadd.s32 @!p0 $0x4000, v12;
	v43 =	vld @!p0 [tilespmem:$0x14610]  }
0x41e: {  	p3 =	sne.s32 s29, $0x0;
	s24 =	sshll.u32 s29, $0xC;
	v46, _, _ =	vpop (xrf2);
	(xrf2) =	vadd.scan.msk.f32 $0xffff, v20;
	[tilespmem:v18+s21+$0x0] =	vst.idx.add.f32.msk @!p0 vm4, v40  }
0x41f: {  	v18, _, _ =	vpop (xrf2);
	(xrf2) =	vadd.scan.msk.f32 $0xffff, v21;
	vm4 =	vne.s32 v22, v19;
	v21 =	vadd.s32 s24, v19;
	v40 =	vadd.s32 @!p3 $0x4000, v19;
	v19 =	vld.idx.msk [tilespmem:v31+s6+$0x0], $0xffff  }
0x420: {  	v31 =	vld.idx.msk [tilespmem:v32+s6+$0x0], $0xffff  }
0x421: {  	v36 =	vadd.s32 s24, v22;
	[tilespmem:v5+s11+$0x0] =	vst.idx.add.f32.msk @!p2 vm1, v11;
	vm11 =	vmor vm9, vm4  }
0x422: {  	v38 =	vadd.s32 s24, v24;
	[tilespmem:v44+s21+$0x0] =	vst.idx.add.f32.msk @!p0 vm5, v43;
	vm5 =	vne.s32 v23, v25;
	vm13 =	vmand vm4, vm10  }
0x423: {  	v16 =	vadd.s32 @!p3 $0x4000, v24;
	vm4 =	vne.s32 v24, v28;
	v24 =	vld.idx.msk [tilespmem:v33+s6+$0x0], $0xffff;
	vm12 =	vmor vm9, vm5  }
0x424: {  	v37 =	vadd.s32 s24, v23;
	vm1 =	vne.s32 v26, v29;
	[tilespmem:v7+s11+$0x0] =	vst.idx.add.f32.msk @!p2 vm3, v10;
	vm14 =	vmor vm9, vm4  }
0x425: {  	[tilespmem:v4+s12+$0x0] =	vst.idx.add.f32.msk @!p1 vm0, v9;
	vm15 =	vmand vm5, vm10;
	vm5 =	vmor vm9, vm1  }
0x426: {  	v39 =	vadd.s32 s24, v26;
	v58 =	vsub.f32 $0.0e+00, v27;
	[tilespmem:v6+s12+$0x0] =	vst.idx.add.f32.msk @!p1 vm2, v8  }
0x427: {  	v11 =	vadd.s32 s24, v25;
	vm4 =	vmand vm4, vm10;
	[tilespmem:v36+s8+$0x0] =	vst.idx.add.f32.msk vm11, v27  }
0x428: {  	v60 =	vadd.s32 s24, v28;
	vm6 =	vmand vm1, vm10;
	[tilespmem:v21+s8+$0x0] =	vst.idx.add.f32.msk vm13, v58  }
0x429: {  	s26 =	rddreg [dreg:$0xc];
	v10 =	vadd.s32 s24, v29;
	[tilespmem:v37+s8+$0x0] =	vst.idx.add.f32.msk vm12, v46  }
0x42a: {  	s0 =	sadd.s32 s17, s26;
	v15 =	vadd.s32 @!p3 $0x4000, v22;
	v47 =	vsub.f32 $0.0e+00, v46;
	v22, _, _ =	vpop (xrf2);
	[tilespmem:v38+s8+$0x0] =	vst.idx.add.f32.msk vm14, v18  }
0x42b: {  	s0 =	sand.u32 $0x3, s0;
	v20 =	vsub.f32 $0.0e+00, v18;
	[tilespmem:v39+s8+$0x0] =	vst.idx.add.f32.msk vm5, v22  }
0x42c: {  	s26 =	sshll.u32 s0, $0xC;
	v14 =	vadd.s32 @!p3 $0x4000, v23;
	v23 =	vsub.f32 $0.0e+00, v22;
	vm1 =	vne.s32 v30, v19;
	[tilespmem:v11+s8+$0x0] =	vst.idx.add.f32.msk vm15, v47  }
0x42d: {  	v41 =	vadd.s32 s26, v30;
	vm0 =	vne.s32 v17, v31;
	vm7 =	vmor vm9, vm1;
	[tilespmem:v60+s8+$0x0] =	vst.idx.add.f32.msk vm4, v20  }
0x42e: {  	vm8 =	vmand vm1, vm10;
	vm2 =	vmor vm9, vm0;
	vm1 =	vne.s32 v34, v24;
	[tilespmem:v10+s8+$0x0] =	vst.idx.add.f32.msk vm6, v23  }
0x42f: {  	vm3 =	vmand vm0, vm10;
	vm0 =	vmor vm9, vm1;
	v21 =	vadd.s32 @!p3 $0x4000, v28;
	v28 =	vld @!p3 [tilespmem:$0x14600]  }
0x430: {  	s28 =	sshll.u32 s22, $0xC;
	p4 =	sne.s32 s0, $0x0;
	vm9 =	vmand vm1, vm10;
	vm1 =	vmmov vm2;
	v18 =	vadd.s32 @!p3 $0x4000, v29;
	v29 =	vld @!p3 [tilespmem:$0x14610]  }
0x431: {  	v42 =	vadd.s32 s28, v17;
	v12 =	vadd.s32 @!p4 $0x4000, v30;
	p1 =	por p5, p5;
	v30 =	vld @!p3 [tilespmem:$0x14600]  }
0x432: {  	v45 =	vadd.s32 s30, v34;
	v63 =	vadd.s32 s30, v24;
	v6 =	vadd.s32 @!p1 $0x4000, v24;
	v24 =	vld @!p3 [tilespmem:$0x14610]  }
0x433: {  	v23 =	vld @!p3 [tilespmem:$0x14600]  }
0x434: {  	v59, _, _ =	vpop (xrf2);
	v11 =	vadd.s32 s26, v19;
	v22 =	vld @!p3 [tilespmem:$0x14610]  }
0x435: {  	v9, _, _ =	vpop (xrf2);
	v27 =	vadd.s32 s28, v31;
	[tilespmem:v41+s8+$0x0] =	vst.idx.add.f32.msk vm7, v59  }
0x436: {  	v13 =	vadd.s32 @!p3 $0x4000, v26;
	v26, _, _ =	vpop (xrf2);
	[tilespmem:v42+s8+$0x0] =	vst.idx.add.f32.msk vm1, v9  }
0x437: {  	v61 =	vsub.f32 $0.0e+00, v59;
	[tilespmem:v45+s8+$0x0] =	vst.idx.add.f32.msk vm0, v26  }
0x438: {  	v8 =	vsub.f32 $0.0e+00, v9;
	v62 =	vsub.f32 $0.0e+00, v26;
	v26 =	vld @!p3 [tilespmem:$0x14600]  }
0x439: {  	[tilespmem:v11+s8+$0x0] =	vst.idx.add.f32.msk vm8, v61  }
0x43a: {  	[tilespmem:v27+s8+$0x0] =	vst.idx.add.f32.msk vm3, v8  }
0x43b: {  	[tilespmem:v63+s8+$0x0] =	vst.idx.add.f32.msk vm9, v62  }
0x43c: {  	v27 =	vld @!p3 [tilespmem:$0x14610]  }
0x43d: {  	p6 =	sne.s32 s22, $0x0;
	v20 =	vld @!p4 [tilespmem:$0x14600]  }
0x43e: {  	v48 =	vadd.s32 @!p6 $0x4000, v17;
	p2 =	por p6, p6;
	v17 =	vadd.s32 @!p4 $0x4000, v19;
	v19 =	vld @!p4 [tilespmem:$0x14610]  }
0x43f: {  	s31 =	sld [smem:$0x786];
	v11 =	vld @!p2 [tilespmem:$0x14600]  }
0x440: {  	v25 =	vadd.s32 @!p3 $0x4000, v25;
	v10 =	vld @!p2 [tilespmem:$0x14610]  }
0x441: {  	v9 =	vld @!p1 [tilespmem:$0x14600]  }
0x442: {  	s18 =	simm.s32 @!p3 $0xF580;
	p0 =	seq.s32 s31, $0x1;
	v8 =	vld @!p1 [tilespmem:$0x14610]  }
.Ltmp10:
0x443: {  	[tilespmem:v14+s18+$0x0] =	vst.idx.add.f32.msk @!p3 vm12, v28;
	(pc) =	sbr.rel @p0 .LBB2_22-.Ltmp10, $4  }
0x444: {  	[tilespmem:v16+s18+$0x0] =	vst.idx.add.f32.msk @!p3 vm14, v30  }
0x445: {  	[tilespmem:v25+s18+$0x0] =	vst.idx.add.f32.msk @!p3 vm15, v29  }
0x446: {  	s15 =	sadd.s32 $0x20, s15;
	s0 =	simm.s32 @!p6 $0xF580;
	s25 =	simm.s32 @!p5 $0xF580;
	v49 =	vadd.s32 @!p5 $0x4000, v34;
	[tilespmem:v15+s18+$0x0] =	vst.idx.add.f32.msk @!p3 vm11, v26  }
0x447: {  	s19 =	simm.s32 @!p4 $0xF580;
	v5 =	vmovc v48;
	s11 =	smov.u32 s0;
	v4 =	vmov v49;
	s12 =	smov.u32 s25;
	v7 =	vadd.s32 @!p2 $0x4000, v31;
	vm2 =	vmmov vm9;
	[tilespmem:v40+s18+$0x0] =	vst.idx.add.f32.msk @!p3 vm13, v27  }
0x448: {  	_ =	sdelay $0x4  }
0x449: {  	[tilespmem:v21+s18+$0x0] =	vst.idx.add.f32.msk @!p3 vm4, v24  }
0x44a: {  	[tilespmem:v13+s18+$0x0] =	vst.idx.add.f32.msk @!p3 vm5, v23  }
0x44b: {  	[tilespmem:v12+s19+$0x0] =	vst.idx.add.f32.msk @!p4 vm7, v20  }
0x44c: {  	[tilespmem:v5+s11+$0x0] =	vst.idx.add.f32.msk @!p2 vm1, v11  }
0x44d: {  	[tilespmem:v4+s12+$0x0] =	vst.idx.add.f32.msk @!p1 vm0, v9  }
0x44e: {  	[tilespmem:v18+s18+$0x0] =	vst.idx.add.f32.msk @!p3 vm6, v22  }
0x44f: {  	[tilespmem:v17+s19+$0x0] =	vst.idx.add.f32.msk @!p4 vm8, v19  }
0x450: {  	[tilespmem:v7+s11+$0x0] =	vst.idx.add.f32.msk @!p2 vm3, v10  }
0x451: {  	[tilespmem:v6+s12+$0x0] =	vst.idx.add.f32.msk @!p1 vm2, v8  }
0x452: {  	s10 =	sld [smem:$0x7E2]  }
0x453: {  	s11 =	sld [smem:$0x7E3]  }
0x454: {  	s2 =	simm.s32 $0x0  }
.LBB2_24:
0x455: {  	v4 =	vld [tilespmem:$0x14580]  }
0x456: {  	s0 =	sand.u32 $0x1FFFFF80, s11;
	s12 =	sand.u32 $0x70, s10  }
0x457: {  	s0 =	sor.u32 s12, s0  }
0x458: {  	s0 =	ssub.s32 s0, s1  }
0x459: {  	s14 =	sshra.s32 s2, $0x2;
	s29 =	sor.u32 $0x1, s0  }
0x45a: {  	v6 =	vld [tilespmem:s14+$0xC300];
	v5 =	vadd.s32 s29, v4;
	_ =	sdelay $0x3  }
0x45b: {  	v7 =	vld [tilespmem:s0+$0xC380]  }
0x45c: {  	(xrf2) =	vadd.scan.msk.f32 $0xffff, v6;
	v5 =	vld.idx.msk [tilespmem:v5+s6+$0x0], $0xffff;
	_ =	sdelay $0x3  }
0x45d: {  	s30 =	sshrl.u32 s10, $0x7  }
0x45e: {  	s0 =	sand.u32 $0x3, s30;
	vm1 =	veq.s32 v4, $0xF;
	vm0 =	vne.s32 v7, v5  }
0x45f: {  	s31 =	sshll.u32 s0, $0xC;
	vm2 =	vne.s32 v4, $0xF;
	vm1 =	vmor vm1, vm0  }
0x460: {  	v4 =	vadd.s32 s31, v7;
	vm0 =	vmand vm0, vm2  }
0x461: {  	v63 =	vadd.s32 s31, v5;
	_ =	sdelay $0x1  }
0x462: {  	v8, _, _ =	vpop (xrf2)  }
0x463: {  	v9 =	vsub.f32 $0.0e+00, v8  }
0x464: {  	[tilespmem:v4+s8+$0x0] =	vst.idx.add.f32.msk vm1, v8  }
0x465: {  	p0 =	sne.s32 s0, $0x0;
	[tilespmem:v63+s8+$0x0] =	vst.idx.add.f32.msk vm0, v9  }
0x466: {  	s2 =	sadd.s32 $0x40, s2;
	v6 =	vadd.s32 @!p0 $0x4000, v7;
	v4 =	vld @!p0 [tilespmem:$0x14600]  }
0x467: {  	p1 =	sne.s32 s2, $0x140;
	v5 =	vadd.s32 @!p0 $0x4000, v5;
	v7 =	vld @!p0 [tilespmem:$0x14610]  }
.Ltmp11:
0x468: {  	_ = 	snop;
	(pc) =	sbr.rel @p1 .LBB2_24-.Ltmp11, $4  }
0x469: {  	_ = 	snop  }
0x46a: {  	s0 =	simm.s32 @!p0 $0xF580  }
0x46b: {  	[tilespmem:v6+s0+$0x0] =	vst.idx.add.f32.msk @!p0 vm1, v4  }
0x46c: {  	s11 =	sadd.s32 $0x4, s11;
	s10 =	sadd.s32 $0x10, s10;
	[tilespmem:v5+s0+$0x0] =	vst.idx.add.f32.msk @!p0 vm0, v7  }
0x46d: {  	s0 =	sld [smem:$0x7BF];
	_ =	sdelay $0x1  }
0x46e: {  	s3 =	simm.s32 $0x0;
	s2 =	simm.s32 $0x1  }
0x46f: {  	[tilespmem:s3], [sflag:$0x1] =	stream.linear.gather [hbm4b:s0+s3], $0xC350, $0x38;
	[tilespmem:$0x14680] =	vst v63  }
0x470: {  	_ =	swait.ge [sflag:s2], $0xC350  }
0x471: {  	s14 =	sld [smem:$0x7C6]  }
0x472: {  	[sflag:s2] =	ssyncset.done $0x0  }
0x473: {  	[sflag:s2] =	ssyncadd.s32 $0xFFFF3CB0  }
0x474: {  	[tilespmem:s6], [sflag:$0x1] =	stream.linear.gather [hbm4b:s14+s3], $0x31C0, $0x38;
	[tilespmem:$0x14680] =	vst v63  }
0x475: {  	_ =	swait.ge [sflag:s2], $0x31C0  }
0x476: {  	s22 =	sld [smem:$0x7E4]  }
0x477: {  	[sflag:s2] =	ssyncset.done $0x0  }
0x478: {  	s16 =	sld [smem:$0x7A8];
	[sflag:s2] =	ssyncadd.s32 $0xFFFFCE40  }
0x479: {  	v13 =	vld [tilespmem:$0x14580];
	s15 =	sadd.s32 $0x0, s22  }
0x47a: {  	s24 =	rddreg [dreg:$0x17];
	s0 =	sand.u32 $0x1FFFFF80, s15  }
0x47b: {  	s21 =	rddreg [dreg:$0x1a];
	s0 =	sor.u32 s16, s0  }
0x47c: {  	s19 =	rddreg [dreg:$0x13];
	s0 =	ssub.s32 s0, s5  }
0x47d: {  	s10 =	simm.s32 $0x40;
	s20 =	sld [smem:$0x7A9];
	s11 =	sor.u32 $0x1, s0  }
0x47e: {  	s23 =	rddreg [dreg:$0x12];
	v5 =	vld [tilespmem:s10+$0x30];
	v4 =	vadd.s32 s11, v13  }
0x47f: {  	s25 =	rddreg [dreg:$0x5]  }
0x480: {  	s26 =	sld [smem:$0x7AA]  }
0x481: {  	s28 =	sld [smem:$0x7E6];
	v9 =	vld [tilespmem:s10+$0xFFFFFFC0]  }
0x482: {  	s29 =	sld [smem:$0x7AB];
	v14 =	vld [tilespmem:s0+$0xC380]  }
0x483: {  	s30 =	sld [smem:$0x7AC];
	(xrf2) =	vadd.scan.msk.f32 $0xffff, v5;
	v12 =	vld.idx.msk [tilespmem:v4+s6+$0x0], $0xffff  }
0x484: {  	s2 =	rddreg [dreg:$0x15];
	v11 =	vld [tilespmem:s10+$0xFFFFFFD0]  }
0x485: {  	s17 =	sadd.s32 $0x0, s24;
	s14 =	sadd.s32 $0x0, s19;
	s12 =	sadd.s32 $0x0, s2;
	v15 =	vld [tilespmem:s10+$0xFFFFFFE0]  }
0x486: {  	s18 =	sadd.s32 $0x0, s21;
	v16 =	vld [tilespmem:s10+$0xFFFFFFF0];
	s14 =	sand.u32 $0x1FFFFF80, s14;
	s12 =	sand.u32 $0x1FFFFF80, s12  }
0x487: {  	v17 =	vld [tilespmem:s10+$0x0];
	s14 =	sor.u32 s29, s14;
	s15 =	sadd.s32 $0x0, s23;
	s16 =	sadd.s32 $0x0, s28  }
0x488: {  	v18 =	vld [tilespmem:s10+$0x10];
	s14 =	ssub.s32 s14, s5;
	s16 =	sand.u32 $0x3, s16;
	vm0 =	veq.s32 v13, $0xF;
	s11 =	sand.u32 $0x1FFFFF80, s17;
	vm1 =	vne.s32 v14, v12  }
0x489: {  	v19 =	vld [tilespmem:s10+$0x20];
	s0 =	sand.u32 $0x1FFFFF80, s18;
	vm9 =	vne.s32 v13, $0xF;
	s17 =	sshll.u32 s16, $0xC;
	s11 =	sor.u32 s20, s11;
	vm2 =	vmor vm0, vm1  }
0x48a: {  	s15 =	sand.u32 $0x1FFFFF80, s15;
	v6 =	vld [tilespmem:s14+$0xC380];
	s0 =	sor.u32 s25, s0;
	s11 =	ssub.s32 s11, s5;
	v10 =	vadd.s32 s17, v14;
	vm1 =	vmand vm1, vm9  }
0x48b: {  	s15 =	sor.u32 s30, s15;
	s0 =	ssub.s32 s0, s5;
	v8 =	vld [tilespmem:s11+$0xC380];
	s11 =	sor.u32 $0x1, s11;
	v20 =	vadd.s32 s17, v12  }
0x48c: {  	s12 =	sor.u32 s26, s12;
	s15 =	ssub.s32 s15, s5;
	v5 =	vld [tilespmem:s0+$0xC380];
	s0 =	sor.u32 $0x1, s0;
	v23 =	vadd.s32 s11, v13  }
0x48d: {  	s31 =	rddreg [dreg:$0x11];
	s12 =	ssub.s32 s12, s5;
	v7 =	vld [tilespmem:s15+$0xC380];
	v21 =	vadd.s32 s0, v13;
	v22, _, _ =	vpop (xrf2)  }
0x48e: {  	s9 =	sld [smem:$0x7AD];
	v4 =	vld [tilespmem:s12+$0xC380];
	v24 =	vsub.f32 $0.0e+00, v22  }
0x48f: {  	s18 =	sadd.s32 $0x0, s31;
	[tilespmem:v10+s8+$0x0] =	vst.idx.add.f32.msk vm2, v22  }
0x490: {  	s4 =	sand.u32 $0x1FFFFF80, s18;
	(xrf2) =	vadd.scan.msk.f32 $0xffff, v9;
	s18 =	sor.u32 $0x1, s12;
	[tilespmem:v20+s8+$0x0] =	vst.idx.add.f32.msk vm1, v24  }
0x491: {  	s26 =	sor.u32 $0x1, s15;
	v25 =	vld.idx.msk [tilespmem:v23+s6+$0x0], $0xffff;
	s17 =	sor.u32 s9, s4;
	v22 =	vadd.s32 s18, v13;
	s20 =	rddreg [dreg:$0x10]  }
0x492: {  	s19 =	sor.u32 $0x1, s14;
	v23 =	vadd.s32 s26, v13;
	s17 =	ssub.s32 s17, s5;
	v10 =	vld.idx.msk [tilespmem:v21+s6+$0x0], $0xffff;
	s28 =	sld [smem:$0x7AE]  }
0x493: {  	p0 =	sne.s32 s16, $0x0;
	v9 =	vld [tilespmem:s17+$0xC380];
	v20 =	vadd.s32 s19, v13;
	s23 =	sadd.s32 $0x0, s20  }
0x494: {  	(xrf2) =	vadd.scan.msk.f32 $0xffff, v11;
	v24 =	vadd.s32 @!p0 $0x4000, v14;
	v21 =	vld @!p0 [tilespmem:$0x14600];
	s25 =	sand.u32 $0x1FFFFF80, s23  }
0x495: {  	v26 =	vld @!p0 [tilespmem:$0x14610];
	s30 =	rddreg [dreg:$0x19];
	s11 =	sor.u32 s28, s25  }
0x496: {  	(xrf2) =	vadd.scan.msk.f32 $0xffff, v15;
	v15 =	vadd.s32 @!p0 $0x4000, v12;
	s0 =	sor.u32 $0x1, s17;
	s31 =	sadd.s32 $0x0, s30;
	v11 =	vld.idx.msk [tilespmem:v22+s6+$0x0], $0xffff;
	s29 =	ssub.s32 s11, s5  }
0x497: {  	v27 =	vld.idx.msk [tilespmem:v23+s6+$0x0], $0xffff;
	s4 =	rddreg [dreg:$0x18];
	v22 =	vadd.s32 s0, v13;
	vm3 =	vne.s32 v5, v10;
	s11 =	sand.u32 $0x3, s31;
	s3 =	sor.u32 $0x1, s29  }
0x498: {  	s16 =	simm.s32 @!p0 $0xF580;
	(xrf2) =	vadd.scan.msk.f32 $0xffff, v16;
	s0 =	sadd.s32 $0x0, s4;
	v14 =	vld.idx.msk [tilespmem:v20+s6+$0x0], $0xffff;
	vm10 =	vmor vm0, vm3;
	s9 =	sshll.u32 s11, $0xC;
	v13 =	vadd.s32 s3, v13  }
0x499: {  	s14 =	rddreg [dreg:$0x16];
	s12 =	sand.u32 $0x3, s0;
	vm12 =	vmand vm3, vm9;
	[tilespmem:v24+s16+$0x0] =	vst.idx.add.f32.msk @!p0 vm2, v21;
	vm2 =	vne.s32 v8, v25;
	v20 =	vadd.s32 s9, v5  }
0x49a: {  	v16, _, _ =	vpop (xrf2);
	(xrf2) =	vadd.scan.msk.f32 $0xffff, v17;
	s17 =	sadd.s32 $0x0, s14;
	v12 =	vld [tilespmem:s29+$0xC380];
	s19 =	sshll.u32 s12, $0xC;
	v17 =	vadd.s32 s9, v10;
	vm13 =	vmor vm0, vm2  }
0x49b: {  	s14 =	sand.u32 $0x3, s17;
	s18 =	rddreg [dreg:$0x14];
	v23 =	vadd.s32 s19, v8;
	[tilespmem:v15+s16+$0x0] =	vst.idx.add.f32.msk @!p0 vm1, v26;
	vm14 =	vmand vm2, vm9;
	vm1 =	vne.s32 v4, v11  }
0x49c: {  	(xrf2) =	vadd.scan.msk.f32 $0xffff, v18;
	s23 =	sshll.u32 s14, $0xC;
	v21 =	vsub.f32 $0.0e+00, v16;
	v18 =	vadd.s32 s19, v25;
	s0 =	sadd.s32 $0x0, s18;
	v26 =	vld.idx.msk [tilespmem:v22+s6+$0x0], $0xffff;
	vm11 =	vmor vm0, vm1  }
0x49d: {  	v15 =	vadd.s32 s23, v4;
	s4 =	sld [smem:$0x7F7];
	s20 =	sand.u32 $0x3, s0;
	vm4 =	vmand vm1, vm9;
	vm1 =	vne.s32 v6, v14;
	v28 =	vld.idx.msk [tilespmem:v13+s6+$0x0], $0xffff  }
0x49e: {  	s25 =	sshll.u32 s20, $0xC;
	vm5 =	vmor vm0, vm1;
	v13, _, _ =	vpop (xrf2);
	(xrf2) =	vadd.scan.msk.f32 $0xffff, v19;
	v19 =	vadd.s32 s23, v11;
	[tilespmem:v20+s8+$0x0] =	vst.idx.add.f32.msk vm10, v16  }
0x49f: {  	v22 =	vadd.s32 s25, v6;
	vm6 =	vmand vm1, vm9;
	s3 =	sld [smem:$0x7F6];
	v16 =	vsub.f32 $0.0e+00, v13;
	[tilespmem:v17+s8+$0x0] =	vst.idx.add.f32.msk vm12, v21  }
0x4a0: {  	s26 =	sadd.s32 $0x0, s4;
	v17, _, _ =	vpop (xrf2);
	v21 =	vadd.s32 s25, v14;
	[tilespmem:v23+s8+$0x0] =	vst.idx.add.f32.msk vm13, v13  }
0x4a1: {  	vm1 =	vne.s32 v7, v27;
	s16 =	sand.u32 $0x3, s26;
	v13 =	vsub.f32 $0.0e+00, v17;
	[tilespmem:v18+s8+$0x0] =	vst.idx.add.f32.msk vm14, v16  }
0x4a2: {  	vm7 =	vmor vm0, vm1;
	s29 =	sshll.u32 s16, $0xC;
	v18, _, _ =	vpop (xrf2);
	s9 =	sld [smem:$0x7F5];
	[tilespmem:v15+s8+$0x0] =	vst.idx.add.f32.msk vm11, v17  }
0x4a3: {  	vm8 =	vmand vm1, vm9;
	v20 =	vadd.s32 s29, v7;
	v15 =	vsub.f32 $0.0e+00, v18;
	[tilespmem:v19+s8+$0x0] =	vst.idx.add.f32.msk vm4, v13  }
0x4a4: {  	v23 =	vadd.s32 s29, v27;
	s28 =	sadd.s32 $0x0, s3;
	[tilespmem:v22+s8+$0x0] =	vst.idx.add.f32.msk vm5, v18  }
0x4a5: {  	p3 =	sne.s32 s14, $0x0;
	vm2 =	vne.s32 v9, v26;
	s0 =	sand.u32 $0x3, s28;
	[tilespmem:v21+s8+$0x0] =	vst.idx.add.f32.msk vm6, v15  }
0x4a6: {  	vm1 =	vmor vm0, vm2;
	s30 =	sshll.u32 s0, $0xC;
	v13, _, _ =	vpop (xrf2);
	v29 =	vld @!p3 [tilespmem:$0x14600]  }
0x4a7: {  	v24 =	vld @!p3 [tilespmem:$0x14610];
	v16 =	vadd.s32 s30, v9;
	v19 =	vsub.f32 $0.0e+00, v13  }
0x4a8: {  	vm3 =	vmand vm2, vm9;
	[tilespmem:v20+s8+$0x0] =	vst.idx.add.f32.msk vm7, v13  }
0x4a9: {  	p4 =	sne.s32 s20, $0x0;
	s19 =	sadd.s32 $0x0, s9;
	v17 =	vadd.s32 s30, v26;
	[tilespmem:v23+s8+$0x0] =	vst.idx.add.f32.msk vm8, v19  }
0x4aa: {  	p6 =	sne.s32 s16, $0x0;
	vm15 =	vne.s32 v12, v28;
	s31 =	sand.u32 $0x3, s19;
	v23 =	vld @!p4 [tilespmem:$0x14600]  }
0x4ab: {  	vm0 =	vmor vm0, vm15;
	v15, _, _ =	vpop (xrf2);
	s19 =	sshll.u32 s31, $0xC;
	v20 =	vld @!p6 [tilespmem:$0x14600]  }
0x4ac: {  	p0 =	sne.s32 s12, $0x0;
	v13 =	vsub.f32 $0.0e+00, v15;
	v18 =	vadd.s32 s19, v12;
	[tilespmem:v16+s8+$0x0] =	vst.idx.add.f32.msk vm1, v15  }
0x4ad: {  	vm2 =	vmand vm15, vm9;
	v16 =	vld @!p0 [tilespmem:$0x14600]  }
0x4ae: {  	p1 =	sne.s32 s11, $0x0;
	v21 =	vadd.s32 s19, v28;
	[tilespmem:v17+s8+$0x0] =	vst.idx.add.f32.msk vm3, v13  }
0x4af: {  	v13 =	vld @!p1 [tilespmem:$0x14600]  }
0x4b0: {  	v19, _, _ =	vpop (xrf2);
	v17 =	vld @!p0 [tilespmem:$0x14610]  }
0x4b1: {  	v15 =	vsub.f32 $0.0e+00, v19;
	[tilespmem:v18+s8+$0x0] =	vst.idx.add.f32.msk vm0, v19  }
0x4b2: {  	v5 =	vadd.s32 @!p1 $0x4000, v5;
	v19 =	vld @!p6 [tilespmem:$0x14610]  }
0x4b3: {  	p2 =	sne.s32 s0, $0x0;
	v18 =	vadd.s32 @!p0 $0x4000, v8;
	[tilespmem:v21+s8+$0x0] =	vst.idx.add.f32.msk vm2, v15  }
0x4b4: {  	v10 =	vadd.s32 @!p1 $0x4000, v10;
	p5 =	por p2, p2;
	v15 =	vld @!p1 [tilespmem:$0x14610]  }
0x4b5: {  	v22 =	vadd.s32 @!p0 $0x4000, v25;
	v8 =	vld @!p5 [tilespmem:$0x14600]  }
0x4b6: {  	s0 =	simm.s32 @!p1 $0xF580;
	v21 =	vld @!p4 [tilespmem:$0x14610]  }
0x4b7: {  	s11 =	simm.s32 @!p0 $0xF580;
	[tilespmem:v5+s0+$0x0] =	vst.idx.add.f32.msk @!p1 vm10, v13  }
0x4b8: {  	[tilespmem:v18+s11+$0x0] =	vst.idx.add.f32.msk @!p0 vm13, v16  }
0x4b9: {  	[tilespmem:v10+s0+$0x0] =	vst.idx.add.f32.msk @!p1 vm12, v15  }
0x4ba: {  	p1 =	sne.s32 s31, $0x0;
	[tilespmem:v22+s11+$0x0] =	vst.idx.add.f32.msk @!p0 vm14, v17  }
0x4bb: {  	v15 =	vadd.s32 @!p3 $0x4000, v4;
	v10 =	vld @!p5 [tilespmem:$0x14610];
	s0 =	simm.s32 @!p6 $0x0;
	p0 =	por p1, p1  }
0x4bc: {  	v5 =	vadd.s32 @!p2 $0x4000, v9;
	s0 =	simm.s32 @p6 $0x1;
	v9 =	vld @!p0 [tilespmem:$0x14600]  }
0x4bd: {  	v22 =	vadd.s32 @!p3 $0x4000, v11;
	v11 =	vld @!p0 [tilespmem:$0x14610];
	[smem:$0x784] =	sst s0;
	s0 =	simm.s32 @!p0 $0x0  }
0x4be: {  	s15 =	simm.s32 $0x20;
	s0 =	simm.s32 @p0 $0x1  }
0x4bf: {  	s17 =	simm.s32 $0x0;
	s20 =	simm.s32 @!p3 $0xF580;
	[smem:$0x785] =	sst s0  }
0x4c0: {  	s14 =	simm.s32 $0x0;
	s18 =	simm.s32 @!p6 $0xF580;
	s12 =	simm.s32 @!p2 $0xF580;
	v13 =	vadd.s32 @!p4 $0x4000, v6;
	[tilespmem:v15+s20+$0x0] =	vst.idx.add.f32.msk @!p3 vm11, v29  }
0x4c1: {  	s19 =	simm.s32 @!p4 $0xF580;
	v18 =	vadd.s32 @!p4 $0x4000, v14;
	v17 =	vadd.s32 @!p6 $0x4000, v27;
	v4 =	vadd.s32 @!p1 $0x4000, v12;
	s11 =	simm.s32 @!p1 $0xF580;
	s16 =	sld [smem:$0x7E5]  }
0x4c2: {  	p1 =	por p4, p4;
	v12 =	vadd.s32 @!p6 $0x4000, v7;
	p4 =	por p5, p5;
	v7 =	vadd.s32 @!p5 $0x4000, v26;
	p6 =	por p3, p3;
	v6 =	vadd.s32 @!p0 $0x4000, v28  }
.LBB2_26:
0x4c3: {  	s0 =	simm.s32 @!p4 $0x0;
	s31 =	sadd.s32 s15, s21;
	s26 =	sld [smem:$0x784]  }
0x4c4: {  	s25 =	sadd.s32 s15, s22;
	s16 =	sadd.s32 $0x80, s16;
	s28 =	rddreg [dreg:$0x13]  }
0x4c5: {  	s14 =	sadd.s32 $0x8, s14;
	s10 =	sadd.s32 $0x80, s10;
	s29 =	rddreg [dreg:$0x12]  }
0x4c6: {  	v14 =	vld [tilespmem:$0x14580];
	s30 =	rddreg [dreg:$0x11];
	s17 =	sadd.s32 $0x1, s17;
	s0 =	simm.s32 @p4 $0x1  }
0x4c7: {  	s22 =	sadd.s32 $0xFFFFFFA0, s16;
	s21 =	sand.u32 $0x1FFFFF80, s25;
	s23 =	sand.u32 $0x40, s16;
	v15 =	vld [tilespmem:s10+$0xFFFFFFC0]  }
0x4c8: {  	p0 =	slt.u32 s14, $0xC28;
	v16 =	vld [tilespmem:s10+$0xFFFFFFD0];
	[smem:$0x77F] =	sst s0;
	s21 =	sor.u32 s23, s21  }
0x4c9: {  	s23 =	sadd.s32 $0xFFFFFFB0, s16;
	s0 =	sand.u32 $0x1FFFFF80, s31;
	s31 =	rddreg [dreg:$0x10];
	[tilespmem:v22+s20+$0x0] =	vst.idx.add.f32.msk @!p6 vm4, v24  }
0x4ca: {  	s22 =	sand.u32 $0x60, s22;
	s21 =	ssub.s32 s21, s5;
	s31 =	sadd.s32 s15, s31;
	[tilespmem:v13+s19+$0x0] =	vst.idx.add.f32.msk @!p1 vm5, v23  }
0x4cb: {  	s23 =	sand.u32 $0x70, s23;
	s20 =	sadd.s32 s15, s24;
	s24 =	simm.s32 @!p0 $0x0;
	v13 =	vld [tilespmem:s10+$0x30]  }
0x4cc: {  	s25 =	sor.u32 $0x1, s21;
	s31 =	sand.u32 $0x1FFFFF80, s31;
	v22 =	vld [tilespmem:s21+$0xC380];
	s21 =	rddreg [dreg:$0x5]  }
0x4cd: {  	s24 =	simm.s32 @p0 $0x1;
	[tilespmem:v18+s19+$0x0] =	vst.idx.add.f32.msk @!p1 vm6, v21;
	s19 =	sadd.s32 s15, s2;
	p0 =	seq.s32 s26, $0x1  }
0x4ce: {  	s26 =	sadd.s32 s15, s28;
	s28 =	sadd.s32 $0xFFFFFFD0, s16;
	s20 =	sand.u32 $0x1FFFFF80, s20;
	[tilespmem:v12+s18+$0x0] =	vst.idx.add.f32.msk @!p0 vm7, v20;
	v12 =	vadd.s32 s25, v14  }
0x4cf: {  	v24 =	vld [tilespmem:s10+$0x10];
	s0 =	sor.u32 s21, s0;
	[smem:$0x783] =	sst s24;
	s24 =	sadd.s32 $0xFFFFFFC0, s16  }
0x4d0: {  	v21 =	vld [tilespmem:s10+$0x20];
	s25 =	sadd.s32 $0xFFFFFFE0, s16;
	s19 =	sand.u32 $0x1FFFFF80, s19;
	s26 =	sand.u32 $0x1FFFFF80, s26  }
0x4d1: {  	s28 =	sand.u32 $0x50, s28;
	s20 =	sor.u32 s22, s20;
	s0 =	ssub.s32 s0, s5;
	[tilespmem:v17+s18+$0x0] =	vst.idx.add.f32.msk @!p0 vm8, v19  }
0x4d2: {  	s18 =	sadd.s32 s15, s29;
	s29 =	sadd.s32 s15, s30;
	s30 =	sadd.s32 $0xFFFFFFF0, s16;
	v19 =	vld [tilespmem:s10+$0xFFFFFFE0]  }
0x4d3: {  	s24 =	sand.u32 $0x40, s24;
	s25 =	sand.u32 $0x60, s25;
	s19 =	sor.u32 s23, s19;
	(xrf2) =	vadd.scan.msk.f32 $0xffff, v13;
	v12 =	vld.idx.msk [tilespmem:v12+s6+$0x0], $0xffff  }
0x4d4: {  	s20 =	ssub.s32 s20, s5;
	v25 =	vld [tilespmem:s0+$0xC380];
	s22 =	sor.u32 s24, s26;
	s26 =	sld [smem:$0x7E6]  }
0x4d5: {  	s0 =	sor.u32 $0x1, s0;
	s18 =	sand.u32 $0x1FFFFF80, s18;
	s29 =	sand.u32 $0x1FFFFF80, s29;
	v23 =	vld [tilespmem:s10+$0x0];
	(xrf2) =	vadd.scan.msk.f32 $0xffff, v15  }
0x4d6: {  	s30 =	sand.u32 $0x70, s30;
	s19 =	ssub.s32 s19, s5;
	v26 =	vld [tilespmem:s20+$0xC380];
	s20 =	sor.u32 $0x1, s20  }
0x4d7: {  	v13 =	vld [tilespmem:s10+$0xFFFFFFF0];
	s18 =	sor.u32 s28, s18;
	s23 =	sor.u32 s25, s29;
	s28 =	sadd.s32 s17, s26  }
0x4d8: {  	vm9 =	veq.s32 v14, $0xF;
	s21 =	ssub.s32 s22, s5;
	v27 =	vld [tilespmem:s19+$0xC380];
	s19 =	sor.u32 $0x1, s19;
	v28 =	vadd.s32 s20, v14;
	s24 =	sand.u32 $0x3, s28;
	vm5 =	vne.s32 v22, v12  }
0x4d9: {  	vm10 =	vne.s32 v14, $0xF;
	s25 =	sor.u32 s30, s31;
	s18 =	ssub.s32 s18, s5;
	v17 =	vld [tilespmem:s21+$0xC380];
	v30 =	vadd.s32 s19, v14;
	s29 =	sshll.u32 s24, $0xC;
	vm4 =	vmor vm9, vm5  }
0x4da: {  	s20 =	rddreg [dreg:$0x14];
	s22 =	ssub.s32 s23, s5;
	s23 =	ssub.s32 s25, s5;
	v18 =	vld [tilespmem:s18+$0xC380];
	v15 =	vadd.s32 s29, v22;
	vm5 =	vmand vm5, vm10  }
0x4db: {  	s30 =	sor.u32 $0x1, s21;
	s25 =	rddreg [dreg:$0x19];
	(xrf2) =	vadd.scan.msk.f32 $0xffff, v16;
	s31 =	sor.u32 $0x1, s18;
	v20 =	vld [tilespmem:s23+$0xC380];
	v29 =	vadd.s32 s29, v12  }
0x4dc: {  	v16 =	vadd.s32 s0, v14;
	s21 =	sor.u32 $0x1, s22;
	s18 =	rddreg [dreg:$0x16];
	v32 =	vadd.s32 s31, v14;
	s31 =	sor.u32 $0x1, s23;
	(xrf2) =	vadd.scan.msk.f32 $0xffff, v19;
	v19 =	vld [tilespmem:s22+$0xC380]  }
0x4dd: {  	s26 =	sadd.s32 s17, s25;
	v31 =	vadd.s32 s30, v14;
	s28 =	rddreg [dreg:$0x18];
	s19 =	sadd.s32 s17, s18;
	v33 =	vadd.s32 s21, v14;
	v34 =	vadd.s32 s31, v14;
	v28 =	vld.idx.msk [tilespmem:v28+s6+$0x0], $0xffff;
	v14, _, _ =	vpop (xrf2)  }
0x4de: {  	s0 =	sand.u32 $0x3, s26;
	s31 =	sadd.s32 s17, s3;
	s18 =	sand.u32 $0x3, s19;
	v30 =	vld.idx.msk [tilespmem:v30+s6+$0x0], $0xffff;
	(xrf2) =	vadd.scan.msk.f32 $0xffff, v13;
	v35 =	vsub.f32 $0.0e+00, v14  }
0x4df: {  	p2 =	sne.s32 s24, $0x0;
	s22 =	sshll.u32 s0, $0xC;
	p5 =	sne.s32 s0, $0x0;
	v57, _, _ =	vpop (xrf2);
	(xrf2) =	vadd.scan.msk.f32 $0xffff, v23;
	[tilespmem:v15+s8+$0x0] =	vst.idx.add.f32.msk vm4, v14  }
0x4e0: {  	s21 =	sand.u32 $0x3, s31;
	s31 =	sshll.u32 s18, $0xC;
	s29 =	sadd.s32 s17, s28;
	[tilespmem:v29+s8+$0x0] =	vst.idx.add.f32.msk vm5, v35  }
0x4e1: {  	p4 =	sne.s32 s18, $0x0;
	s18 =	simm.s32 @!p5 $0x0;
	v22 =	vadd.s32 @!p2 $0x4000, v22;
	s29 =	sand.u32 $0x3, s29;
	v36 =	vld @!p2 [tilespmem:$0x14600]  }
0x4e2: {  	s25 =	sshll.u32 s21, $0xC;
	s28 =	sadd.s32 s17, s20;
	p0 =	sne.s32 s29, $0x0;
	v23 =	vld.idx.msk [tilespmem:v16+s6+$0x0], $0xffff  }
0x4e3: {  	s18 =	simm.s32 @p5 $0x1;
	v40 =	vadd.s32 @!p2 $0x4000, v12;
	s19 =	sand.u32 $0x3, s28;
	s0 =	simm.s32 @!p0 $0x0;
	v39 =	vld @!p2 [tilespmem:$0x14610]  }
0x4e4: {  	[smem:$0x781] =	sst s18;
	v31 =	vld.idx.msk [tilespmem:v31+s6+$0x0], $0xffff;
	p1 =	sne.s32 s19, $0x0;
	s0 =	simm.s32 @p0 $0x1  }
0x4e5: {  	v33 =	vld.idx.msk [tilespmem:v33+s6+$0x0], $0xffff;
	s18 =	simm.s32 @!p1 $0x0;
	[smem:$0x782] =	sst s0;
	s0 =	simm.s32 @!p2 $0xF580  }
0x4e6: {  	v37 =	vadd.s32 s22, v25;
	p3 =	sne.s32 s21, $0x0;
	s21 =	rddreg [dreg:$0x1a];
	v16 =	vadd.s32 @!p5 $0x4000, v25;
	s18 =	simm.s32 @p1 $0x1;
	v44, _, _ =	vpop (xrf2);
	(xrf2) =	vadd.scan.msk.f32 $0xffff, v24;
	[tilespmem:v22+s0+$0x0] =	vst.idx.add.f32.msk @!p2 vm4, v36  }
0x4e7: {  	[smem:$0x780] =	sst s18;
	v22, _, _ =	vpop (xrf2);
	(xrf2) =	vadd.scan.msk.f32 $0xffff, v21;
	vm4 =	vne.s32 v25, v23;
	v21 =	vadd.s32 s22, v23;
	v25 =	vadd.s32 @!p5 $0x4000, v23;
	v23 =	vld.idx.msk [tilespmem:v32+s6+$0x0], $0xffff  }
0x4e8: {  	v41 =	vadd.s32 s31, v27;
	v14 =	vadd.s32 @!p4 $0x4000, v27;
	s22 =	sld [smem:$0x7E4];
	[tilespmem:v40+s0+$0x0] =	vst.idx.add.f32.msk @!p2 vm5, v39;
	s0 =	simm.s32 @!p3 $0xF580;
	v60, _, _ =	vpop (xrf2)  }
0x4e9: {  	vm11 =	vmor vm9, vm4;
	vm13 =	vmand vm4, vm10;
	vm4 =	vne.s32 v27, v30;
	v27 =	vld.idx.msk [tilespmem:v34+s6+$0x0], $0xffff;
	v61, _, _ =	vpop (xrf2);
	[smem:$0x77E] =	sst s0  }
0x4ea: {  	s0 =	sld [smem:$0x77F]  }
0x4eb: {  	vm5 =	vne.s32 v26, v28  }
0x4ec: {  	s28 =	sshll.u32 s29, $0xC;
	vm12 =	vmor vm9, vm5  }
0x4ed: {  	v38 =	vadd.s32 s28, v26;
	vm14 =	vmor vm9, vm4;
	p2 =	seq.s32 s0, $0x1  }
0x4ee: {  	vm4 =	vmand vm4, vm10;
	s0 =	sld [smem:$0x77E];
	[tilespmem:v5+s12+$0x0] =	vst.idx.add.f32.msk @!p2 vm1, v8  }
0x4ef: {  	v62 =	vadd.s32 s31, v30;
	v58 =	vsub.f32 $0.0e+00, v57;
	[tilespmem:v37+s8+$0x0] =	vst.idx.add.f32.msk vm11, v57  }
0x4f0: {  	[tilespmem:v7+s12+$0x0] =	vst.idx.add.f32.msk @!p2 vm3, v10  }
0x4f1: {  	s2 =	sadd.s32 s17, s9;
	s30 =	sadd.s32 s17, s4;
	vm15 =	vmand vm5, vm10;
	s31 =	sld [smem:$0x785];
	[tilespmem:v21+s8+$0x0] =	vst.idx.add.f32.msk vm13, v58  }
0x4f2: {  	s2 =	sand.u32 $0x3, s2;
	s20 =	sand.u32 $0x3, s30;
	v59 =	vsub.f32 $0.0e+00, v22;
	v8 =	vadd.s32 s28, v28;
	vm1 =	vne.s32 v17, v31;
	[tilespmem:v38+s8+$0x0] =	vst.idx.add.f32.msk vm12, v44  }
0x4f3: {  	s30 =	sshll.u32 s20, $0xC;
	s26 =	sshll.u32 s19, $0xC;
	s28 =	sld [smem:$0x782];
	vm5 =	vmor vm9, vm1;
	[tilespmem:v41+s8+$0x0] =	vst.idx.add.f32.msk vm14, v22  }
0x4f4: {  	v42 =	vadd.s32 s26, v17;
	v24 =	vadd.s32 @!p3 $0x4000, v19;
	p2 =	por p3, p3;
	v10 =	vadd.s32 s26, v31;
	s26 =	sld [smem:$0x780];
	[tilespmem:v62+s8+$0x0] =	vst.idx.add.f32.msk vm4, v59;
	p3 =	seq.s32 s31, $0x1  }
0x4f5: {  	p6 =	sne.s32 s20, $0x0;
	s29 =	simm.s32 @!p5 $0xF580;
	s23 =	simm.s32 @!p0 $0xF580;
	v45 =	vsub.f32 $0.0e+00, v44;
	vm6 =	vmand vm1, vm10;
	vm1 =	vne.s32 v18, v23;
	[tilespmem:v4+s11+$0x0] =	vst.idx.add.f32.msk @!p3 vm0, v9  }
0x4f6: {  	v13 =	vadd.s32 @!p1 $0x4000, v17;
	s19 =	simm.s32 @!p1 $0xF580;
	vm7 =	vmor vm9, vm1;
	p1 =	seq.s32 s28, $0x1;
	s28 =	sld [smem:$0x781];
	[tilespmem:v6+s11+$0x0] =	vst.idx.add.f32.msk @!p3 vm2, v11  }
0x4f7: {  	v43 =	vadd.s32 s30, v18;
	v15 =	vadd.s32 @!p0 $0x4000, v26;
	p0 =	sne.s32 s2, $0x0;
	p5 =	por p4, p4;
	v28 =	vadd.s32 @!p1 $0x4000, v28;
	p1 =	seq.s32 s26, $0x1;
	[tilespmem:v8+s8+$0x0] =	vst.idx.add.f32.msk vm15, v45  }
0x4f8: {  	s24 =	sshll.u32 s2, $0xC;
	v12 =	vadd.s32 @!p6 $0x4000, v18;
	v48 =	vadd.s32 @!p0 $0x4000, v20;
	v18 =	vadd.s32 @!p1 $0x4000, v31;
	v31 =	vld @!p5 [tilespmem:$0x14600]  }
0x4f9: {  	s2 =	simm.s32 @!p0 $0xF580;
	v26 =	vsub.f32 $0.0e+00, v60;
	v5 =	vmovc v24;
	v24 =	vadd.s32 s24, v27;
	vm8 =	vmand vm1, vm10;
	p3 =	por p0, p0;
	p0 =	seq.s32 s28, $0x1;
	[tilespmem:v42+s8+$0x0] =	vst.idx.add.f32.msk vm5, v60  }
0x4fa: {  	vm1 =	vne.s32 v20, v27;
	v8 =	vadd.s32 s30, v23;
	s30 =	sld [smem:$0x782];
	v6 =	vadd.s32 @!p3 $0x4000, v27;
	v27 =	vld @!p0 [tilespmem:$0x14610]  }
0x4fb: {  	vm0 =	vne.s32 v19, v33;
	[tilespmem:v10+s8+$0x0] =	vst.idx.add.f32.msk vm6, v26  }
0x4fc: {  	s20 =	simm.s32 @!p4 $0xF580;
	vm2 =	vmor vm9, vm0;
	vm3 =	vmand vm0, vm10;
	vm0 =	vmor vm9, vm1;
	[tilespmem:v43+s8+$0x0] =	vst.idx.add.f32.msk vm7, v61  }
0x4fd: {  	v47 =	vadd.s32 s24, v20;
	s18 =	simm.s32 @!p6 $0xF580;
	p4 =	por p6, p6;
	v17 =	vadd.s32 @!p6 $0x4000, v23;
	v26 =	vld @!p0 [tilespmem:$0x14600];
	p6 =	seq.s32 s30, $0x1  }
0x4fe: {  	vm9 =	vmand vm1, vm10;
	vm1 =	vmmov vm2;
	v29 =	vld @!p6 [tilespmem:$0x14600]  }
0x4ff: {  	v46 =	vadd.s32 s25, v19;
	v63 =	vsub.f32 $0.0e+00, v61;
	v22 =	vadd.s32 @!p5 $0x4000, v30;
	v30 =	vld @!p6 [tilespmem:$0x14610]  }
0x500: {  	v9, _, _ =	vpop (xrf2);
	v23 =	vld @!p1 [tilespmem:$0x14600]  }
0x501: {  	v19, _, _ =	vpop (xrf2);
	[tilespmem:v8+s8+$0x0] =	vst.idx.add.f32.msk vm8, v63  }
0x502: {  	[tilespmem:v47+s8+$0x0] =	vst.idx.add.f32.msk vm0, v19  }
0x503: {  	v21 =	vsub.f32 $0.0e+00, v19;
	v19 =	vld @!p4 [tilespmem:$0x14610]  }
0x504: {  	v20 =	vadd.s32 s25, v33;
	[tilespmem:v46+s8+$0x0] =	vst.idx.add.f32.msk vm1, v9  }
0x505: {  	[tilespmem:v24+s8+$0x0] =	vst.idx.add.f32.msk vm9, v21  }
0x506: {  	v24 =	vld @!p5 [tilespmem:$0x14610]  }
0x507: {  	v11 =	vsub.f32 $0.0e+00, v9;
	v21 =	vld @!p1 [tilespmem:$0x14610]  }
0x508: {  	[tilespmem:v14+s20+$0x0] =	vst.idx.add.f32.msk @!p5 vm14, v31  }
0x509: {  	[tilespmem:v20+s8+$0x0] =	vst.idx.add.f32.msk vm3, v11  }
0x50a: {  	s31 =	sld [smem:$0x783];
	v20 =	vld @!p4 [tilespmem:$0x14600]  }
0x50b: {  	v9 =	vld @!p3 [tilespmem:$0x14600]  }
0x50c: {  	[tilespmem:v16+s29+$0x0] =	vst.idx.add.f32.msk @!p0 vm11, v26  }
0x50d: {  	[tilespmem:v25+s29+$0x0] =	vst.idx.add.f32.msk @!p0 vm13, v27;
	p0 =	seq.s32 s31, $0x1  }
.Ltmp12:
0x50e: {  	s12 =	smov.u32 s0;
	s0 =	simm.s32 @!p4 $0x0;
	v11 =	vld @!p3 [tilespmem:$0x14610];
	(pc) =	sbr.rel @p0 .LBB2_26-.Ltmp12, $4  }
0x50f: {  	s24 =	rddreg [dreg:$0x17];
	s0 =	simm.s32 @p4 $0x1;
	v8 =	vld @!p2 [tilespmem:$0x14600]  }
0x510: {  	s15 =	sadd.s32 $0x20, s15;
	[smem:$0x784] =	sst s0;
	s0 =	simm.s32 @!p3 $0x0;
	v10 =	vld @!p2 [tilespmem:$0x14610]  }
0x511: {  	s11 =	smov.u32 s2;
	s2 =	rddreg [dreg:$0x15];
	s0 =	simm.s32 @p3 $0x1;
	[tilespmem:v15+s23+$0x0] =	vst.idx.add.f32.msk @!p6 vm12, v29  }
0x512: {  	v7 =	vadd.s32 @!p2 $0x4000, v33;
	v4 =	vmov v48;
	vm2 =	vmmov vm9;
	[smem:$0x785] =	sst s0;
	p4 =	por p2, p2;
	[tilespmem:v28+s23+$0x0] =	vst.idx.add.f32.msk @!p6 vm15, v30;
	p6 =	por p5, p5  }
0x513: {  	_ =	sdelay $0x4  }
0x514: {  	[tilespmem:v22+s20+$0x0] =	vst.idx.add.f32.msk @!p6 vm4, v24  }
0x515: {  	[tilespmem:v13+s19+$0x0] =	vst.idx.add.f32.msk @!p1 vm5, v23  }
0x516: {  	[tilespmem:v18+s19+$0x0] =	vst.idx.add.f32.msk @!p1 vm6, v21  }
0x517: {  	s0 =	sld [smem:$0x784];
	_ =	sdelay $0x1  }
0x518: {  	[tilespmem:v5+s12+$0x0] =	vst.idx.add.f32.msk @!p4 vm1, v8  }
0x519: {  	[tilespmem:v7+s12+$0x0] =	vst.idx.add.f32.msk @!p4 vm3, v10;
	p0 =	seq.s32 s0, $0x1  }
0x51a: {  	[tilespmem:v12+s18+$0x0] =	vst.idx.add.f32.msk @!p0 vm7, v20  }
0x51b: {  	[tilespmem:v17+s18+$0x0] =	vst.idx.add.f32.msk @!p0 vm8, v19  }
0x51c: {  	s31 =	sld [smem:$0x785];
	_ =	sdelay $0x2  }
0x51d: {  	p0 =	seq.s32 s31, $0x1  }
0x51e: {  	[tilespmem:v4+s11+$0x0] =	vst.idx.add.f32.msk @!p0 vm0, v9  }
0x51f: {  	[tilespmem:v6+s11+$0x0] =	vst.idx.add.f32.msk @!p0 vm2, v11  }
0x520: {  	s10 =	sld [smem:$0x7E7]  }
0x521: {  	s11 =	sld [smem:$0x7E8]  }
0x522: {  	s3 =	simm.s32 $0x0  }
.LBB2_28:
0x523: {  	v4 =	vld [tilespmem:$0x14580]  }
0x524: {  	s0 =	sand.u32 $0x1FFFFF80, s11;
	s2 =	sand.u32 $0x70, s10  }
0x525: {  	s0 =	sor.u32 s2, s0  }
0x526: {  	s0 =	ssub.s32 s0, s5  }
0x527: {  	s12 =	sshra.s32 s3, $0x2;
	s29 =	sor.u32 $0x1, s0  }
0x528: {  	v6 =	vld [tilespmem:s12+$0xC300];
	v5 =	vadd.s32 s29, v4;
	_ =	sdelay $0x3  }
0x529: {  	v7 =	vld [tilespmem:s0+$0xC380]  }
0x52a: {  	(xrf2) =	vadd.scan.msk.f32 $0xffff, v6;
	v5 =	vld.idx.msk [tilespmem:v5+s6+$0x0], $0xffff;
	_ =	sdelay $0x3  }
0x52b: {  	s30 =	sshrl.u32 s10, $0x7  }
0x52c: {  	s0 =	sand.u32 $0x3, s30;
	vm1 =	veq.s32 v4, $0xF;
	vm0 =	vne.s32 v7, v5  }
0x52d: {  	s31 =	sshll.u32 s0, $0xC;
	vm2 =	vne.s32 v4, $0xF;
	vm1 =	vmor vm1, vm0  }
0x52e: {  	v4 =	vadd.s32 s31, v7;
	vm0 =	vmand vm0, vm2  }
0x52f: {  	v63 =	vadd.s32 s31, v5;
	_ =	sdelay $0x1  }
0x530: {  	v8, _, _ =	vpop (xrf2)  }
0x531: {  	v9 =	vsub.f32 $0.0e+00, v8  }
0x532: {  	[tilespmem:v4+s8+$0x0] =	vst.idx.add.f32.msk vm1, v8  }
0x533: {  	p0 =	sne.s32 s0, $0x0;
	[tilespmem:v63+s8+$0x0] =	vst.idx.add.f32.msk vm0, v9  }
0x534: {  	s3 =	sadd.s32 $0x40, s3;
	v6 =	vadd.s32 @!p0 $0x4000, v7;
	v4 =	vld @!p0 [tilespmem:$0x14600]  }
0x535: {  	p1 =	sne.s32 s3, $0x140;
	v5 =	vadd.s32 @!p0 $0x4000, v5;
	v7 =	vld @!p0 [tilespmem:$0x14610]  }
.Ltmp13:
0x536: {  	_ = 	snop;
	(pc) =	sbr.rel @p1 .LBB2_28-.Ltmp13, $4  }
0x537: {  	_ = 	snop  }
0x538: {  	s0 =	simm.s32 @!p0 $0xF580  }
0x539: {  	[tilespmem:v6+s0+$0x0] =	vst.idx.add.f32.msk @!p0 vm1, v4  }
0x53a: {  	s11 =	sadd.s32 $0x4, s11;
	s10 =	sadd.s32 $0x10, s10;
	[tilespmem:v5+s0+$0x0] =	vst.idx.add.f32.msk @!p0 vm0, v7  }
0x53b: {  	s0 =	sld [smem:$0x7C0];
	_ =	sdelay $0x1  }
0x53c: {  	s3 =	simm.s32 $0x0;
	s2 =	simm.s32 $0x1  }
0x53d: {  	[tilespmem:s3], [sflag:$0x1] =	stream.linear.gather [hbm4b:s0+s3], $0xC350, $0x38;
	[tilespmem:$0x14680] =	vst v63  }
0x53e: {  	_ =	swait.ge [sflag:s2], $0xC350  }
0x53f: {  	s10 =	sld [smem:$0x7C7]  }
0x540: {  	[sflag:s2] =	ssyncset.done $0x0  }
0x541: {  	[sflag:s2] =	ssyncadd.s32 $0xFFFF3CB0  }
0x542: {  	[tilespmem:s6], [sflag:$0x1] =	stream.linear.gather [hbm4b:s10+s3], $0x31C0, $0x38;
	[tilespmem:$0x14680] =	vst v63  }
0x543: {  	_ =	swait.ge [sflag:s2], $0x31C0  }
0x544: {  	s22 =	sld [smem:$0x7E9]  }
0x545: {  	[sflag:s2] =	ssyncset.done $0x0  }
0x546: {  	s12 =	sld [smem:$0x79A];
	[sflag:s2] =	ssyncadd.s32 $0xFFFFCE40  }
0x547: {  	v13 =	vld [tilespmem:$0x14580];
	s11 =	sadd.s32 $0x0, s22  }
0x548: {  	s24 =	sld [smem:$0x7CE];
	s0 =	sand.u32 $0x1FFFFF80, s11  }
0x549: {  	s21 =	sld [smem:$0x7D1];
	s0 =	sor.u32 s12, s0  }
0x54a: {  	s23 =	sld [smem:$0x7CD];
	s0 =	ssub.s32 s0, s7  }
0x54b: {  	s10 =	simm.s32 $0x40;
	s17 =	rddreg [dreg:$0x1e];
	s14 =	sor.u32 $0x1, s0  }
0x54c: {  	s18 =	sld [smem:$0x79B];
	v5 =	vld [tilespmem:s10+$0x30];
	v4 =	vadd.s32 s14, v13  }
0x54d: {  	s28 =	rddreg [dreg:$0x1d]  }
0x54e: {  	s19 =	rddreg [dreg:$0x6]  }
0x54f: {  	s20 =	sld [smem:$0x79C];
	v9 =	vld [tilespmem:s10+$0xFFFFFFC0]  }
0x550: {  	s25 =	sld [smem:$0x7EB];
	v14 =	vld [tilespmem:s0+$0xC380]  }
0x551: {  	s26 =	sld [smem:$0x79D];
	(xrf2) =	vadd.scan.msk.f32 $0xffff, v5;
	v12 =	vld.idx.msk [tilespmem:v4+s6+$0x0], $0xffff  }
0x552: {  	s29 =	sld [smem:$0x79E];
	v11 =	vld [tilespmem:s10+$0xFFFFFFD0];
	s15 =	sadd.s32 $0x0, s24  }
0x553: {  	v15 =	vld [tilespmem:s10+$0xFFFFFFE0];
	s16 =	sadd.s32 $0x0, s21;
	s11 =	sadd.s32 $0x0, s23;
	s2 =	sand.u32 $0x1FFFFF80, s15  }
0x554: {  	v16 =	vld [tilespmem:s10+$0xFFFFFFF0];
	s15 =	sadd.s32 $0x0, s25;
	s12 =	sadd.s32 $0x0, s17;
	s2 =	sor.u32 s18, s2  }
0x555: {  	v17 =	vld [tilespmem:s10+$0x0];
	s11 =	sand.u32 $0x1FFFFF80, s11;
	s15 =	sand.u32 $0x3, s15;
	s2 =	ssub.s32 s2, s7  }
0x556: {  	s12 =	sand.u32 $0x1FFFFF80, s12;
	s0 =	sand.u32 $0x1FFFFF80, s16;
	vm0 =	veq.s32 v13, $0xF;
	v8 =	vld [tilespmem:s2+$0xC380];
	s2 =	sor.u32 $0x1, s2;
	vm1 =	vne.s32 v14, v12  }
0x557: {  	v18 =	vld [tilespmem:s10+$0x10];
	s12 =	sor.u32 s26, s12;
	vm9 =	vne.s32 v13, $0xF;
	s16 =	sshll.u32 s15, $0xC;
	s14 =	sadd.s32 $0x0, s28;
	v23 =	vadd.s32 s2, v13;
	vm2 =	vmor vm0, vm1  }
0x558: {  	v19 =	vld [tilespmem:s10+$0x20];
	s0 =	sor.u32 s19, s0;
	s12 =	ssub.s32 s12, s7;
	s14 =	sand.u32 $0x1FFFFF80, s14;
	v10 =	vadd.s32 s16, v14;
	vm1 =	vmand vm1, vm9  }
0x559: {  	s11 =	sor.u32 s20, s11;
	s0 =	ssub.s32 s0, s7;
	v6 =	vld [tilespmem:s12+$0xC380];
	s14 =	sor.u32 s29, s14;
	v20 =	vadd.s32 s16, v12  }
0x55a: {  	s11 =	ssub.s32 s11, s7;
	v5 =	vld [tilespmem:s0+$0xC380];
	s0 =	sor.u32 $0x1, s0;
	s14 =	ssub.s32 s14, s7  }
0x55b: {  	v21 =	vadd.s32 s0, v13;
	s18 =	sor.u32 $0x1, s14;
	v4 =	vld [tilespmem:s11+$0xC380];
	v22, _, _ =	vpop (xrf2)  }
0x55c: {  	s30 =	rddreg [dreg:$0x1c];
	v25 =	vld.idx.msk [tilespmem:v23+s6+$0x0], $0xffff;
	v23 =	vadd.s32 s18, v13;
	v24 =	vsub.f32 $0.0e+00, v22  }
0x55d: {  	s4 =	sld [smem:$0x79F];
	[tilespmem:v10+s8+$0x0] =	vst.idx.add.f32.msk vm2, v22  }
0x55e: {  	s17 =	sadd.s32 $0x0, s30;
	(xrf2) =	vadd.scan.msk.f32 $0xffff, v9;
	s11 =	sor.u32 $0x1, s11;
	[tilespmem:v20+s8+$0x0] =	vst.idx.add.f32.msk vm1, v24  }
0x55f: {  	s3 =	sand.u32 $0x1FFFFF80, s17;
	p0 =	sne.s32 s15, $0x0;
	v7 =	vld [tilespmem:s14+$0xC380];
	v22 =	vadd.s32 s11, v13;
	s15 =	rddreg [dreg:$0x1b]  }
0x560: {  	s12 =	sor.u32 $0x1, s12;
	s16 =	sor.u32 s4, s3;
	v10 =	vld.idx.msk [tilespmem:v21+s6+$0x0], $0xffff;
	s19 =	sld [smem:$0x7A0]  }
0x561: {  	v27 =	vld.idx.msk [tilespmem:v23+s6+$0x0], $0xffff;
	s9 =	ssub.s32 s16, s7;
	v20 =	vadd.s32 s12, v13;
	s20 =	sld [smem:$0x7D0];
	s16 =	sadd.s32 $0x0, s15  }
0x562: {  	(xrf2) =	vadd.scan.msk.f32 $0xffff, v11;
	v24 =	vadd.s32 @!p0 $0x4000, v14;
	v21 =	vld @!p0 [tilespmem:$0x14600];
	s17 =	sand.u32 $0x1FFFFF80, s16  }
0x563: {  	v26 =	vld @!p0 [tilespmem:$0x14610];
	s29 =	sld [smem:$0x7CF];
	s2 =	sor.u32 s19, s17  }
0x564: {  	(xrf2) =	vadd.scan.msk.f32 $0xffff, v15;
	v15 =	vadd.s32 @!p0 $0x4000, v12;
	s0 =	sor.u32 $0x1, s9;
	s25 =	sadd.s32 $0x0, s20;
	v11 =	vld.idx.msk [tilespmem:v22+s6+$0x0], $0xffff;
	s2 =	ssub.s32 s2, s7  }
0x565: {  	v9 =	vld [tilespmem:s9+$0xC380];
	s31 =	sld [smem:$0x7FA];
	v22 =	vadd.s32 s0, v13;
	vm3 =	vne.s32 v5, v10;
	s11 =	sand.u32 $0x3, s25;
	s26 =	sor.u32 $0x1, s2  }
0x566: {  	(xrf2) =	vadd.scan.msk.f32 $0xffff, v16;
	s16 =	simm.s32 @!p0 $0xF580;
	s0 =	sadd.s32 $0x0, s29;
	v14 =	vld.idx.msk [tilespmem:v20+s6+$0x0], $0xffff;
	vm10 =	vmor vm0, vm3;
	s30 =	sshll.u32 s11, $0xC;
	v13 =	vadd.s32 s26, v13  }
0x567: {  	s12 =	sand.u32 $0x3, s0;
	vm12 =	vmand vm3, vm9;
	[tilespmem:v24+s16+$0x0] =	vst.idx.add.f32.msk @!p0 vm2, v21;
	vm2 =	vne.s32 v8, v25;
	v20 =	vadd.s32 s30, v5  }
0x568: {  	v16, _, _ =	vpop (xrf2);
	(xrf2) =	vadd.scan.msk.f32 $0xffff, v17;
	s3 =	sadd.s32 $0x0, s31;
	v12 =	vld [tilespmem:s2+$0xC380];
	s9 =	sshll.u32 s12, $0xC;
	v17 =	vadd.s32 s30, v10;
	vm13 =	vmor vm0, vm2  }
0x569: {  	s14 =	sand.u32 $0x3, s3;
	s4 =	rddreg [dreg:$0x1f];
	v23 =	vadd.s32 s9, v8;
	[tilespmem:v15+s16+$0x0] =	vst.idx.add.f32.msk @!p0 vm1, v26;
	vm14 =	vmand vm2, vm9;
	vm1 =	vne.s32 v4, v11  }
0x56a: {  	(xrf2) =	vadd.scan.msk.f32 $0xffff, v18;
	v21 =	vsub.f32 $0.0e+00, v16;
	s18 =	sshll.u32 s14, $0xC;
	v18 =	vadd.s32 s9, v25;
	s0 =	sadd.s32 $0x0, s4;
	v26 =	vld.idx.msk [tilespmem:v22+s6+$0x0], $0xffff;
	vm11 =	vmor vm0, vm1  }
0x56b: {  	v15 =	vadd.s32 s18, v4;
	s3 =	sld [smem:$0x7F9];
	s15 =	sand.u32 $0x3, s0;
	vm4 =	vmand vm1, vm9;
	vm1 =	vne.s32 v6, v14;
	v28 =	vld.idx.msk [tilespmem:v13+s6+$0x0], $0xffff  }
0x56c: {  	s19 =	sshll.u32 s15, $0xC;
	vm5 =	vmor vm0, vm1;
	v13, _, _ =	vpop (xrf2);
	(xrf2) =	vadd.scan.msk.f32 $0xffff, v19;
	v19 =	vadd.s32 s18, v11;
	[tilespmem:v20+s8+$0x0] =	vst.idx.add.f32.msk vm10, v16  }
0x56d: {  	v22 =	vadd.s32 s19, v6;
	vm6 =	vmand vm1, vm9;
	s9 =	sld [smem:$0x7F8];
	v16 =	vsub.f32 $0.0e+00, v13;
	[tilespmem:v17+s8+$0x0] =	vst.idx.add.f32.msk vm12, v21  }
0x56e: {  	s20 =	sadd.s32 $0x0, s3;
	v17, _, _ =	vpop (xrf2);
	v21 =	vadd.s32 s19, v14;
	[tilespmem:v23+s8+$0x0] =	vst.idx.add.f32.msk vm13, v13  }
0x56f: {  	vm1 =	vne.s32 v7, v27;
	s16 =	sand.u32 $0x3, s20;
	v13 =	vsub.f32 $0.0e+00, v17;
	[tilespmem:v18+s8+$0x0] =	vst.idx.add.f32.msk vm14, v16  }
0x570: {  	vm7 =	vmor vm0, vm1;
	s26 =	sshll.u32 s16, $0xC;
	v18, _, _ =	vpop (xrf2);
	s4 =	sld [smem:$0x7CC];
	[tilespmem:v15+s8+$0x0] =	vst.idx.add.f32.msk vm11, v17  }
0x571: {  	vm8 =	vmand vm1, vm9;
	v20 =	vadd.s32 s26, v7;
	v15 =	vsub.f32 $0.0e+00, v18;
	[tilespmem:v19+s8+$0x0] =	vst.idx.add.f32.msk vm4, v13  }
0x572: {  	v23 =	vadd.s32 s26, v27;
	s25 =	sadd.s32 $0x0, s9;
	[tilespmem:v22+s8+$0x0] =	vst.idx.add.f32.msk vm5, v18  }
0x573: {  	p3 =	sne.s32 s14, $0x0;
	vm2 =	vne.s32 v9, v26;
	s0 =	sand.u32 $0x3, s25;
	[tilespmem:v21+s8+$0x0] =	vst.idx.add.f32.msk vm6, v15  }
0x574: {  	vm1 =	vmor vm0, vm2;
	s29 =	sshll.u32 s0, $0xC;
	v13, _, _ =	vpop (xrf2);
	v29 =	vld @!p3 [tilespmem:$0x14600]  }
0x575: {  	v24 =	vld @!p3 [tilespmem:$0x14610];
	v16 =	vadd.s32 s29, v9;
	v19 =	vsub.f32 $0.0e+00, v13  }
0x576: {  	vm3 =	vmand vm2, vm9;
	[tilespmem:v20+s8+$0x0] =	vst.idx.add.f32.msk vm7, v13  }
0x577: {  	p4 =	sne.s32 s15, $0x0;
	s18 =	sadd.s32 $0x0, s4;
	v17 =	vadd.s32 s29, v26;
	[tilespmem:v23+s8+$0x0] =	vst.idx.add.f32.msk vm8, v19  }
0x578: {  	p6 =	sne.s32 s16, $0x0;
	vm15 =	vne.s32 v12, v28;
	s30 =	sand.u32 $0x3, s18;
	v23 =	vld @!p4 [tilespmem:$0x14600]  }
0x579: {  	vm0 =	vmor vm0, vm15;
	v15, _, _ =	vpop (xrf2);
	s18 =	sshll.u32 s30, $0xC;
	v20 =	vld @!p6 [tilespmem:$0x14600]  }
0x57a: {  	p0 =	sne.s32 s12, $0x0;
	v13 =	vsub.f32 $0.0e+00, v15;
	v18 =	vadd.s32 s18, v12;
	[tilespmem:v16+s8+$0x0] =	vst.idx.add.f32.msk vm1, v15  }
0x57b: {  	vm2 =	vmand vm15, vm9;
	v16 =	vld @!p0 [tilespmem:$0x14600]  }
0x57c: {  	p1 =	sne.s32 s11, $0x0;
	v21 =	vadd.s32 s18, v28;
	[tilespmem:v17+s8+$0x0] =	vst.idx.add.f32.msk vm3, v13  }
0x57d: {  	v13 =	vld @!p1 [tilespmem:$0x14600]  }
0x57e: {  	v19, _, _ =	vpop (xrf2);
	v17 =	vld @!p0 [tilespmem:$0x14610]  }
0x57f: {  	v15 =	vsub.f32 $0.0e+00, v19;
	[tilespmem:v18+s8+$0x0] =	vst.idx.add.f32.msk vm0, v19  }
0x580: {  	v5 =	vadd.s32 @!p1 $0x4000, v5;
	v19 =	vld @!p6 [tilespmem:$0x14610]  }
0x581: {  	p2 =	sne.s32 s0, $0x0;
	v18 =	vadd.s32 @!p0 $0x4000, v8;
	[tilespmem:v21+s8+$0x0] =	vst.idx.add.f32.msk vm2, v15  }
0x582: {  	v10 =	vadd.s32 @!p1 $0x4000, v10;
	p5 =	por p2, p2;
	v15 =	vld @!p1 [tilespmem:$0x14610]  }
0x583: {  	v22 =	vadd.s32 @!p0 $0x4000, v25;
	v8 =	vld @!p5 [tilespmem:$0x14600]  }
0x584: {  	s0 =	simm.s32 @!p1 $0xF580;
	v21 =	vld @!p4 [tilespmem:$0x14610]  }
0x585: {  	s2 =	simm.s32 @!p0 $0xF580;
	[tilespmem:v5+s0+$0x0] =	vst.idx.add.f32.msk @!p1 vm10, v13  }
0x586: {  	[tilespmem:v18+s2+$0x0] =	vst.idx.add.f32.msk @!p0 vm13, v16  }
0x587: {  	[tilespmem:v10+s0+$0x0] =	vst.idx.add.f32.msk @!p1 vm12, v15  }
0x588: {  	p1 =	sne.s32 s30, $0x0;
	[tilespmem:v22+s2+$0x0] =	vst.idx.add.f32.msk @!p0 vm14, v17  }
0x589: {  	v15 =	vadd.s32 @!p3 $0x4000, v4;
	v10 =	vld @!p5 [tilespmem:$0x14610];
	s0 =	simm.s32 @!p6 $0x0;
	p0 =	por p1, p1  }
0x58a: {  	v5 =	vadd.s32 @!p2 $0x4000, v9;
	s0 =	simm.s32 @p6 $0x1;
	v9 =	vld @!p0 [tilespmem:$0x14600]  }
0x58b: {  	v22 =	vadd.s32 @!p3 $0x4000, v11;
	v11 =	vld @!p0 [tilespmem:$0x14610];
	[smem:$0x77C] =	sst s0;
	s0 =	simm.s32 @!p0 $0x0  }
0x58c: {  	s17 =	simm.s32 $0x0;
	s0 =	simm.s32 @p0 $0x1  }
0x58d: {  	s14 =	simm.s32 $0x0;
	s20 =	simm.s32 @!p3 $0xF580;
	[smem:$0x77D] =	sst s0  }
0x58e: {  	s15 =	simm.s32 $0x20;
	s19 =	simm.s32 @!p4 $0xF580;
	s12 =	simm.s32 @!p2 $0xF580;
	v13 =	vadd.s32 @!p4 $0x4000, v6;
	[tilespmem:v15+s20+$0x0] =	vst.idx.add.f32.msk @!p3 vm11, v29  }
0x58f: {  	s18 =	simm.s32 @!p6 $0xF580;
	v18 =	vadd.s32 @!p4 $0x4000, v14;
	v17 =	vadd.s32 @!p6 $0x4000, v27;
	v4 =	vadd.s32 @!p1 $0x4000, v12;
	s11 =	simm.s32 @!p1 $0xF580;
	s16 =	sld [smem:$0x7EA]  }
0x590: {  	p1 =	por p4, p4;
	v12 =	vadd.s32 @!p6 $0x4000, v7;
	p4 =	por p5, p5;
	v7 =	vadd.s32 @!p5 $0x4000, v26;
	p6 =	por p3, p3;
	v6 =	vadd.s32 @!p0 $0x4000, v28  }
.LBB2_30:
0x591: {  	s0 =	simm.s32 @!p4 $0x0;
	s2 =	sadd.s32 s15, s22;
	s25 =	sld [smem:$0x77C]  }
0x592: {  	s16 =	sadd.s32 $0x80, s16;
	s14 =	sadd.s32 $0x8, s14;
	s30 =	rddreg [dreg:$0x1e]  }
0x593: {  	s10 =	sadd.s32 $0x80, s10;
	s17 =	sadd.s32 $0x1, s17;
	s0 =	simm.s32 @p4 $0x1  }
0x594: {  	v14 =	vld [tilespmem:$0x14580];
	s2 =	sand.u32 $0x1FFFFF80, s2;
	s26 =	sand.u32 $0x50, s16;
	s22 =	sadd.s32 $0xFFFFFFB0, s16  }
0x595: {  	p0 =	slt.u32 s14, $0xC28;
	v15 =	vld [tilespmem:s10+$0xFFFFFFC0];
	[smem:$0x777] =	sst s0;
	s0 =	sadd.s32 s15, s21  }
0x596: {  	v16 =	vld [tilespmem:s10+$0xFFFFFFD0];
	s21 =	sadd.s32 $0xFFFFFFA0, s16;
	s2 =	sor.u32 s26, s2;
	s26 =	sadd.s32 $0xFFFFFFD0, s16  }
0x597: {  	s22 =	sand.u32 $0x40, s22;
	s2 =	ssub.s32 s2, s7;
	s0 =	sand.u32 $0x1FFFFF80, s0;
	[tilespmem:v22+s20+$0x0] =	vst.idx.add.f32.msk @!p6 vm4, v24  }
0x598: {  	s21 =	sand.u32 $0x70, s21;
	s26 =	sand.u32 $0x60, s26;
	s20 =	sadd.s32 s15, s24;
	[tilespmem:v13+s19+$0x0] =	vst.idx.add.f32.msk @!p1 vm5, v23  }
0x599: {  	s24 =	simm.s32 @!p0 $0x0;
	s29 =	sor.u32 $0x1, s2;
	v22 =	vld [tilespmem:s2+$0xC380];
	s2 =	rddreg [dreg:$0x6]  }
0x59a: {  	s24 =	simm.s32 @p0 $0x1;
	[tilespmem:v18+s19+$0x0] =	vst.idx.add.f32.msk @!p1 vm6, v21;
	s19 =	sadd.s32 s15, s23;
	s23 =	sadd.s32 $0xFFFFFFC0, s16  }
0x59b: {  	v13 =	vld [tilespmem:s10+$0x30];
	p0 =	seq.s32 s25, $0x1;
	s25 =	sadd.s32 s15, s30;
	s30 =	rddreg [dreg:$0x1b]  }
0x59c: {  	s20 =	sand.u32 $0x1FFFFF80, s20;
	s0 =	sor.u32 s2, s0;
	[smem:$0x77B] =	sst s24;
	[tilespmem:v12+s18+$0x0] =	vst.idx.add.f32.msk @!p0 vm7, v20;
	v12 =	vadd.s32 s29, v14  }
0x59d: {  	v24 =	vld [tilespmem:s10+$0x10];
	s24 =	sadd.s32 $0xFFFFFFE0, s16;
	s29 =	sadd.s32 $0xFFFFFFF0, s16;
	s30 =	sadd.s32 s15, s30  }
0x59e: {  	v21 =	vld [tilespmem:s10+$0x20];
	s19 =	sand.u32 $0x1FFFFF80, s19;
	s25 =	sand.u32 $0x1FFFFF80, s25;
	s23 =	sand.u32 $0x50, s23  }
0x59f: {  	s21 =	sor.u32 s21, s20;
	s0 =	ssub.s32 s0, s7;
	[tilespmem:v17+s18+$0x0] =	vst.idx.add.f32.msk @!p0 vm8, v19;
	s18 =	sadd.s32 s15, s28  }
0x5a0: {  	s28 =	rddreg [dreg:$0x1c];
	v19 =	vld [tilespmem:s10+$0xFFFFFFE0];
	s24 =	sand.u32 $0x70, s24;
	s30 =	sand.u32 $0x1FFFFF80, s30  }
0x5a1: {  	s29 =	sand.u32 $0x40, s29;
	s19 =	sor.u32 s22, s19;
	s18 =	sand.u32 $0x1FFFFF80, s18;
	(xrf2) =	vadd.scan.msk.f32 $0xffff, v13;
	v12 =	vld.idx.msk [tilespmem:v12+s6+$0x0], $0xffff  }
0x5a2: {  	v25 =	vld [tilespmem:s0+$0xC380];
	s18 =	sor.u32 s26, s18;
	s26 =	sor.u32 s29, s30;
	s29 =	sld [smem:$0x7EB]  }
0x5a3: {  	s22 =	sor.u32 s23, s25;
	s2 =	ssub.s32 s21, s7;
	s0 =	sor.u32 $0x1, s0;
	v23 =	vld [tilespmem:s10+$0x0];
	(xrf2) =	vadd.scan.msk.f32 $0xffff, v15  }
0x5a4: {  	s28 =	sadd.s32 s15, s28;
	s19 =	ssub.s32 s19, s7;
	s20 =	ssub.s32 s22, s7;
	v26 =	vld [tilespmem:s2+$0xC380]  }
0x5a5: {  	s2 =	sor.u32 $0x1, s2;
	s28 =	sand.u32 $0x1FFFFF80, s28;
	v13 =	vld [tilespmem:s10+$0xFFFFFFF0];
	s23 =	sadd.s32 s17, s29  }
0x5a6: {  	vm9 =	veq.s32 v14, $0xF;
	v27 =	vld [tilespmem:s19+$0xC380];
	s19 =	sor.u32 $0x1, s19;
	v28 =	vadd.s32 s2, v14;
	s2 =	sor.u32 $0x1, s20;
	s23 =	sand.u32 $0x3, s23;
	vm5 =	vne.s32 v22, v12  }
0x5a7: {  	vm10 =	vne.s32 v14, $0xF;
	v17 =	vld [tilespmem:s20+$0xC380];
	s25 =	sor.u32 s24, s28;
	s18 =	ssub.s32 s18, s7;
	v30 =	vadd.s32 s19, v14;
	s30 =	sshll.u32 s23, $0xC;
	vm4 =	vmor vm9, vm5  }
0x5a8: {  	s22 =	ssub.s32 s26, s7;
	s21 =	ssub.s32 s25, s7;
	s26 =	sor.u32 $0x1, s18;
	v18 =	vld [tilespmem:s18+$0xC380];
	v15 =	vadd.s32 s30, v22;
	vm5 =	vmand vm5, vm10  }
0x5a9: {  	(xrf2) =	vadd.scan.msk.f32 $0xffff, v16;
	s19 =	sor.u32 $0x1, s22;
	v20 =	vld [tilespmem:s22+$0xC380];
	s29 =	sld [smem:$0x7D0];
	v32 =	vadd.s32 s26, v14;
	s26 =	sadd.s32 s17, s31;
	v29 =	vadd.s32 s30, v12  }
0x5aa: {  	v31 =	vadd.s32 s2, v14;
	s20 =	sor.u32 $0x1, s21;
	(xrf2) =	vadd.scan.msk.f32 $0xffff, v19;
	v19 =	vld [tilespmem:s21+$0xC380];
	s21 =	sadd.s32 s17, s9;
	s2 =	sand.u32 $0x3, s26  }
0x5ab: {  	v16 =	vadd.s32 s0, v14;
	v34 =	vadd.s32 s19, v14;
	v33 =	vadd.s32 s20, v14;
	s20 =	sand.u32 $0x3, s21;
	p2 =	sne.s32 s23, $0x0;
	v28 =	vld.idx.msk [tilespmem:v28+s6+$0x0], $0xffff;
	s30 =	sld [smem:$0x7CF];
	v14, _, _ =	vpop (xrf2)  }
0x5ac: {  	s31 =	sshll.u32 s2, $0xC;
	s24 =	sadd.s32 s17, s29;
	s29 =	rddreg [dreg:$0x1f];
	v30 =	vld.idx.msk [tilespmem:v30+s6+$0x0], $0xffff;
	(xrf2) =	vadd.scan.msk.f32 $0xffff, v13;
	v35 =	vsub.f32 $0.0e+00, v14  }
0x5ad: {  	p4 =	sne.s32 s2, $0x0;
	s18 =	sadd.s32 s17, s29;
	s0 =	sand.u32 $0x3, s24;
	v57, _, _ =	vpop (xrf2);
	(xrf2) =	vadd.scan.msk.f32 $0xffff, v23;
	[tilespmem:v15+s8+$0x0] =	vst.idx.add.f32.msk vm4, v14  }
0x5ae: {  	s24 =	sadd.s32 s17, s4;
	s18 =	sand.u32 $0x3, s18;
	s25 =	sadd.s32 s17, s30;
	[tilespmem:v29+s8+$0x0] =	vst.idx.add.f32.msk vm5, v35  }
0x5af: {  	v22 =	vadd.s32 @!p2 $0x4000, v22;
	s22 =	sshll.u32 s0, $0xC;
	p5 =	sne.s32 s0, $0x0;
	s29 =	sand.u32 $0x3, s25;
	v36 =	vld @!p2 [tilespmem:$0x14600]  }
0x5b0: {  	s21 =	sand.u32 $0x3, s24;
	s2 =	simm.s32 @!p5 $0x0;
	v23 =	vld.idx.msk [tilespmem:v16+s6+$0x0], $0xffff;
	p0 =	sne.s32 s29, $0x0  }
0x5b1: {  	v40 =	vadd.s32 @!p2 $0x4000, v12;
	p1 =	sne.s32 s18, $0x0;
	s2 =	simm.s32 @p5 $0x1;
	s0 =	simm.s32 @!p0 $0x0;
	v39 =	vld @!p2 [tilespmem:$0x14610]  }
0x5b2: {  	v31 =	vld.idx.msk [tilespmem:v31+s6+$0x0], $0xffff;
	[smem:$0x779] =	sst s2;
	s2 =	simm.s32 @!p1 $0x0;
	s0 =	simm.s32 @p0 $0x1  }
0x5b3: {  	v37 =	vadd.s32 s22, v25;
	v33 =	vld.idx.msk [tilespmem:v33+s6+$0x0], $0xffff;
	s2 =	simm.s32 @p1 $0x1;
	[smem:$0x77A] =	sst s0;
	s0 =	simm.s32 @!p2 $0xF580  }
0x5b4: {  	p3 =	sne.s32 s20, $0x0;
	s24 =	sshll.u32 s21, $0xC;
	v16 =	vadd.s32 @!p5 $0x4000, v25;
	v44, _, _ =	vpop (xrf2);
	(xrf2) =	vadd.scan.msk.f32 $0xffff, v24;
	[smem:$0x778] =	sst s2;
	v15 =	vadd.s32 @!p0 $0x4000, v26;
	[tilespmem:v22+s0+$0x0] =	vst.idx.add.f32.msk @!p2 vm4, v36  }
0x5b5: {  	s23 =	simm.s32 @!p0 $0xF580;
	p0 =	sne.s32 s21, $0x0;
	s21 =	sld [smem:$0x7D1];
	v22, _, _ =	vpop (xrf2);
	(xrf2) =	vadd.scan.msk.f32 $0xffff, v21;
	vm4 =	vne.s32 v25, v23;
	v21 =	vadd.s32 s22, v23;
	v25 =	vadd.s32 @!p5 $0x4000, v23;
	v23 =	vld.idx.msk [tilespmem:v32+s6+$0x0], $0xffff  }
0x5b6: {  	v41 =	vadd.s32 s31, v27;
	v14 =	vadd.s32 @!p4 $0x4000, v27;
	s22 =	sld [smem:$0x7E9];
	[tilespmem:v40+s0+$0x0] =	vst.idx.add.f32.msk @!p2 vm5, v39;
	s0 =	simm.s32 @!p3 $0xF580;
	v60, _, _ =	vpop (xrf2)  }
0x5b7: {  	vm11 =	vmor vm9, vm4;
	vm13 =	vmand vm4, vm10;
	vm4 =	vne.s32 v27, v30;
	v27 =	vld.idx.msk [tilespmem:v34+s6+$0x0], $0xffff;
	v61, _, _ =	vpop (xrf2);
	[smem:$0x77E] =	sst s0  }
0x5b8: {  	s0 =	sld [smem:$0x777]  }
0x5b9: {  	vm5 =	vne.s32 v26, v28  }
0x5ba: {  	s28 =	sshll.u32 s29, $0xC;
	vm12 =	vmor vm9, vm5  }
0x5bb: {  	v38 =	vadd.s32 s28, v26;
	vm14 =	vmor vm9, vm4;
	p2 =	seq.s32 s0, $0x1  }
0x5bc: {  	vm4 =	vmand vm4, vm10;
	s0 =	sld [smem:$0x77E];
	[tilespmem:v5+s12+$0x0] =	vst.idx.add.f32.msk @!p2 vm1, v8  }
0x5bd: {  	s26 =	sshll.u32 s18, $0xC;
	v62 =	vadd.s32 s31, v30;
	v58 =	vsub.f32 $0.0e+00, v57;
	[tilespmem:v37+s8+$0x0] =	vst.idx.add.f32.msk vm11, v57  }
0x5be: {  	v42 =	vadd.s32 s26, v17;
	v47 =	vadd.s32 s24, v20;
	vm15 =	vmand vm5, vm10;
	[tilespmem:v7+s12+$0x0] =	vst.idx.add.f32.msk @!p2 vm3, v10  }
0x5bf: {  	s25 =	sshll.u32 s20, $0xC;
	v8 =	vadd.s32 s28, v28;
	vm1 =	vne.s32 v17, v31;
	v10 =	vadd.s32 s26, v31;
	s26 =	sld [smem:$0x77D];
	[tilespmem:v21+s8+$0x0] =	vst.idx.add.f32.msk vm13, v58  }
0x5c0: {  	v46 =	vadd.s32 s25, v19;
	v59 =	vsub.f32 $0.0e+00, v22;
	vm5 =	vmor vm9, vm1;
	[tilespmem:v38+s8+$0x0] =	vst.idx.add.f32.msk vm12, v44  }
0x5c1: {  	s30 =	sadd.s32 s17, s3;
	v24 =	vadd.s32 @!p3 $0x4000, v19;
	vm6 =	vmand vm1, vm10;
	vm1 =	vne.s32 v18, v23;
	[tilespmem:v41+s8+$0x0] =	vst.idx.add.f32.msk vm14, v22  }
0x5c2: {  	s19 =	sand.u32 $0x3, s30;
	v45 =	vsub.f32 $0.0e+00, v44;
	v48 =	vadd.s32 @!p0 $0x4000, v20;
	p2 =	por p3, p3;
	vm7 =	vmor vm9, vm1;
	[tilespmem:v62+s8+$0x0] =	vst.idx.add.f32.msk vm4, v59;
	p3 =	seq.s32 s26, $0x1  }
0x5c3: {  	s30 =	sshll.u32 s19, $0xC;
	vm8 =	vmand vm1, vm10;
	vm1 =	vne.s32 v20, v27;
	v20 =	vadd.s32 s25, v33;
	s25 =	sld [smem:$0x779];
	[tilespmem:v4+s11+$0x0] =	vst.idx.add.f32.msk @!p3 vm0, v9  }
0x5c4: {  	v43 =	vadd.s32 s30, v18;
	[tilespmem:v8+s8+$0x0] =	vst.idx.add.f32.msk vm15, v45  }
0x5c5: {  	[tilespmem:v6+s11+$0x0] =	vst.idx.add.f32.msk @!p3 vm2, v11  }
0x5c6: {  	s2 =	simm.s32 @!p0 $0xF580;
	v26 =	vsub.f32 $0.0e+00, v60;
	p3 =	por p0, p0;
	p0 =	seq.s32 s25, $0x1;
	[tilespmem:v42+s8+$0x0] =	vst.idx.add.f32.msk vm5, v60  }
0x5c7: {  	s20 =	simm.s32 @!p4 $0xF580;
	p6 =	sne.s32 s19, $0x0;
	v5 =	vmov v24;
	v24 =	vadd.s32 s24, v27;
	s26 =	sld [smem:$0x77A];
	v6 =	vadd.s32 @!p3 $0x4000, v27;
	v27 =	vld @!p0 [tilespmem:$0x14610]  }
0x5c8: {  	v13 =	vadd.s32 @!p1 $0x4000, v17;
	s29 =	simm.s32 @!p5 $0xF580;
	s18 =	simm.s32 @!p6 $0xF580;
	p5 =	por p4, p4;
	v8 =	vadd.s32 s30, v23;
	[tilespmem:v10+s8+$0x0] =	vst.idx.add.f32.msk vm6, v26  }
0x5c9: {  	v12 =	vadd.s32 @!p6 $0x4000, v18;
	p4 =	por p6, p6;
	v17 =	vadd.s32 @!p6 $0x4000, v23;
	s12 =	smov.u32 s0;
	s0 =	sld [smem:$0x77A];
	vm0 =	vne.s32 v19, v33;
	[tilespmem:v43+s8+$0x0] =	vst.idx.add.f32.msk vm7, v61  }
0x5ca: {  	s11 =	smov.u32 s2;
	s2 =	sld [smem:$0x778];
	vm2 =	vmor vm9, vm0;
	vm3 =	vmand vm0, vm10;
	vm0 =	vmor vm9, vm1;
	p6 =	seq.s32 s26, $0x1;
	v26 =	vld @!p0 [tilespmem:$0x14600]  }
0x5cb: {  	v63 =	vsub.f32 $0.0e+00, v61;
	v29 =	vld @!p6 [tilespmem:$0x14600]  }
0x5cc: {  	s19 =	simm.s32 @!p1 $0xF580;
	v22 =	vadd.s32 @!p5 $0x4000, v30;
	p1 =	seq.s32 s0, $0x1;
	vm9 =	vmand vm1, vm10;
	vm1 =	vmmov vm2;
	v30 =	vld @!p6 [tilespmem:$0x14610]  }
0x5cd: {  	v28 =	vadd.s32 @!p1 $0x4000, v28;
	p1 =	seq.s32 s2, $0x1;
	[tilespmem:v8+s8+$0x0] =	vst.idx.add.f32.msk vm8, v63  }
0x5ce: {  	v9, _, _ =	vpop (xrf2);
	v18 =	vadd.s32 @!p1 $0x4000, v31;
	v31 =	vld @!p5 [tilespmem:$0x14600]  }
0x5cf: {  	v19, _, _ =	vpop (xrf2);
	v23 =	vld @!p1 [tilespmem:$0x14600]  }
0x5d0: {  	[tilespmem:v47+s8+$0x0] =	vst.idx.add.f32.msk vm0, v19  }
0x5d1: {  	v21 =	vsub.f32 $0.0e+00, v19;
	v19 =	vld @!p4 [tilespmem:$0x14610]  }
0x5d2: {  	[tilespmem:v46+s8+$0x0] =	vst.idx.add.f32.msk vm1, v9  }
0x5d3: {  	[tilespmem:v24+s8+$0x0] =	vst.idx.add.f32.msk vm9, v21  }
0x5d4: {  	v24 =	vld @!p5 [tilespmem:$0x14610]  }
0x5d5: {  	v21 =	vld @!p1 [tilespmem:$0x14610]  }
0x5d6: {  	v11 =	vsub.f32 $0.0e+00, v9;
	[tilespmem:v16+s29+$0x0] =	vst.idx.add.f32.msk @!p0 vm11, v26  }
0x5d7: {  	[tilespmem:v15+s23+$0x0] =	vst.idx.add.f32.msk @!p6 vm12, v29  }
0x5d8: {  	s30 =	sld [smem:$0x77B];
	[tilespmem:v20+s8+$0x0] =	vst.idx.add.f32.msk vm3, v11  }
0x5d9: {  	v20 =	vld @!p4 [tilespmem:$0x14600]  }
0x5da: {  	v9 =	vld @!p3 [tilespmem:$0x14600]  }
0x5db: {  	s28 =	rddreg [dreg:$0x1d];
	s0 =	simm.s32 @!p4 $0x0;
	[tilespmem:v25+s29+$0x0] =	vst.idx.add.f32.msk @!p0 vm13, v27;
	p0 =	seq.s32 s30, $0x1  }
.Ltmp14:
0x5dc: {  	s31 =	sld [smem:$0x7FA];
	s0 =	simm.s32 @p4 $0x1;
	v11 =	vld @!p3 [tilespmem:$0x14610];
	(pc) =	sbr.rel @p0 .LBB2_30-.Ltmp14, $4  }
0x5dd: {  	[smem:$0x77C] =	sst s0;
	s0 =	simm.s32 @!p3 $0x0;
	[tilespmem:v28+s23+$0x0] =	vst.idx.add.f32.msk @!p6 vm15, v30  }
0x5de: {  	s24 =	sld [smem:$0x7CE];
	s0 =	simm.s32 @p3 $0x1;
	v8 =	vld @!p2 [tilespmem:$0x14600]  }
0x5df: {  	s15 =	sadd.s32 $0x20, s15;
	[smem:$0x77D] =	sst s0;
	v10 =	vld @!p2 [tilespmem:$0x14610]  }
0x5e0: {  	v7 =	vadd.s32 @!p2 $0x4000, v33;
	v4 =	vmov v48;
	vm2 =	vmmov vm9;
	p4 =	por p2, p2;
	s23 =	sld [smem:$0x7CD];
	p6 =	por p5, p5;
	[tilespmem:v14+s20+$0x0] =	vst.idx.add.f32.msk @!p5 vm14, v31  }
0x5e1: {  	_ =	sdelay $0x4  }
0x5e2: {  	[tilespmem:v22+s20+$0x0] =	vst.idx.add.f32.msk @!p6 vm4, v24  }
0x5e3: {  	[tilespmem:v13+s19+$0x0] =	vst.idx.add.f32.msk @!p1 vm5, v23  }
0x5e4: {  	[tilespmem:v18+s19+$0x0] =	vst.idx.add.f32.msk @!p1 vm6, v21  }
0x5e5: {  	s0 =	sld [smem:$0x77C];
	_ =	sdelay $0x1  }
0x5e6: {  	[tilespmem:v5+s12+$0x0] =	vst.idx.add.f32.msk @!p4 vm1, v8  }
0x5e7: {  	[tilespmem:v7+s12+$0x0] =	vst.idx.add.f32.msk @!p4 vm3, v10;
	p0 =	seq.s32 s0, $0x1  }
0x5e8: {  	[tilespmem:v12+s18+$0x0] =	vst.idx.add.f32.msk @!p0 vm7, v20  }
0x5e9: {  	[tilespmem:v17+s18+$0x0] =	vst.idx.add.f32.msk @!p0 vm8, v19  }
0x5ea: {  	s31 =	sld [smem:$0x77D];
	_ =	sdelay $0x2  }
0x5eb: {  	p0 =	seq.s32 s31, $0x1  }
0x5ec: {  	[tilespmem:v4+s11+$0x0] =	vst.idx.add.f32.msk @!p0 vm0, v9  }
0x5ed: {  	[tilespmem:v6+s11+$0x0] =	vst.idx.add.f32.msk @!p0 vm2, v11  }
0x5ee: {  	s10 =	sld [smem:$0x7EC]  }
0x5ef: {  	s11 =	sld [smem:$0x7ED]  }
0x5f0: {  	s3 =	simm.s32 $0x0  }
.LBB2_32:
0x5f1: {  	v4 =	vld [tilespmem:$0x14580]  }
0x5f2: {  	s0 =	sand.u32 $0x1FFFFF80, s11;
	s2 =	sand.u32 $0x70, s10  }
0x5f3: {  	s0 =	sor.u32 s2, s0  }
0x5f4: {  	s0 =	ssub.s32 s0, s7  }
0x5f5: {  	s12 =	sshra.s32 s3, $0x2;
	s29 =	sor.u32 $0x1, s0  }
0x5f6: {  	v6 =	vld [tilespmem:s12+$0xC300];
	v5 =	vadd.s32 s29, v4;
	_ =	sdelay $0x3  }
0x5f7: {  	v7 =	vld [tilespmem:s0+$0xC380]  }
0x5f8: {  	(xrf2) =	vadd.scan.msk.f32 $0xffff, v6;
	v5 =	vld.idx.msk [tilespmem:v5+s6+$0x0], $0xffff;
	_ =	sdelay $0x3  }
0x5f9: {  	s30 =	sshrl.u32 s10, $0x7  }
0x5fa: {  	s0 =	sand.u32 $0x3, s30;
	vm1 =	veq.s32 v4, $0xF;
	vm0 =	vne.s32 v7, v5  }
0x5fb: {  	s31 =	sshll.u32 s0, $0xC;
	vm2 =	vne.s32 v4, $0xF;
	vm1 =	vmor vm1, vm0  }
0x5fc: {  	v4 =	vadd.s32 s31, v7;
	vm0 =	vmand vm0, vm2  }
0x5fd: {  	v63 =	vadd.s32 s31, v5;
	_ =	sdelay $0x1  }
0x5fe: {  	v8, _, _ =	vpop (xrf2)  }
0x5ff: {  	v9 =	vsub.f32 $0.0e+00, v8  }
0x600: {  	[tilespmem:v4+s8+$0x0] =	vst.idx.add.f32.msk vm1, v8  }
0x601: {  	p0 =	sne.s32 s0, $0x0;
	[tilespmem:v63+s8+$0x0] =	vst.idx.add.f32.msk vm0, v9  }
0x602: {  	s3 =	sadd.s32 $0x40, s3;
	v6 =	vadd.s32 @!p0 $0x4000, v7;
	v4 =	vld @!p0 [tilespmem:$0x14600]  }
0x603: {  	p1 =	sne.s32 s3, $0x140;
	v5 =	vadd.s32 @!p0 $0x4000, v5;
	v7 =	vld @!p0 [tilespmem:$0x14610]  }
.Ltmp15:
0x604: {  	_ = 	snop;
	(pc) =	sbr.rel @p1 .LBB2_32-.Ltmp15, $4  }
0x605: {  	_ = 	snop  }
0x606: {  	s0 =	simm.s32 @!p0 $0xF580  }
0x607: {  	[tilespmem:v6+s0+$0x0] =	vst.idx.add.f32.msk @!p0 vm1, v4  }
0x608: {  	s11 =	sadd.s32 $0x4, s11;
	s10 =	sadd.s32 $0x10, s10;
	[tilespmem:v5+s0+$0x0] =	vst.idx.add.f32.msk @!p0 vm0, v7  }
0x609: {  	s0 =	sld [smem:$0x7C1];
	_ =	sdelay $0x1  }
0x60a: {  	s3 =	simm.s32 $0x0;
	s2 =	simm.s32 $0x1  }
0x60b: {  	[tilespmem:s3], [sflag:$0x1] =	stream.linear.gather [hbm4b:s0+s3], $0xC350, $0x38;
	[tilespmem:$0x14680] =	vst v63  }
0x60c: {  	_ =	swait.ge [sflag:s2], $0xC350  }
0x60d: {  	s9 =	sld [smem:$0x7C8]  }
0x60e: {  	[sflag:s2] =	ssyncset.done $0x0  }
0x60f: {  	[sflag:s2] =	ssyncadd.s32 $0xFFFF3CB0  }
0x610: {  	[tilespmem:s6], [sflag:$0x1] =	stream.linear.gather [hbm4b:s9+s3], $0x31C0, $0x38;
	[tilespmem:$0x14680] =	vst v63  }
0x611: {  	_ =	swait.ge [sflag:s2], $0x31C0  }
0x612: {  	s22 =	sld [smem:$0x7EF]  }
0x613: {  	[sflag:s2] =	ssyncset.done $0x0  }
0x614: {  	s11 =	sld [smem:$0x78C];
	[sflag:s2] =	ssyncadd.s32 $0xFFFFCE40  }
0x615: {  	v13 =	vld [tilespmem:$0x14580];
	s10 =	sadd.s32 $0x0, s22  }
0x616: {  	s24 =	sld [smem:$0x7DB];
	s0 =	sand.u32 $0x1FFFFF80, s10  }
0x617: {  	s21 =	sld [smem:$0x7DE];
	s0 =	sor.u32 s11, s0  }
0x618: {  	s23 =	sld [smem:$0x7D9];
	s0 =	ssub.s32 s0, s13  }
0x619: {  	s16 =	sld [smem:$0x7D7];
	s10 =	simm.s32 $0x40;
	s12 =	sor.u32 $0x1, s0  }
0x61a: {  	s17 =	sld [smem:$0x78D];
	v5 =	vld [tilespmem:s10+$0x30];
	v4 =	vadd.s32 s12, v13  }
0x61b: {  	s28 =	sld [smem:$0x7D5]  }
0x61c: {  	s18 =	rddreg [dreg:$0x7]  }
0x61d: {  	s19 =	sld [smem:$0x78E];
	v9 =	vld [tilespmem:s10+$0xFFFFFFC0]  }
0x61e: {  	s20 =	sld [smem:$0x7F0];
	v14 =	vld [tilespmem:s0+$0xC380]  }
0x61f: {  	s25 =	sld [smem:$0x78F];
	(xrf2) =	vadd.scan.msk.f32 $0xffff, v5;
	v12 =	vld.idx.msk [tilespmem:v4+s6+$0x0], $0xffff  }
0x620: {  	s26 =	sld [smem:$0x790];
	s14 =	sadd.s32 $0x0, s24;
	v11 =	vld [tilespmem:s10+$0xFFFFFFD0]  }
0x621: {  	s29 =	sld [smem:$0x7D3];
	s15 =	sadd.s32 $0x0, s21;
	s2 =	sand.u32 $0x1FFFFF80, s14;
	v15 =	vld [tilespmem:s10+$0xFFFFFFE0]  }
0x622: {  	s14 =	sadd.s32 $0x0, s28;
	s11 =	sadd.s32 $0x0, s23;
	s2 =	sor.u32 s17, s2;
	v16 =	vld [tilespmem:s10+$0xFFFFFFF0]  }
0x623: {  	v17 =	vld [tilespmem:s10+$0x0];
	s14 =	sand.u32 $0x1FFFFF80, s14;
	s0 =	sand.u32 $0x1FFFFF80, s15;
	s15 =	sadd.s32 $0x0, s20  }
0x624: {  	v18 =	vld [tilespmem:s10+$0x10];
	s11 =	sand.u32 $0x1FFFFF80, s11;
	s2 =	ssub.s32 s2, s13;
	vm0 =	veq.s32 v13, $0xF;
	s15 =	sand.u32 $0x3, s15;
	vm1 =	vne.s32 v14, v12  }
0x625: {  	v19 =	vld [tilespmem:s10+$0x20];
	vm9 =	vne.s32 v13, $0xF;
	s12 =	sadd.s32 $0x0, s16;
	s0 =	sor.u32 s18, s0;
	s16 =	sshll.u32 s15, $0xC;
	vm2 =	vmor vm0, vm1  }
0x626: {  	s14 =	sor.u32 s26, s14;
	v8 =	vld [tilespmem:s2+$0xC380];
	s12 =	sand.u32 $0x1FFFFF80, s12;
	s0 =	ssub.s32 s0, s13;
	v10 =	vadd.s32 s16, v14;
	vm1 =	vmand vm1, vm9  }
0x627: {  	s14 =	ssub.s32 s14, s13;
	s12 =	sor.u32 s25, s12;
	v5 =	vld [tilespmem:s0+$0xC380];
	s0 =	sor.u32 $0x1, s0;
	v20 =	vadd.s32 s16, v12  }
0x628: {  	s11 =	sor.u32 s19, s11;
	s2 =	sor.u32 $0x1, s2;
	v7 =	vld [tilespmem:s14+$0xC380];
	s12 =	ssub.s32 s12, s13;
	v21 =	vadd.s32 s0, v13  }
0x629: {  	s4 =	sld [smem:$0x791];
	s11 =	ssub.s32 s11, s13;
	v23 =	vadd.s32 s2, v13;
	v6 =	vld [tilespmem:s12+$0xC380];
	v22, _, _ =	vpop (xrf2)  }
0x62a: {  	s17 =	sadd.s32 $0x0, s29;
	v4 =	vld [tilespmem:s11+$0xC380];
	v24 =	vsub.f32 $0.0e+00, v22  }
0x62b: {  	s3 =	sand.u32 $0x1FFFFF80, s17;
	[tilespmem:v10+s8+$0x0] =	vst.idx.add.f32.msk vm2, v22  }
0x62c: {  	(xrf2) =	vadd.scan.msk.f32 $0xffff, v9;
	s11 =	sor.u32 $0x1, s11;
	s16 =	sor.u32 s4, s3;
	[tilespmem:v20+s8+$0x0] =	vst.idx.add.f32.msk vm1, v24  }
0x62d: {  	s9 =	ssub.s32 s16, s13;
	s16 =	sor.u32 $0x1, s12;
	v22 =	vadd.s32 s11, v13;
	v10 =	vld.idx.msk [tilespmem:v21+s6+$0x0], $0xffff;
	s30 =	sld [smem:$0x7FB]  }
0x62e: {  	p0 =	sne.s32 s15, $0x0;
	v25 =	vld.idx.msk [tilespmem:v23+s6+$0x0], $0xffff;
	v20 =	vadd.s32 s16, v13;
	s25 =	sld [smem:$0x7DD]  }
0x62f: {  	s19 =	sor.u32 $0x1, s14;
	v24 =	vadd.s32 @!p0 $0x4000, v14;
	v21 =	vld @!p0 [tilespmem:$0x14600];
	s20 =	sld [smem:$0x792]  }
0x630: {  	(xrf2) =	vadd.scan.msk.f32 $0xffff, v11;
	v23 =	vadd.s32 s19, v13;
	v9 =	vld [tilespmem:s9+$0xC380];
	s0 =	sor.u32 $0x1, s9;
	s17 =	sadd.s32 $0x0, s30  }
0x631: {  	v26 =	vld @!p0 [tilespmem:$0x14610];
	s3 =	sld [smem:$0x7DC];
	s26 =	sadd.s32 $0x0, s25;
	s18 =	sand.u32 $0x1FFFFF80, s17  }
0x632: {  	(xrf2) =	vadd.scan.msk.f32 $0xffff, v15;
	v15 =	vadd.s32 @!p0 $0x4000, v12;
	s16 =	simm.s32 @!p0 $0xF580;
	v11 =	vld.idx.msk [tilespmem:v22+s6+$0x0], $0xffff;
	vm3 =	vne.s32 v5, v10;
	s11 =	sand.u32 $0x3, s26;
	s2 =	sor.u32 s20, s18  }
0x633: {  	s9 =	sld [smem:$0x7DA];
	v22 =	vadd.s32 s0, v13;
	v14 =	vld.idx.msk [tilespmem:v20+s6+$0x0], $0xffff;
	vm10 =	vmor vm0, vm3;
	s4 =	sshll.u32 s11, $0xC;
	s2 =	ssub.s32 s2, s13  }
0x634: {  	s0 =	sadd.s32 $0x0, s3;
	[tilespmem:v24+s16+$0x0] =	vst.idx.add.f32.msk @!p0 vm2, v21;
	v20 =	vadd.s32 s4, v5;
	s29 =	sor.u32 $0x1, s2  }
0x635: {  	v27 =	vld.idx.msk [tilespmem:v23+s6+$0x0], $0xffff;
	(xrf2) =	vadd.scan.msk.f32 $0xffff, v16;
	s15 =	sand.u32 $0x3, s0;
	vm12 =	vmand vm3, vm9;
	vm2 =	vne.s32 v8, v25;
	v13 =	vadd.s32 s29, v13;
	s29 =	sld [smem:$0x7D8]  }
0x636: {  	v16, _, _ =	vpop (xrf2);
	(xrf2) =	vadd.scan.msk.f32 $0xffff, v17;
	s12 =	sadd.s32 $0x0, s9;
	s3 =	sshll.u32 s15, $0xC;
	v17 =	vadd.s32 s4, v10;
	vm13 =	vmor vm0, vm2;
	v12 =	vld [tilespmem:s2+$0xC380]  }
0x637: {  	s14 =	sand.u32 $0x3, s12;
	v23 =	vadd.s32 s3, v8;
	vm14 =	vmand vm2, vm9;
	[tilespmem:v15+s16+$0x0] =	vst.idx.add.f32.msk @!p0 vm1, v26;
	vm1 =	vne.s32 v4, v11  }
0x638: {  	(xrf2) =	vadd.scan.msk.f32 $0xffff, v18;
	v21 =	vsub.f32 $0.0e+00, v16;
	s9 =	sshll.u32 s14, $0xC;
	v18 =	vadd.s32 s3, v25;
	v26 =	vld.idx.msk [tilespmem:v22+s6+$0x0], $0xffff;
	vm11 =	vmor vm0, vm1;
	s0 =	sadd.s32 $0x0, s29  }
0x639: {  	v15 =	vadd.s32 s9, v4;
	s3 =	sld [smem:$0x7D6];
	vm4 =	vmand vm1, vm9;
	vm1 =	vne.s32 v6, v14;
	[tilespmem:v20+s8+$0x0] =	vst.idx.add.f32.msk vm10, v16;
	s4 =	sand.u32 $0x3, s0  }
0x63a: {  	vm5 =	vmor vm0, vm1;
	s18 =	sshll.u32 s4, $0xC;
	v28 =	vld.idx.msk [tilespmem:v13+s6+$0x0], $0xffff;
	v13, _, _ =	vpop (xrf2);
	(xrf2) =	vadd.scan.msk.f32 $0xffff, v19;
	v19 =	vadd.s32 s9, v11  }
0x63b: {  	s31 =	sld [smem:$0x7D4];
	[tilespmem:v17+s8+$0x0] =	vst.idx.add.f32.msk vm12, v21;
	v22 =	vadd.s32 s18, v6;
	v16 =	vsub.f32 $0.0e+00, v13  }
0x63c: {  	s19 =	sadd.s32 $0x0, s3;
	v17, _, _ =	vpop (xrf2);
	[tilespmem:v23+s8+$0x0] =	vst.idx.add.f32.msk vm13, v13  }
0x63d: {  	vm6 =	vmand vm1, vm9;
	vm1 =	vne.s32 v7, v27;
	s16 =	sand.u32 $0x3, s19;
	v13 =	vsub.f32 $0.0e+00, v17;
	[tilespmem:v18+s8+$0x0] =	vst.idx.add.f32.msk vm14, v16  }
0x63e: {  	vm7 =	vmor vm0, vm1;
	s25 =	sshll.u32 s16, $0xC;
	v21 =	vadd.s32 s18, v14;
	s9 =	sld [smem:$0x7D2];
	[tilespmem:v15+s8+$0x0] =	vst.idx.add.f32.msk vm11, v17  }
0x63f: {  	vm8 =	vmand vm1, vm9;
	s20 =	sadd.s32 $0x0, s31;
	v20 =	vadd.s32 s25, v7;
	v18, _, _ =	vpop (xrf2);
	[tilespmem:v19+s8+$0x0] =	vst.idx.add.f32.msk vm4, v13  }
0x640: {  	p3 =	sne.s32 s14, $0x0;
	vm2 =	vne.s32 v9, v26;
	v23 =	vadd.s32 s25, v27;
	s0 =	sand.u32 $0x3, s20;
	[tilespmem:v22+s8+$0x0] =	vst.idx.add.f32.msk vm5, v18  }
0x641: {  	vm1 =	vmor vm0, vm2;
	s26 =	sshll.u32 s0, $0xC;
	v15 =	vsub.f32 $0.0e+00, v18;
	v29 =	vld @!p3 [tilespmem:$0x14600]  }
0x642: {  	v16 =	vadd.s32 s26, v9;
	v13, _, _ =	vpop (xrf2);
	v24 =	vld @!p3 [tilespmem:$0x14610]  }
0x643: {  	v19 =	vsub.f32 $0.0e+00, v13;
	[tilespmem:v21+s8+$0x0] =	vst.idx.add.f32.msk vm6, v15  }
0x644: {  	vm3 =	vmand vm2, vm9;
	[tilespmem:v20+s8+$0x0] =	vst.idx.add.f32.msk vm7, v13  }
0x645: {  	p4 =	sne.s32 s4, $0x0;
	v17 =	vadd.s32 s26, v26;
	s18 =	sadd.s32 $0x0, s9;
	[tilespmem:v23+s8+$0x0] =	vst.idx.add.f32.msk vm8, v19  }
0x646: {  	vm15 =	vne.s32 v12, v28;
	s29 =	sand.u32 $0x3, s18;
	v15, _, _ =	vpop (xrf2);
	v23 =	vld @!p4 [tilespmem:$0x14600]  }
0x647: {  	p0 =	sne.s32 s15, $0x0;
	vm0 =	vmor vm0, vm15;
	s18 =	sshll.u32 s29, $0xC;
	[tilespmem:v16+s8+$0x0] =	vst.idx.add.f32.msk vm1, v15  }
0x648: {  	p6 =	sne.s32 s16, $0x0;
	v13 =	vsub.f32 $0.0e+00, v15;
	v18 =	vadd.s32 s18, v12;
	v16 =	vld @!p0 [tilespmem:$0x14600]  }
0x649: {  	vm2 =	vmand vm15, vm9;
	v20 =	vld @!p6 [tilespmem:$0x14600]  }
0x64a: {  	p1 =	sne.s32 s11, $0x0;
	v21 =	vadd.s32 s18, v28;
	[tilespmem:v17+s8+$0x0] =	vst.idx.add.f32.msk vm3, v13  }
0x64b: {  	v13 =	vld @!p1 [tilespmem:$0x14600]  }
0x64c: {  	v19, _, _ =	vpop (xrf2);
	v17 =	vld @!p0 [tilespmem:$0x14610]  }
0x64d: {  	v15 =	vsub.f32 $0.0e+00, v19;
	[tilespmem:v18+s8+$0x0] =	vst.idx.add.f32.msk vm0, v19  }
0x64e: {  	v5 =	vadd.s32 @!p1 $0x4000, v5;
	v19 =	vld @!p6 [tilespmem:$0x14610]  }
0x64f: {  	p2 =	sne.s32 s0, $0x0;
	v18 =	vadd.s32 @!p0 $0x4000, v8;
	[tilespmem:v21+s8+$0x0] =	vst.idx.add.f32.msk vm2, v15  }
0x650: {  	v10 =	vadd.s32 @!p1 $0x4000, v10;
	p5 =	por p2, p2;
	v15 =	vld @!p1 [tilespmem:$0x14610]  }
0x651: {  	v22 =	vadd.s32 @!p0 $0x4000, v25;
	v8 =	vld @!p5 [tilespmem:$0x14600]  }
0x652: {  	s0 =	simm.s32 @!p1 $0xF580;
	v21 =	vld @!p4 [tilespmem:$0x14610]  }
0x653: {  	s2 =	simm.s32 @!p0 $0xF580;
	[tilespmem:v5+s0+$0x0] =	vst.idx.add.f32.msk @!p1 vm10, v13  }
0x654: {  	[tilespmem:v18+s2+$0x0] =	vst.idx.add.f32.msk @!p0 vm13, v16  }
0x655: {  	[tilespmem:v10+s0+$0x0] =	vst.idx.add.f32.msk @!p1 vm12, v15  }
0x656: {  	p1 =	sne.s32 s29, $0x0;
	[tilespmem:v22+s2+$0x0] =	vst.idx.add.f32.msk @!p0 vm14, v17  }
0x657: {  	v15 =	vadd.s32 @!p3 $0x4000, v4;
	v10 =	vld @!p5 [tilespmem:$0x14610];
	s0 =	simm.s32 @!p6 $0x0;
	p0 =	por p1, p1  }
0x658: {  	v5 =	vadd.s32 @!p2 $0x4000, v9;
	s0 =	simm.s32 @p6 $0x1;
	v9 =	vld @!p0 [tilespmem:$0x14600]  }
0x659: {  	v22 =	vadd.s32 @!p3 $0x4000, v11;
	v11 =	vld @!p0 [tilespmem:$0x14610];
	[smem:$0x775] =	sst s0;
	s0 =	simm.s32 @!p0 $0x0  }
0x65a: {  	s17 =	simm.s32 $0x0;
	s0 =	simm.s32 @p0 $0x1  }
0x65b: {  	s14 =	simm.s32 $0x0;
	s20 =	simm.s32 @!p3 $0xF580;
	[smem:$0x776] =	sst s0  }
0x65c: {  	s15 =	simm.s32 $0x20;
	s19 =	simm.s32 @!p4 $0xF580;
	s12 =	simm.s32 @!p2 $0xF580;
	v13 =	vadd.s32 @!p4 $0x4000, v6;
	[tilespmem:v15+s20+$0x0] =	vst.idx.add.f32.msk @!p3 vm11, v29  }
0x65d: {  	s18 =	simm.s32 @!p6 $0xF580;
	v18 =	vadd.s32 @!p4 $0x4000, v14;
	v17 =	vadd.s32 @!p6 $0x4000, v27;
	v4 =	vadd.s32 @!p1 $0x4000, v12;
	s11 =	simm.s32 @!p1 $0xF580;
	s16 =	sld [smem:$0x7EE]  }
0x65e: {  	p1 =	por p4, p4;
	v12 =	vadd.s32 @!p6 $0x4000, v7;
	p4 =	por p5, p5;
	v7 =	vadd.s32 @!p5 $0x4000, v26;
	p6 =	por p3, p3;
	v6 =	vadd.s32 @!p0 $0x4000, v28  }
.LBB2_34:
0x65f: {  	s0 =	simm.s32 @!p4 $0x0  }
0x660: {  	s2 =	sadd.s32 s15, s22;
	s16 =	sadd.s32 $0x80, s16;
	s14 =	sadd.s32 $0x8, s14  }
0x661: {  	s25 =	sld [smem:$0x7D7];
	s10 =	sadd.s32 $0x80, s10;
	s17 =	sadd.s32 $0x1, s17  }
0x662: {  	s0 =	simm.s32 @p4 $0x1;
	s2 =	sand.u32 $0x1FFFFF80, s2;
	s26 =	sand.u32 $0x60, s16  }
0x663: {  	v14 =	vld [tilespmem:$0x14580];
	s22 =	sadd.s32 $0xFFFFFFB0, s16;
	p0 =	slt.u32 s14, $0xC28;
	[smem:$0x770] =	sst s0  }
0x664: {  	v15 =	vld [tilespmem:s10+$0xFFFFFFC0];
	s0 =	sadd.s32 s15, s21;
	s21 =	sadd.s32 $0xFFFFFFA0, s16;
	s2 =	sor.u32 s26, s2  }
0x665: {  	v16 =	vld [tilespmem:s10+$0xFFFFFFD0];
	s4 =	simm.s32 @!p0 $0x0;
	s26 =	sld [smem:$0x775];
	s22 =	sand.u32 $0x50, s22  }
0x666: {  	s2 =	ssub.s32 s2, s13;
	s4 =	simm.s32 @p0 $0x1;
	s25 =	sadd.s32 s15, s25;
	[tilespmem:v22+s20+$0x0] =	vst.idx.add.f32.msk @!p6 vm4, v24  }
0x667: {  	s0 =	sand.u32 $0x1FFFFF80, s0;
	s21 =	sand.u32 $0x40, s21;
	s20 =	sadd.s32 s15, s24;
	[tilespmem:v13+s19+$0x0] =	vst.idx.add.f32.msk @!p1 vm5, v23  }
0x668: {  	[smem:$0x774] =	sst s4;
	s29 =	sor.u32 $0x1, s2;
	s24 =	sadd.s32 $0xFFFFFFE0, s16;
	v13 =	vld [tilespmem:s10+$0x30]  }
0x669: {  	s4 =	smov.u32 s30;
	s30 =	sadd.s32 s15, s30;
	s25 =	sand.u32 $0x1FFFFF80, s25;
	v22 =	vld [tilespmem:s2+$0xC380]  }
0x66a: {  	s2 =	rddreg [dreg:$0x7];
	[tilespmem:v18+s19+$0x0] =	vst.idx.add.f32.msk @!p1 vm6, v21;
	s19 =	sadd.s32 s15, s23;
	p0 =	seq.s32 s26, $0x1  }
0x66b: {  	s23 =	sadd.s32 $0xFFFFFFC0, s16;
	s26 =	sadd.s32 $0xFFFFFFD0, s16;
	s20 =	sand.u32 $0x1FFFFF80, s20;
	[tilespmem:v12+s18+$0x0] =	vst.idx.add.f32.msk @!p0 vm7, v20;
	v12 =	vadd.s32 s29, v14  }
0x66c: {  	v24 =	vld [tilespmem:s10+$0x10];
	s24 =	sand.u32 $0x40, s24;
	s30 =	sand.u32 $0x1FFFFF80, s30;
	s0 =	sor.u32 s2, s0  }
0x66d: {  	v21 =	vld [tilespmem:s10+$0x20];
	s29 =	sld [smem:$0x7D3];
	s19 =	sand.u32 $0x1FFFFF80, s19;
	s23 =	sand.u32 $0x60, s23  }
0x66e: {  	s26 =	sand.u32 $0x70, s26;
	s20 =	sor.u32 s21, s20;
	s0 =	ssub.s32 s0, s13;
	[tilespmem:v17+s18+$0x0] =	vst.idx.add.f32.msk @!p0 vm8, v19  }
0x66f: {  	s18 =	sadd.s32 s15, s28;
	s19 =	sor.u32 s22, s19;
	s21 =	sor.u32 s23, s25;
	v25 =	vld [tilespmem:s0+$0xC380]  }
0x670: {  	s2 =	ssub.s32 s20, s13;
	s25 =	sld [smem:$0x7F0];
	s0 =	sor.u32 $0x1, s0;
	(xrf2) =	vadd.scan.msk.f32 $0xffff, v13;
	v12 =	vld.idx.msk [tilespmem:v12+s6+$0x0], $0xffff  }
0x671: {  	v19 =	vld [tilespmem:s10+$0xFFFFFFE0];
	s18 =	sand.u32 $0x1FFFFF80, s18;
	s19 =	ssub.s32 s19, s13;
	s20 =	ssub.s32 s21, s13  }
0x672: {  	v26 =	vld [tilespmem:s2+$0xC380];
	s2 =	sor.u32 $0x1, s2;
	s28 =	sadd.s32 s15, s29;
	s29 =	sadd.s32 $0xFFFFFFF0, s16;
	(xrf2) =	vadd.scan.msk.f32 $0xffff, v15  }
0x673: {  	s18 =	sor.u32 s26, s18;
	v27 =	vld [tilespmem:s19+$0xC380];
	s19 =	sor.u32 $0x1, s19;
	v28 =	vadd.s32 s2, v14;
	s2 =	sor.u32 $0x1, s20  }
0x674: {  	v23 =	vld [tilespmem:s10+$0x0];
	s28 =	sand.u32 $0x1FFFFF80, s28;
	s29 =	sand.u32 $0x50, s29;
	s23 =	sadd.s32 s17, s25  }
0x675: {  	vm9 =	veq.s32 v14, $0xF;
	v13 =	vld [tilespmem:s10+$0xFFFFFFF0];
	s18 =	ssub.s32 s18, s13;
	s25 =	sld [smem:$0x7DD];
	s23 =	sand.u32 $0x3, s23;
	vm5 =	vne.s32 v22, v12  }
0x676: {  	vm10 =	vne.s32 v14, $0xF;
	v17 =	vld [tilespmem:s20+$0xC380];
	v30 =	vadd.s32 s19, v14;
	s22 =	sor.u32 s24, s28;
	s24 =	sor.u32 s29, s30;
	s26 =	sshll.u32 s23, $0xC;
	vm4 =	vmor vm9, vm5  }
0x677: {  	(xrf2) =	vadd.scan.msk.f32 $0xffff, v16;
	s29 =	sor.u32 $0x1, s18;
	v18 =	vld [tilespmem:s18+$0xC380];
	s18 =	sld [smem:$0x7DA];
	s21 =	ssub.s32 s22, s13;
	v15 =	vadd.s32 s26, v22;
	vm5 =	vmand vm5, vm10  }
0x678: {  	s19 =	sld [smem:$0x7D8];
	s22 =	ssub.s32 s24, s13;
	(xrf2) =	vadd.scan.msk.f32 $0xffff, v19;
	p2 =	sne.s32 s23, $0x0;
	v19 =	vld [tilespmem:s21+$0xC380];
	v29 =	vadd.s32 s26, v12  }
0x679: {  	v31 =	vadd.s32 s2, v14;
	v32 =	vadd.s32 s29, v14;
	s20 =	sor.u32 $0x1, s21;
	s24 =	sadd.s32 s17, s25;
	s29 =	sor.u32 $0x1, s22;
	v20 =	vld [tilespmem:s22+$0xC380]  }
0x67a: {  	v16 =	vadd.s32 s0, v14;
	s21 =	sadd.s32 s17, s31;
	s2 =	sadd.s32 s17, s18;
	v33 =	vadd.s32 s20, v14;
	v34 =	vadd.s32 s29, v14;
	v28 =	vld.idx.msk [tilespmem:v28+s6+$0x0], $0xffff;
	s26 =	sld [smem:$0x7DC];
	v14, _, _ =	vpop (xrf2)  }
0x67b: {  	s18 =	sadd.s32 s17, s19;
	s0 =	sand.u32 $0x3, s24;
	s24 =	sadd.s32 s17, s9;
	v30 =	vld.idx.msk [tilespmem:v30+s6+$0x0], $0xffff;
	(xrf2) =	vadd.scan.msk.f32 $0xffff, v13;
	v35 =	vsub.f32 $0.0e+00, v14  }
0x67c: {  	s20 =	sand.u32 $0x3, s21;
	s2 =	sand.u32 $0x3, s2;
	s18 =	sand.u32 $0x3, s18;
	v57, _, _ =	vpop (xrf2);
	(xrf2) =	vadd.scan.msk.f32 $0xffff, v23;
	[tilespmem:v15+s8+$0x0] =	vst.idx.add.f32.msk vm4, v14  }
0x67d: {  	s22 =	sshll.u32 s0, $0xC;
	s21 =	sand.u32 $0x3, s24;
	s25 =	sadd.s32 s17, s26;
	[tilespmem:v29+s8+$0x0] =	vst.idx.add.f32.msk vm5, v35  }
0x67e: {  	p5 =	sne.s32 s0, $0x0;
	v22 =	vadd.s32 @!p2 $0x4000, v22;
	s31 =	sshll.u32 s2, $0xC;
	s29 =	sand.u32 $0x3, s25;
	v36 =	vld @!p2 [tilespmem:$0x14600]  }
0x67f: {  	p4 =	sne.s32 s2, $0x0;
	s2 =	simm.s32 @!p5 $0x0;
	v23 =	vld.idx.msk [tilespmem:v16+s6+$0x0], $0xffff;
	p0 =	sne.s32 s29, $0x0  }
0x680: {  	v40 =	vadd.s32 @!p2 $0x4000, v12;
	p1 =	sne.s32 s18, $0x0;
	s2 =	simm.s32 @p5 $0x1;
	s0 =	simm.s32 @!p0 $0x0;
	v39 =	vld @!p2 [tilespmem:$0x14610]  }
0x681: {  	v31 =	vld.idx.msk [tilespmem:v31+s6+$0x0], $0xffff;
	[smem:$0x772] =	sst s2;
	s2 =	simm.s32 @!p1 $0x0;
	s0 =	simm.s32 @p0 $0x1  }
0x682: {  	v37 =	vadd.s32 s22, v25;
	s2 =	simm.s32 @p1 $0x1;
	v33 =	vld.idx.msk [tilespmem:v33+s6+$0x0], $0xffff;
	[smem:$0x773] =	sst s0;
	s0 =	simm.s32 @!p2 $0xF580  }
0x683: {  	p3 =	sne.s32 s20, $0x0;
	s24 =	sshll.u32 s21, $0xC;
	v16 =	vadd.s32 @!p5 $0x4000, v25;
	[smem:$0x771] =	sst s2;
	v44, _, _ =	vpop (xrf2);
	(xrf2) =	vadd.scan.msk.f32 $0xffff, v24;
	v15 =	vadd.s32 @!p0 $0x4000, v26;
	[tilespmem:v22+s0+$0x0] =	vst.idx.add.f32.msk @!p2 vm4, v36  }
0x684: {  	s23 =	simm.s32 @!p0 $0xF580;
	p0 =	sne.s32 s21, $0x0;
	s21 =	sld [smem:$0x7DE];
	v22, _, _ =	vpop (xrf2);
	(xrf2) =	vadd.scan.msk.f32 $0xffff, v21;
	vm4 =	vne.s32 v25, v23;
	v21 =	vadd.s32 s22, v23;
	v25 =	vadd.s32 @!p5 $0x4000, v23;
	v23 =	vld.idx.msk [tilespmem:v32+s6+$0x0], $0xffff  }
0x685: {  	v41 =	vadd.s32 s31, v27;
	v14 =	vadd.s32 @!p4 $0x4000, v27;
	s22 =	sld [smem:$0x7EF];
	[tilespmem:v40+s0+$0x0] =	vst.idx.add.f32.msk @!p2 vm5, v39;
	s0 =	simm.s32 @!p3 $0xF580;
	v60, _, _ =	vpop (xrf2)  }
0x686: {  	vm11 =	vmor vm9, vm4;
	vm13 =	vmand vm4, vm10;
	vm4 =	vne.s32 v27, v30;
	v27 =	vld.idx.msk [tilespmem:v34+s6+$0x0], $0xffff;
	v61, _, _ =	vpop (xrf2);
	[smem:$0x77E] =	sst s0  }
0x687: {  	s0 =	sld [smem:$0x770]  }
0x688: {  	vm5 =	vne.s32 v26, v28  }
0x689: {  	s28 =	sshll.u32 s29, $0xC;
	vm12 =	vmor vm9, vm5  }
0x68a: {  	v38 =	vadd.s32 s28, v26;
	vm14 =	vmor vm9, vm4;
	p2 =	seq.s32 s0, $0x1  }
0x68b: {  	s26 =	sadd.s32 s17, s3;
	vm4 =	vmand vm4, vm10;
	s0 =	sld [smem:$0x77E];
	[tilespmem:v5+s12+$0x0] =	vst.idx.add.f32.msk @!p2 vm1, v8  }
0x68c: {  	s19 =	sand.u32 $0x3, s26;
	s26 =	sshll.u32 s18, $0xC;
	v62 =	vadd.s32 s31, v30;
	v58 =	vsub.f32 $0.0e+00, v57;
	[tilespmem:v37+s8+$0x0] =	vst.idx.add.f32.msk vm11, v57  }
0x68d: {  	v47 =	vadd.s32 s24, v20;
	v42 =	vadd.s32 s26, v17;
	vm15 =	vmand vm5, vm10;
	[tilespmem:v7+s12+$0x0] =	vst.idx.add.f32.msk @!p2 vm3, v10  }
0x68e: {  	s25 =	sshll.u32 s20, $0xC;
	v8 =	vadd.s32 s28, v28;
	vm1 =	vne.s32 v17, v31;
	v10 =	vadd.s32 s26, v31;
	s26 =	sld [smem:$0x776];
	[tilespmem:v21+s8+$0x0] =	vst.idx.add.f32.msk vm13, v58  }
0x68f: {  	v46 =	vadd.s32 s25, v19;
	v59 =	vsub.f32 $0.0e+00, v22;
	vm5 =	vmor vm9, vm1;
	[tilespmem:v38+s8+$0x0] =	vst.idx.add.f32.msk vm12, v44  }
0x690: {  	v24 =	vadd.s32 @!p3 $0x4000, v19;
	vm6 =	vmand vm1, vm10;
	vm1 =	vne.s32 v18, v23;
	[tilespmem:v41+s8+$0x0] =	vst.idx.add.f32.msk vm14, v22  }
0x691: {  	v45 =	vsub.f32 $0.0e+00, v44;
	v48 =	vadd.s32 @!p0 $0x4000, v20;
	p2 =	por p3, p3;
	vm7 =	vmor vm9, vm1;
	[tilespmem:v62+s8+$0x0] =	vst.idx.add.f32.msk vm4, v59;
	p3 =	seq.s32 s26, $0x1  }
0x692: {  	s30 =	sshll.u32 s19, $0xC;
	vm8 =	vmand vm1, vm10;
	vm1 =	vne.s32 v20, v27;
	v20 =	vadd.s32 s25, v33;
	s25 =	sld [smem:$0x772];
	[tilespmem:v4+s11+$0x0] =	vst.idx.add.f32.msk @!p3 vm0, v9  }
0x693: {  	v43 =	vadd.s32 s30, v18;
	[tilespmem:v8+s8+$0x0] =	vst.idx.add.f32.msk vm15, v45  }
0x694: {  	[tilespmem:v6+s11+$0x0] =	vst.idx.add.f32.msk @!p3 vm2, v11  }
0x695: {  	s2 =	simm.s32 @!p0 $0xF580;
	v26 =	vsub.f32 $0.0e+00, v60;
	p3 =	por p0, p0;
	p0 =	seq.s32 s25, $0x1;
	[tilespmem:v42+s8+$0x0] =	vst.idx.add.f32.msk vm5, v60  }
0x696: {  	s20 =	simm.s32 @!p4 $0xF580;
	p6 =	sne.s32 s19, $0x0;
	v5 =	vmov v24;
	v24 =	vadd.s32 s24, v27;
	s26 =	sld [smem:$0x773];
	v6 =	vadd.s32 @!p3 $0x4000, v27;
	v27 =	vld @!p0 [tilespmem:$0x14610]  }
0x697: {  	v13 =	vadd.s32 @!p1 $0x4000, v17;
	s29 =	simm.s32 @!p5 $0xF580;
	s18 =	simm.s32 @!p6 $0xF580;
	p5 =	por p4, p4;
	v8 =	vadd.s32 s30, v23;
	[tilespmem:v10+s8+$0x0] =	vst.idx.add.f32.msk vm6, v26  }
0x698: {  	v12 =	vadd.s32 @!p6 $0x4000, v18;
	p4 =	por p6, p6;
	v17 =	vadd.s32 @!p6 $0x4000, v23;
	s12 =	smov.u32 s0;
	s0 =	sld [smem:$0x773];
	vm0 =	vne.s32 v19, v33;
	[tilespmem:v43+s8+$0x0] =	vst.idx.add.f32.msk vm7, v61  }
0x699: {  	s11 =	smov.u32 s2;
	s2 =	sld [smem:$0x771];
	vm2 =	vmor vm9, vm0;
	vm3 =	vmand vm0, vm10;
	vm0 =	vmor vm9, vm1;
	p6 =	seq.s32 s26, $0x1;
	v26 =	vld @!p0 [tilespmem:$0x14600]  }
0x69a: {  	v63 =	vsub.f32 $0.0e+00, v61;
	v29 =	vld @!p6 [tilespmem:$0x14600]  }
0x69b: {  	s19 =	simm.s32 @!p1 $0xF580;
	v22 =	vadd.s32 @!p5 $0x4000, v30;
	p1 =	seq.s32 s0, $0x1;
	vm9 =	vmand vm1, vm10;
	vm1 =	vmmov vm2;
	v30 =	vld @!p6 [tilespmem:$0x14610]  }
0x69c: {  	v28 =	vadd.s32 @!p1 $0x4000, v28;
	p1 =	seq.s32 s2, $0x1;
	[tilespmem:v8+s8+$0x0] =	vst.idx.add.f32.msk vm8, v63  }
0x69d: {  	v9, _, _ =	vpop (xrf2);
	v18 =	vadd.s32 @!p1 $0x4000, v31;
	v31 =	vld @!p5 [tilespmem:$0x14600]  }
0x69e: {  	v19, _, _ =	vpop (xrf2);
	v23 =	vld @!p1 [tilespmem:$0x14600]  }
0x69f: {  	[tilespmem:v47+s8+$0x0] =	vst.idx.add.f32.msk vm0, v19  }
0x6a0: {  	v21 =	vsub.f32 $0.0e+00, v19;
	v19 =	vld @!p4 [tilespmem:$0x14610]  }
0x6a1: {  	[tilespmem:v46+s8+$0x0] =	vst.idx.add.f32.msk vm1, v9  }
0x6a2: {  	[tilespmem:v24+s8+$0x0] =	vst.idx.add.f32.msk vm9, v21  }
0x6a3: {  	v24 =	vld @!p5 [tilespmem:$0x14610]  }
0x6a4: {  	v21 =	vld @!p1 [tilespmem:$0x14610]  }
0x6a5: {  	[tilespmem:v16+s29+$0x0] =	vst.idx.add.f32.msk @!p0 vm11, v26  }
0x6a6: {  	v11 =	vsub.f32 $0.0e+00, v9;
	[tilespmem:v15+s23+$0x0] =	vst.idx.add.f32.msk @!p6 vm12, v29  }
0x6a7: {  	[tilespmem:v25+s29+$0x0] =	vst.idx.add.f32.msk @!p0 vm13, v27;
	s29 =	sld [smem:$0x774]  }
0x6a8: {  	[tilespmem:v20+s8+$0x0] =	vst.idx.add.f32.msk vm3, v11  }
0x6a9: {  	v20 =	vld @!p4 [tilespmem:$0x14600]  }
0x6aa: {  	s28 =	sld [smem:$0x7D5];
	s0 =	simm.s32 @!p4 $0x0;
	v9 =	vld @!p3 [tilespmem:$0x14600];
	p0 =	seq.s32 s29, $0x1  }
.Ltmp16:
0x6ab: {  	s31 =	sld [smem:$0x7D4];
	s0 =	simm.s32 @p4 $0x1;
	v11 =	vld @!p3 [tilespmem:$0x14610];
	(pc) =	sbr.rel @p0 .LBB2_34-.Ltmp16, $4  }
0x6ac: {  	[smem:$0x775] =	sst s0;
	s0 =	simm.s32 @!p3 $0x0;
	[tilespmem:v28+s23+$0x0] =	vst.idx.add.f32.msk @!p6 vm15, v30  }
0x6ad: {  	s24 =	sld [smem:$0x7DB];
	s0 =	simm.s32 @p3 $0x1;
	v8 =	vld @!p2 [tilespmem:$0x14600]  }
0x6ae: {  	s15 =	sadd.s32 $0x20, s15;
	s30 =	smov.u32 s4;
	[smem:$0x776] =	sst s0;
	v10 =	vld @!p2 [tilespmem:$0x14610]  }
0x6af: {  	v7 =	vadd.s32 @!p2 $0x4000, v33;
	v4 =	vmov v48;
	vm2 =	vmmov vm9;
	p4 =	por p2, p2;
	s23 =	sld [smem:$0x7D9];
	p6 =	por p5, p5;
	[tilespmem:v14+s20+$0x0] =	vst.idx.add.f32.msk @!p5 vm14, v31  }
0x6b0: {  	_ =	sdelay $0x4  }
0x6b1: {  	[tilespmem:v22+s20+$0x0] =	vst.idx.add.f32.msk @!p6 vm4, v24  }
0x6b2: {  	[tilespmem:v13+s19+$0x0] =	vst.idx.add.f32.msk @!p1 vm5, v23  }
0x6b3: {  	[tilespmem:v18+s19+$0x0] =	vst.idx.add.f32.msk @!p1 vm6, v21  }
0x6b4: {  	s0 =	sld [smem:$0x775];
	_ =	sdelay $0x1  }
0x6b5: {  	[tilespmem:v5+s12+$0x0] =	vst.idx.add.f32.msk @!p4 vm1, v8  }
0x6b6: {  	[tilespmem:v7+s12+$0x0] =	vst.idx.add.f32.msk @!p4 vm3, v10;
	p0 =	seq.s32 s0, $0x1  }
0x6b7: {  	[tilespmem:v12+s18+$0x0] =	vst.idx.add.f32.msk @!p0 vm7, v20  }
0x6b8: {  	[tilespmem:v17+s18+$0x0] =	vst.idx.add.f32.msk @!p0 vm8, v19  }
0x6b9: {  	s31 =	sld [smem:$0x776];
	_ =	sdelay $0x2  }
0x6ba: {  	p0 =	seq.s32 s31, $0x1  }
0x6bb: {  	[tilespmem:v4+s11+$0x0] =	vst.idx.add.f32.msk @!p0 vm0, v9  }
0x6bc: {  	[tilespmem:v6+s11+$0x0] =	vst.idx.add.f32.msk @!p0 vm2, v11  }
0x6bd: {  	s10 =	sld [smem:$0x7F1]  }
0x6be: {  	s11 =	sld [smem:$0x7F2]  }
0x6bf: {  	s3 =	simm.s32 $0x0  }
.LBB2_36:
0x6c0: {  	v4 =	vld [tilespmem:$0x14580]  }
0x6c1: {  	s0 =	sand.u32 $0x1FFFFF80, s11;
	s2 =	sand.u32 $0x70, s10  }
0x6c2: {  	s0 =	sor.u32 s2, s0  }
0x6c3: {  	s0 =	ssub.s32 s0, s13  }
0x6c4: {  	s12 =	sshra.s32 s3, $0x2;
	s29 =	sor.u32 $0x1, s0  }
0x6c5: {  	v6 =	vld [tilespmem:s12+$0xC300];
	v5 =	vadd.s32 s29, v4;
	_ =	sdelay $0x3  }
0x6c6: {  	v7 =	vld [tilespmem:s0+$0xC380]  }
0x6c7: {  	(xrf2) =	vadd.scan.msk.f32 $0xffff, v6;
	v5 =	vld.idx.msk [tilespmem:v5+s6+$0x0], $0xffff;
	_ =	sdelay $0x3  }
0x6c8: {  	s30 =	sshrl.u32 s10, $0x7  }
0x6c9: {  	s0 =	sand.u32 $0x3, s30;
	vm1 =	veq.s32 v4, $0xF;
	vm0 =	vne.s32 v7, v5  }
0x6ca: {  	s31 =	sshll.u32 s0, $0xC;
	vm2 =	vne.s32 v4, $0xF;
	vm1 =	vmor vm1, vm0  }
0x6cb: {  	v4 =	vadd.s32 s31, v7;
	vm0 =	vmand vm0, vm2  }
0x6cc: {  	v63 =	vadd.s32 s31, v5;
	_ =	sdelay $0x1  }
0x6cd: {  	v8, _, _ =	vpop (xrf2)  }
0x6ce: {  	v9 =	vsub.f32 $0.0e+00, v8  }
0x6cf: {  	[tilespmem:v4+s8+$0x0] =	vst.idx.add.f32.msk vm1, v8  }
0x6d0: {  	p0 =	sne.s32 s0, $0x0;
	[tilespmem:v63+s8+$0x0] =	vst.idx.add.f32.msk vm0, v9  }
0x6d1: {  	s3 =	sadd.s32 $0x40, s3;
	v6 =	vadd.s32 @!p0 $0x4000, v7;
	v4 =	vld @!p0 [tilespmem:$0x14600]  }
0x6d2: {  	p1 =	sne.s32 s3, $0x140;
	v5 =	vadd.s32 @!p0 $0x4000, v5;
	v7 =	vld @!p0 [tilespmem:$0x14610]  }
.Ltmp17:
0x6d3: {  	_ = 	snop;
	(pc) =	sbr.rel @p1 .LBB2_36-.Ltmp17, $4  }
0x6d4: {  	_ = 	snop  }
0x6d5: {  	s0 =	simm.s32 @!p0 $0xF580  }
0x6d6: {  	[tilespmem:v6+s0+$0x0] =	vst.idx.add.f32.msk @!p0 vm1, v4  }
0x6d7: {  	s11 =	sadd.s32 $0x4, s11;
	s10 =	sadd.s32 $0x10, s10;
	[tilespmem:v5+s0+$0x0] =	vst.idx.add.f32.msk @!p0 vm0, v7  }
0x6d8: {  	s2 =	sld [smem:$0x7CA];
	_ =	sdelay $0x1  }
0x6d9: {  	s0 =	simm.s32 $0x0;
	s30 =	simm.s32 $0x1  }
0x6da: {  	[hbm4b:s2+s0] =	stream.linear.scatter [tilespmem:s8], [sflag:$0x1], $0x5000, $0x38;
	[tilespmem:$0x14680] =	vst v63  }
0x6db: {  	_ =	swait.ge [sflag:s30], $0x5000  }
0x6dc: {  	s3 =	sld [smem:$0x7F3]  }
0x6dd: {  	s31 =	sld [smem:$0x7CB]  }
0x6de: {  	s24 =	rddreg [dreg:$0xa]  }
0x6df: {  	s25 =	sld [smem:$0x7F4]  }
0x6e0: {  	s22 =	rddreg [dreg:$0xb]  }
0x6e1: {  	s26 =	rddreg [dreg:$0xc];
	s3 =	sadd.s32 $0x1, s3  }
0x6e2: {  	s19 =	rddreg [dreg:$0xd];
	p0 =	sne.s32 s3, s31  }
.Ltmp18:
0x6e3: {  	s17 =	rddreg [dreg:$0xe];
	(pc) =	sbr.rel @p0 .LBB2_1-.Ltmp18, $4  }
0x6e4: {  	s15 =	rddreg [dreg:$0xf]  }
0x6e5: {  	s2 =	sld [smem:$0x7FD]  }
0x6e6: {  	[sflag:s30] =	ssyncset.done $0x0;
	[smem:$0x7F3] =	sst s3  }
0x6e7: {  	[sflag:s30] =	ssyncadd.s32 $0xFFFFB000;
	s3 =	sld [smem:$0x7FC]  }
0x6e8: {  	_ =	sfence.sel $0x180000  }
0x6e9: {  	[bflag:$0x0] =	sbarrier.arrive $0xFFFF  }
0x6ea: {  	_ =	strace $0x90000047  }
0x6eb: {  	s0 =	stileid.u32;
	[bflag:$0x2] =	sbarrier.arrive $0xFFFF  }
0x6ec: {  	p0 =	sne.s32 s0, $0x0;
	s0 =	rddreg [dreg:$0x3]  }
0x6ed: {  	s0 =	sadd.s32 @!p0 $0x100000, s0  }
0x6ee: {  	[sflag:s0] =	ssyncadd.tile.s32 @!p0 $0x1;
	_ =	shalt  }
.Lfunc_end2:
_tile_overlayer_lowered:
.L_overlay_start_2:
0x6ef: {  	(tag) =	ssettag $0x2  }
0x6f0: {  	s0 =	rddreg [dreg:$0x0];
	s2 =	stileid.u32  }
0x6f1: {  	s1 =	rddreg [dreg:$0x1];
	p0 =	sne.s32 s2, $0x0  }
0x6f2: {  	s3 =	rddreg [dreg:$0x2];
	[bflag:$0x3] =	sbarrier.arrive $0xFFFF;
	s2 =	simm.s32 @!p0 $0x1C01  }
0x6f3: {  	[timem:s3], [sflag:s2] =	dma.local @!p0 [hbm:s0], s1  }
0x6f4: {  	s0 =	simm.s32 @!p0 $0x1  }
0x6f5: {  	_ =	swait.ge @!p0 [sflag:s0], s1  }
0x6f6: {  	s1 =	ssub.s32 @!p0 $0x0, s1;
	[sflag:s0] =	ssyncset.done @!p0 $0x0  }
0x6f7: {  	[sflag:s0] =	ssyncadd.s32 @!p0 s1  }
0x6f8: {  	[bflag:$0x3] =	sbarrier.arrive $0xFFFF  }
0x6f9: {  	_ =	shalt  }

</sc_bundles>
